<compile_context>
chip_gen: v7x
topology: tpu7x:2x2x1
jax: 0.10.2.dev20260603
libtpu: 0.0.44.dev20260713+nightly
codegen_flags: <defaults>
</compile_context>

<pallas_src>
import functools

import jax
import jax.numpy as jnp
from jax import lax
from jax.experimental import pallas as pl
from jax.experimental.pallas import tpu as pltpu
from jax.experimental.pallas import tpu_sc as plsc

MAXD = 10
EDIM = 32
ROWS = 2 * MAXD + 1

L = 16
NC = 2
NS = 16
NW = NC * NS

NBUF = 2


def _sc_lookup(idxT, tab, J, I):
    JT, IT = J // 8, I // 128
    n_units = JT * IT
    u_per_w = n_units // NW
    n_rounds = u_per_w // NBUF
    mesh = plsc.VectorSubcoreMesh(core_axis_name="c", subcore_axis_name="s")

    @functools.partial(
        pl.kernel,
        mesh=mesh,
        compiler_params=pltpu.CompilerParams(
            needs_layout_passes=False, use_tc_tiling_on_sc=True
        ),
        out_type=jax.ShapeDtypeStruct((J, EDIM, I), jnp.float32),
        scratch_types=[
            pltpu.VMEM((ROWS, EDIM), jnp.float32),
            pltpu.VMEM((ROWS * EDIM,), jnp.float32),
            [pltpu.VMEM((8, 128), jnp.int32) for _ in range(NBUF)],
            [pltpu.VMEM((8, EDIM, 128), jnp.float32) for _ in range(NBUF)],
            [pltpu.SemaphoreType.DMA for _ in range(NBUF)],
            [pltpu.SemaphoreType.DMA for _ in range(NBUF)],
        ],
    )
    def k(idx_hbm, tab_hbm, out_hbm, tab_v, tabf_v, idxs, outs, osems, isems):
        wid = lax.axis_index("s") * NC + lax.axis_index("c")
        u0 = wid * u_per_w
        u_last = u0 + u_per_w - 1

        pltpu.sync_copy(tab_hbm, tab_v)
        for r in range(ROWS):
            for h in range(EDIM // L):
                tabf_v[pl.ds(r * EDIM + h * L, L)] = tab_v[r, pl.ds(h * L, L)]

        def out_slice(u):
            jt = u // IT
            it = u % IT
            return out_hbm.at[pl.ds(jt * 8, 8), :, pl.ds(it * 128, 128)]

        def idx_slice(u):
            jt = u // IT
            it = u % IT
            return idx_hbm.at[pl.ds(jt * 8, 8), pl.ds(it * 128, 128)]

        def start_idx(u, b):
            uc = jnp.minimum(u, u_last)
            pltpu.async_copy(idx_slice(uc), idxs[b], isems[b])

        def run_unit(u, b):
            pltpu.make_async_copy(
                idx_slice(jnp.minimum(u, u_last)), idxs[b], isems[b]
            ).wait()
            idx_v = idxs[b]
            out_b = outs[b]

            @plsc.parallel_loop(0, 64, unroll=2)
            def body(gi):
                jr = gi >> 3
                gl = (gi & 7) * L
                raw = idx_v[jr, pl.ds(gl, L)]
                t32 = (
                    jnp.minimum(jnp.maximum(raw + MAXD, 0), ROWS - 1)
                    * EDIM
                )
                g0 = plsc.load_gather(tabf_v, [t32])
                g1 = plsc.load_gather(tabf_v, [t32 + 1])
                for d in range(2, EDIM):
                    g2 = plsc.load_gather(tabf_v, [t32 + d])
                    out_b[jr, d - 2, pl.ds(gl, L)] = g0
                    g0, g1 = g1, g2
                out_b[jr, EDIM - 2, pl.ds(gl, L)] = g0
                out_b[jr, EDIM - 1, pl.ds(gl, L)] = g1

            pltpu.async_copy(out_b, out_slice(u), osems[b])
            start_idx(u + NBUF, b)

        def drain(u, b):
            pltpu.make_async_copy(outs[b], out_slice(u), osems[b]).wait()

        for b in range(NBUF):
            start_idx(u0 + b, b)
        for b in range(NBUF):
            run_unit(u0 + b, b)

        def round_body(r, _):
            for b in range(NBUF):
                u = u0 + r * NBUF + b
                drain(u - NBUF, b)
                run_unit(u, b)
            return 0

        lax.fori_loop(1, n_rounds, round_body, 0)

        u_tail = u0 + n_rounds * NBUF
        drain(u_tail - NBUF, 0)
        run_unit(u_tail, 0)
        drain(u_tail - NBUF + 1, 1)
        drain(u_tail, 0)

        pltpu.make_async_copy(idx_slice(u_last), idxs[1], isems[1]).wait()
        pltpu.make_async_copy(idx_slice(u_last), idxs[0], isems[0]).wait()

    return k(idxT, tab)


def kernel(delta_m, delta_embed_weight):
    I, J = delta_m.shape
    idxT = delta_m.T.astype(jnp.int32)
    tab = delta_embed_weight.astype(jnp.float32)
    X = _sc_lookup(idxT, tab, J, I)
    return X.transpose(2, 0, 1)

# --- scband reference (transcript-rebuilt; emitter-appended) ---
"""Pipeline reference for scband-layer-delta-embedding-87952340288026 (READ-ONLY COPY).

The authoritative reference and input builder live on the scoring server;
editing this copy changes nothing except your own understanding.
"""

import jax, jax.numpy as jnp
import numpy as np

MAX_DELTA = 10
EMBED_DIM = 32

def setup_inputs(seed: int = 0) -> dict:
    key = jax.random.key(seed)
    k1, k2 = jax.random.split(key)
    delta_m = jax.random.randint(k1, (4096, 200), 0, 21, dtype=jnp.int64)
    delta_embed_weight = jax.random.normal(k2, (2 * MAX_DELTA + 1, EMBED_DIM), dtype=jnp.float32) * 0.02
    return {"delta_m": delta_m, "delta_embed_weight": delta_embed_weight}

def reference(delta_m, delta_embed_weight):
    idx = jnp.clip(delta_m + MAX_DELTA, 0, 2 * MAX_DELTA).astype(jnp.int32)
    return jnp.take(delta_embed_weight, idx, axis=0)

if __name__ == "__main__":
    import jax
    _d = setup_inputs()
    print(jax.jit(kernel)(*tuple(_d.values())))

</pallas_src>

<mosaic_0001>
#map = affine_map<(d0, d1) -> (0, 0)>
#map1 = affine_map<(d0, d1) -> (0, 0, 0)>
module attributes {stable_mosaic.version = 14 : i64} {
  func.func @k(%arg0: i32, %arg1: i32, %arg2: memref<200x4096xi32, #tpu.memory_space<hbm>>, %arg3: memref<21x32xf32, #tpu.memory_space<hbm>>, %arg4: memref<200x32x4096xf32, #tpu.memory_space<hbm>>, %arg5: memref<21x32xf32, #tpu.memory_space<vmem>>, %arg6: memref<672xf32, #tpu.memory_space<vmem>>, %arg7: memref<8x128xi32, #tpu.memory_space<vmem>>, %arg8: memref<8x128xi32, #tpu.memory_space<vmem>>, %arg9: memref<8x32x128xf32, #tpu.memory_space<vmem>>, %arg10: memref<8x32x128xf32, #tpu.memory_space<vmem>>, %arg11: memref<!tpu.dma_semaphore, #tpu.memory_space<semaphore_mem>>, %arg12: memref<!tpu.dma_semaphore, #tpu.memory_space<semaphore_mem>>, %arg13: memref<!tpu.dma_semaphore, #tpu.memory_space<semaphore_mem>>, %arg14: memref<!tpu.dma_semaphore, #tpu.memory_space<semaphore_mem>>) attributes {dimension_semantics = [#tpu.dimension_semantics<core_parallel>, #tpu.dimension_semantics<subcore_parallel>], iteration_bounds = array<i64: 2, 16>, scalar_prefetch = 0 : i64, scratch_operands = 10 : i64, tpu.core_type = #tpu.core_type<sc_vector_subcore>, window_params = [{transform_indices = #map}, {transform_indices = #map}, {transform_indices = #map1}]} {
    %mul3A = arith.constant 2 : i32
    %mul3A_0 = arith.muli %arg1, %mul3A : i32
    %add3A = arith.addi %mul3A_0, %arg0 : i32
    %mul3A_1 = arith.constant 25 : i32
    %mul3A_2 = arith.muli %add3A, %mul3A_1 : i32
    %add3A_3 = arith.constant 25 : i32
    %add3A_4 = arith.addi %mul3A_2, %add3A_3 : i32
    %sub3A = arith.constant 1 : i32
    %sub3A_5 = arith.subi %add3A_4, %sub3A : i32
    "tpu.region"() ({
      %run_scoped3A = tpu.sem_alloc : memref<!tpu.dma_semaphore, #tpu.memory_space<semaphore_mem>>
      tpu.enqueue_dma source(%arg3 : memref<21x32xf32, #tpu.memory_space<hbm>>) target(%arg5 : memref<21x32xf32, #tpu.memory_space<vmem>>) target_semaphore(%run_scoped3A : memref<!tpu.dma_semaphore, #tpu.memory_space<semaphore_mem>>)
      tpu.wait_dma2 semaphore(%run_scoped3A : memref<!tpu.dma_semaphore, #tpu.memory_space<semaphore_mem>>) src(%arg3 : memref<21x32xf32, #tpu.memory_space<hbm>>) dst(%arg5 : memref<21x32xf32, #tpu.memory_space<vmem>>)
      tpu.yield
    }) : () -> ()
    %get3A = arith.constant 0 : i32
    %get3A_6 = arith.index_cast %get3A : i32 to index
    %get3A_7 = arith.constant 0 : index
    %get3A_8 = tpu.vector_load %arg5[%get3A_6, %get3A_7] {strides = array<i32>} : memref<21x32xf32, #tpu.memory_space<vmem>>, vector<16xf32>,
    %swap3A = arith.constant 0 : index
    %swap3A_9 = tpu.vector_load %arg6[%swap3A] {strides = array<i32>} : memref<672xf32, #tpu.memory_space<vmem>>, vector<16xf32>,
    tpu.vector_store %arg6[%swap3A], %get3A_8 {strides = array<i32>} : memref<672xf32, #tpu.memory_space<vmem>>, vector<16xf32>,
    %get3A_10 = arith.constant 0 : i32
    %get3A_11 = arith.index_cast %get3A_10 : i32 to index
    %get3A_12 = arith.constant 16 : index
    %get3A_13 = tpu.vector_load %arg5[%get3A_11, %get3A_12] {strides = array<i32>} : memref<21x32xf32, #tpu.memory_space<vmem>>, vector<16xf32>,
    %swap3A_14 = arith.constant 16 : index
    %swap3A_15 = tpu.vector_load %arg6[%swap3A_14] {strides = array<i32>} : memref<672xf32, #tpu.memory_space<vmem>>, vector<16xf32>,
    tpu.vector_store %arg6[%swap3A_14], %get3A_13 {strides = array<i32>} : memref<672xf32, #tpu.memory_space<vmem>>, vector<16xf32>,
    %get3A_16 = arith.constant 1 : i32
    %get3A_17 = arith.index_cast %get3A_16 : i32 to index
    %get3A_18 = arith.constant 0 : index
    %get3A_19 = tpu.vector_load %arg5[%get3A_17, %get3A_18] {strides = array<i32>} : memref<21x32xf32, #tpu.memory_space<vmem>>, vector<16xf32>,
    %swap3A_20 = arith.constant 32 : index
    %swap3A_21 = tpu.vector_load %arg6[%swap3A_20] {strides = array<i32>} : memref<672xf32, #tpu.memory_space<vmem>>, vector<16xf32>,
    tpu.vector_store %arg6[%swap3A_20], %get3A_19 {strides = array<i32>} : memref<672xf32, #tpu.memory_space<vmem>>, vector<16xf32>,
    %get3A_22 = arith.constant 1 : i32
    %get3A_23 = arith.index_cast %get3A_22 : i32 to index
    %get3A_24 = arith.constant 16 : index
    %get3A_25 = tpu.vector_load %arg5[%get3A_23, %get3A_24] {strides = array<i32>} : memref<21x32xf32, #tpu.memory_space<vmem>>, vector<16xf32>,
    %swap3A_26 = arith.constant 48 : index
    %swap3A_27 = tpu.vector_load %arg6[%swap3A_26] {strides = array<i32>} : memref<672xf32, #tpu.memory_space<vmem>>, vector<16xf32>,
    tpu.vector_store %arg6[%swap3A_26], %get3A_25 {strides = array<i32>} : memref<672xf32, #tpu.memory_space<vmem>>, vector<16xf32>,
    %get3A_28 = arith.constant 2 : i32
    %get3A_29 = arith.index_cast %get3A_28 : i32 to index
    %get3A_30 = arith.constant 0 : index
    %get3A_31 = tpu.vector_load %arg5[%get3A_29, %get3A_30] {strides = array<i32>} : memref<21x32xf32, #tpu.memory_space<vmem>>, vector<16xf32>,
    %swap3A_32 = arith.constant 64 : index
    %swap3A_33 = tpu.vector_load %arg6[%swap3A_32] {strides = array<i32>} : memref<672xf32, #tpu.memory_space<vmem>>, vector<16xf32>,
    tpu.vector_store %arg6[%swap3A_32], %get3A_31 {strides = array<i32>} : memref<672xf32, #tpu.memory_space<vmem>>, vector<16xf32>,
    %get3A_34 = arith.constant 2 : i32
    %get3A_35 = arith.index_cast %get3A_34 : i32 to index
    %get3A_36 = arith.constant 16 : index
    %get3A_37 = tpu.vector_load %arg5[%get3A_35, %get3A_36] {strides = array<i32>} : memref<21x32xf32, #tpu.memory_space<vmem>>, vector<16xf32>,
    %swap3A_38 = arith.constant 80 : index
    %swap3A_39 = tpu.vector_load %arg6[%swap3A_38] {strides = array<i32>} : memref<672xf32, #tpu.memory_space<vmem>>, vector<16xf32>,
    tpu.vector_store %arg6[%swap3A_38], %get3A_37 {strides = array<i32>} : memref<672xf32, #tpu.memory_space<vmem>>, vector<16xf32>,
    %get3A_40 = arith.constant 3 : i32
    %get3A_41 = arith.index_cast %get3A_40 : i32 to index
    %get3A_42 = arith.constant 0 : index
    %get3A_43 = tpu.vector_load %arg5[%get3A_41, %get3A_42] {strides = array<i32>} : memref<21x32xf32, #tpu.memory_space<vmem>>, vector<16xf32>,
    %swap3A_44 = arith.constant 96 : index
    %swap3A_45 = tpu.vector_load %arg6[%swap3A_44] {strides = array<i32>} : memref<672xf32, #tpu.memory_space<vmem>>, vector<16xf32>,
    tpu.vector_store %arg6[%swap3A_44], %get3A_43 {strides = array<i32>} : memref<672xf32, #tpu.memory_space<vmem>>, vector<16xf32>,
    %get3A_46 = arith.constant 3 : i32
    %get3A_47 = arith.index_cast %get3A_46 : i32 to index
    %get3A_48 = arith.constant 16 : index
    %get3A_49 = tpu.vector_load %arg5[%get3A_47, %get3A_48] {strides = array<i32>} : memref<21x32xf32, #tpu.memory_space<vmem>>, vector<16xf32>,
    %swap3A_50 = arith.constant 112 : index
    %swap3A_51 = tpu.vector_load %arg6[%swap3A_50] {strides = array<i32>} : memref<672xf32, #tpu.memory_space<vmem>>, vector<16xf32>,
    tpu.vector_store %arg6[%swap3A_50], %get3A_49 {strides = array<i32>} : memref<672xf32, #tpu.memory_space<vmem>>, vector<16xf32>,
    %get3A_52 = arith.constant 4 : i32
    %get3A_53 = arith.index_cast %get3A_52 : i32 to index
    %get3A_54 = arith.constant 0 : index
    %get3A_55 = tpu.vector_load %arg5[%get3A_53, %get3A_54] {strides = array<i32>} : memref<21x32xf32, #tpu.memory_space<vmem>>, vector<16xf32>,
    %swap3A_56 = arith.constant 128 : index
    %swap3A_57 = tpu.vector_load %arg6[%swap3A_56] {strides = array<i32>} : memref<672xf32, #tpu.memory_space<vmem>>, vector<16xf32>,
    tpu.vector_store %arg6[%swap3A_56], %get3A_55 {strides = array<i32>} : memref<672xf32, #tpu.memory_space<vmem>>, vector<16xf32>,
    %get3A_58 = arith.constant 4 : i32
    %get3A_59 = arith.index_cast %get3A_58 : i32 to index
    %get3A_60 = arith.constant 16 : index
    %get3A_61 = tpu.vector_load %arg5[%get3A_59, %get3A_60] {strides = array<i32>} : memref<21x32xf32, #tpu.memory_space<vmem>>, vector<16xf32>,
    %swap3A_62 = arith.constant 144 : index
    %swap3A_63 = tpu.vector_load %arg6[%swap3A_62] {strides = array<i32>} : memref<672xf32, #tpu.memory_space<vmem>>, vector<16xf32>,
    tpu.vector_store %arg6[%swap3A_62], %get3A_61 {strides = array<i32>} : memref<672xf32, #tpu.memory_space<vmem>>, vector<16xf32>,
    %get3A_64 = arith.constant 5 : i32
    %get3A_65 = arith.index_cast %get3A_64 : i32 to index
    %get3A_66 = arith.constant 0 : index
    %get3A_67 = tpu.vector_load %arg5[%get3A_65, %get3A_66] {strides = array<i32>} : memref<21x32xf32, #tpu.memory_space<vmem>>, vector<16xf32>,
    %swap3A_68 = arith.constant 160 : index
    %swap3A_69 = tpu.vector_load %arg6[%swap3A_68] {strides = array<i32>} : memref<672xf32, #tpu.memory_space<vmem>>, vector<16xf32>,
    tpu.vector_store %arg6[%swap3A_68], %get3A_67 {strides = array<i32>} : memref<672xf32, #tpu.memory_space<vmem>>, vector<16xf32>,
    %get3A_70 = arith.constant 5 : i32
    %get3A_71 = arith.index_cast %get3A_70 : i32 to index
    %get3A_72 = arith.constant 16 : index
    %get3A_73 = tpu.vector_load %arg5[%get3A_71, %get3A_72] {strides = array<i32>} : memref<21x32xf32, #tpu.memory_space<vmem>>, vector<16xf32>,
    %swap3A_74 = arith.constant 176 : index
    %swap3A_75 = tpu.vector_load %arg6[%swap3A_74] {strides = array<i32>} : memref<672xf32, #tpu.memory_space<vmem>>, vector<16xf32>,
    tpu.vector_store %arg6[%swap3A_74], %get3A_73 {strides = array<i32>} : memref<672xf32, #tpu.memory_space<vmem>>, vector<16xf32>,
    %get3A_76 = arith.constant 6 : i32
    %get3A_77 = arith.index_cast %get3A_76 : i32 to index
    %get3A_78 = arith.constant 0 : index
    %get3A_79 = tpu.vector_load %arg5[%get3A_77, %get3A_78] {strides = array<i32>} : memref<21x32xf32, #tpu.memory_space<vmem>>, vector<16xf32>,
    %swap3A_80 = arith.constant 192 : index
    %swap3A_81 = tpu.vector_load %arg6[%swap3A_80] {strides = array<i32>} : memref<672xf32, #tpu.memory_space<vmem>>, vector<16xf32>,
    tpu.vector_store %arg6[%swap3A_80], %get3A_79 {strides = array<i32>} : memref<672xf32, #tpu.memory_space<vmem>>, vector<16xf32>,
    %get3A_82 = arith.constant 6 : i32
    %get3A_83 = arith.index_cast %get3A_82 : i32 to index
    %get3A_84 = arith.constant 16 : index
    %get3A_85 = tpu.vector_load %arg5[%get3A_83, %get3A_84] {strides = array<i32>} : memref<21x32xf32, #tpu.memory_space<vmem>>, vector<16xf32>,
    %swap3A_86 = arith.constant 208 : index
    %swap3A_87 = tpu.vector_load %arg6[%swap3A_86] {strides = array<i32>} : memref<672xf32, #tpu.memory_space<vmem>>, vector<16xf32>,
    tpu.vector_store %arg6[%swap3A_86], %get3A_85 {strides = array<i32>} : memref<672xf32, #tpu.memory_space<vmem>>, vector<16xf32>,
    %get3A_88 = arith.constant 7 : i32
    %get3A_89 = arith.index_cast %get3A_88 : i32 to index
    %get3A_90 = arith.constant 0 : index
    %get3A_91 = tpu.vector_load %arg5[%get3A_89, %get3A_90] {strides = array<i32>} : memref<21x32xf32, #tpu.memory_space<vmem>>, vector<16xf32>,
    %swap3A_92 = arith.constant 224 : index
    %swap3A_93 = tpu.vector_load %arg6[%swap3A_92] {strides = array<i32>} : memref<672xf32, #tpu.memory_space<vmem>>, vector<16xf32>,
    tpu.vector_store %arg6[%swap3A_92], %get3A_91 {strides = array<i32>} : memref<672xf32, #tpu.memory_space<vmem>>, vector<16xf32>,
    %get3A_94 = arith.constant 7 : i32
    %get3A_95 = arith.index_cast %get3A_94 : i32 to index
    %get3A_96 = arith.constant 16 : index
    %get3A_97 = tpu.vector_load %arg5[%get3A_95, %get3A_96] {strides = array<i32>} : memref<21x32xf32, #tpu.memory_space<vmem>>, vector<16xf32>,
    %swap3A_98 = arith.constant 240 : index
    %swap3A_99 = tpu.vector_load %arg6[%swap3A_98] {strides = array<i32>} : memref<672xf32, #tpu.memory_space<vmem>>, vector<16xf32>,
    tpu.vector_store %arg6[%swap3A_98], %get3A_97 {strides = array<i32>} : memref<672xf32, #tpu.memory_space<vmem>>, vector<16xf32>,
    %get3A_100 = arith.constant 8 : i32
    %get3A_101 = arith.index_cast %get3A_100 : i32 to index
    %get3A_102 = arith.constant 0 : index
    %get3A_103 = tpu.vector_load %arg5[%get3A_101, %get3A_102] {strides = array<i32>} : memref<21x32xf32, #tpu.memory_space<vmem>>, vector<16xf32>,
    %swap3A_104 = arith.constant 256 : index
    %swap3A_105 = tpu.vector_load %arg6[%swap3A_104] {strides = array<i32>} : memref<672xf32, #tpu.memory_space<vmem>>, vector<16xf32>,
    tpu.vector_store %arg6[%swap3A_104], %get3A_103 {strides = array<i32>} : memref<672xf32, #tpu.memory_space<vmem>>, vector<16xf32>,
    %get3A_106 = arith.constant 8 : i32
    %get3A_107 = arith.index_cast %get3A_106 : i32 to index
    %get3A_108 = arith.constant 16 : index
    %get3A_109 = tpu.vector_load %arg5[%get3A_107, %get3A_108] {strides = array<i32>} : memref<21x32xf32, #tpu.memory_space<vmem>>, vector<16xf32>,
    %swap3A_110 = arith.constant 272 : index
    %swap3A_111 = tpu.vector_load %arg6[%swap3A_110] {strides = array<i32>} : memref<672xf32, #tpu.memory_space<vmem>>, vector<16xf32>,
    tpu.vector_store %arg6[%swap3A_110], %get3A_109 {strides = array<i32>} : memref<672xf32, #tpu.memory_space<vmem>>, vector<16xf32>,
    %get3A_112 = arith.constant 9 : i32
    %get3A_113 = arith.index_cast %get3A_112 : i32 to index
    %get3A_114 = arith.constant 0 : index
    %get3A_115 = tpu.vector_load %arg5[%get3A_113, %get3A_114] {strides = array<i32>} : memref<21x32xf32, #tpu.memory_space<vmem>>, vector<16xf32>,
    %swap3A_116 = arith.constant 288 : index
    %swap3A_117 = tpu.vector_load %arg6[%swap3A_116] {strides = array<i32>} : memref<672xf32, #tpu.memory_space<vmem>>, vector<16xf32>,
    tpu.vector_store %arg6[%swap3A_116], %get3A_115 {strides = array<i32>} : memref<672xf32, #tpu.memory_space<vmem>>, vector<16xf32>,
    %get3A_118 = arith.constant 9 : i32
    %get3A_119 = arith.index_cast %get3A_118 : i32 to index
    %get3A_120 = arith.constant 16 : index
    %get3A_121 = tpu.vector_load %arg5[%get3A_119, %get3A_120] {strides = array<i32>} : memref<21x32xf32, #tpu.memory_space<vmem>>, vector<16xf32>,
    %swap3A_122 = arith.constant 304 : index
    %swap3A_123 = tpu.vector_load %arg6[%swap3A_122] {strides = array<i32>} : memref<672xf32, #tpu.memory_space<vmem>>, vector<16xf32>,
    tpu.vector_store %arg6[%swap3A_122], %get3A_121 {strides = array<i32>} : memref<672xf32, #tpu.memory_space<vmem>>, vector<16xf32>,
    %get3A_124 = arith.constant 10 : i32
    %get3A_125 = arith.index_cast %get3A_124 : i32 to index
    %get3A_126 = arith.constant 0 : index
    %get3A_127 = tpu.vector_load %arg5[%get3A_125, %get3A_126] {strides = array<i32>} : memref<21x32xf32, #tpu.memory_space<vmem>>, vector<16xf32>,
    %swap3A_128 = arith.constant 320 : index
    %swap3A_129 = tpu.vector_load %arg6[%swap3A_128] {strides = array<i32>} : memref<672xf32, #tpu.memory_space<vmem>>, vector<16xf32>,
    tpu.vector_store %arg6[%swap3A_128], %get3A_127 {strides = array<i32>} : memref<672xf32, #tpu.memory_space<vmem>>, vector<16xf32>,
    %get3A_130 = arith.constant 10 : i32
    %get3A_131 = arith.index_cast %get3A_130 : i32 to index
    %get3A_132 = arith.constant 16 : index
    %get3A_133 = tpu.vector_load %arg5[%get3A_131, %get3A_132] {strides = array<i32>} : memref<21x32xf32, #tpu.memory_space<vmem>>, vector<16xf32>,
    %swap3A_134 = arith.constant 336 : index
    %swap3A_135 = tpu.vector_load %arg6[%swap3A_134] {strides = array<i32>} : memref<672xf32, #tpu.memory_space<vmem>>, vector<16xf32>,
    tpu.vector_store %arg6[%swap3A_134], %get3A_133 {strides = array<i32>} : memref<672xf32, #tpu.memory_space<vmem>>, vector<16xf32>,
    %get3A_136 = arith.constant 11 : i32
    %get3A_137 = arith.index_cast %get3A_136 : i32 to index
    %get3A_138 = arith.constant 0 : index
    %get3A_139 = tpu.vector_load %arg5[%get3A_137, %get3A_138] {strides = array<i32>} : memref<21x32xf32, #tpu.memory_space<vmem>>, vector<16xf32>,
    %swap3A_140 = arith.constant 352 : index
    %swap3A_141 = tpu.vector_load %arg6[%swap3A_140] {strides = array<i32>} : memref<672xf32, #tpu.memory_space<vmem>>, vector<16xf32>,
    tpu.vector_store %arg6[%swap3A_140], %get3A_139 {strides = array<i32>} : memref<672xf32, #tpu.memory_space<vmem>>, vector<16xf32>,
    %get3A_142 = arith.constant 11 : i32
    %get3A_143 = arith.index_cast %get3A_142 : i32 to index
    %get3A_144 = arith.constant 16 : index
    %get3A_145 = tpu.vector_load %arg5[%get3A_143, %get3A_144] {strides = array<i32>} : memref<21x32xf32, #tpu.memory_space<vmem>>, vector<16xf32>,
    %swap3A_146 = arith.constant 368 : index
    %swap3A_147 = tpu.vector_load %arg6[%swap3A_146] {strides = array<i32>} : memref<672xf32, #tpu.memory_space<vmem>>, vector<16xf32>,
    tpu.vector_store %arg6[%swap3A_146], %get3A_145 {strides = array<i32>} : memref<672xf32, #tpu.memory_space<vmem>>, vector<16xf32>,
    %get3A_148 = arith.constant 12 : i32
    %get3A_149 = arith.index_cast %get3A_148 : i32 to index
    %get3A_150 = arith.constant 0 : index
    %get3A_151 = tpu.vector_load %arg5[%get3A_149, %get3A_150] {strides = array<i32>} : memref<21x32xf32, #tpu.memory_space<vmem>>, vector<16xf32>,
    %swap3A_152 = arith.constant 384 : index
    %swap3A_153 = tpu.vector_load %arg6[%swap3A_152] {strides = array<i32>} : memref<672xf32, #tpu.memory_space<vmem>>, vector<16xf32>,
    tpu.vector_store %arg6[%swap3A_152], %get3A_151 {strides = array<i32>} : memref<672xf32, #tpu.memory_space<vmem>>, vector<16xf32>,
    %get3A_154 = arith.constant 12 : i32
    %get3A_155 = arith.index_cast %get3A_154 : i32 to index
    %get3A_156 = arith.constant 16 : index
    %get3A_157 = tpu.vector_load %arg5[%get3A_155, %get3A_156] {strides = array<i32>} : memref<21x32xf32, #tpu.memory_space<vmem>>, vector<16xf32>,
    %swap3A_158 = arith.constant 400 : index
    %swap3A_159 = tpu.vector_load %arg6[%swap3A_158] {strides = array<i32>} : memref<672xf32, #tpu.memory_space<vmem>>, vector<16xf32>,
    tpu.vector_store %arg6[%swap3A_158], %get3A_157 {strides = array<i32>} : memref<672xf32, #tpu.memory_space<vmem>>, vector<16xf32>,
    %get3A_160 = arith.constant 13 : i32
    %get3A_161 = arith.index_cast %get3A_160 : i32 to index
    %get3A_162 = arith.constant 0 : index
    %get3A_163 = tpu.vector_load %arg5[%get3A_161, %get3A_162] {strides = array<i32>} : memref<21x32xf32, #tpu.memory_space<vmem>>, vector<16xf32>,
    %swap3A_164 = arith.constant 416 : index
    %swap3A_165 = tpu.vector_load %arg6[%swap3A_164] {strides = array<i32>} : memref<672xf32, #tpu.memory_space<vmem>>, vector<16xf32>,
    tpu.vector_store %arg6[%swap3A_164], %get3A_163 {strides = array<i32>} : memref<672xf32, #tpu.memory_space<vmem>>, vector<16xf32>,
    %get3A_166 = arith.constant 13 : i32
    %get3A_167 = arith.index_cast %get3A_166 : i32 to index
    %get3A_168 = arith.constant 16 : index
    %get3A_169 = tpu.vector_load %arg5[%get3A_167, %get3A_168] {strides = array<i32>} : memref<21x32xf32, #tpu.memory_space<vmem>>, vector<16xf32>,
    %swap3A_170 = arith.constant 432 : index
    %swap3A_171 = tpu.vector_load %arg6[%swap3A_170] {strides = array<i32>} : memref<672xf32, #tpu.memory_space<vmem>>, vector<16xf32>,
    tpu.vector_store %arg6[%swap3A_170], %get3A_169 {strides = array<i32>} : memref<672xf32, #tpu.memory_space<vmem>>, vector<16xf32>,
    %get3A_172 = arith.constant 14 : i32
    %get3A_173 = arith.index_cast %get3A_172 : i32 to index
    %get3A_174 = arith.constant 0 : index
    %get3A_175 = tpu.vector_load %arg5[%get3A_173, %get3A_174] {strides = array<i32>} : memref<21x32xf32, #tpu.memory_space<vmem>>, vector<16xf32>,
    %swap3A_176 = arith.constant 448 : index
    %swap3A_177 = tpu.vector_load %arg6[%swap3A_176] {strides = array<i32>} : memref<672xf32, #tpu.memory_space<vmem>>, vector<16xf32>,
    tpu.vector_store %arg6[%swap3A_176], %get3A_175 {strides = array<i32>} : memref<672xf32, #tpu.memory_space<vmem>>, vector<16xf32>,
    %get3A_178 = arith.constant 14 : i32
    %get3A_179 = arith.index_cast %get3A_178 : i32 to index
    %get3A_180 = arith.constant 16 : index
    %get3A_181 = tpu.vector_load %arg5[%get3A_179, %get3A_180] {strides = array<i32>} : memref<21x32xf32, #tpu.memory_space<vmem>>, vector<16xf32>,
    %swap3A_182 = arith.constant 464 : index
    %swap3A_183 = tpu.vector_load %arg6[%swap3A_182] {strides = array<i32>} : memref<672xf32, #tpu.memory_space<vmem>>, vector<16xf32>,
    tpu.vector_store %arg6[%swap3A_182], %get3A_181 {strides = array<i32>} : memref<672xf32, #tpu.memory_space<vmem>>, vector<16xf32>,
    %get3A_184 = arith.constant 15 : i32
    %get3A_185 = arith.index_cast %get3A_184 : i32 to index
    %get3A_186 = arith.constant 0 : index
    %get3A_187 = tpu.vector_load %arg5[%get3A_185, %get3A_186] {strides = array<i32>} : memref<21x32xf32, #tpu.memory_space<vmem>>, vector<16xf32>,
    %swap3A_188 = arith.constant 480 : index
    %swap3A_189 = tpu.vector_load %arg6[%swap3A_188] {strides = array<i32>} : memref<672xf32, #tpu.memory_space<vmem>>, vector<16xf32>,
    tpu.vector_store %arg6[%swap3A_188], %get3A_187 {strides = array<i32>} : memref<672xf32, #tpu.memory_space<vmem>>, vector<16xf32>,
    %get3A_190 = arith.constant 15 : i32
    %get3A_191 = arith.index_cast %get3A_190 : i32 to index
    %get3A_192 = arith.constant 16 : index
    %get3A_193 = tpu.vector_load %arg5[%get3A_191, %get3A_192] {strides = array<i32>} : memref<21x32xf32, #tpu.memory_space<vmem>>, vector<16xf32>,
    %swap3A_194 = arith.constant 496 : index
    %swap3A_195 = tpu.vector_load %arg6[%swap3A_194] {strides = array<i32>} : memref<672xf32, #tpu.memory_space<vmem>>, vector<16xf32>,
    tpu.vector_store %arg6[%swap3A_194], %get3A_193 {strides = array<i32>} : memref<672xf32, #tpu.memory_space<vmem>>, vector<16xf32>,
    %get3A_196 = arith.constant 16 : i32
    %get3A_197 = arith.index_cast %get3A_196 : i32 to index
    %get3A_198 = arith.constant 0 : index
    %get3A_199 = tpu.vector_load %arg5[%get3A_197, %get3A_198] {strides = array<i32>} : memref<21x32xf32, #tpu.memory_space<vmem>>, vector<16xf32>,
    %swap3A_200 = arith.constant 512 : index
    %swap3A_201 = tpu.vector_load %arg6[%swap3A_200] {strides = array<i32>} : memref<672xf32, #tpu.memory_space<vmem>>, vector<16xf32>,
    tpu.vector_store %arg6[%swap3A_200], %get3A_199 {strides = array<i32>} : memref<672xf32, #tpu.memory_space<vmem>>, vector<16xf32>,
    %get3A_202 = arith.constant 16 : i32
    %get3A_203 = arith.index_cast %get3A_202 : i32 to index
    %get3A_204 = arith.constant 16 : index
    %get3A_205 = tpu.vector_load %arg5[%get3A_203, %get3A_204] {strides = array<i32>} : memref<21x32xf32, #tpu.memory_space<vmem>>, vector<16xf32>,
    %swap3A_206 = arith.constant 528 : index
    %swap3A_207 = tpu.vector_load %arg6[%swap3A_206] {strides = array<i32>} : memref<672xf32, #tpu.memory_space<vmem>>, vector<16xf32>,
    tpu.vector_store %arg6[%swap3A_206], %get3A_205 {strides = array<i32>} : memref<672xf32, #tpu.memory_space<vmem>>, vector<16xf32>,
    %get3A_208 = arith.constant 17 : i32
    %get3A_209 = arith.index_cast %get3A_208 : i32 to index
    %get3A_210 = arith.constant 0 : index
    %get3A_211 = tpu.vector_load %arg5[%get3A_209, %get3A_210] {strides = array<i32>} : memref<21x32xf32, #tpu.memory_space<vmem>>, vector<16xf32>,
    %swap3A_212 = arith.constant 544 : index
    %swap3A_213 = tpu.vector_load %arg6[%swap3A_212] {strides = array<i32>} : memref<672xf32, #tpu.memory_space<vmem>>, vector<16xf32>,
    tpu.vector_store %arg6[%swap3A_212], %get3A_211 {strides = array<i32>} : memref<672xf32, #tpu.memory_space<vmem>>, vector<16xf32>,
    %get3A_214 = arith.constant 17 : i32
    %get3A_215 = arith.index_cast %get3A_214 : i32 to index
    %get3A_216 = arith.constant 16 : index
    %get3A_217 = tpu.vector_load %arg5[%get3A_215, %get3A_216] {strides = array<i32>} : memref<21x32xf32, #tpu.memory_space<vmem>>, vector<16xf32>,
    %swap3A_218 = arith.constant 560 : index
    %swap3A_219 = tpu.vector_load %arg6[%swap3A_218] {strides = array<i32>} : memref<672xf32, #tpu.memory_space<vmem>>, vector<16xf32>,
    tpu.vector_store %arg6[%swap3A_218], %get3A_217 {strides = array<i32>} : memref<672xf32, #tpu.memory_space<vmem>>, vector<16xf32>,
    %get3A_220 = arith.constant 18 : i32
    %get3A_221 = arith.index_cast %get3A_220 : i32 to index
    %get3A_222 = arith.constant 0 : index
    %get3A_223 = tpu.vector_load %arg5[%get3A_221, %get3A_222] {strides = array<i32>} : memref<21x32xf32, #tpu.memory_space<vmem>>, vector<16xf32>,
    %swap3A_224 = arith.constant 576 : index
    %swap3A_225 = tpu.vector_load %arg6[%swap3A_224] {strides = array<i32>} : memref<672xf32, #tpu.memory_space<vmem>>, vector<16xf32>,
    tpu.vector_store %arg6[%swap3A_224], %get3A_223 {strides = array<i32>} : memref<672xf32, #tpu.memory_space<vmem>>, vector<16xf32>,
    %get3A_226 = arith.constant 18 : i32
    %get3A_227 = arith.index_cast %get3A_226 : i32 to index
    %get3A_228 = arith.constant 16 : index
    %get3A_229 = tpu.vector_load %arg5[%get3A_227, %get3A_228] {strides = array<i32>} : memref<21x32xf32, #tpu.memory_space<vmem>>, vector<16xf32>,
    %swap3A_230 = arith.constant 592 : index
    %swap3A_231 = tpu.vector_load %arg6[%swap3A_230] {strides = array<i32>} : memref<672xf32, #tpu.memory_space<vmem>>, vector<16xf32>,
    tpu.vector_store %arg6[%swap3A_230], %get3A_229 {strides = array<i32>} : memref<672xf32, #tpu.memory_space<vmem>>, vector<16xf32>,
    %get3A_232 = arith.constant 19 : i32
    %get3A_233 = arith.index_cast %get3A_232 : i32 to index
    %get3A_234 = arith.constant 0 : index
    %get3A_235 = tpu.vector_load %arg5[%get3A_233, %get3A_234] {strides = array<i32>} : memref<21x32xf32, #tpu.memory_space<vmem>>, vector<16xf32>,
    %swap3A_236 = arith.constant 608 : index
    %swap3A_237 = tpu.vector_load %arg6[%swap3A_236] {strides = array<i32>} : memref<672xf32, #tpu.memory_space<vmem>>, vector<16xf32>,
    tpu.vector_store %arg6[%swap3A_236], %get3A_235 {strides = array<i32>} : memref<672xf32, #tpu.memory_space<vmem>>, vector<16xf32>,
    %get3A_238 = arith.constant 19 : i32
    %get3A_239 = arith.index_cast %get3A_238 : i32 to index
    %get3A_240 = arith.constant 16 : index
    %get3A_241 = tpu.vector_load %arg5[%get3A_239, %get3A_240] {strides = array<i32>} : memref<21x32xf32, #tpu.memory_space<vmem>>, vector<16xf32>,
    %swap3A_242 = arith.constant 624 : index
    %swap3A_243 = tpu.vector_load %arg6[%swap3A_242] {strides = array<i32>} : memref<672xf32, #tpu.memory_space<vmem>>, vector<16xf32>,
    tpu.vector_store %arg6[%swap3A_242], %get3A_241 {strides = array<i32>} : memref<672xf32, #tpu.memory_space<vmem>>, vector<16xf32>,
    %get3A_244 = arith.constant 20 : i32
    %get3A_245 = arith.index_cast %get3A_244 : i32 to index
    %get3A_246 = arith.constant 0 : index
    %get3A_247 = tpu.vector_load %arg5[%get3A_245, %get3A_246] {strides = array<i32>} : memref<21x32xf32, #tpu.memory_space<vmem>>, vector<16xf32>,
    %swap3A_248 = arith.constant 640 : index
    %swap3A_249 = tpu.vector_load %arg6[%swap3A_248] {strides = array<i32>} : memref<672xf32, #tpu.memory_space<vmem>>, vector<16xf32>,
    tpu.vector_store %arg6[%swap3A_248], %get3A_247 {strides = array<i32>} : memref<672xf32, #tpu.memory_space<vmem>>, vector<16xf32>,
    %get3A_250 = arith.constant 20 : i32
    %get3A_251 = arith.index_cast %get3A_250 : i32 to index
    %get3A_252 = arith.constant 16 : index
    %get3A_253 = tpu.vector_load %arg5[%get3A_251, %get3A_252] {strides = array<i32>} : memref<21x32xf32, #tpu.memory_space<vmem>>, vector<16xf32>,
    %swap3A_254 = arith.constant 656 : index
    %swap3A_255 = tpu.vector_load %arg6[%swap3A_254] {strides = array<i32>} : memref<672xf32, #tpu.memory_space<vmem>>, vector<16xf32>,
    tpu.vector_store %arg6[%swap3A_254], %get3A_253 {strides = array<i32>} : memref<672xf32, #tpu.memory_space<vmem>>, vector<16xf32>,
    %add3A_256 = arith.constant 0 : i32
    %add3A_257 = arith.addi %mul3A_2, %add3A_256 : i32
    %min3A = arith.minsi %add3A_257, %sub3A_5 : i32
    %jit3A = arith.constant 32 : i32
    %div3A = arith.divsi %min3A, %jit3A : i32
    %sign3A = arith.constant 0 : i32
    %sign3A_258 = arith.cmpi sgt, %min3A, %sign3A : i32
    %sign3A_259 = arith.extui %sign3A_258 : i1 to i32
    %sign3A_260 = arith.constant 0 : i32
    %sign3A_261 = arith.cmpi slt, %min3A, %sign3A_260 : i32
    %sign3A_262 = arith.extui %sign3A_261 : i1 to i32
    %sign3A_263 = arith.subi %sign3A_259, %sign3A_262 : i32
    %sign3A_264 = arith.constant 0 : i32
    %sign3A_265 = arith.cmpi sgt, %jit3A, %sign3A_264 : i32
    %sign3A_266 = arith.extui %sign3A_265 : i1 to i32
    %sign3A_267 = arith.constant 0 : i32
    %sign3A_268 = arith.cmpi slt, %jit3A, %sign3A_267 : i32
    %sign3A_269 = arith.extui %sign3A_268 : i1 to i32
    %sign3A_270 = arith.subi %sign3A_266, %sign3A_269 : i32
    %ne3A = arith.cmpi ne, %sign3A_263, %sign3A_270 : i32
    %rem3A = arith.remsi %min3A, %jit3A : i32
    %ne3A_271 = arith.constant 0 : i32
    %ne3A_272 = arith.cmpi ne, %rem3A, %ne3A_271 : i32
    %and3A = arith.andi %ne3A, %ne3A_272 : i1
    %sub3A_273 = arith.constant 1 : i32
    %sub3A_274 = arith.subi %div3A, %sub3A_273 : i32
    %select_n3A = arith.select %and3A, %sub3A_274, %div3A : i32
    %jit3A_275 = arith.constant 32 : i32
    %eq3A = arith.constant 0 : i32
    %eq3A_276 = arith.cmpi eq, %jit3A_275, %eq3A : i32
    %jit3A_277 = arith.constant 1 : i32
    %select_n3A_278 = arith.select %eq3A_276, %jit3A_277, %jit3A_275 : i32
    %rem3A_279 = arith.remsi %min3A, %select_n3A_278 : i32
    %ne3A_280 = arith.constant 0 : i32
    %ne3A_281 = arith.cmpi ne, %rem3A_279, %ne3A_280 : i32
    %lt3A = arith.constant 0 : i32
    %lt3A_282 = arith.cmpi slt, %rem3A_279, %lt3A : i32
    %lt3A_283 = arith.constant 0 : i32
    %lt3A_284 = arith.cmpi slt, %select_n3A_278, %lt3A_283 : i32
    %ne3A_285 = arith.xori %lt3A_282, %lt3A_284 : i1
    %and3A_286 = arith.andi %ne3A_285, %ne3A_281 : i1
    %add3A_287 = arith.addi %rem3A_279, %select_n3A_278 : i32
    %select_n3A_288 = arith.select %and3A_286, %add3A_287, %rem3A_279 : i32
    %mul3A_289 = arith.constant 8 : i32
    %mul3A_290 = arith.muli %select_n3A, %mul3A_289 : i32
    %mul3A_291 = arith.constant 128 : i32
    %mul3A_292 = arith.muli %select_n3A_288, %mul3A_291 : i32
    %dma_start3A = tpu.memref_slice %arg2[%mul3A_290, %mul3A_292] : memref<200x4096xi32, #tpu.memory_space<hbm>> -> memref<8x128xi32, #tpu.memory_space<hbm>>
    %dma_start3A_293 = tpu.memref_slice %arg2[%mul3A_290, %mul3A_292] : memref<200x4096xi32, #tpu.memory_space<hbm>> -> memref<8x128xi32, #tpu.memory_space<hbm>>
    tpu.enqueue_dma source(%dma_start3A_293 : memref<8x128xi32, #tpu.memory_space<hbm>>) target(%arg7 : memref<8x128xi32, #tpu.memory_space<vmem>>) target_semaphore(%arg13 : memref<!tpu.dma_semaphore, #tpu.memory_space<semaphore_mem>>)
    %add3A_294 = arith.constant 1 : i32
    %add3A_295 = arith.addi %mul3A_2, %add3A_294 : i32
    %min3A_296 = arith.minsi %add3A_295, %sub3A_5 : i32
    %jit3A_297 = arith.constant 32 : i32
    %div3A_298 = arith.divsi %min3A_296, %jit3A_297 : i32
    %sign3A_299 = arith.constant 0 : i32
    %sign3A_300 = arith.cmpi sgt, %min3A_296, %sign3A_299 : i32
    %sign3A_301 = arith.extui %sign3A_300 : i1 to i32
    %sign3A_302 = arith.constant 0 : i32
    %sign3A_303 = arith.cmpi slt, %min3A_296, %sign3A_302 : i32
    %sign3A_304 = arith.extui %sign3A_303 : i1 to i32
    %sign3A_305 = arith.subi %sign3A_301, %sign3A_304 : i32
    %sign3A_306 = arith.constant 0 : i32
    %sign3A_307 = arith.cmpi sgt, %jit3A_297, %sign3A_306 : i32
    %sign3A_308 = arith.extui %sign3A_307 : i1 to i32
    %sign3A_309 = arith.constant 0 : i32
    %sign3A_310 = arith.cmpi slt, %jit3A_297, %sign3A_309 : i32
    %sign3A_311 = arith.extui %sign3A_310 : i1 to i32
    %sign3A_312 = arith.subi %sign3A_308, %sign3A_311 : i32
    %ne3A_313 = arith.cmpi ne, %sign3A_305, %sign3A_312 : i32
    %rem3A_314 = arith.remsi %min3A_296, %jit3A_297 : i32
    %ne3A_315 = arith.constant 0 : i32
    %ne3A_316 = arith.cmpi ne, %rem3A_314, %ne3A_315 : i32
    %and3A_317 = arith.andi %ne3A_313, %ne3A_316 : i1
    %sub3A_318 = arith.constant 1 : i32
    %sub3A_319 = arith.subi %div3A_298, %sub3A_318 : i32
    %select_n3A_320 = arith.select %and3A_317, %sub3A_319, %div3A_298 : i32
    %jit3A_321 = arith.constant 32 : i32
    %eq3A_322 = arith.constant 0 : i32
    %eq3A_323 = arith.cmpi eq, %jit3A_321, %eq3A_322 : i32
    %jit3A_324 = arith.constant 1 : i32
    %select_n3A_325 = arith.select %eq3A_323, %jit3A_324, %jit3A_321 : i32
    %rem3A_326 = arith.remsi %min3A_296, %select_n3A_325 : i32
    %ne3A_327 = arith.constant 0 : i32
    %ne3A_328 = arith.cmpi ne, %rem3A_326, %ne3A_327 : i32
    %lt3A_329 = arith.constant 0 : i32
    %lt3A_330 = arith.cmpi slt, %rem3A_326, %lt3A_329 : i32
    %lt3A_331 = arith.constant 0 : i32
    %lt3A_332 = arith.cmpi slt, %select_n3A_325, %lt3A_331 : i32
    %ne3A_333 = arith.xori %lt3A_330, %lt3A_332 : i1
    %and3A_334 = arith.andi %ne3A_333, %ne3A_328 : i1
    %add3A_335 = arith.addi %rem3A_326, %select_n3A_325 : i32
    %select_n3A_336 = arith.select %and3A_334, %add3A_335, %rem3A_326 : i32
    %mul3A_337 = arith.constant 8 : i32
    %mul3A_338 = arith.muli %select_n3A_320, %mul3A_337 : i32
    %mul3A_339 = arith.constant 128 : i32
    %mul3A_340 = arith.muli %select_n3A_336, %mul3A_339 : i32
    %dma_start3A_341 = tpu.memref_slice %arg2[%mul3A_338, %mul3A_340] : memref<200x4096xi32, #tpu.memory_space<hbm>> -> memref<8x128xi32, #tpu.memory_space<hbm>>
    %dma_start3A_342 = tpu.memref_slice %arg2[%mul3A_338, %mul3A_340] : memref<200x4096xi32, #tpu.memory_space<hbm>> -> memref<8x128xi32, #tpu.memory_space<hbm>>
    tpu.enqueue_dma source(%dma_start3A_342 : memref<8x128xi32, #tpu.memory_space<hbm>>) target(%arg8 : memref<8x128xi32, #tpu.memory_space<vmem>>) target_semaphore(%arg14 : memref<!tpu.dma_semaphore, #tpu.memory_space<semaphore_mem>>)
    %add3A_343 = arith.constant 0 : i32
    %add3A_344 = arith.addi %mul3A_2, %add3A_343 : i32
    %min3A_345 = arith.minsi %add3A_344, %sub3A_5 : i32
    %jit3A_346 = arith.constant 32 : i32
    %div3A_347 = arith.divsi %min3A_345, %jit3A_346 : i32
    %sign3A_348 = arith.constant 0 : i32
    %sign3A_349 = arith.cmpi sgt, %min3A_345, %sign3A_348 : i32
    %sign3A_350 = arith.extui %sign3A_349 : i1 to i32
    %sign3A_351 = arith.constant 0 : i32
    %sign3A_352 = arith.cmpi slt, %min3A_345, %sign3A_351 : i32
    %sign3A_353 = arith.extui %sign3A_352 : i1 to i32
    %sign3A_354 = arith.subi %sign3A_350, %sign3A_353 : i32
    %sign3A_355 = arith.constant 0 : i32
    %sign3A_356 = arith.cmpi sgt, %jit3A_346, %sign3A_355 : i32
    %sign3A_357 = arith.extui %sign3A_356 : i1 to i32
    %sign3A_358 = arith.constant 0 : i32
    %sign3A_359 = arith.cmpi slt, %jit3A_346, %sign3A_358 : i32
    %sign3A_360 = arith.extui %sign3A_359 : i1 to i32
    %sign3A_361 = arith.subi %sign3A_357, %sign3A_360 : i32
    %ne3A_362 = arith.cmpi ne, %sign3A_354, %sign3A_361 : i32
    %rem3A_363 = arith.remsi %min3A_345, %jit3A_346 : i32
    %ne3A_364 = arith.constant 0 : i32
    %ne3A_365 = arith.cmpi ne, %rem3A_363, %ne3A_364 : i32
    %and3A_366 = arith.andi %ne3A_362, %ne3A_365 : i1
    %sub3A_367 = arith.constant 1 : i32
    %sub3A_368 = arith.subi %div3A_347, %sub3A_367 : i32
    %select_n3A_369 = arith.select %and3A_366, %sub3A_368, %div3A_347 : i32
    %jit3A_370 = arith.constant 32 : i32
    %eq3A_371 = arith.constant 0 : i32
    %eq3A_372 = arith.cmpi eq, %jit3A_370, %eq3A_371 : i32
    %jit3A_373 = arith.constant 1 : i32
    %select_n3A_374 = arith.select %eq3A_372, %jit3A_373, %jit3A_370 : i32
    %rem3A_375 = arith.remsi %min3A_345, %select_n3A_374 : i32
    %ne3A_376 = arith.constant 0 : i32
    %ne3A_377 = arith.cmpi ne, %rem3A_375, %ne3A_376 : i32
    %lt3A_378 = arith.constant 0 : i32
    %lt3A_379 = arith.cmpi slt, %rem3A_375, %lt3A_378 : i32
    %lt3A_380 = arith.constant 0 : i32
    %lt3A_381 = arith.cmpi slt, %select_n3A_374, %lt3A_380 : i32
    %ne3A_382 = arith.xori %lt3A_379, %lt3A_381 : i1
    %and3A_383 = arith.andi %ne3A_382, %ne3A_377 : i1
    %add3A_384 = arith.addi %rem3A_375, %select_n3A_374 : i32
    %select_n3A_385 = arith.select %and3A_383, %add3A_384, %rem3A_375 : i32
    %mul3A_386 = arith.constant 8 : i32
    %mul3A_387 = arith.muli %select_n3A_369, %mul3A_386 : i32
    %mul3A_388 = arith.constant 128 : i32
    %mul3A_389 = arith.muli %select_n3A_385, %mul3A_388 : i32
    %dma_wait3A = tpu.memref_slice %arg2[%mul3A_387, %mul3A_389] : memref<200x4096xi32, #tpu.memory_space<hbm>> -> memref<8x128xi32, #tpu.memory_space<hbm>>
    %dma_wait3A_390 = tpu.memref_slice %arg2[%mul3A_387, %mul3A_389] : memref<200x4096xi32, #tpu.memory_space<hbm>> -> memref<8x128xi32, #tpu.memory_space<hbm>>
    tpu.wait_dma2 semaphore(%arg13 : memref<!tpu.dma_semaphore, #tpu.memory_space<semaphore_mem>>) src(%dma_wait3A_390 : memref<8x128xi32, #tpu.memory_space<hbm>>) dst(%arg7 : memref<8x128xi32, #tpu.memory_space<vmem>>)
    %parallel_loop3A = arith.constant 0 : i32
    %parallel_loop3A_391 = arith.constant 64 : i32
    %parallel_loop3A_392 = arith.constant 1 : i32
    scf.for %parallel_loop3A_1036 = %parallel_loop3A to %parallel_loop3A_391 step %parallel_loop3A_392  : i32 {
      %parallel_loop3A_1037 = arith.constant 3 : i32
      %parallel_loop3A_1038 = arith.shrsi %parallel_loop3A_1036, %parallel_loop3A_1037 : i32
      %parallel_loop3A_1039 = arith.constant 7 : i32
      %parallel_loop3A_1040 = arith.andi %parallel_loop3A_1036, %parallel_loop3A_1039 : i32
      %parallel_loop3A_1041 = arith.constant 16 : i32
      %parallel_loop3A_1042 = arith.muli %parallel_loop3A_1040, %parallel_loop3A_1041 : i32
      %parallel_loop3A_1043 = arith.index_cast %parallel_loop3A_1038 : i32 to index
      %parallel_loop3A_1044 = arith.index_cast %parallel_loop3A_1042 : i32 to index
      %parallel_loop3A_1045 = tpu.vector_load %arg7[%parallel_loop3A_1043, %parallel_loop3A_1044] {strides = array<i32>} : memref<8x128xi32, #tpu.memory_space<vmem>>, vector<16xi32>,
      %parallel_loop3A_1046 = arith.constant 10 : i32
      %parallel_loop3A_1047 = vector.broadcast %parallel_loop3A_1046 : i32 to vector<16xi32>
      %parallel_loop3A_1048 = arith.addi %parallel_loop3A_1045, %parallel_loop3A_1047 : vector<16xi32>
      %parallel_loop3A_1049 = arith.constant 0 : i32
      %parallel_loop3A_1050 = vector.broadcast %parallel_loop3A_1049 : i32 to vector<16xi32>
      %parallel_loop3A_1051 = arith.maxsi %parallel_loop3A_1048, %parallel_loop3A_1050 : vector<16xi32>
      %parallel_loop3A_1052 = arith.constant 20 : i32
      %parallel_loop3A_1053 = vector.broadcast %parallel_loop3A_1052 : i32 to vector<16xi32>
      %parallel_loop3A_1054 = arith.minsi %parallel_loop3A_1051, %parallel_loop3A_1053 : vector<16xi32>
      %parallel_loop3A_1055 = arith.constant 32 : i32
      %parallel_loop3A_1056 = vector.broadcast %parallel_loop3A_1055 : i32 to vector<16xi32>
      %parallel_loop3A_1057 = arith.muli %parallel_loop3A_1054, %parallel_loop3A_1056 : vector<16xi32>
      %parallel_loop3A_1058 = tpu.vector_load_idx %arg6[%parallel_loop3A_1057] : memref<672xf32, #tpu.memory_space<vmem>>[vector<16xi32>], vector<16xf32>,
      %parallel_loop3A_1059 = arith.constant 1 : i32
      %parallel_loop3A_1060 = vector.broadcast %parallel_loop3A_1059 : i32 to vector<16xi32>
      %parallel_loop3A_1061 = arith.addi %parallel_loop3A_1057, %parallel_loop3A_1060 : vector<16xi32>
      %parallel_loop3A_1062 = tpu.vector_load_idx %arg6[%parallel_loop3A_1061] : memref<672xf32, #tpu.memory_space<vmem>>[vector<16xi32>], vector<16xf32>,
      %parallel_loop3A_1063 = arith.constant 2 : i32
      %parallel_loop3A_1064 = vector.broadcast %parallel_loop3A_1063 : i32 to vector<16xi32>
      %parallel_loop3A_1065 = arith.addi %parallel_loop3A_1057, %parallel_loop3A_1064 : vector<16xi32>
      %parallel_loop3A_1066 = tpu.vector_load_idx %arg6[%parallel_loop3A_1065] : memref<672xf32, #tpu.memory_space<vmem>>[vector<16xi32>], vector<16xf32>,
      %parallel_loop3A_1067 = arith.constant 0 : i32
      %parallel_loop3A_1068 = arith.index_cast %parallel_loop3A_1038 : i32 to index
      %parallel_loop3A_1069 = arith.index_cast %parallel_loop3A_1067 : i32 to index
      %parallel_loop3A_1070 = arith.index_cast %parallel_loop3A_1042 : i32 to index
      %parallel_loop3A_1071 = tpu.vector_load %arg9[%parallel_loop3A_1068, %parallel_loop3A_1069, %parallel_loop3A_1070] {strides = array<i32>} : memref<8x32x128xf32, #tpu.memory_space<vmem>>, vector<16xf32>,
      tpu.vector_store %arg9[%parallel_loop3A_1068, %parallel_loop3A_1069, %parallel_loop3A_1070], %parallel_loop3A_1058 {strides = array<i32>} : memref<8x32x128xf32, #tpu.memory_space<vmem>>, vector<16xf32>,
      %parallel_loop3A_1072 = arith.constant 3 : i32
      %parallel_loop3A_1073 = vector.broadcast %parallel_loop3A_1072 : i32 to vector<16xi32>
      %parallel_loop3A_1074 = arith.addi %parallel_loop3A_1057, %parallel_loop3A_1073 : vector<16xi32>
      %parallel_loop3A_1075 = tpu.vector_load_idx %arg6[%parallel_loop3A_1074] : memref<672xf32, #tpu.memory_space<vmem>>[vector<16xi32>], vector<16xf32>,
      %parallel_loop3A_1076 = arith.constant 1 : i32
      %parallel_loop3A_1077 = arith.index_cast %parallel_loop3A_1038 : i32 to index
      %parallel_loop3A_1078 = arith.index_cast %parallel_loop3A_1076 : i32 to index
      %parallel_loop3A_1079 = arith.index_cast %parallel_loop3A_1042 : i32 to index
      %parallel_loop3A_1080 = tpu.vector_load %arg9[%parallel_loop3A_1077, %parallel_loop3A_1078, %parallel_loop3A_1079] {strides = array<i32>} : memref<8x32x128xf32, #tpu.memory_space<vmem>>, vector<16xf32>,
      tpu.vector_store %arg9[%parallel_loop3A_1077, %parallel_loop3A_1078, %parallel_loop3A_1079], %parallel_loop3A_1062 {strides = array<i32>} : memref<8x32x128xf32, #tpu.memory_space<vmem>>, vector<16xf32>,
      %parallel_loop3A_1081 = arith.constant 4 : i32
      %parallel_loop3A_1082 = vector.broadcast %parallel_loop3A_1081 : i32 to vector<16xi32>
      %parallel_loop3A_1083 = arith.addi %parallel_loop3A_1057, %parallel_loop3A_1082 : vector<16xi32>
      %parallel_loop3A_1084 = tpu.vector_load_idx %arg6[%parallel_loop3A_1083] : memref<672xf32, #tpu.memory_space<vmem>>[vector<16xi32>], vector<16xf32>,
      %parallel_loop3A_1085 = arith.constant 2 : i32
      %parallel_loop3A_1086 = arith.index_cast %parallel_loop3A_1038 : i32 to index
      %parallel_loop3A_1087 = arith.index_cast %parallel_loop3A_1085 : i32 to index
      %parallel_loop3A_1088 = arith.index_cast %parallel_loop3A_1042 : i32 to index
      %parallel_loop3A_1089 = tpu.vector_load %arg9[%parallel_loop3A_1086, %parallel_loop3A_1087, %parallel_loop3A_1088] {strides = array<i32>} : memref<8x32x128xf32, #tpu.memory_space<vmem>>, vector<16xf32>,
      tpu.vector_store %arg9[%parallel_loop3A_1086, %parallel_loop3A_1087, %parallel_loop3A_1088], %parallel_loop3A_1066 {strides = array<i32>} : memref<8x32x128xf32, #tpu.memory_space<vmem>>, vector<16xf32>,
      %parallel_loop3A_1090 = arith.constant 5 : i32
      %parallel_loop3A_1091 = vector.broadcast %parallel_loop3A_1090 : i32 to vector<16xi32>
      %parallel_loop3A_1092 = arith.addi %parallel_loop3A_1057, %parallel_loop3A_1091 : vector<16xi32>
      %parallel_loop3A_1093 = tpu.vector_load_idx %arg6[%parallel_loop3A_1092] : memref<672xf32, #tpu.memory_space<vmem>>[vector<16xi32>], vector<16xf32>,
      %parallel_loop3A_1094 = arith.constant 3 : i32
      %parallel_loop3A_1095 = arith.index_cast %parallel_loop3A_1038 : i32 to index
      %parallel_loop3A_1096 = arith.index_cast %parallel_loop3A_1094 : i32 to index
      %parallel_loop3A_1097 = arith.index_cast %parallel_loop3A_1042 : i32 to index
      %parallel_loop3A_1098 = tpu.vector_load %arg9[%parallel_loop3A_1095, %parallel_loop3A_1096, %parallel_loop3A_1097] {strides = array<i32>} : memref<8x32x128xf32, #tpu.memory_space<vmem>>, vector<16xf32>,
      tpu.vector_store %arg9[%parallel_loop3A_1095, %parallel_loop3A_1096, %parallel_loop3A_1097], %parallel_loop3A_1075 {strides = array<i32>} : memref<8x32x128xf32, #tpu.memory_space<vmem>>, vector<16xf32>,
      %parallel_loop3A_1099 = arith.constant 6 : i32
      %parallel_loop3A_1100 = vector.broadcast %parallel_loop3A_1099 : i32 to vector<16xi32>
      %parallel_loop3A_1101 = arith.addi %parallel_loop3A_1057, %parallel_loop3A_1100 : vector<16xi32>
      %parallel_loop3A_1102 = tpu.vector_load_idx %arg6[%parallel_loop3A_1101] : memref<672xf32, #tpu.memory_space<vmem>>[vector<16xi32>], vector<16xf32>,
      %parallel_loop3A_1103 = arith.constant 4 : i32
      %parallel_loop3A_1104 = arith.index_cast %parallel_loop3A_1038 : i32 to index
      %parallel_loop3A_1105 = arith.index_cast %parallel_loop3A_1103 : i32 to index
      %parallel_loop3A_1106 = arith.index_cast %parallel_loop3A_1042 : i32 to index
      %parallel_loop3A_1107 = tpu.vector_load %arg9[%parallel_loop3A_1104, %parallel_loop3A_1105, %parallel_loop3A_1106] {strides = array<i32>} : memref<8x32x128xf32, #tpu.memory_space<vmem>>, vector<16xf32>,
      tpu.vector_store %arg9[%parallel_loop3A_1104, %parallel_loop3A_1105, %parallel_loop3A_1106], %parallel_loop3A_1084 {strides = array<i32>} : memref<8x32x128xf32, #tpu.memory_space<vmem>>, vector<16xf32>,
      %parallel_loop3A_1108 = arith.constant 7 : i32
      %parallel_loop3A_1109 = vector.broadcast %parallel_loop3A_1108 : i32 to vector<16xi32>
      %parallel_loop3A_1110 = arith.addi %parallel_loop3A_1057, %parallel_loop3A_1109 : vector<16xi32>
      %parallel_loop3A_1111 = tpu.vector_load_idx %arg6[%parallel_loop3A_1110] : memref<672xf32, #tpu.memory_space<vmem>>[vector<16xi32>], vector<16xf32>,
      %parallel_loop3A_1112 = arith.constant 5 : i32
      %parallel_loop3A_1113 = arith.index_cast %parallel_loop3A_1038 : i32 to index
      %parallel_loop3A_1114 = arith.index_cast %parallel_loop3A_1112 : i32 to index
      %parallel_loop3A_1115 = arith.index_cast %parallel_loop3A_1042 : i32 to index
      %parallel_loop3A_1116 = tpu.vector_load %arg9[%parallel_loop3A_1113, %parallel_loop3A_1114, %parallel_loop3A_1115] {strides = array<i32>} : memref<8x32x128xf32, #tpu.memory_space<vmem>>, vector<16xf32>,
      tpu.vector_store %arg9[%parallel_loop3A_1113, %parallel_loop3A_1114, %parallel_loop3A_1115], %parallel_loop3A_1093 {strides = array<i32>} : memref<8x32x128xf32, #tpu.memory_space<vmem>>, vector<16xf32>,
      %parallel_loop3A_1117 = arith.constant 8 : i32
      %parallel_loop3A_1118 = vector.broadcast %parallel_loop3A_1117 : i32 to vector<16xi32>
      %parallel_loop3A_1119 = arith.addi %parallel_loop3A_1057, %parallel_loop3A_1118 : vector<16xi32>
      %parallel_loop3A_1120 = tpu.vector_load_idx %arg6[%parallel_loop3A_1119] : memref<672xf32, #tpu.memory_space<vmem>>[vector<16xi32>], vector<16xf32>,
      %parallel_loop3A_1121 = arith.constant 6 : i32
      %parallel_loop3A_1122 = arith.index_cast %parallel_loop3A_1038 : i32 to index
      %parallel_loop3A_1123 = arith.index_cast %parallel_loop3A_1121 : i32 to index
      %parallel_loop3A_1124 = arith.index_cast %parallel_loop3A_1042 : i32 to index
      %parallel_loop3A_1125 = tpu.vector_load %arg9[%parallel_loop3A_1122, %parallel_loop3A_1123, %parallel_loop3A_1124] {strides = array<i32>} : memref<8x32x128xf32, #tpu.memory_space<vmem>>, vector<16xf32>,
      tpu.vector_store %arg9[%parallel_loop3A_1122, %parallel_loop3A_1123, %parallel_loop3A_1124], %parallel_loop3A_1102 {strides = array<i32>} : memref<8x32x128xf32, #tpu.memory_space<vmem>>, vector<16xf32>,
      %parallel_loop3A_1126 = arith.constant 9 : i32
      %parallel_loop3A_1127 = vector.broadcast %parallel_loop3A_1126 : i32 to vector<16xi32>
      %parallel_loop3A_1128 = arith.addi %parallel_loop3A_1057, %parallel_loop3A_1127 : vector<16xi32>
      %parallel_loop3A_1129 = tpu.vector_load_idx %arg6[%parallel_loop3A_1128] : memref<672xf32, #tpu.memory_space<vmem>>[vector<16xi32>], vector<16xf32>,
      %parallel_loop3A_1130 = arith.constant 7 : i32
      %parallel_loop3A_1131 = arith.index_cast %parallel_loop3A_1038 : i32 to index
      %parallel_loop3A_1132 = arith.index_cast %parallel_loop3A_1130 : i32 to index
      %parallel_loop3A_1133 = arith.index_cast %parallel_loop3A_1042 : i32 to index
      %parallel_loop3A_1134 = tpu.vector_load %arg9[%parallel_loop3A_1131, %parallel_loop3A_1132, %parallel_loop3A_1133] {strides = array<i32>} : memref<8x32x128xf32, #tpu.memory_space<vmem>>, vector<16xf32>,
      tpu.vector_store %arg9[%parallel_loop3A_1131, %parallel_loop3A_1132, %parallel_loop3A_1133], %parallel_loop3A_1111 {strides = array<i32>} : memref<8x32x128xf32, #tpu.memory_space<vmem>>, vector<16xf32>,
      %parallel_loop3A_1135 = arith.constant 10 : i32
      %parallel_loop3A_1136 = vector.broadcast %parallel_loop3A_1135 : i32 to vector<16xi32>
      %parallel_loop3A_1137 = arith.addi %parallel_loop3A_1057, %parallel_loop3A_1136 : vector<16xi32>
      %parallel_loop3A_1138 = tpu.vector_load_idx %arg6[%parallel_loop3A_1137] : memref<672xf32, #tpu.memory_space<vmem>>[vector<16xi32>], vector<16xf32>,
      %parallel_loop3A_1139 = arith.constant 8 : i32
      %parallel_loop3A_1140 = arith.index_cast %parallel_loop3A_1038 : i32 to index
      %parallel_loop3A_1141 = arith.index_cast %parallel_loop3A_1139 : i32 to index
      %parallel_loop3A_1142 = arith.index_cast %parallel_loop3A_1042 : i32 to index
      %parallel_loop3A_1143 = tpu.vector_load %arg9[%parallel_loop3A_1140, %parallel_loop3A_1141, %parallel_loop3A_1142] {strides = array<i32>} : memref<8x32x128xf32, #tpu.memory_space<vmem>>, vector<16xf32>,
      tpu.vector_store %arg9[%parallel_loop3A_1140, %parallel_loop3A_1141, %parallel_loop3A_1142], %parallel_loop3A_1120 {strides = array<i32>} : memref<8x32x128xf32, #tpu.memory_space<vmem>>, vector<16xf32>,
      %parallel_loop3A_1144 = arith.constant 11 : i32
      %parallel_loop3A_1145 = vector.broadcast %parallel_loop3A_1144 : i32 to vector<16xi32>
      %parallel_loop3A_1146 = arith.addi %parallel_loop3A_1057, %parallel_loop3A_1145 : vector<16xi32>
      %parallel_loop3A_1147 = tpu.vector_load_idx %arg6[%parallel_loop3A_1146] : memref<672xf32, #tpu.memory_space<vmem>>[vector<16xi32>], vector<16xf32>,
      %parallel_loop3A_1148 = arith.constant 9 : i32
      %parallel_loop3A_1149 = arith.index_cast %parallel_loop3A_1038 : i32 to index
      %parallel_loop3A_1150 = arith.index_cast %parallel_loop3A_1148 : i32 to index
      %parallel_loop3A_1151 = arith.index_cast %parallel_loop3A_1042 : i32 to index
      %parallel_loop3A_1152 = tpu.vector_load %arg9[%parallel_loop3A_1149, %parallel_loop3A_1150, %parallel_loop3A_1151] {strides = array<i32>} : memref<8x32x128xf32, #tpu.memory_space<vmem>>, vector<16xf32>,
      tpu.vector_store %arg9[%parallel_loop3A_1149, %parallel_loop3A_1150, %parallel_loop3A_1151], %parallel_loop3A_1129 {strides = array<i32>} : memref<8x32x128xf32, #tpu.memory_space<vmem>>, vector<16xf32>,
      %parallel_loop3A_1153 = arith.constant 12 : i32
      %parallel_loop3A_1154 = vector.broadcast %parallel_loop3A_1153 : i32 to vector<16xi32>
      %parallel_loop3A_1155 = arith.addi %parallel_loop3A_1057, %parallel_loop3A_1154 : vector<16xi32>
      %parallel_loop3A_1156 = tpu.vector_load_idx %arg6[%parallel_loop3A_1155] : memref<672xf32, #tpu.memory_space<vmem>>[vector<16xi32>], vector<16xf32>,
      %parallel_loop3A_1157 = arith.constant 10 : i32
      %parallel_loop3A_1158 = arith.index_cast %parallel_loop3A_1038 : i32 to index
      %parallel_loop3A_1159 = arith.index_cast %parallel_loop3A_1157 : i32 to index
      %parallel_loop3A_1160 = arith.index_cast %parallel_loop3A_1042 : i32 to index
      %parallel_loop3A_1161 = tpu.vector_load %arg9[%parallel_loop3A_1158, %parallel_loop3A_1159, %parallel_loop3A_1160] {strides = array<i32>} : memref<8x32x128xf32, #tpu.memory_space<vmem>>, vector<16xf32>,
      tpu.vector_store %arg9[%parallel_loop3A_1158, %parallel_loop3A_1159, %parallel_loop3A_1160], %parallel_loop3A_1138 {strides = array<i32>} : memref<8x32x128xf32, #tpu.memory_space<vmem>>, vector<16xf32>,
      %parallel_loop3A_1162 = arith.constant 13 : i32
      %parallel_loop3A_1163 = vector.broadcast %parallel_loop3A_1162 : i32 to vector<16xi32>
      %parallel_loop3A_1164 = arith.addi %parallel_loop3A_1057, %parallel_loop3A_1163 : vector<16xi32>
      %parallel_loop3A_1165 = tpu.vector_load_idx %arg6[%parallel_loop3A_1164] : memref<672xf32, #tpu.memory_space<vmem>>[vector<16xi32>], vector<16xf32>,
      %parallel_loop3A_1166 = arith.constant 11 : i32
      %parallel_loop3A_1167 = arith.index_cast %parallel_loop3A_1038 : i32 to index
      %parallel_loop3A_1168 = arith.index_cast %parallel_loop3A_1166 : i32 to index
      %parallel_loop3A_1169 = arith.index_cast %parallel_loop3A_1042 : i32 to index
      %parallel_loop3A_1170 = tpu.vector_load %arg9[%parallel_loop3A_1167, %parallel_loop3A_1168, %parallel_loop3A_1169] {strides = array<i32>} : memref<8x32x128xf32, #tpu.memory_space<vmem>>, vector<16xf32>,
      tpu.vector_store %arg9[%parallel_loop3A_1167, %parallel_loop3A_1168, %parallel_loop3A_1169], %parallel_loop3A_1147 {strides = array<i32>} : memref<8x32x128xf32, #tpu.memory_space<vmem>>, vector<16xf32>,
      %parallel_loop3A_1171 = arith.constant 14 : i32
      %parallel_loop3A_1172 = vector.broadcast %parallel_loop3A_1171 : i32 to vector<16xi32>
      %parallel_loop3A_1173 = arith.addi %parallel_loop3A_1057, %parallel_loop3A_1172 : vector<16xi32>
      %parallel_loop3A_1174 = tpu.vector_load_idx %arg6[%parallel_loop3A_1173] : memref<672xf32, #tpu.memory_space<vmem>>[vector<16xi32>], vector<16xf32>,
      %parallel_loop3A_1175 = arith.constant 12 : i32
      %parallel_loop3A_1176 = arith.index_cast %parallel_loop3A_1038 : i32 to index
      %parallel_loop3A_1177 = arith.index_cast %parallel_loop3A_1175 : i32 to index
      %parallel_loop3A_1178 = arith.index_cast %parallel_loop3A_1042 : i32 to index
      %parallel_loop3A_1179 = tpu.vector_load %arg9[%parallel_loop3A_1176, %parallel_loop3A_1177, %parallel_loop3A_1178] {strides = array<i32>} : memref<8x32x128xf32, #tpu.memory_space<vmem>>, vector<16xf32>,
      tpu.vector_store %arg9[%parallel_loop3A_1176, %parallel_loop3A_1177, %parallel_loop3A_1178], %parallel_loop3A_1156 {strides = array<i32>} : memref<8x32x128xf32, #tpu.memory_space<vmem>>, vector<16xf32>,
      %parallel_loop3A_1180 = arith.constant 15 : i32
      %parallel_loop3A_1181 = vector.broadcast %parallel_loop3A_1180 : i32 to vector<16xi32>
      %parallel_loop3A_1182 = arith.addi %parallel_loop3A_1057, %parallel_loop3A_1181 : vector<16xi32>
      %parallel_loop3A_1183 = tpu.vector_load_idx %arg6[%parallel_loop3A_1182] : memref<672xf32, #tpu.memory_space<vmem>>[vector<16xi32>], vector<16xf32>,
      %parallel_loop3A_1184 = arith.constant 13 : i32
      %parallel_loop3A_1185 = arith.index_cast %parallel_loop3A_1038 : i32 to index
      %parallel_loop3A_1186 = arith.index_cast %parallel_loop3A_1184 : i32 to index
      %parallel_loop3A_1187 = arith.index_cast %parallel_loop3A_1042 : i32 to index
      %parallel_loop3A_1188 = tpu.vector_load %arg9[%parallel_loop3A_1185, %parallel_loop3A_1186, %parallel_loop3A_1187] {strides = array<i32>} : memref<8x32x128xf32, #tpu.memory_space<vmem>>, vector<16xf32>,
      tpu.vector_store %arg9[%parallel_loop3A_1185, %parallel_loop3A_1186, %parallel_loop3A_1187], %parallel_loop3A_1165 {strides = array<i32>} : memref<8x32x128xf32, #tpu.memory_space<vmem>>, vector<16xf32>,
      %parallel_loop3A_1189 = arith.constant 16 : i32
      %parallel_loop3A_1190 = vector.broadcast %parallel_loop3A_1189 : i32 to vector<16xi32>
      %parallel_loop3A_1191 = arith.addi %parallel_loop3A_1057, %parallel_loop3A_1190 : vector<16xi32>
      %parallel_loop3A_1192 = tpu.vector_load_idx %arg6[%parallel_loop3A_1191] : memref<672xf32, #tpu.memory_space<vmem>>[vector<16xi32>], vector<16xf32>,
      %parallel_loop3A_1193 = arith.constant 14 : i32
      %parallel_loop3A_1194 = arith.index_cast %parallel_loop3A_1038 : i32 to index
      %parallel_loop3A_1195 = arith.index_cast %parallel_loop3A_1193 : i32 to index
      %parallel_loop3A_1196 = arith.index_cast %parallel_loop3A_1042 : i32 to index
      %parallel_loop3A_1197 = tpu.vector_load %arg9[%parallel_loop3A_1194, %parallel_loop3A_1195, %parallel_loop3A_1196] {strides = array<i32>} : memref<8x32x128xf32, #tpu.memory_space<vmem>>, vector<16xf32>,
      tpu.vector_store %arg9[%parallel_loop3A_1194, %parallel_loop3A_1195, %parallel_loop3A_1196], %parallel_loop3A_1174 {strides = array<i32>} : memref<8x32x128xf32, #tpu.memory_space<vmem>>, vector<16xf32>,
      %parallel_loop3A_1198 = arith.constant 17 : i32
      %parallel_loop3A_1199 = vector.broadcast %parallel_loop3A_1198 : i32 to vector<16xi32>
      %parallel_loop3A_1200 = arith.addi %parallel_loop3A_1057, %parallel_loop3A_1199 : vector<16xi32>
      %parallel_loop3A_1201 = tpu.vector_load_idx %arg6[%parallel_loop3A_1200] : memref<672xf32, #tpu.memory_space<vmem>>[vector<16xi32>], vector<16xf32>,
      %parallel_loop3A_1202 = arith.constant 15 : i32
      %parallel_loop3A_1203 = arith.index_cast %parallel_loop3A_1038 : i32 to index
      %parallel_loop3A_1204 = arith.index_cast %parallel_loop3A_1202 : i32 to index
      %parallel_loop3A_1205 = arith.index_cast %parallel_loop3A_1042 : i32 to index
      %parallel_loop3A_1206 = tpu.vector_load %arg9[%parallel_loop3A_1203, %parallel_loop3A_1204, %parallel_loop3A_1205] {strides = array<i32>} : memref<8x32x128xf32, #tpu.memory_space<vmem>>, vector<16xf32>,
      tpu.vector_store %arg9[%parallel_loop3A_1203, %parallel_loop3A_1204, %parallel_loop3A_1205], %parallel_loop3A_1183 {strides = array<i32>} : memref<8x32x128xf32, #tpu.memory_space<vmem>>, vector<16xf32>,
      %parallel_loop3A_1207 = arith.constant 18 : i32
      %parallel_loop3A_1208 = vector.broadcast %parallel_loop3A_1207 : i32 to vector<16xi32>
      %parallel_loop3A_1209 = arith.addi %parallel_loop3A_1057, %parallel_loop3A_1208 : vector<16xi32>
      %parallel_loop3A_1210 = tpu.vector_load_idx %arg6[%parallel_loop3A_1209] : memref<672xf32, #tpu.memory_space<vmem>>[vector<16xi32>], vector<16xf32>,
      %parallel_loop3A_1211 = arith.constant 16 : i32
      %parallel_loop3A_1212 = arith.index_cast %parallel_loop3A_1038 : i32 to index
      %parallel_loop3A_1213 = arith.index_cast %parallel_loop3A_1211 : i32 to index
      %parallel_loop3A_1214 = arith.index_cast %parallel_loop3A_1042 : i32 to index
      %parallel_loop3A_1215 = tpu.vector_load %arg9[%parallel_loop3A_1212, %parallel_loop3A_1213, %parallel_loop3A_1214] {strides = array<i32>} : memref<8x32x128xf32, #tpu.memory_space<vmem>>, vector<16xf32>,
      tpu.vector_store %arg9[%parallel_loop3A_1212, %parallel_loop3A_1213, %parallel_loop3A_1214], %parallel_loop3A_1192 {strides = array<i32>} : memref<8x32x128xf32, #tpu.memory_space<vmem>>, vector<16xf32>,
      %parallel_loop3A_1216 = arith.constant 19 : i32
      %parallel_loop3A_1217 = vector.broadcast %parallel_loop3A_1216 : i32 to vector<16xi32>
      %parallel_loop3A_1218 = arith.addi %parallel_loop3A_1057, %parallel_loop3A_1217 : vector<16xi32>
      %parallel_loop3A_1219 = tpu.vector_load_idx %arg6[%parallel_loop3A_1218] : memref<672xf32, #tpu.memory_space<vmem>>[vector<16xi32>], vector<16xf32>,
      %parallel_loop3A_1220 = arith.constant 17 : i32
      %parallel_loop3A_1221 = arith.index_cast %parallel_loop3A_1038 : i32 to index
      %parallel_loop3A_1222 = arith.index_cast %parallel_loop3A_1220 : i32 to index
      %parallel_loop3A_1223 = arith.index_cast %parallel_loop3A_1042 : i32 to index
      %parallel_loop3A_1224 = tpu.vector_load %arg9[%parallel_loop3A_1221, %parallel_loop3A_1222, %parallel_loop3A_1223] {strides = array<i32>} : memref<8x32x128xf32, #tpu.memory_space<vmem>>, vector<16xf32>,
      tpu.vector_store %arg9[%parallel_loop3A_1221, %parallel_loop3A_1222, %parallel_loop3A_1223], %parallel_loop3A_1201 {strides = array<i32>} : memref<8x32x128xf32, #tpu.memory_space<vmem>>, vector<16xf32>,
      %parallel_loop3A_1225 = arith.constant 20 : i32
      %parallel_loop3A_1226 = vector.broadcast %parallel_loop3A_1225 : i32 to vector<16xi32>
      %parallel_loop3A_1227 = arith.addi %parallel_loop3A_1057, %parallel_loop3A_1226 : vector<16xi32>
      %parallel_loop3A_1228 = tpu.vector_load_idx %arg6[%parallel_loop3A_1227] : memref<672xf32, #tpu.memory_space<vmem>>[vector<16xi32>], vector<16xf32>,
      %parallel_loop3A_1229 = arith.constant 18 : i32
      %parallel_loop3A_1230 = arith.index_cast %parallel_loop3A_1038 : i32 to index
      %parallel_loop3A_1231 = arith.index_cast %parallel_loop3A_1229 : i32 to index
      %parallel_loop3A_1232 = arith.index_cast %parallel_loop3A_1042 : i32 to index
      %parallel_loop3A_1233 = tpu.vector_load %arg9[%parallel_loop3A_1230, %parallel_loop3A_1231, %parallel_loop3A_1232] {strides = array<i32>} : memref<8x32x128xf32, #tpu.memory_space<vmem>>, vector<16xf32>,
      tpu.vector_store %arg9[%parallel_loop3A_1230, %parallel_loop3A_1231, %parallel_loop3A_1232], %parallel_loop3A_1210 {strides = array<i32>} : memref<8x32x128xf32, #tpu.memory_space<vmem>>, vector<16xf32>,
      %parallel_loop3A_1234 = arith.constant 21 : i32
      %parallel_loop3A_1235 = vector.broadcast %parallel_loop3A_1234 : i32 to vector<16xi32>
      %parallel_loop3A_1236 = arith.addi %parallel_loop3A_1057, %parallel_loop3A_1235 : vector<16xi32>
      %parallel_loop3A_1237 = tpu.vector_load_idx %arg6[%parallel_loop3A_1236] : memref<672xf32, #tpu.memory_space<vmem>>[vector<16xi32>], vector<16xf32>,
      %parallel_loop3A_1238 = arith.constant 19 : i32
      %parallel_loop3A_1239 = arith.index_cast %parallel_loop3A_1038 : i32 to index
      %parallel_loop3A_1240 = arith.index_cast %parallel_loop3A_1238 : i32 to index
      %parallel_loop3A_1241 = arith.index_cast %parallel_loop3A_1042 : i32 to index
      %parallel_loop3A_1242 = tpu.vector_load %arg9[%parallel_loop3A_1239, %parallel_loop3A_1240, %parallel_loop3A_1241] {strides = array<i32>} : memref<8x32x128xf32, #tpu.memory_space<vmem>>, vector<16xf32>,
      tpu.vector_store %arg9[%parallel_loop3A_1239, %parallel_loop3A_1240, %parallel_loop3A_1241], %parallel_loop3A_1219 {strides = array<i32>} : memref<8x32x128xf32, #tpu.memory_space<vmem>>, vector<16xf32>,
      %parallel_loop3A_1243 = arith.constant 22 : i32
      %parallel_loop3A_1244 = vector.broadcast %parallel_loop3A_1243 : i32 to vector<16xi32>
      %parallel_loop3A_1245 = arith.addi %parallel_loop3A_1057, %parallel_loop3A_1244 : vector<16xi32>
      %parallel_loop3A_1246 = tpu.vector_load_idx %arg6[%parallel_loop3A_1245] : memref<672xf32, #tpu.memory_space<vmem>>[vector<16xi32>], vector<16xf32>,
      %parallel_loop3A_1247 = arith.constant 20 : i32
      %parallel_loop3A_1248 = arith.index_cast %parallel_loop3A_1038 : i32 to index
      %parallel_loop3A_1249 = arith.index_cast %parallel_loop3A_1247 : i32 to index
      %parallel_loop3A_1250 = arith.index_cast %parallel_loop3A_1042 : i32 to index
      %parallel_loop3A_1251 = tpu.vector_load %arg9[%parallel_loop3A_1248, %parallel_loop3A_1249, %parallel_loop3A_1250] {strides = array<i32>} : memref<8x32x128xf32, #tpu.memory_space<vmem>>, vector<16xf32>,
      tpu.vector_store %arg9[%parallel_loop3A_1248, %parallel_loop3A_1249, %parallel_loop3A_1250], %parallel_loop3A_1228 {strides = array<i32>} : memref<8x32x128xf32, #tpu.memory_space<vmem>>, vector<16xf32>,
      %parallel_loop3A_1252 = arith.constant 23 : i32
      %parallel_loop3A_1253 = vector.broadcast %parallel_loop3A_1252 : i32 to vector<16xi32>
      %parallel_loop3A_1254 = arith.addi %parallel_loop3A_1057, %parallel_loop3A_1253 : vector<16xi32>
      %parallel_loop3A_1255 = tpu.vector_load_idx %arg6[%parallel_loop3A_1254] : memref<672xf32, #tpu.memory_space<vmem>>[vector<16xi32>], vector<16xf32>,
      %parallel_loop3A_1256 = arith.constant 21 : i32
      %parallel_loop3A_1257 = arith.index_cast %parallel_loop3A_1038 : i32 to index
      %parallel_loop3A_1258 = arith.index_cast %parallel_loop3A_1256 : i32 to index
      %parallel_loop3A_1259 = arith.index_cast %parallel_loop3A_1042 : i32 to index
      %parallel_loop3A_1260 = tpu.vector_load %arg9[%parallel_loop3A_1257, %parallel_loop3A_1258, %parallel_loop3A_1259] {strides = array<i32>} : memref<8x32x128xf32, #tpu.memory_space<vmem>>, vector<16xf32>,
      tpu.vector_store %arg9[%parallel_loop3A_1257, %parallel_loop3A_1258, %parallel_loop3A_1259], %parallel_loop3A_1237 {strides = array<i32>} : memref<8x32x128xf32, #tpu.memory_space<vmem>>, vector<16xf32>,
      %parallel_loop3A_1261 = arith.constant 24 : i32
      %parallel_loop3A_1262 = vector.broadcast %parallel_loop3A_1261 : i32 to vector<16xi32>
      %parallel_loop3A_1263 = arith.addi %parallel_loop3A_1057, %parallel_loop3A_1262 : vector<16xi32>
      %parallel_loop3A_1264 = tpu.vector_load_idx %arg6[%parallel_loop3A_1263] : memref<672xf32, #tpu.memory_space<vmem>>[vector<16xi32>], vector<16xf32>,
      %parallel_loop3A_1265 = arith.constant 22 : i32
      %parallel_loop3A_1266 = arith.index_cast %parallel_loop3A_1038 : i32 to index
      %parallel_loop3A_1267 = arith.index_cast %parallel_loop3A_1265 : i32 to index
      %parallel_loop3A_1268 = arith.index_cast %parallel_loop3A_1042 : i32 to index
      %parallel_loop3A_1269 = tpu.vector_load %arg9[%parallel_loop3A_1266, %parallel_loop3A_1267, %parallel_loop3A_1268] {strides = array<i32>} : memref<8x32x128xf32, #tpu.memory_space<vmem>>, vector<16xf32>,
      tpu.vector_store %arg9[%parallel_loop3A_1266, %parallel_loop3A_1267, %parallel_loop3A_1268], %parallel_loop3A_1246 {strides = array<i32>} : memref<8x32x128xf32, #tpu.memory_space<vmem>>, vector<16xf32>,
      %parallel_loop3A_1270 = arith.constant 25 : i32
      %parallel_loop3A_1271 = vector.broadcast %parallel_loop3A_1270 : i32 to vector<16xi32>
      %parallel_loop3A_1272 = arith.addi %parallel_loop3A_1057, %parallel_loop3A_1271 : vector<16xi32>
      %parallel_loop3A_1273 = tpu.vector_load_idx %arg6[%parallel_loop3A_1272] : memref<672xf32, #tpu.memory_space<vmem>>[vector<16xi32>], vector<16xf32>,
      %parallel_loop3A_1274 = arith.constant 23 : i32
      %parallel_loop3A_1275 = arith.index_cast %parallel_loop3A_1038 : i32 to index
      %parallel_loop3A_1276 = arith.index_cast %parallel_loop3A_1274 : i32 to index
      %parallel_loop3A_1277 = arith.index_cast %parallel_loop3A_1042 : i32 to index
      %parallel_loop3A_1278 = tpu.vector_load %arg9[%parallel_loop3A_1275, %parallel_loop3A_1276, %parallel_loop3A_1277] {strides = array<i32>} : memref<8x32x128xf32, #tpu.memory_space<vmem>>, vector<16xf32>,
      tpu.vector_store %arg9[%parallel_loop3A_1275, %parallel_loop3A_1276, %parallel_loop3A_1277], %parallel_loop3A_1255 {strides = array<i32>} : memref<8x32x128xf32, #tpu.memory_space<vmem>>, vector<16xf32>,
      %parallel_loop3A_1279 = arith.constant 26 : i32
      %parallel_loop3A_1280 = vector.broadcast %parallel_loop3A_1279 : i32 to vector<16xi32>
      %parallel_loop3A_1281 = arith.addi %parallel_loop3A_1057, %parallel_loop3A_1280 : vector<16xi32>
      %parallel_loop3A_1282 = tpu.vector_load_idx %arg6[%parallel_loop3A_1281] : memref<672xf32, #tpu.memory_space<vmem>>[vector<16xi32>], vector<16xf32>,
      %parallel_loop3A_1283 = arith.constant 24 : i32
      %parallel_loop3A_1284 = arith.index_cast %parallel_loop3A_1038 : i32 to index
      %parallel_loop3A_1285 = arith.index_cast %parallel_loop3A_1283 : i32 to index
      %parallel_loop3A_1286 = arith.index_cast %parallel_loop3A_1042 : i32 to index
      %parallel_loop3A_1287 = tpu.vector_load %arg9[%parallel_loop3A_1284, %parallel_loop3A_1285, %parallel_loop3A_1286] {strides = array<i32>} : memref<8x32x128xf32, #tpu.memory_space<vmem>>, vector<16xf32>,
      tpu.vector_store %arg9[%parallel_loop3A_1284, %parallel_loop3A_1285, %parallel_loop3A_1286], %parallel_loop3A_1264 {strides = array<i32>} : memref<8x32x128xf32, #tpu.memory_space<vmem>>, vector<16xf32>,
      %parallel_loop3A_1288 = arith.constant 27 : i32
      %parallel_loop3A_1289 = vector.broadcast %parallel_loop3A_1288 : i32 to vector<16xi32>
      %parallel_loop3A_1290 = arith.addi %parallel_loop3A_1057, %parallel_loop3A_1289 : vector<16xi32>
      %parallel_loop3A_1291 = tpu.vector_load_idx %arg6[%parallel_loop3A_1290] : memref<672xf32, #tpu.memory_space<vmem>>[vector<16xi32>], vector<16xf32>,
      %parallel_loop3A_1292 = arith.constant 25 : i32
      %parallel_loop3A_1293 = arith.index_cast %parallel_loop3A_1038 : i32 to index
      %parallel_loop3A_1294 = arith.index_cast %parallel_loop3A_1292 : i32 to index
      %parallel_loop3A_1295 = arith.index_cast %parallel_loop3A_1042 : i32 to index
      %parallel_loop3A_1296 = tpu.vector_load %arg9[%parallel_loop3A_1293, %parallel_loop3A_1294, %parallel_loop3A_1295] {strides = array<i32>} : memref<8x32x128xf32, #tpu.memory_space<vmem>>, vector<16xf32>,
      tpu.vector_store %arg9[%parallel_loop3A_1293, %parallel_loop3A_1294, %parallel_loop3A_1295], %parallel_loop3A_1273 {strides = array<i32>} : memref<8x32x128xf32, #tpu.memory_space<vmem>>, vector<16xf32>,
      %parallel_loop3A_1297 = arith.constant 28 : i32
      %parallel_loop3A_1298 = vector.broadcast %parallel_loop3A_1297 : i32 to vector<16xi32>
      %parallel_loop3A_1299 = arith.addi %parallel_loop3A_1057, %parallel_loop3A_1298 : vector<16xi32>
      %parallel_loop3A_1300 = tpu.vector_load_idx %arg6[%parallel_loop3A_1299] : memref<672xf32, #tpu.memory_space<vmem>>[vector<16xi32>], vector<16xf32>,
      %parallel_loop3A_1301 = arith.constant 26 : i32
      %parallel_loop3A_1302 = arith.index_cast %parallel_loop3A_1038 : i32 to index
      %parallel_loop3A_1303 = arith.index_cast %parallel_loop3A_1301 : i32 to index
      %parallel_loop3A_1304 = arith.index_cast %parallel_loop3A_1042 : i32 to index
      %parallel_loop3A_1305 = tpu.vector_load %arg9[%parallel_loop3A_1302, %parallel_loop3A_1303, %parallel_loop3A_1304] {strides = array<i32>} : memref<8x32x128xf32, #tpu.memory_space<vmem>>, vector<16xf32>,
      tpu.vector_store %arg9[%parallel_loop3A_1302, %parallel_loop3A_1303, %parallel_loop3A_1304], %parallel_loop3A_1282 {strides = array<i32>} : memref<8x32x128xf32, #tpu.memory_space<vmem>>, vector<16xf32>,
      %parallel_loop3A_1306 = arith.constant 29 : i32
      %parallel_loop3A_1307 = vector.broadcast %parallel_loop3A_1306 : i32 to vector<16xi32>
      %parallel_loop3A_1308 = arith.addi %parallel_loop3A_1057, %parallel_loop3A_1307 : vector<16xi32>
      %parallel_loop3A_1309 = tpu.vector_load_idx %arg6[%parallel_loop3A_1308] : memref<672xf32, #tpu.memory_space<vmem>>[vector<16xi32>], vector<16xf32>,
      %parallel_loop3A_1310 = arith.constant 27 : i32
      %parallel_loop3A_1311 = arith.index_cast %parallel_loop3A_1038 : i32 to index
      %parallel_loop3A_1312 = arith.index_cast %parallel_loop3A_1310 : i32 to index
      %parallel_loop3A_1313 = arith.index_cast %parallel_loop3A_1042 : i32 to index
      %parallel_loop3A_1314 = tpu.vector_load %arg9[%parallel_loop3A_1311, %parallel_loop3A_1312, %parallel_loop3A_1313] {strides = array<i32>} : memref<8x32x128xf32, #tpu.memory_space<vmem>>, vector<16xf32>,
      tpu.vector_store %arg9[%parallel_loop3A_1311, %parallel_loop3A_1312, %parallel_loop3A_1313], %parallel_loop3A_1291 {strides = array<i32>} : memref<8x32x128xf32, #tpu.memory_space<vmem>>, vector<16xf32>,
      %parallel_loop3A_1315 = arith.constant 30 : i32
      %parallel_loop3A_1316 = vector.broadcast %parallel_loop3A_1315 : i32 to vector<16xi32>
      %parallel_loop3A_1317 = arith.addi %parallel_loop3A_1057, %parallel_loop3A_1316 : vector<16xi32>
      %parallel_loop3A_1318 = tpu.vector_load_idx %arg6[%parallel_loop3A_1317] : memref<672xf32, #tpu.memory_space<vmem>>[vector<16xi32>], vector<16xf32>,
      %parallel_loop3A_1319 = arith.constant 28 : i32
      %parallel_loop3A_1320 = arith.index_cast %parallel_loop3A_1038 : i32 to index
      %parallel_loop3A_1321 = arith.index_cast %parallel_loop3A_1319 : i32 to index
      %parallel_loop3A_1322 = arith.index_cast %parallel_loop3A_1042 : i32 to index
      %parallel_loop3A_1323 = tpu.vector_load %arg9[%parallel_loop3A_1320, %parallel_loop3A_1321, %parallel_loop3A_1322] {strides = array<i32>} : memref<8x32x128xf32, #tpu.memory_space<vmem>>, vector<16xf32>,
      tpu.vector_store %arg9[%parallel_loop3A_1320, %parallel_loop3A_1321, %parallel_loop3A_1322], %parallel_loop3A_1300 {strides = array<i32>} : memref<8x32x128xf32, #tpu.memory_space<vmem>>, vector<16xf32>,
      %parallel_loop3A_1324 = arith.constant 31 : i32
      %parallel_loop3A_1325 = vector.broadcast %parallel_loop3A_1324 : i32 to vector<16xi32>
      %parallel_loop3A_1326 = arith.addi %parallel_loop3A_1057, %parallel_loop3A_1325 : vector<16xi32>
      %parallel_loop3A_1327 = tpu.vector_load_idx %arg6[%parallel_loop3A_1326] : memref<672xf32, #tpu.memory_space<vmem>>[vector<16xi32>], vector<16xf32>,
      %parallel_loop3A_1328 = arith.constant 29 : i32
      %parallel_loop3A_1329 = arith.index_cast %parallel_loop3A_1038 : i32 to index
      %parallel_loop3A_1330 = arith.index_cast %parallel_loop3A_1328 : i32 to index
      %parallel_loop3A_1331 = arith.index_cast %parallel_loop3A_1042 : i32 to index
      %parallel_loop3A_1332 = tpu.vector_load %arg9[%parallel_loop3A_1329, %parallel_loop3A_1330, %parallel_loop3A_1331] {strides = array<i32>} : memref<8x32x128xf32, #tpu.memory_space<vmem>>, vector<16xf32>,
      tpu.vector_store %arg9[%parallel_loop3A_1329, %parallel_loop3A_1330, %parallel_loop3A_1331], %parallel_loop3A_1309 {strides = array<i32>} : memref<8x32x128xf32, #tpu.memory_space<vmem>>, vector<16xf32>,
      %parallel_loop3A_1333 = arith.constant 30 : i32
      %parallel_loop3A_1334 = arith.index_cast %parallel_loop3A_1038 : i32 to index
      %parallel_loop3A_1335 = arith.index_cast %parallel_loop3A_1333 : i32 to index
      %parallel_loop3A_1336 = arith.index_cast %parallel_loop3A_1042 : i32 to index
      %parallel_loop3A_1337 = tpu.vector_load %arg9[%parallel_loop3A_1334, %parallel_loop3A_1335, %parallel_loop3A_1336] {strides = array<i32>} : memref<8x32x128xf32, #tpu.memory_space<vmem>>, vector<16xf32>,
      tpu.vector_store %arg9[%parallel_loop3A_1334, %parallel_loop3A_1335, %parallel_loop3A_1336], %parallel_loop3A_1318 {strides = array<i32>} : memref<8x32x128xf32, #tpu.memory_space<vmem>>, vector<16xf32>,
      %parallel_loop3A_1338 = arith.constant 31 : i32
      %parallel_loop3A_1339 = arith.index_cast %parallel_loop3A_1038 : i32 to index
      %parallel_loop3A_1340 = arith.index_cast %parallel_loop3A_1338 : i32 to index
      %parallel_loop3A_1341 = arith.index_cast %parallel_loop3A_1042 : i32 to index
      %parallel_loop3A_1342 = tpu.vector_load %arg9[%parallel_loop3A_1339, %parallel_loop3A_1340, %parallel_loop3A_1341] {strides = array<i32>} : memref<8x32x128xf32, #tpu.memory_space<vmem>>, vector<16xf32>,
      tpu.vector_store %arg9[%parallel_loop3A_1339, %parallel_loop3A_1340, %parallel_loop3A_1341], %parallel_loop3A_1327 {strides = array<i32>} : memref<8x32x128xf32, #tpu.memory_space<vmem>>, vector<16xf32>,
    } {sc.loop_unroll_factor = 2 : i64, sc.parallel_access}
    %jit3A_393 = arith.constant 32 : i32
    %div3A_394 = arith.divsi %add3A_344, %jit3A_393 : i32
    %sign3A_395 = arith.constant 0 : i32
    %sign3A_396 = arith.cmpi sgt, %add3A_344, %sign3A_395 : i32
    %sign3A_397 = arith.extui %sign3A_396 : i1 to i32
    %sign3A_398 = arith.constant 0 : i32
    %sign3A_399 = arith.cmpi slt, %add3A_344, %sign3A_398 : i32
    %sign3A_400 = arith.extui %sign3A_399 : i1 to i32
    %sign3A_401 = arith.subi %sign3A_397, %sign3A_400 : i32
    %sign3A_402 = arith.constant 0 : i32
    %sign3A_403 = arith.cmpi sgt, %jit3A_393, %sign3A_402 : i32
    %sign3A_404 = arith.extui %sign3A_403 : i1 to i32
    %sign3A_405 = arith.constant 0 : i32
    %sign3A_406 = arith.cmpi slt, %jit3A_393, %sign3A_405 : i32
    %sign3A_407 = arith.extui %sign3A_406 : i1 to i32
    %sign3A_408 = arith.subi %sign3A_404, %sign3A_407 : i32
    %ne3A_409 = arith.cmpi ne, %sign3A_401, %sign3A_408 : i32
    %rem3A_410 = arith.remsi %add3A_344, %jit3A_393 : i32
    %ne3A_411 = arith.constant 0 : i32
    %ne3A_412 = arith.cmpi ne, %rem3A_410, %ne3A_411 : i32
    %and3A_413 = arith.andi %ne3A_409, %ne3A_412 : i1
    %sub3A_414 = arith.constant 1 : i32
    %sub3A_415 = arith.subi %div3A_394, %sub3A_414 : i32
    %select_n3A_416 = arith.select %and3A_413, %sub3A_415, %div3A_394 : i32
    %jit3A_417 = arith.constant 32 : i32
    %eq3A_418 = arith.constant 0 : i32
    %eq3A_419 = arith.cmpi eq, %jit3A_417, %eq3A_418 : i32
    %jit3A_420 = arith.constant 1 : i32
    %select_n3A_421 = arith.select %eq3A_419, %jit3A_420, %jit3A_417 : i32
    %rem3A_422 = arith.remsi %add3A_344, %select_n3A_421 : i32
    %ne3A_423 = arith.constant 0 : i32
    %ne3A_424 = arith.cmpi ne, %rem3A_422, %ne3A_423 : i32
    %lt3A_425 = arith.constant 0 : i32
    %lt3A_426 = arith.cmpi slt, %rem3A_422, %lt3A_425 : i32
    %lt3A_427 = arith.constant 0 : i32
    %lt3A_428 = arith.cmpi slt, %select_n3A_421, %lt3A_427 : i32
    %ne3A_429 = arith.xori %lt3A_426, %lt3A_428 : i1
    %and3A_430 = arith.andi %ne3A_429, %ne3A_424 : i1
    %add3A_431 = arith.addi %rem3A_422, %select_n3A_421 : i32
    %select_n3A_432 = arith.select %and3A_430, %add3A_431, %rem3A_422 : i32
    %mul3A_433 = arith.constant 8 : i32
    %mul3A_434 = arith.muli %select_n3A_416, %mul3A_433 : i32
    %mul3A_435 = arith.constant 128 : i32
    %mul3A_436 = arith.muli %select_n3A_432, %mul3A_435 : i32
    %dma_start3A_437 = arith.constant 0 : i32
    %dma_start3A_438 = tpu.memref_slice %arg4[%mul3A_434, %dma_start3A_437, %mul3A_436] : memref<200x32x4096xf32, #tpu.memory_space<hbm>> -> memref<8x32x128xf32, #tpu.memory_space<hbm>>
    %dma_start3A_439 = arith.constant 0 : i32
    %dma_start3A_440 = tpu.memref_slice %arg4[%mul3A_434, %dma_start3A_439, %mul3A_436] : memref<200x32x4096xf32, #tpu.memory_space<hbm>> -> memref<8x32x128xf32, #tpu.memory_space<hbm>>
    tpu.enqueue_dma source(%arg9 : memref<8x32x128xf32, #tpu.memory_space<vmem>>) target(%dma_start3A_440 : memref<8x32x128xf32, #tpu.memory_space<hbm>>) target_semaphore(%arg11 : memref<!tpu.dma_semaphore, #tpu.memory_space<semaphore_mem>>)
    %add3A_441 = arith.constant 2 : i32
    %add3A_442 = arith.addi %add3A_344, %add3A_441 : i32
    %min3A_443 = arith.minsi %add3A_442, %sub3A_5 : i32
    %jit3A_444 = arith.constant 32 : i32
    %div3A_445 = arith.divsi %min3A_443, %jit3A_444 : i32
    %sign3A_446 = arith.constant 0 : i32
    %sign3A_447 = arith.cmpi sgt, %min3A_443, %sign3A_446 : i32
    %sign3A_448 = arith.extui %sign3A_447 : i1 to i32
    %sign3A_449 = arith.constant 0 : i32
    %sign3A_450 = arith.cmpi slt, %min3A_443, %sign3A_449 : i32
    %sign3A_451 = arith.extui %sign3A_450 : i1 to i32
    %sign3A_452 = arith.subi %sign3A_448, %sign3A_451 : i32
    %sign3A_453 = arith.constant 0 : i32
    %sign3A_454 = arith.cmpi sgt, %jit3A_444, %sign3A_453 : i32
    %sign3A_455 = arith.extui %sign3A_454 : i1 to i32
    %sign3A_456 = arith.constant 0 : i32
    %sign3A_457 = arith.cmpi slt, %jit3A_444, %sign3A_456 : i32
    %sign3A_458 = arith.extui %sign3A_457 : i1 to i32
    %sign3A_459 = arith.subi %sign3A_455, %sign3A_458 : i32
    %ne3A_460 = arith.cmpi ne, %sign3A_452, %sign3A_459 : i32
    %rem3A_461 = arith.remsi %min3A_443, %jit3A_444 : i32
    %ne3A_462 = arith.constant 0 : i32
    %ne3A_463 = arith.cmpi ne, %rem3A_461, %ne3A_462 : i32
    %and3A_464 = arith.andi %ne3A_460, %ne3A_463 : i1
    %sub3A_465 = arith.constant 1 : i32
    %sub3A_466 = arith.subi %div3A_445, %sub3A_465 : i32
    %select_n3A_467 = arith.select %and3A_464, %sub3A_466, %div3A_445 : i32
    %jit3A_468 = arith.constant 32 : i32
    %eq3A_469 = arith.constant 0 : i32
    %eq3A_470 = arith.cmpi eq, %jit3A_468, %eq3A_469 : i32
    %jit3A_471 = arith.constant 1 : i32
    %select_n3A_472 = arith.select %eq3A_470, %jit3A_471, %jit3A_468 : i32
    %rem3A_473 = arith.remsi %min3A_443, %select_n3A_472 : i32
    %ne3A_474 = arith.constant 0 : i32
    %ne3A_475 = arith.cmpi ne, %rem3A_473, %ne3A_474 : i32
    %lt3A_476 = arith.constant 0 : i32
    %lt3A_477 = arith.cmpi slt, %rem3A_473, %lt3A_476 : i32
    %lt3A_478 = arith.constant 0 : i32
    %lt3A_479 = arith.cmpi slt, %select_n3A_472, %lt3A_478 : i32
    %ne3A_480 = arith.xori %lt3A_477, %lt3A_479 : i1
    %and3A_481 = arith.andi %ne3A_480, %ne3A_475 : i1
    %add3A_482 = arith.addi %rem3A_473, %select_n3A_472 : i32
    %select_n3A_483 = arith.select %and3A_481, %add3A_482, %rem3A_473 : i32
    %mul3A_484 = arith.constant 8 : i32
    %mul3A_485 = arith.muli %select_n3A_467, %mul3A_484 : i32
    %mul3A_486 = arith.constant 128 : i32
    %mul3A_487 = arith.muli %select_n3A_483, %mul3A_486 : i32
    %dma_start3A_488 = tpu.memref_slice %arg2[%mul3A_485, %mul3A_487] : memref<200x4096xi32, #tpu.memory_space<hbm>> -> memref<8x128xi32, #tpu.memory_space<hbm>>
    %dma_start3A_489 = tpu.memref_slice %arg2[%mul3A_485, %mul3A_487] : memref<200x4096xi32, #tpu.memory_space<hbm>> -> memref<8x128xi32, #tpu.memory_space<hbm>>
    tpu.enqueue_dma source(%dma_start3A_489 : memref<8x128xi32, #tpu.memory_space<hbm>>) target(%arg7 : memref<8x128xi32, #tpu.memory_space<vmem>>) target_semaphore(%arg13 : memref<!tpu.dma_semaphore, #tpu.memory_space<semaphore_mem>>)
    %add3A_490 = arith.constant 1 : i32
    %add3A_491 = arith.addi %mul3A_2, %add3A_490 : i32
    %min3A_492 = arith.minsi %add3A_491, %sub3A_5 : i32
    %jit3A_493 = arith.constant 32 : i32
    %div3A_494 = arith.divsi %min3A_492, %jit3A_493 : i32
    %sign3A_495 = arith.constant 0 : i32
    %sign3A_496 = arith.cmpi sgt, %min3A_492, %sign3A_495 : i32
    %sign3A_497 = arith.extui %sign3A_496 : i1 to i32
    %sign3A_498 = arith.constant 0 : i32
    %sign3A_499 = arith.cmpi slt, %min3A_492, %sign3A_498 : i32
    %sign3A_500 = arith.extui %sign3A_499 : i1 to i32
    %sign3A_501 = arith.subi %sign3A_497, %sign3A_500 : i32
    %sign3A_502 = arith.constant 0 : i32
    %sign3A_503 = arith.cmpi sgt, %jit3A_493, %sign3A_502 : i32
    %sign3A_504 = arith.extui %sign3A_503 : i1 to i32
    %sign3A_505 = arith.constant 0 : i32
    %sign3A_506 = arith.cmpi slt, %jit3A_493, %sign3A_505 : i32
    %sign3A_507 = arith.extui %sign3A_506 : i1 to i32
    %sign3A_508 = arith.subi %sign3A_504, %sign3A_507 : i32
    %ne3A_509 = arith.cmpi ne, %sign3A_501, %sign3A_508 : i32
    %rem3A_510 = arith.remsi %min3A_492, %jit3A_493 : i32
    %ne3A_511 = arith.constant 0 : i32
    %ne3A_512 = arith.cmpi ne, %rem3A_510, %ne3A_511 : i32
    %and3A_513 = arith.andi %ne3A_509, %ne3A_512 : i1
    %sub3A_514 = arith.constant 1 : i32
    %sub3A_515 = arith.subi %div3A_494, %sub3A_514 : i32
    %select_n3A_516 = arith.select %and3A_513, %sub3A_515, %div3A_494 : i32
    %jit3A_517 = arith.constant 32 : i32
    %eq3A_518 = arith.constant 0 : i32
    %eq3A_519 = arith.cmpi eq, %jit3A_517, %eq3A_518 : i32
    %jit3A_520 = arith.constant 1 : i32
    %select_n3A_521 = arith.select %eq3A_519, %jit3A_520, %jit3A_517 : i32
    %rem3A_522 = arith.remsi %min3A_492, %select_n3A_521 : i32
    %ne3A_523 = arith.constant 0 : i32
    %ne3A_524 = arith.cmpi ne, %rem3A_522, %ne3A_523 : i32
    %lt3A_525 = arith.constant 0 : i32
    %lt3A_526 = arith.cmpi slt, %rem3A_522, %lt3A_525 : i32
    %lt3A_527 = arith.constant 0 : i32
    %lt3A_528 = arith.cmpi slt, %select_n3A_521, %lt3A_527 : i32
    %ne3A_529 = arith.xori %lt3A_526, %lt3A_528 : i1
    %and3A_530 = arith.andi %ne3A_529, %ne3A_524 : i1
    %add3A_531 = arith.addi %rem3A_522, %select_n3A_521 : i32
    %select_n3A_532 = arith.select %and3A_530, %add3A_531, %rem3A_522 : i32
    %mul3A_533 = arith.constant 8 : i32
    %mul3A_534 = arith.muli %select_n3A_516, %mul3A_533 : i32
    %mul3A_535 = arith.constant 128 : i32
    %mul3A_536 = arith.muli %select_n3A_532, %mul3A_535 : i32
    %dma_wait3A_537 = tpu.memref_slice %arg2[%mul3A_534, %mul3A_536] : memref<200x4096xi32, #tpu.memory_space<hbm>> -> memref<8x128xi32, #tpu.memory_space<hbm>>
    %dma_wait3A_538 = tpu.memref_slice %arg2[%mul3A_534, %mul3A_536] : memref<200x4096xi32, #tpu.memory_space<hbm>> -> memref<8x128xi32, #tpu.memory_space<hbm>>
    tpu.wait_dma2 semaphore(%arg14 : memref<!tpu.dma_semaphore, #tpu.memory_space<semaphore_mem>>) src(%dma_wait3A_538 : memref<8x128xi32, #tpu.memory_space<hbm>>) dst(%arg8 : memref<8x128xi32, #tpu.memory_space<vmem>>)
    %parallel_loop3A_539 = arith.constant 0 : i32
    %parallel_loop3A_540 = arith.constant 64 : i32
    %parallel_loop3A_541 = arith.constant 1 : i32
    scf.for %parallel_loop3A_1036 = %parallel_loop3A_539 to %parallel_loop3A_540 step %parallel_loop3A_541  : i32 {
      %parallel_loop3A_1037 = arith.constant 3 : i32
      %parallel_loop3A_1038 = arith.shrsi %parallel_loop3A_1036, %parallel_loop3A_1037 : i32
      %parallel_loop3A_1039 = arith.constant 7 : i32
      %parallel_loop3A_1040 = arith.andi %parallel_loop3A_1036, %parallel_loop3A_1039 : i32
      %parallel_loop3A_1041 = arith.constant 16 : i32
      %parallel_loop3A_1042 = arith.muli %parallel_loop3A_1040, %parallel_loop3A_1041 : i32
      %parallel_loop3A_1043 = arith.index_cast %parallel_loop3A_1038 : i32 to index
      %parallel_loop3A_1044 = arith.index_cast %parallel_loop3A_1042 : i32 to index
      %parallel_loop3A_1045 = tpu.vector_load %arg8[%parallel_loop3A_1043, %parallel_loop3A_1044] {strides = array<i32>} : memref<8x128xi32, #tpu.memory_space<vmem>>, vector<16xi32>,
      %parallel_loop3A_1046 = arith.constant 10 : i32
      %parallel_loop3A_1047 = vector.broadcast %parallel_loop3A_1046 : i32 to vector<16xi32>
      %parallel_loop3A_1048 = arith.addi %parallel_loop3A_1045, %parallel_loop3A_1047 : vector<16xi32>
      %parallel_loop3A_1049 = arith.constant 0 : i32
      %parallel_loop3A_1050 = vector.broadcast %parallel_loop3A_1049 : i32 to vector<16xi32>
      %parallel_loop3A_1051 = arith.maxsi %parallel_loop3A_1048, %parallel_loop3A_1050 : vector<16xi32>
      %parallel_loop3A_1052 = arith.constant 20 : i32
      %parallel_loop3A_1053 = vector.broadcast %parallel_loop3A_1052 : i32 to vector<16xi32>
      %parallel_loop3A_1054 = arith.minsi %parallel_loop3A_1051, %parallel_loop3A_1053 : vector<16xi32>
      %parallel_loop3A_1055 = arith.constant 32 : i32
      %parallel_loop3A_1056 = vector.broadcast %parallel_loop3A_1055 : i32 to vector<16xi32>
      %parallel_loop3A_1057 = arith.muli %parallel_loop3A_1054, %parallel_loop3A_1056 : vector<16xi32>
      %parallel_loop3A_1058 = tpu.vector_load_idx %arg6[%parallel_loop3A_1057] : memref<672xf32, #tpu.memory_space<vmem>>[vector<16xi32>], vector<16xf32>,
      %parallel_loop3A_1059 = arith.constant 1 : i32
      %parallel_loop3A_1060 = vector.broadcast %parallel_loop3A_1059 : i32 to vector<16xi32>
      %parallel_loop3A_1061 = arith.addi %parallel_loop3A_1057, %parallel_loop3A_1060 : vector<16xi32>
      %parallel_loop3A_1062 = tpu.vector_load_idx %arg6[%parallel_loop3A_1061] : memref<672xf32, #tpu.memory_space<vmem>>[vector<16xi32>], vector<16xf32>,
      %parallel_loop3A_1063 = arith.constant 2 : i32
      %parallel_loop3A_1064 = vector.broadcast %parallel_loop3A_1063 : i32 to vector<16xi32>
      %parallel_loop3A_1065 = arith.addi %parallel_loop3A_1057, %parallel_loop3A_1064 : vector<16xi32>
      %parallel_loop3A_1066 = tpu.vector_load_idx %arg6[%parallel_loop3A_1065] : memref<672xf32, #tpu.memory_space<vmem>>[vector<16xi32>], vector<16xf32>,
      %parallel_loop3A_1067 = arith.constant 0 : i32
      %parallel_loop3A_1068 = arith.index_cast %parallel_loop3A_1038 : i32 to index
      %parallel_loop3A_1069 = arith.index_cast %parallel_loop3A_1067 : i32 to index
      %parallel_loop3A_1070 = arith.index_cast %parallel_loop3A_1042 : i32 to index
      %parallel_loop3A_1071 = tpu.vector_load %arg10[%parallel_loop3A_1068, %parallel_loop3A_1069, %parallel_loop3A_1070] {strides = array<i32>} : memref<8x32x128xf32, #tpu.memory_space<vmem>>, vector<16xf32>,
      tpu.vector_store %arg10[%parallel_loop3A_1068, %parallel_loop3A_1069, %parallel_loop3A_1070], %parallel_loop3A_1058 {strides = array<i32>} : memref<8x32x128xf32, #tpu.memory_space<vmem>>, vector<16xf32>,
      %parallel_loop3A_1072 = arith.constant 3 : i32
      %parallel_loop3A_1073 = vector.broadcast %parallel_loop3A_1072 : i32 to vector<16xi32>
      %parallel_loop3A_1074 = arith.addi %parallel_loop3A_1057, %parallel_loop3A_1073 : vector<16xi32>
      %parallel_loop3A_1075 = tpu.vector_load_idx %arg6[%parallel_loop3A_1074] : memref<672xf32, #tpu.memory_space<vmem>>[vector<16xi32>], vector<16xf32>,
      %parallel_loop3A_1076 = arith.constant 1 : i32
      %parallel_loop3A_1077 = arith.index_cast %parallel_loop3A_1038 : i32 to index
      %parallel_loop3A_1078 = arith.index_cast %parallel_loop3A_1076 : i32 to index
      %parallel_loop3A_1079 = arith.index_cast %parallel_loop3A_1042 : i32 to index
      %parallel_loop3A_1080 = tpu.vector_load %arg10[%parallel_loop3A_1077, %parallel_loop3A_1078, %parallel_loop3A_1079] {strides = array<i32>} : memref<8x32x128xf32, #tpu.memory_space<vmem>>, vector<16xf32>,
      tpu.vector_store %arg10[%parallel_loop3A_1077, %parallel_loop3A_1078, %parallel_loop3A_1079], %parallel_loop3A_1062 {strides = array<i32>} : memref<8x32x128xf32, #tpu.memory_space<vmem>>, vector<16xf32>,
      %parallel_loop3A_1081 = arith.constant 4 : i32
      %parallel_loop3A_1082 = vector.broadcast %parallel_loop3A_1081 : i32 to vector<16xi32>
      %parallel_loop3A_1083 = arith.addi %parallel_loop3A_1057, %parallel_loop3A_1082 : vector<16xi32>
      %parallel_loop3A_1084 = tpu.vector_load_idx %arg6[%parallel_loop3A_1083] : memref<672xf32, #tpu.memory_space<vmem>>[vector<16xi32>], vector<16xf32>,
      %parallel_loop3A_1085 = arith.constant 2 : i32
      %parallel_loop3A_1086 = arith.index_cast %parallel_loop3A_1038 : i32 to index
      %parallel_loop3A_1087 = arith.index_cast %parallel_loop3A_1085 : i32 to index
      %parallel_loop3A_1088 = arith.index_cast %parallel_loop3A_1042 : i32 to index
      %parallel_loop3A_1089 = tpu.vector_load %arg10[%parallel_loop3A_1086, %parallel_loop3A_1087, %parallel_loop3A_1088] {strides = array<i32>} : memref<8x32x128xf32, #tpu.memory_space<vmem>>, vector<16xf32>,
      tpu.vector_store %arg10[%parallel_loop3A_1086, %parallel_loop3A_1087, %parallel_loop3A_1088], %parallel_loop3A_1066 {strides = array<i32>} : memref<8x32x128xf32, #tpu.memory_space<vmem>>, vector<16xf32>,
      %parallel_loop3A_1090 = arith.constant 5 : i32
      %parallel_loop3A_1091 = vector.broadcast %parallel_loop3A_1090 : i32 to vector<16xi32>
      %parallel_loop3A_1092 = arith.addi %parallel_loop3A_1057, %parallel_loop3A_1091 : vector<16xi32>
      %parallel_loop3A_1093 = tpu.vector_load_idx %arg6[%parallel_loop3A_1092] : memref<672xf32, #tpu.memory_space<vmem>>[vector<16xi32>], vector<16xf32>,
      %parallel_loop3A_1094 = arith.constant 3 : i32
      %parallel_loop3A_1095 = arith.index_cast %parallel_loop3A_1038 : i32 to index
      %parallel_loop3A_1096 = arith.index_cast %parallel_loop3A_1094 : i32 to index
      %parallel_loop3A_1097 = arith.index_cast %parallel_loop3A_1042 : i32 to index
      %parallel_loop3A_1098 = tpu.vector_load %arg10[%parallel_loop3A_1095, %parallel_loop3A_1096, %parallel_loop3A_1097] {strides = array<i32>} : memref<8x32x128xf32, #tpu.memory_space<vmem>>, vector<16xf32>,
      tpu.vector_store %arg10[%parallel_loop3A_1095, %parallel_loop3A_1096, %parallel_loop3A_1097], %parallel_loop3A_1075 {strides = array<i32>} : memref<8x32x128xf32, #tpu.memory_space<vmem>>, vector<16xf32>,
      %parallel_loop3A_1099 = arith.constant 6 : i32
      %parallel_loop3A_1100 = vector.broadcast %parallel_loop3A_1099 : i32 to vector<16xi32>
      %parallel_loop3A_1101 = arith.addi %parallel_loop3A_1057, %parallel_loop3A_1100 : vector<16xi32>
      %parallel_loop3A_1102 = tpu.vector_load_idx %arg6[%parallel_loop3A_1101] : memref<672xf32, #tpu.memory_space<vmem>>[vector<16xi32>], vector<16xf32>,
      %parallel_loop3A_1103 = arith.constant 4 : i32
      %parallel_loop3A_1104 = arith.index_cast %parallel_loop3A_1038 : i32 to index
      %parallel_loop3A_1105 = arith.index_cast %parallel_loop3A_1103 : i32 to index
      %parallel_loop3A_1106 = arith.index_cast %parallel_loop3A_1042 : i32 to index
      %parallel_loop3A_1107 = tpu.vector_load %arg10[%parallel_loop3A_1104, %parallel_loop3A_1105, %parallel_loop3A_1106] {strides = array<i32>} : memref<8x32x128xf32, #tpu.memory_space<vmem>>, vector<16xf32>,
      tpu.vector_store %arg10[%parallel_loop3A_1104, %parallel_loop3A_1105, %parallel_loop3A_1106], %parallel_loop3A_1084 {strides = array<i32>} : memref<8x32x128xf32, #tpu.memory_space<vmem>>, vector<16xf32>,
      %parallel_loop3A_1108 = arith.constant 7 : i32
      %parallel_loop3A_1109 = vector.broadcast %parallel_loop3A_1108 : i32 to vector<16xi32>
      %parallel_loop3A_1110 = arith.addi %parallel_loop3A_1057, %parallel_loop3A_1109 : vector<16xi32>
      %parallel_loop3A_1111 = tpu.vector_load_idx %arg6[%parallel_loop3A_1110] : memref<672xf32, #tpu.memory_space<vmem>>[vector<16xi32>], vector<16xf32>,
      %parallel_loop3A_1112 = arith.constant 5 : i32
      %parallel_loop3A_1113 = arith.index_cast %parallel_loop3A_1038 : i32 to index
      %parallel_loop3A_1114 = arith.index_cast %parallel_loop3A_1112 : i32 to index
      %parallel_loop3A_1115 = arith.index_cast %parallel_loop3A_1042 : i32 to index
      %parallel_loop3A_1116 = tpu.vector_load %arg10[%parallel_loop3A_1113, %parallel_loop3A_1114, %parallel_loop3A_1115] {strides = array<i32>} : memref<8x32x128xf32, #tpu.memory_space<vmem>>, vector<16xf32>,
      tpu.vector_store %arg10[%parallel_loop3A_1113, %parallel_loop3A_1114, %parallel_loop3A_1115], %parallel_loop3A_1093 {strides = array<i32>} : memref<8x32x128xf32, #tpu.memory_space<vmem>>, vector<16xf32>,
      %parallel_loop3A_1117 = arith.constant 8 : i32
      %parallel_loop3A_1118 = vector.broadcast %parallel_loop3A_1117 : i32 to vector<16xi32>
      %parallel_loop3A_1119 = arith.addi %parallel_loop3A_1057, %parallel_loop3A_1118 : vector<16xi32>
      %parallel_loop3A_1120 = tpu.vector_load_idx %arg6[%parallel_loop3A_1119] : memref<672xf32, #tpu.memory_space<vmem>>[vector<16xi32>], vector<16xf32>,
      %parallel_loop3A_1121 = arith.constant 6 : i32
      %parallel_loop3A_1122 = arith.index_cast %parallel_loop3A_1038 : i32 to index
      %parallel_loop3A_1123 = arith.index_cast %parallel_loop3A_1121 : i32 to index
      %parallel_loop3A_1124 = arith.index_cast %parallel_loop3A_1042 : i32 to index
      %parallel_loop3A_1125 = tpu.vector_load %arg10[%parallel_loop3A_1122, %parallel_loop3A_1123, %parallel_loop3A_1124] {strides = array<i32>} : memref<8x32x128xf32, #tpu.memory_space<vmem>>, vector<16xf32>,
      tpu.vector_store %arg10[%parallel_loop3A_1122, %parallel_loop3A_1123, %parallel_loop3A_1124], %parallel_loop3A_1102 {strides = array<i32>} : memref<8x32x128xf32, #tpu.memory_space<vmem>>, vector<16xf32>,
      %parallel_loop3A_1126 = arith.constant 9 : i32
      %parallel_loop3A_1127 = vector.broadcast %parallel_loop3A_1126 : i32 to vector<16xi32>
      %parallel_loop3A_1128 = arith.addi %parallel_loop3A_1057, %parallel_loop3A_1127 : vector<16xi32>
      %parallel_loop3A_1129 = tpu.vector_load_idx %arg6[%parallel_loop3A_1128] : memref<672xf32, #tpu.memory_space<vmem>>[vector<16xi32>], vector<16xf32>,
      %parallel_loop3A_1130 = arith.constant 7 : i32
      %parallel_loop3A_1131 = arith.index_cast %parallel_loop3A_1038 : i32 to index
      %parallel_loop3A_1132 = arith.index_cast %parallel_loop3A_1130 : i32 to index
      %parallel_loop3A_1133 = arith.index_cast %parallel_loop3A_1042 : i32 to index
      %parallel_loop3A_1134 = tpu.vector_load %arg10[%parallel_loop3A_1131, %parallel_loop3A_1132, %parallel_loop3A_1133] {strides = array<i32>} : memref<8x32x128xf32, #tpu.memory_space<vmem>>, vector<16xf32>,
      tpu.vector_store %arg10[%parallel_loop3A_1131, %parallel_loop3A_1132, %parallel_loop3A_1133], %parallel_loop3A_1111 {strides = array<i32>} : memref<8x32x128xf32, #tpu.memory_space<vmem>>, vector<16xf32>,
      %parallel_loop3A_1135 = arith.constant 10 : i32
      %parallel_loop3A_1136 = vector.broadcast %parallel_loop3A_1135 : i32 to vector<16xi32>
      %parallel_loop3A_1137 = arith.addi %parallel_loop3A_1057, %parallel_loop3A_1136 : vector<16xi32>
      %parallel_loop3A_1138 = tpu.vector_load_idx %arg6[%parallel_loop3A_1137] : memref<672xf32, #tpu.memory_space<vmem>>[vector<16xi32>], vector<16xf32>,
      %parallel_loop3A_1139 = arith.constant 8 : i32
      %parallel_loop3A_1140 = arith.index_cast %parallel_loop3A_1038 : i32 to index
      %parallel_loop3A_1141 = arith.index_cast %parallel_loop3A_1139 : i32 to index
      %parallel_loop3A_1142 = arith.index_cast %parallel_loop3A_1042 : i32 to index
      %parallel_loop3A_1143 = tpu.vector_load %arg10[%parallel_loop3A_1140, %parallel_loop3A_1141, %parallel_loop3A_1142] {strides = array<i32>} : memref<8x32x128xf32, #tpu.memory_space<vmem>>, vector<16xf32>,
      tpu.vector_store %arg10[%parallel_loop3A_1140, %parallel_loop3A_1141, %parallel_loop3A_1142], %parallel_loop3A_1120 {strides = array<i32>} : memref<8x32x128xf32, #tpu.memory_space<vmem>>, vector<16xf32>,
      %parallel_loop3A_1144 = arith.constant 11 : i32
      %parallel_loop3A_1145 = vector.broadcast %parallel_loop3A_1144 : i32 to vector<16xi32>
      %parallel_loop3A_1146 = arith.addi %parallel_loop3A_1057, %parallel_loop3A_1145 : vector<16xi32>
      %parallel_loop3A_1147 = tpu.vector_load_idx %arg6[%parallel_loop3A_1146] : memref<672xf32, #tpu.memory_space<vmem>>[vector<16xi32>], vector<16xf32>,
      %parallel_loop3A_1148 = arith.constant 9 : i32
      %parallel_loop3A_1149 = arith.index_cast %parallel_loop3A_1038 : i32 to index
      %parallel_loop3A_1150 = arith.index_cast %parallel_loop3A_1148 : i32 to index
      %parallel_loop3A_1151 = arith.index_cast %parallel_loop3A_1042 : i32 to index
      %parallel_loop3A_1152 = tpu.vector_load %arg10[%parallel_loop3A_1149, %parallel_loop3A_1150, %parallel_loop3A_1151] {strides = array<i32>} : memref<8x32x128xf32, #tpu.memory_space<vmem>>, vector<16xf32>,
      tpu.vector_store %arg10[%parallel_loop3A_1149, %parallel_loop3A_1150, %parallel_loop3A_1151], %parallel_loop3A_1129 {strides = array<i32>} : memref<8x32x128xf32, #tpu.memory_space<vmem>>, vector<16xf32>,
      %parallel_loop3A_1153 = arith.constant 12 : i32
      %parallel_loop3A_1154 = vector.broadcast %parallel_loop3A_1153 : i32 to vector<16xi32>
      %parallel_loop3A_1155 = arith.addi %parallel_loop3A_1057, %parallel_loop3A_1154 : vector<16xi32>
      %parallel_loop3A_1156 = tpu.vector_load_idx %arg6[%parallel_loop3A_1155] : memref<672xf32, #tpu.memory_space<vmem>>[vector<16xi32>], vector<16xf32>,
      %parallel_loop3A_1157 = arith.constant 10 : i32
      %parallel_loop3A_1158 = arith.index_cast %parallel_loop3A_1038 : i32 to index
      %parallel_loop3A_1159 = arith.index_cast %parallel_loop3A_1157 : i32 to index
      %parallel_loop3A_1160 = arith.index_cast %parallel_loop3A_1042 : i32 to index
      %parallel_loop3A_1161 = tpu.vector_load %arg10[%parallel_loop3A_1158, %parallel_loop3A_1159, %parallel_loop3A_1160] {strides = array<i32>} : memref<8x32x128xf32, #tpu.memory_space<vmem>>, vector<16xf32>,
      tpu.vector_store %arg10[%parallel_loop3A_1158, %parallel_loop3A_1159, %parallel_loop3A_1160], %parallel_loop3A_1138 {strides = array<i32>} : memref<8x32x128xf32, #tpu.memory_space<vmem>>, vector<16xf32>,
      %parallel_loop3A_1162 = arith.constant 13 : i32
      %parallel_loop3A_1163 = vector.broadcast %parallel_loop3A_1162 : i32 to vector<16xi32>
      %parallel_loop3A_1164 = arith.addi %parallel_loop3A_1057, %parallel_loop3A_1163 : vector<16xi32>
      %parallel_loop3A_1165 = tpu.vector_load_idx %arg6[%parallel_loop3A_1164] : memref<672xf32, #tpu.memory_space<vmem>>[vector<16xi32>], vector<16xf32>,
      %parallel_loop3A_1166 = arith.constant 11 : i32
      %parallel_loop3A_1167 = arith.index_cast %parallel_loop3A_1038 : i32 to index
      %parallel_loop3A_1168 = arith.index_cast %parallel_loop3A_1166 : i32 to index
      %parallel_loop3A_1169 = arith.index_cast %parallel_loop3A_1042 : i32 to index
      %parallel_loop3A_1170 = tpu.vector_load %arg10[%parallel_loop3A_1167, %parallel_loop3A_1168, %parallel_loop3A_1169] {strides = array<i32>} : memref<8x32x128xf32, #tpu.memory_space<vmem>>, vector<16xf32>,
      tpu.vector_store %arg10[%parallel_loop3A_1167, %parallel_loop3A_1168, %parallel_loop3A_1169], %parallel_loop3A_1147 {strides = array<i32>} : memref<8x32x128xf32, #tpu.memory_space<vmem>>, vector<16xf32>,
      %parallel_loop3A_1171 = arith.constant 14 : i32
      %parallel_loop3A_1172 = vector.broadcast %parallel_loop3A_1171 : i32 to vector<16xi32>
      %parallel_loop3A_1173 = arith.addi %parallel_loop3A_1057, %parallel_loop3A_1172 : vector<16xi32>
      %parallel_loop3A_1174 = tpu.vector_load_idx %arg6[%parallel_loop3A_1173] : memref<672xf32, #tpu.memory_space<vmem>>[vector<16xi32>], vector<16xf32>,
      %parallel_loop3A_1175 = arith.constant 12 : i32
      %parallel_loop3A_1176 = arith.index_cast %parallel_loop3A_1038 : i32 to index
      %parallel_loop3A_1177 = arith.index_cast %parallel_loop3A_1175 : i32 to index
      %parallel_loop3A_1178 = arith.index_cast %parallel_loop3A_1042 : i32 to index
      %parallel_loop3A_1179 = tpu.vector_load %arg10[%parallel_loop3A_1176, %parallel_loop3A_1177, %parallel_loop3A_1178] {strides = array<i32>} : memref<8x32x128xf32, #tpu.memory_space<vmem>>, vector<16xf32>,
      tpu.vector_store %arg10[%parallel_loop3A_1176, %parallel_loop3A_1177, %parallel_loop3A_1178], %parallel_loop3A_1156 {strides = array<i32>} : memref<8x32x128xf32, #tpu.memory_space<vmem>>, vector<16xf32>,
      %parallel_loop3A_1180 = arith.constant 15 : i32
      %parallel_loop3A_1181 = vector.broadcast %parallel_loop3A_1180 : i32 to vector<16xi32>
      %parallel_loop3A_1182 = arith.addi %parallel_loop3A_1057, %parallel_loop3A_1181 : vector<16xi32>
      %parallel_loop3A_1183 = tpu.vector_load_idx %arg6[%parallel_loop3A_1182] : memref<672xf32, #tpu.memory_space<vmem>>[vector<16xi32>], vector<16xf32>,
      %parallel_loop3A_1184 = arith.constant 13 : i32
      %parallel_loop3A_1185 = arith.index_cast %parallel_loop3A_1038 : i32 to index
      %parallel_loop3A_1186 = arith.index_cast %parallel_loop3A_1184 : i32 to index
      %parallel_loop3A_1187 = arith.index_cast %parallel_loop3A_1042 : i32 to index
      %parallel_loop3A_1188 = tpu.vector_load %arg10[%parallel_loop3A_1185, %parallel_loop3A_1186, %parallel_loop3A_1187] {strides = array<i32>} : memref<8x32x128xf32, #tpu.memory_space<vmem>>, vector<16xf32>,
      tpu.vector_store %arg10[%parallel_loop3A_1185, %parallel_loop3A_1186, %parallel_loop3A_1187], %parallel_loop3A_1165 {strides = array<i32>} : memref<8x32x128xf32, #tpu.memory_space<vmem>>, vector<16xf32>,
      %parallel_loop3A_1189 = arith.constant 16 : i32
      %parallel_loop3A_1190 = vector.broadcast %parallel_loop3A_1189 : i32 to vector<16xi32>
      %parallel_loop3A_1191 = arith.addi %parallel_loop3A_1057, %parallel_loop3A_1190 : vector<16xi32>
      %parallel_loop3A_1192 = tpu.vector_load_idx %arg6[%parallel_loop3A_1191] : memref<672xf32, #tpu.memory_space<vmem>>[vector<16xi32>], vector<16xf32>,
      %parallel_loop3A_1193 = arith.constant 14 : i32
      %parallel_loop3A_1194 = arith.index_cast %parallel_loop3A_1038 : i32 to index
      %parallel_loop3A_1195 = arith.index_cast %parallel_loop3A_1193 : i32 to index
      %parallel_loop3A_1196 = arith.index_cast %parallel_loop3A_1042 : i32 to index
      %parallel_loop3A_1197 = tpu.vector_load %arg10[%parallel_loop3A_1194, %parallel_loop3A_1195, %parallel_loop3A_1196] {strides = array<i32>} : memref<8x32x128xf32, #tpu.memory_space<vmem>>, vector<16xf32>,
      tpu.vector_store %arg10[%parallel_loop3A_1194, %parallel_loop3A_1195, %parallel_loop3A_1196], %parallel_loop3A_1174 {strides = array<i32>} : memref<8x32x128xf32, #tpu.memory_space<vmem>>, vector<16xf32>,
      %parallel_loop3A_1198 = arith.constant 17 : i32
      %parallel_loop3A_1199 = vector.broadcast %parallel_loop3A_1198 : i32 to vector<16xi32>
      %parallel_loop3A_1200 = arith.addi %parallel_loop3A_1057, %parallel_loop3A_1199 : vector<16xi32>
      %parallel_loop3A_1201 = tpu.vector_load_idx %arg6[%parallel_loop3A_1200] : memref<672xf32, #tpu.memory_space<vmem>>[vector<16xi32>], vector<16xf32>,
      %parallel_loop3A_1202 = arith.constant 15 : i32
      %parallel_loop3A_1203 = arith.index_cast %parallel_loop3A_1038 : i32 to index
      %parallel_loop3A_1204 = arith.index_cast %parallel_loop3A_1202 : i32 to index
      %parallel_loop3A_1205 = arith.index_cast %parallel_loop3A_1042 : i32 to index
      %parallel_loop3A_1206 = tpu.vector_load %arg10[%parallel_loop3A_1203, %parallel_loop3A_1204, %parallel_loop3A_1205] {strides = array<i32>} : memref<8x32x128xf32, #tpu.memory_space<vmem>>, vector<16xf32>,
      tpu.vector_store %arg10[%parallel_loop3A_1203, %parallel_loop3A_1204, %parallel_loop3A_1205], %parallel_loop3A_1183 {strides = array<i32>} : memref<8x32x128xf32, #tpu.memory_space<vmem>>, vector<16xf32>,
      %parallel_loop3A_1207 = arith.constant 18 : i32
      %parallel_loop3A_1208 = vector.broadcast %parallel_loop3A_1207 : i32 to vector<16xi32>
      %parallel_loop3A_1209 = arith.addi %parallel_loop3A_1057, %parallel_loop3A_1208 : vector<16xi32>
      %parallel_loop3A_1210 = tpu.vector_load_idx %arg6[%parallel_loop3A_1209] : memref<672xf32, #tpu.memory_space<vmem>>[vector<16xi32>], vector<16xf32>,
      %parallel_loop3A_1211 = arith.constant 16 : i32
      %parallel_loop3A_1212 = arith.index_cast %parallel_loop3A_1038 : i32 to index
      %parallel_loop3A_1213 = arith.index_cast %parallel_loop3A_1211 : i32 to index
      %parallel_loop3A_1214 = arith.index_cast %parallel_loop3A_1042 : i32 to index
      %parallel_loop3A_1215 = tpu.vector_load %arg10[%parallel_loop3A_1212, %parallel_loop3A_1213, %parallel_loop3A_1214] {strides = array<i32>} : memref<8x32x128xf32, #tpu.memory_space<vmem>>, vector<16xf32>,
      tpu.vector_store %arg10[%parallel_loop3A_1212, %parallel_loop3A_1213, %parallel_loop3A_1214], %parallel_loop3A_1192 {strides = array<i32>} : memref<8x32x128xf32, #tpu.memory_space<vmem>>, vector<16xf32>,
      %parallel_loop3A_1216 = arith.constant 19 : i32
      %parallel_loop3A_1217 = vector.broadcast %parallel_loop3A_1216 : i32 to vector<16xi32>
      %parallel_loop3A_1218 = arith.addi %parallel_loop3A_1057, %parallel_loop3A_1217 : vector<16xi32>
      %parallel_loop3A_1219 = tpu.vector_load_idx %arg6[%parallel_loop3A_1218] : memref<672xf32, #tpu.memory_space<vmem>>[vector<16xi32>], vector<16xf32>,
      %parallel_loop3A_1220 = arith.constant 17 : i32
      %parallel_loop3A_1221 = arith.index_cast %parallel_loop3A_1038 : i32 to index
      %parallel_loop3A_1222 = arith.index_cast %parallel_loop3A_1220 : i32 to index
      %parallel_loop3A_1223 = arith.index_cast %parallel_loop3A_1042 : i32 to index
      %parallel_loop3A_1224 = tpu.vector_load %arg10[%parallel_loop3A_1221, %parallel_loop3A_1222, %parallel_loop3A_1223] {strides = array<i32>} : memref<8x32x128xf32, #tpu.memory_space<vmem>>, vector<16xf32>,
      tpu.vector_store %arg10[%parallel_loop3A_1221, %parallel_loop3A_1222, %parallel_loop3A_1223], %parallel_loop3A_1201 {strides = array<i32>} : memref<8x32x128xf32, #tpu.memory_space<vmem>>, vector<16xf32>,
      %parallel_loop3A_1225 = arith.constant 20 : i32
      %parallel_loop3A_1226 = vector.broadcast %parallel_loop3A_1225 : i32 to vector<16xi32>
      %parallel_loop3A_1227 = arith.addi %parallel_loop3A_1057, %parallel_loop3A_1226 : vector<16xi32>
      %parallel_loop3A_1228 = tpu.vector_load_idx %arg6[%parallel_loop3A_1227] : memref<672xf32, #tpu.memory_space<vmem>>[vector<16xi32>], vector<16xf32>,
      %parallel_loop3A_1229 = arith.constant 18 : i32
      %parallel_loop3A_1230 = arith.index_cast %parallel_loop3A_1038 : i32 to index
      %parallel_loop3A_1231 = arith.index_cast %parallel_loop3A_1229 : i32 to index
      %parallel_loop3A_1232 = arith.index_cast %parallel_loop3A_1042 : i32 to index
      %parallel_loop3A_1233 = tpu.vector_load %arg10[%parallel_loop3A_1230, %parallel_loop3A_1231, %parallel_loop3A_1232] {strides = array<i32>} : memref<8x32x128xf32, #tpu.memory_space<vmem>>, vector<16xf32>,
      tpu.vector_store %arg10[%parallel_loop3A_1230, %parallel_loop3A_1231, %parallel_loop3A_1232], %parallel_loop3A_1210 {strides = array<i32>} : memref<8x32x128xf32, #tpu.memory_space<vmem>>, vector<16xf32>,
      %parallel_loop3A_1234 = arith.constant 21 : i32
      %parallel_loop3A_1235 = vector.broadcast %parallel_loop3A_1234 : i32 to vector<16xi32>
      %parallel_loop3A_1236 = arith.addi %parallel_loop3A_1057, %parallel_loop3A_1235 : vector<16xi32>
      %parallel_loop3A_1237 = tpu.vector_load_idx %arg6[%parallel_loop3A_1236] : memref<672xf32, #tpu.memory_space<vmem>>[vector<16xi32>], vector<16xf32>,
      %parallel_loop3A_1238 = arith.constant 19 : i32
      %parallel_loop3A_1239 = arith.index_cast %parallel_loop3A_1038 : i32 to index
      %parallel_loop3A_1240 = arith.index_cast %parallel_loop3A_1238 : i32 to index
      %parallel_loop3A_1241 = arith.index_cast %parallel_loop3A_1042 : i32 to index
      %parallel_loop3A_1242 = tpu.vector_load %arg10[%parallel_loop3A_1239, %parallel_loop3A_1240, %parallel_loop3A_1241] {strides = array<i32>} : memref<8x32x128xf32, #tpu.memory_space<vmem>>, vector<16xf32>,
      tpu.vector_store %arg10[%parallel_loop3A_1239, %parallel_loop3A_1240, %parallel_loop3A_1241], %parallel_loop3A_1219 {strides = array<i32>} : memref<8x32x128xf32, #tpu.memory_space<vmem>>, vector<16xf32>,
      %parallel_loop3A_1243 = arith.constant 22 : i32
      %parallel_loop3A_1244 = vector.broadcast %parallel_loop3A_1243 : i32 to vector<16xi32>
      %parallel_loop3A_1245 = arith.addi %parallel_loop3A_1057, %parallel_loop3A_1244 : vector<16xi32>
      %parallel_loop3A_1246 = tpu.vector_load_idx %arg6[%parallel_loop3A_1245] : memref<672xf32, #tpu.memory_space<vmem>>[vector<16xi32>], vector<16xf32>,
      %parallel_loop3A_1247 = arith.constant 20 : i32
      %parallel_loop3A_1248 = arith.index_cast %parallel_loop3A_1038 : i32 to index
      %parallel_loop3A_1249 = arith.index_cast %parallel_loop3A_1247 : i32 to index
      %parallel_loop3A_1250 = arith.index_cast %parallel_loop3A_1042 : i32 to index
      %parallel_loop3A_1251 = tpu.vector_load %arg10[%parallel_loop3A_1248, %parallel_loop3A_1249, %parallel_loop3A_1250] {strides = array<i32>} : memref<8x32x128xf32, #tpu.memory_space<vmem>>, vector<16xf32>,
      tpu.vector_store %arg10[%parallel_loop3A_1248, %parallel_loop3A_1249, %parallel_loop3A_1250], %parallel_loop3A_1228 {strides = array<i32>} : memref<8x32x128xf32, #tpu.memory_space<vmem>>, vector<16xf32>,
      %parallel_loop3A_1252 = arith.constant 23 : i32
      %parallel_loop3A_1253 = vector.broadcast %parallel_loop3A_1252 : i32 to vector<16xi32>
      %parallel_loop3A_1254 = arith.addi %parallel_loop3A_1057, %parallel_loop3A_1253 : vector<16xi32>
      %parallel_loop3A_1255 = tpu.vector_load_idx %arg6[%parallel_loop3A_1254] : memref<672xf32, #tpu.memory_space<vmem>>[vector<16xi32>], vector<16xf32>,
      %parallel_loop3A_1256 = arith.constant 21 : i32
      %parallel_loop3A_1257 = arith.index_cast %parallel_loop3A_1038 : i32 to index
      %parallel_loop3A_1258 = arith.index_cast %parallel_loop3A_1256 : i32 to index
      %parallel_loop3A_1259 = arith.index_cast %parallel_loop3A_1042 : i32 to index
      %parallel_loop3A_1260 = tpu.vector_load %arg10[%parallel_loop3A_1257, %parallel_loop3A_1258, %parallel_loop3A_1259] {strides = array<i32>} : memref<8x32x128xf32, #tpu.memory_space<vmem>>, vector<16xf32>,
      tpu.vector_store %arg10[%parallel_loop3A_1257, %parallel_loop3A_1258, %parallel_loop3A_1259], %parallel_loop3A_1237 {strides = array<i32>} : memref<8x32x128xf32, #tpu.memory_space<vmem>>, vector<16xf32>,
      %parallel_loop3A_1261 = arith.constant 24 : i32
      %parallel_loop3A_1262 = vector.broadcast %parallel_loop3A_1261 : i32 to vector<16xi32>
      %parallel_loop3A_1263 = arith.addi %parallel_loop3A_1057, %parallel_loop3A_1262 : vector<16xi32>
      %parallel_loop3A_1264 = tpu.vector_load_idx %arg6[%parallel_loop3A_1263] : memref<672xf32, #tpu.memory_space<vmem>>[vector<16xi32>], vector<16xf32>,
      %parallel_loop3A_1265 = arith.constant 22 : i32
      %parallel_loop3A_1266 = arith.index_cast %parallel_loop3A_1038 : i32 to index
      %parallel_loop3A_1267 = arith.index_cast %parallel_loop3A_1265 : i32 to index
      %parallel_loop3A_1268 = arith.index_cast %parallel_loop3A_1042 : i32 to index
      %parallel_loop3A_1269 = tpu.vector_load %arg10[%parallel_loop3A_1266, %parallel_loop3A_1267, %parallel_loop3A_1268] {strides = array<i32>} : memref<8x32x128xf32, #tpu.memory_space<vmem>>, vector<16xf32>,
      tpu.vector_store %arg10[%parallel_loop3A_1266, %parallel_loop3A_1267, %parallel_loop3A_1268], %parallel_loop3A_1246 {strides = array<i32>} : memref<8x32x128xf32, #tpu.memory_space<vmem>>, vector<16xf32>,
      %parallel_loop3A_1270 = arith.constant 25 : i32
      %parallel_loop3A_1271 = vector.broadcast %parallel_loop3A_1270 : i32 to vector<16xi32>
      %parallel_loop3A_1272 = arith.addi %parallel_loop3A_1057, %parallel_loop3A_1271 : vector<16xi32>
      %parallel_loop3A_1273 = tpu.vector_load_idx %arg6[%parallel_loop3A_1272] : memref<672xf32, #tpu.memory_space<vmem>>[vector<16xi32>], vector<16xf32>,
      %parallel_loop3A_1274 = arith.constant 23 : i32
      %parallel_loop3A_1275 = arith.index_cast %parallel_loop3A_1038 : i32 to index
      %parallel_loop3A_1276 = arith.index_cast %parallel_loop3A_1274 : i32 to index
      %parallel_loop3A_1277 = arith.index_cast %parallel_loop3A_1042 : i32 to index
      %parallel_loop3A_1278 = tpu.vector_load %arg10[%parallel_loop3A_1275, %parallel_loop3A_1276, %parallel_loop3A_1277] {strides = array<i32>} : memref<8x32x128xf32, #tpu.memory_space<vmem>>, vector<16xf32>,
      tpu.vector_store %arg10[%parallel_loop3A_1275, %parallel_loop3A_1276, %parallel_loop3A_1277], %parallel_loop3A_1255 {strides = array<i32>} : memref<8x32x128xf32, #tpu.memory_space<vmem>>, vector<16xf32>,
      %parallel_loop3A_1279 = arith.constant 26 : i32
      %parallel_loop3A_1280 = vector.broadcast %parallel_loop3A_1279 : i32 to vector<16xi32>
      %parallel_loop3A_1281 = arith.addi %parallel_loop3A_1057, %parallel_loop3A_1280 : vector<16xi32>
      %parallel_loop3A_1282 = tpu.vector_load_idx %arg6[%parallel_loop3A_1281] : memref<672xf32, #tpu.memory_space<vmem>>[vector<16xi32>], vector<16xf32>,
      %parallel_loop3A_1283 = arith.constant 24 : i32
      %parallel_loop3A_1284 = arith.index_cast %parallel_loop3A_1038 : i32 to index
      %parallel_loop3A_1285 = arith.index_cast %parallel_loop3A_1283 : i32 to index
      %parallel_loop3A_1286 = arith.index_cast %parallel_loop3A_1042 : i32 to index
      %parallel_loop3A_1287 = tpu.vector_load %arg10[%parallel_loop3A_1284, %parallel_loop3A_1285, %parallel_loop3A_1286] {strides = array<i32>} : memref<8x32x128xf32, #tpu.memory_space<vmem>>, vector<16xf32>,
      tpu.vector_store %arg10[%parallel_loop3A_1284, %parallel_loop3A_1285, %parallel_loop3A_1286], %parallel_loop3A_1264 {strides = array<i32>} : memref<8x32x128xf32, #tpu.memory_space<vmem>>, vector<16xf32>,
      %parallel_loop3A_1288 = arith.constant 27 : i32
      %parallel_loop3A_1289 = vector.broadcast %parallel_loop3A_1288 : i32 to vector<16xi32>
      %parallel_loop3A_1290 = arith.addi %parallel_loop3A_1057, %parallel_loop3A_1289 : vector<16xi32>
      %parallel_loop3A_1291 = tpu.vector_load_idx %arg6[%parallel_loop3A_1290] : memref<672xf32, #tpu.memory_space<vmem>>[vector<16xi32>], vector<16xf32>,
      %parallel_loop3A_1292 = arith.constant 25 : i32
      %parallel_loop3A_1293 = arith.index_cast %parallel_loop3A_1038 : i32 to index
      %parallel_loop3A_1294 = arith.index_cast %parallel_loop3A_1292 : i32 to index
      %parallel_loop3A_1295 = arith.index_cast %parallel_loop3A_1042 : i32 to index
      %parallel_loop3A_1296 = tpu.vector_load %arg10[%parallel_loop3A_1293, %parallel_loop3A_1294, %parallel_loop3A_1295] {strides = array<i32>} : memref<8x32x128xf32, #tpu.memory_space<vmem>>, vector<16xf32>,
      tpu.vector_store %arg10[%parallel_loop3A_1293, %parallel_loop3A_1294, %parallel_loop3A_1295], %parallel_loop3A_1273 {strides = array<i32>} : memref<8x32x128xf32, #tpu.memory_space<vmem>>, vector<16xf32>,
      %parallel_loop3A_1297 = arith.constant 28 : i32
      %parallel_loop3A_1298 = vector.broadcast %parallel_loop3A_1297 : i32 to vector<16xi32>
      %parallel_loop3A_1299 = arith.addi %parallel_loop3A_1057, %parallel_loop3A_1298 : vector<16xi32>
      %parallel_loop3A_1300 = tpu.vector_load_idx %arg6[%parallel_loop3A_1299] : memref<672xf32, #tpu.memory_space<vmem>>[vector<16xi32>], vector<16xf32>,
      %parallel_loop3A_1301 = arith.constant 26 : i32
      %parallel_loop3A_1302 = arith.index_cast %parallel_loop3A_1038 : i32 to index
      %parallel_loop3A_1303 = arith.index_cast %parallel_loop3A_1301 : i32 to index
      %parallel_loop3A_1304 = arith.index_cast %parallel_loop3A_1042 : i32 to index
      %parallel_loop3A_1305 = tpu.vector_load %arg10[%parallel_loop3A_1302, %parallel_loop3A_1303, %parallel_loop3A_1304] {strides = array<i32>} : memref<8x32x128xf32, #tpu.memory_space<vmem>>, vector<16xf32>,
      tpu.vector_store %arg10[%parallel_loop3A_1302, %parallel_loop3A_1303, %parallel_loop3A_1304], %parallel_loop3A_1282 {strides = array<i32>} : memref<8x32x128xf32, #tpu.memory_space<vmem>>, vector<16xf32>,
      %parallel_loop3A_1306 = arith.constant 29 : i32
      %parallel_loop3A_1307 = vector.broadcast %parallel_loop3A_1306 : i32 to vector<16xi32>
      %parallel_loop3A_1308 = arith.addi %parallel_loop3A_1057, %parallel_loop3A_1307 : vector<16xi32>
      %parallel_loop3A_1309 = tpu.vector_load_idx %arg6[%parallel_loop3A_1308] : memref<672xf32, #tpu.memory_space<vmem>>[vector<16xi32>], vector<16xf32>,
      %parallel_loop3A_1310 = arith.constant 27 : i32
      %parallel_loop3A_1311 = arith.index_cast %parallel_loop3A_1038 : i32 to index
      %parallel_loop3A_1312 = arith.index_cast %parallel_loop3A_1310 : i32 to index
      %parallel_loop3A_1313 = arith.index_cast %parallel_loop3A_1042 : i32 to index
      %parallel_loop3A_1314 = tpu.vector_load %arg10[%parallel_loop3A_1311, %parallel_loop3A_1312, %parallel_loop3A_1313] {strides = array<i32>} : memref<8x32x128xf32, #tpu.memory_space<vmem>>, vector<16xf32>,
      tpu.vector_store %arg10[%parallel_loop3A_1311, %parallel_loop3A_1312, %parallel_loop3A_1313], %parallel_loop3A_1291 {strides = array<i32>} : memref<8x32x128xf32, #tpu.memory_space<vmem>>, vector<16xf32>,
      %parallel_loop3A_1315 = arith.constant 30 : i32
      %parallel_loop3A_1316 = vector.broadcast %parallel_loop3A_1315 : i32 to vector<16xi32>
      %parallel_loop3A_1317 = arith.addi %parallel_loop3A_1057, %parallel_loop3A_1316 : vector<16xi32>
      %parallel_loop3A_1318 = tpu.vector_load_idx %arg6[%parallel_loop3A_1317] : memref<672xf32, #tpu.memory_space<vmem>>[vector<16xi32>], vector<16xf32>,
      %parallel_loop3A_1319 = arith.constant 28 : i32
      %parallel_loop3A_1320 = arith.index_cast %parallel_loop3A_1038 : i32 to index
      %parallel_loop3A_1321 = arith.index_cast %parallel_loop3A_1319 : i32 to index
      %parallel_loop3A_1322 = arith.index_cast %parallel_loop3A_1042 : i32 to index
      %parallel_loop3A_1323 = tpu.vector_load %arg10[%parallel_loop3A_1320, %parallel_loop3A_1321, %parallel_loop3A_1322] {strides = array<i32>} : memref<8x32x128xf32, #tpu.memory_space<vmem>>, vector<16xf32>,
      tpu.vector_store %arg10[%parallel_loop3A_1320, %parallel_loop3A_1321, %parallel_loop3A_1322], %parallel_loop3A_1300 {strides = array<i32>} : memref<8x32x128xf32, #tpu.memory_space<vmem>>, vector<16xf32>,
      %parallel_loop3A_1324 = arith.constant 31 : i32
      %parallel_loop3A_1325 = vector.broadcast %parallel_loop3A_1324 : i32 to vector<16xi32>
      %parallel_loop3A_1326 = arith.addi %parallel_loop3A_1057, %parallel_loop3A_1325 : vector<16xi32>
      %parallel_loop3A_1327 = tpu.vector_load_idx %arg6[%parallel_loop3A_1326] : memref<672xf32, #tpu.memory_space<vmem>>[vector<16xi32>], vector<16xf32>,
      %parallel_loop3A_1328 = arith.constant 29 : i32
      %parallel_loop3A_1329 = arith.index_cast %parallel_loop3A_1038 : i32 to index
      %parallel_loop3A_1330 = arith.index_cast %parallel_loop3A_1328 : i32 to index
      %parallel_loop3A_1331 = arith.index_cast %parallel_loop3A_1042 : i32 to index
      %parallel_loop3A_1332 = tpu.vector_load %arg10[%parallel_loop3A_1329, %parallel_loop3A_1330, %parallel_loop3A_1331] {strides = array<i32>} : memref<8x32x128xf32, #tpu.memory_space<vmem>>, vector<16xf32>,
      tpu.vector_store %arg10[%parallel_loop3A_1329, %parallel_loop3A_1330, %parallel_loop3A_1331], %parallel_loop3A_1309 {strides = array<i32>} : memref<8x32x128xf32, #tpu.memory_space<vmem>>, vector<16xf32>,
      %parallel_loop3A_1333 = arith.constant 30 : i32
      %parallel_loop3A_1334 = arith.index_cast %parallel_loop3A_1038 : i32 to index
      %parallel_loop3A_1335 = arith.index_cast %parallel_loop3A_1333 : i32 to index
      %parallel_loop3A_1336 = arith.index_cast %parallel_loop3A_1042 : i32 to index
      %parallel_loop3A_1337 = tpu.vector_load %arg10[%parallel_loop3A_1334, %parallel_loop3A_1335, %parallel_loop3A_1336] {strides = array<i32>} : memref<8x32x128xf32, #tpu.memory_space<vmem>>, vector<16xf32>,
      tpu.vector_store %arg10[%parallel_loop3A_1334, %parallel_loop3A_1335, %parallel_loop3A_1336], %parallel_loop3A_1318 {strides = array<i32>} : memref<8x32x128xf32, #tpu.memory_space<vmem>>, vector<16xf32>,
      %parallel_loop3A_1338 = arith.constant 31 : i32
      %parallel_loop3A_1339 = arith.index_cast %parallel_loop3A_1038 : i32 to index
      %parallel_loop3A_1340 = arith.index_cast %parallel_loop3A_1338 : i32 to index
      %parallel_loop3A_1341 = arith.index_cast %parallel_loop3A_1042 : i32 to index
      %parallel_loop3A_1342 = tpu.vector_load %arg10[%parallel_loop3A_1339, %parallel_loop3A_1340, %parallel_loop3A_1341] {strides = array<i32>} : memref<8x32x128xf32, #tpu.memory_space<vmem>>, vector<16xf32>,
      tpu.vector_store %arg10[%parallel_loop3A_1339, %parallel_loop3A_1340, %parallel_loop3A_1341], %parallel_loop3A_1327 {strides = array<i32>} : memref<8x32x128xf32, #tpu.memory_space<vmem>>, vector<16xf32>,
    } {sc.loop_unroll_factor = 2 : i64, sc.parallel_access}
    %jit3A_542 = arith.constant 32 : i32
    %div3A_543 = arith.divsi %add3A_491, %jit3A_542 : i32
    %sign3A_544 = arith.constant 0 : i32
    %sign3A_545 = arith.cmpi sgt, %add3A_491, %sign3A_544 : i32
    %sign3A_546 = arith.extui %sign3A_545 : i1 to i32
    %sign3A_547 = arith.constant 0 : i32
    %sign3A_548 = arith.cmpi slt, %add3A_491, %sign3A_547 : i32
    %sign3A_549 = arith.extui %sign3A_548 : i1 to i32
    %sign3A_550 = arith.subi %sign3A_546, %sign3A_549 : i32
    %sign3A_551 = arith.constant 0 : i32
    %sign3A_552 = arith.cmpi sgt, %jit3A_542, %sign3A_551 : i32
    %sign3A_553 = arith.extui %sign3A_552 : i1 to i32
    %sign3A_554 = arith.constant 0 : i32
    %sign3A_555 = arith.cmpi slt, %jit3A_542, %sign3A_554 : i32
    %sign3A_556 = arith.extui %sign3A_555 : i1 to i32
    %sign3A_557 = arith.subi %sign3A_553, %sign3A_556 : i32
    %ne3A_558 = arith.cmpi ne, %sign3A_550, %sign3A_557 : i32
    %rem3A_559 = arith.remsi %add3A_491, %jit3A_542 : i32
    %ne3A_560 = arith.constant 0 : i32
    %ne3A_561 = arith.cmpi ne, %rem3A_559, %ne3A_560 : i32
    %and3A_562 = arith.andi %ne3A_558, %ne3A_561 : i1
    %sub3A_563 = arith.constant 1 : i32
    %sub3A_564 = arith.subi %div3A_543, %sub3A_563 : i32
    %select_n3A_565 = arith.select %and3A_562, %sub3A_564, %div3A_543 : i32
    %jit3A_566 = arith.constant 32 : i32
    %eq3A_567 = arith.constant 0 : i32
    %eq3A_568 = arith.cmpi eq, %jit3A_566, %eq3A_567 : i32
    %jit3A_569 = arith.constant 1 : i32
    %select_n3A_570 = arith.select %eq3A_568, %jit3A_569, %jit3A_566 : i32
    %rem3A_571 = arith.remsi %add3A_491, %select_n3A_570 : i32
    %ne3A_572 = arith.constant 0 : i32
    %ne3A_573 = arith.cmpi ne, %rem3A_571, %ne3A_572 : i32
    %lt3A_574 = arith.constant 0 : i32
    %lt3A_575 = arith.cmpi slt, %rem3A_571, %lt3A_574 : i32
    %lt3A_576 = arith.constant 0 : i32
    %lt3A_577 = arith.cmpi slt, %select_n3A_570, %lt3A_576 : i32
    %ne3A_578 = arith.xori %lt3A_575, %lt3A_577 : i1
    %and3A_579 = arith.andi %ne3A_578, %ne3A_573 : i1
    %add3A_580 = arith.addi %rem3A_571, %select_n3A_570 : i32
    %select_n3A_581 = arith.select %and3A_579, %add3A_580, %rem3A_571 : i32
    %mul3A_582 = arith.constant 8 : i32
    %mul3A_583 = arith.muli %select_n3A_565, %mul3A_582 : i32
    %mul3A_584 = arith.constant 128 : i32
    %mul3A_585 = arith.muli %select_n3A_581, %mul3A_584 : i32
    %dma_start3A_586 = arith.constant 0 : i32
    %dma_start3A_587 = tpu.memref_slice %arg4[%mul3A_583, %dma_start3A_586, %mul3A_585] : memref<200x32x4096xf32, #tpu.memory_space<hbm>> -> memref<8x32x128xf32, #tpu.memory_space<hbm>>
    %dma_start3A_588 = arith.constant 0 : i32
    %dma_start3A_589 = tpu.memref_slice %arg4[%mul3A_583, %dma_start3A_588, %mul3A_585] : memref<200x32x4096xf32, #tpu.memory_space<hbm>> -> memref<8x32x128xf32, #tpu.memory_space<hbm>>
    tpu.enqueue_dma source(%arg10 : memref<8x32x128xf32, #tpu.memory_space<vmem>>) target(%dma_start3A_589 : memref<8x32x128xf32, #tpu.memory_space<hbm>>) target_semaphore(%arg12 : memref<!tpu.dma_semaphore, #tpu.memory_space<semaphore_mem>>)
    %add3A_590 = arith.constant 2 : i32
    %add3A_591 = arith.addi %add3A_491, %add3A_590 : i32
    %min3A_592 = arith.minsi %add3A_591, %sub3A_5 : i32
    %jit3A_593 = arith.constant 32 : i32
    %div3A_594 = arith.divsi %min3A_592, %jit3A_593 : i32
    %sign3A_595 = arith.constant 0 : i32
    %sign3A_596 = arith.cmpi sgt, %min3A_592, %sign3A_595 : i32
    %sign3A_597 = arith.extui %sign3A_596 : i1 to i32
    %sign3A_598 = arith.constant 0 : i32
    %sign3A_599 = arith.cmpi slt, %min3A_592, %sign3A_598 : i32
    %sign3A_600 = arith.extui %sign3A_599 : i1 to i32
    %sign3A_601 = arith.subi %sign3A_597, %sign3A_600 : i32
    %sign3A_602 = arith.constant 0 : i32
    %sign3A_603 = arith.cmpi sgt, %jit3A_593, %sign3A_602 : i32
    %sign3A_604 = arith.extui %sign3A_603 : i1 to i32
    %sign3A_605 = arith.constant 0 : i32
    %sign3A_606 = arith.cmpi slt, %jit3A_593, %sign3A_605 : i32
    %sign3A_607 = arith.extui %sign3A_606 : i1 to i32
    %sign3A_608 = arith.subi %sign3A_604, %sign3A_607 : i32
    %ne3A_609 = arith.cmpi ne, %sign3A_601, %sign3A_608 : i32
    %rem3A_610 = arith.remsi %min3A_592, %jit3A_593 : i32
    %ne3A_611 = arith.constant 0 : i32
    %ne3A_612 = arith.cmpi ne, %rem3A_610, %ne3A_611 : i32
    %and3A_613 = arith.andi %ne3A_609, %ne3A_612 : i1
    %sub3A_614 = arith.constant 1 : i32
    %sub3A_615 = arith.subi %div3A_594, %sub3A_614 : i32
    %select_n3A_616 = arith.select %and3A_613, %sub3A_615, %div3A_594 : i32
    %jit3A_617 = arith.constant 32 : i32
    %eq3A_618 = arith.constant 0 : i32
    %eq3A_619 = arith.cmpi eq, %jit3A_617, %eq3A_618 : i32
    %jit3A_620 = arith.constant 1 : i32
    %select_n3A_621 = arith.select %eq3A_619, %jit3A_620, %jit3A_617 : i32
    %rem3A_622 = arith.remsi %min3A_592, %select_n3A_621 : i32
    %ne3A_623 = arith.constant 0 : i32
    %ne3A_624 = arith.cmpi ne, %rem3A_622, %ne3A_623 : i32
    %lt3A_625 = arith.constant 0 : i32
    %lt3A_626 = arith.cmpi slt, %rem3A_622, %lt3A_625 : i32
    %lt3A_627 = arith.constant 0 : i32
    %lt3A_628 = arith.cmpi slt, %select_n3A_621, %lt3A_627 : i32
    %ne3A_629 = arith.xori %lt3A_626, %lt3A_628 : i1
    %and3A_630 = arith.andi %ne3A_629, %ne3A_624 : i1
    %add3A_631 = arith.addi %rem3A_622, %select_n3A_621 : i32
    %select_n3A_632 = arith.select %and3A_630, %add3A_631, %rem3A_622 : i32
    %mul3A_633 = arith.constant 8 : i32
    %mul3A_634 = arith.muli %select_n3A_616, %mul3A_633 : i32
    %mul3A_635 = arith.constant 128 : i32
    %mul3A_636 = arith.muli %select_n3A_632, %mul3A_635 : i32
    %dma_start3A_637 = tpu.memref_slice %arg2[%mul3A_634, %mul3A_636] : memref<200x4096xi32, #tpu.memory_space<hbm>> -> memref<8x128xi32, #tpu.memory_space<hbm>>
    %dma_start3A_638 = tpu.memref_slice %arg2[%mul3A_634, %mul3A_636] : memref<200x4096xi32, #tpu.memory_space<hbm>> -> memref<8x128xi32, #tpu.memory_space<hbm>>
    tpu.enqueue_dma source(%dma_start3A_638 : memref<8x128xi32, #tpu.memory_space<hbm>>) target(%arg8 : memref<8x128xi32, #tpu.memory_space<vmem>>) target_semaphore(%arg14 : memref<!tpu.dma_semaphore, #tpu.memory_space<semaphore_mem>>)
    %scan3A = arith.constant 0 : i32
    %scan3A_639 = arith.constant 1 : i32
    %scan3A_640 = arith.constant 11 : i32
    %scan3A_641 = arith.addi %scan3A_639, %scan3A_640 : i32
    %scan3A_642 = arith.constant 1 : i32
    %scan3A_643 = scf.for %scan3A_1036 = %scan3A_639 to %scan3A_641 step %scan3A_642 iter_args(%scan3A_1037 = %scan3A) -> (i32)  : i32 {
      %mul3A_1038 = arith.constant 2 : i32
      %mul3A_1039 = arith.muli %scan3A_1036, %mul3A_1038 : i32
      %add3A_1040 = arith.addi %mul3A_2, %mul3A_1039 : i32
      %add3A_1041 = arith.constant 0 : i32
      %add3A_1042 = arith.addi %add3A_1040, %add3A_1041 : i32
      %sub3A_1043 = arith.constant 2 : i32
      %sub3A_1044 = arith.subi %add3A_1042, %sub3A_1043 : i32
      %jit3A_1045 = arith.constant 32 : i32
      %div3A_1046 = arith.divsi %sub3A_1044, %jit3A_1045 : i32
      %sign3A_1047 = arith.constant 0 : i32
      %sign3A_1048 = arith.cmpi sgt, %sub3A_1044, %sign3A_1047 : i32
      %sign3A_1049 = arith.extui %sign3A_1048 : i1 to i32
      %sign3A_1050 = arith.constant 0 : i32
      %sign3A_1051 = arith.cmpi slt, %sub3A_1044, %sign3A_1050 : i32
      %sign3A_1052 = arith.extui %sign3A_1051 : i1 to i32
      %sign3A_1053 = arith.subi %sign3A_1049, %sign3A_1052 : i32
      %sign3A_1054 = arith.constant 0 : i32
      %sign3A_1055 = arith.cmpi sgt, %jit3A_1045, %sign3A_1054 : i32
      %sign3A_1056 = arith.extui %sign3A_1055 : i1 to i32
      %sign3A_1057 = arith.constant 0 : i32
      %sign3A_1058 = arith.cmpi slt, %jit3A_1045, %sign3A_1057 : i32
      %sign3A_1059 = arith.extui %sign3A_1058 : i1 to i32
      %sign3A_1060 = arith.subi %sign3A_1056, %sign3A_1059 : i32
      %ne3A_1061 = arith.cmpi ne, %sign3A_1053, %sign3A_1060 : i32
      %rem3A_1062 = arith.remsi %sub3A_1044, %jit3A_1045 : i32
      %ne3A_1063 = arith.constant 0 : i32
      %ne3A_1064 = arith.cmpi ne, %rem3A_1062, %ne3A_1063 : i32
      %and3A_1065 = arith.andi %ne3A_1061, %ne3A_1064 : i1
      %sub3A_1066 = arith.constant 1 : i32
      %sub3A_1067 = arith.subi %div3A_1046, %sub3A_1066 : i32
      %select_n3A_1068 = arith.select %and3A_1065, %sub3A_1067, %div3A_1046 : i32
      %jit3A_1069 = arith.constant 32 : i32
      %eq3A_1070 = arith.constant 0 : i32
      %eq3A_1071 = arith.cmpi eq, %jit3A_1069, %eq3A_1070 : i32
      %jit3A_1072 = arith.constant 1 : i32
      %select_n3A_1073 = arith.select %eq3A_1071, %jit3A_1072, %jit3A_1069 : i32
      %rem3A_1074 = arith.remsi %sub3A_1044, %select_n3A_1073 : i32
      %ne3A_1075 = arith.constant 0 : i32
      %ne3A_1076 = arith.cmpi ne, %rem3A_1074, %ne3A_1075 : i32
      %lt3A_1077 = arith.constant 0 : i32
      %lt3A_1078 = arith.cmpi slt, %rem3A_1074, %lt3A_1077 : i32
      %lt3A_1079 = arith.constant 0 : i32
      %lt3A_1080 = arith.cmpi slt, %select_n3A_1073, %lt3A_1079 : i32
      %ne3A_1081 = arith.xori %lt3A_1078, %lt3A_1080 : i1
      %and3A_1082 = arith.andi %ne3A_1081, %ne3A_1076 : i1
      %add3A_1083 = arith.addi %rem3A_1074, %select_n3A_1073 : i32
      %select_n3A_1084 = arith.select %and3A_1082, %add3A_1083, %rem3A_1074 : i32
      %mul3A_1085 = arith.constant 8 : i32
      %mul3A_1086 = arith.muli %select_n3A_1068, %mul3A_1085 : i32
      %mul3A_1087 = arith.constant 128 : i32
      %mul3A_1088 = arith.muli %select_n3A_1084, %mul3A_1087 : i32
      %dma_wait3A_1089 = arith.constant 0 : i32
      %dma_wait3A_1090 = tpu.memref_slice %arg4[%mul3A_1086, %dma_wait3A_1089, %mul3A_1088] : memref<200x32x4096xf32, #tpu.memory_space<hbm>> -> memref<8x32x128xf32, #tpu.memory_space<hbm>>
      %dma_wait3A_1091 = arith.constant 0 : i32
      %dma_wait3A_1092 = tpu.memref_slice %arg4[%mul3A_1086, %dma_wait3A_1091, %mul3A_1088] : memref<200x32x4096xf32, #tpu.memory_space<hbm>> -> memref<8x32x128xf32, #tpu.memory_space<hbm>>
      tpu.wait_dma2 semaphore(%arg11 : memref<!tpu.dma_semaphore, #tpu.memory_space<semaphore_mem>>) src(%arg9 : memref<8x32x128xf32, #tpu.memory_space<vmem>>) dst(%dma_wait3A_1092 : memref<8x32x128xf32, #tpu.memory_space<hbm>>)
      %min3A_1093 = arith.minsi %add3A_1042, %sub3A_5 : i32
      %jit3A_1094 = arith.constant 32 : i32
      %div3A_1095 = arith.divsi %min3A_1093, %jit3A_1094 : i32
      %sign3A_1096 = arith.constant 0 : i32
      %sign3A_1097 = arith.cmpi sgt, %min3A_1093, %sign3A_1096 : i32
      %sign3A_1098 = arith.extui %sign3A_1097 : i1 to i32
      %sign3A_1099 = arith.constant 0 : i32
      %sign3A_1100 = arith.cmpi slt, %min3A_1093, %sign3A_1099 : i32
      %sign3A_1101 = arith.extui %sign3A_1100 : i1 to i32
      %sign3A_1102 = arith.subi %sign3A_1098, %sign3A_1101 : i32
      %sign3A_1103 = arith.constant 0 : i32
      %sign3A_1104 = arith.cmpi sgt, %jit3A_1094, %sign3A_1103 : i32
      %sign3A_1105 = arith.extui %sign3A_1104 : i1 to i32
      %sign3A_1106 = arith.constant 0 : i32
      %sign3A_1107 = arith.cmpi slt, %jit3A_1094, %sign3A_1106 : i32
      %sign3A_1108 = arith.extui %sign3A_1107 : i1 to i32
      %sign3A_1109 = arith.subi %sign3A_1105, %sign3A_1108 : i32
      %ne3A_1110 = arith.cmpi ne, %sign3A_1102, %sign3A_1109 : i32
      %rem3A_1111 = arith.remsi %min3A_1093, %jit3A_1094 : i32
      %ne3A_1112 = arith.constant 0 : i32
      %ne3A_1113 = arith.cmpi ne, %rem3A_1111, %ne3A_1112 : i32
      %and3A_1114 = arith.andi %ne3A_1110, %ne3A_1113 : i1
      %sub3A_1115 = arith.constant 1 : i32
      %sub3A_1116 = arith.subi %div3A_1095, %sub3A_1115 : i32
      %select_n3A_1117 = arith.select %and3A_1114, %sub3A_1116, %div3A_1095 : i32
      %jit3A_1118 = arith.constant 32 : i32
      %eq3A_1119 = arith.constant 0 : i32
      %eq3A_1120 = arith.cmpi eq, %jit3A_1118, %eq3A_1119 : i32
      %jit3A_1121 = arith.constant 1 : i32
      %select_n3A_1122 = arith.select %eq3A_1120, %jit3A_1121, %jit3A_1118 : i32
      %rem3A_1123 = arith.remsi %min3A_1093, %select_n3A_1122 : i32
      %ne3A_1124 = arith.constant 0 : i32
      %ne3A_1125 = arith.cmpi ne, %rem3A_1123, %ne3A_1124 : i32
      %lt3A_1126 = arith.constant 0 : i32
      %lt3A_1127 = arith.cmpi slt, %rem3A_1123, %lt3A_1126 : i32
      %lt3A_1128 = arith.constant 0 : i32
      %lt3A_1129 = arith.cmpi slt, %select_n3A_1122, %lt3A_1128 : i32
      %ne3A_1130 = arith.xori %lt3A_1127, %lt3A_1129 : i1
      %and3A_1131 = arith.andi %ne3A_1130, %ne3A_1125 : i1
      %add3A_1132 = arith.addi %rem3A_1123, %select_n3A_1122 : i32
      %select_n3A_1133 = arith.select %and3A_1131, %add3A_1132, %rem3A_1123 : i32
      %mul3A_1134 = arith.constant 8 : i32
      %mul3A_1135 = arith.muli %select_n3A_1117, %mul3A_1134 : i32
      %mul3A_1136 = arith.constant 128 : i32
      %mul3A_1137 = arith.muli %select_n3A_1133, %mul3A_1136 : i32
      %dma_wait3A_1138 = tpu.memref_slice %arg2[%mul3A_1135, %mul3A_1137] : memref<200x4096xi32, #tpu.memory_space<hbm>> -> memref<8x128xi32, #tpu.memory_space<hbm>>
      %dma_wait3A_1139 = tpu.memref_slice %arg2[%mul3A_1135, %mul3A_1137] : memref<200x4096xi32, #tpu.memory_space<hbm>> -> memref<8x128xi32, #tpu.memory_space<hbm>>
      tpu.wait_dma2 semaphore(%arg13 : memref<!tpu.dma_semaphore, #tpu.memory_space<semaphore_mem>>) src(%dma_wait3A_1139 : memref<8x128xi32, #tpu.memory_space<hbm>>) dst(%arg7 : memref<8x128xi32, #tpu.memory_space<vmem>>)
      %parallel_loop3A_1140 = arith.constant 0 : i32
      %parallel_loop3A_1141 = arith.constant 64 : i32
      %parallel_loop3A_1142 = arith.constant 1 : i32
      scf.for %parallel_loop3A_1443 = %parallel_loop3A_1140 to %parallel_loop3A_1141 step %parallel_loop3A_1142  : i32 {
        %parallel_loop3A_1444 = arith.constant 3 : i32
        %parallel_loop3A_1445 = arith.shrsi %parallel_loop3A_1443, %parallel_loop3A_1444 : i32
        %parallel_loop3A_1446 = arith.constant 7 : i32
        %parallel_loop3A_1447 = arith.andi %parallel_loop3A_1443, %parallel_loop3A_1446 : i32
        %parallel_loop3A_1448 = arith.constant 16 : i32
        %parallel_loop3A_1449 = arith.muli %parallel_loop3A_1447, %parallel_loop3A_1448 : i32
        %parallel_loop3A_1450 = arith.index_cast %parallel_loop3A_1445 : i32 to index
        %parallel_loop3A_1451 = arith.index_cast %parallel_loop3A_1449 : i32 to index
        %parallel_loop3A_1452 = tpu.vector_load %arg7[%parallel_loop3A_1450, %parallel_loop3A_1451] {strides = array<i32>} : memref<8x128xi32, #tpu.memory_space<vmem>>, vector<16xi32>,
        %parallel_loop3A_1453 = arith.constant 10 : i32
        %parallel_loop3A_1454 = vector.broadcast %parallel_loop3A_1453 : i32 to vector<16xi32>
        %parallel_loop3A_1455 = arith.addi %parallel_loop3A_1452, %parallel_loop3A_1454 : vector<16xi32>
        %parallel_loop3A_1456 = arith.constant 0 : i32
        %parallel_loop3A_1457 = vector.broadcast %parallel_loop3A_1456 : i32 to vector<16xi32>
        %parallel_loop3A_1458 = arith.maxsi %parallel_loop3A_1455, %parallel_loop3A_1457 : vector<16xi32>
        %parallel_loop3A_1459 = arith.constant 20 : i32
        %parallel_loop3A_1460 = vector.broadcast %parallel_loop3A_1459 : i32 to vector<16xi32>
        %parallel_loop3A_1461 = arith.minsi %parallel_loop3A_1458, %parallel_loop3A_1460 : vector<16xi32>
        %parallel_loop3A_1462 = arith.constant 32 : i32
        %parallel_loop3A_1463 = vector.broadcast %parallel_loop3A_1462 : i32 to vector<16xi32>
        %parallel_loop3A_1464 = arith.muli %parallel_loop3A_1461, %parallel_loop3A_1463 : vector<16xi32>
        %parallel_loop3A_1465 = tpu.vector_load_idx %arg6[%parallel_loop3A_1464] : memref<672xf32, #tpu.memory_space<vmem>>[vector<16xi32>], vector<16xf32>,
        %parallel_loop3A_1466 = arith.constant 1 : i32
        %parallel_loop3A_1467 = vector.broadcast %parallel_loop3A_1466 : i32 to vector<16xi32>
        %parallel_loop3A_1468 = arith.addi %parallel_loop3A_1464, %parallel_loop3A_1467 : vector<16xi32>
        %parallel_loop3A_1469 = tpu.vector_load_idx %arg6[%parallel_loop3A_1468] : memref<672xf32, #tpu.memory_space<vmem>>[vector<16xi32>], vector<16xf32>,
        %parallel_loop3A_1470 = arith.constant 2 : i32
        %parallel_loop3A_1471 = vector.broadcast %parallel_loop3A_1470 : i32 to vector<16xi32>
        %parallel_loop3A_1472 = arith.addi %parallel_loop3A_1464, %parallel_loop3A_1471 : vector<16xi32>
        %parallel_loop3A_1473 = tpu.vector_load_idx %arg6[%parallel_loop3A_1472] : memref<672xf32, #tpu.memory_space<vmem>>[vector<16xi32>], vector<16xf32>,
        %parallel_loop3A_1474 = arith.constant 0 : i32
        %parallel_loop3A_1475 = arith.index_cast %parallel_loop3A_1445 : i32 to index
        %parallel_loop3A_1476 = arith.index_cast %parallel_loop3A_1474 : i32 to index
        %parallel_loop3A_1477 = arith.index_cast %parallel_loop3A_1449 : i32 to index
        %parallel_loop3A_1478 = tpu.vector_load %arg9[%parallel_loop3A_1475, %parallel_loop3A_1476, %parallel_loop3A_1477] {strides = array<i32>} : memref<8x32x128xf32, #tpu.memory_space<vmem>>, vector<16xf32>,
        tpu.vector_store %arg9[%parallel_loop3A_1475, %parallel_loop3A_1476, %parallel_loop3A_1477], %parallel_loop3A_1465 {strides = array<i32>} : memref<8x32x128xf32, #tpu.memory_space<vmem>>, vector<16xf32>,
        %parallel_loop3A_1479 = arith.constant 3 : i32
        %parallel_loop3A_1480 = vector.broadcast %parallel_loop3A_1479 : i32 to vector<16xi32>
        %parallel_loop3A_1481 = arith.addi %parallel_loop3A_1464, %parallel_loop3A_1480 : vector<16xi32>
        %parallel_loop3A_1482 = tpu.vector_load_idx %arg6[%parallel_loop3A_1481] : memref<672xf32, #tpu.memory_space<vmem>>[vector<16xi32>], vector<16xf32>,
        %parallel_loop3A_1483 = arith.constant 1 : i32
        %parallel_loop3A_1484 = arith.index_cast %parallel_loop3A_1445 : i32 to index
        %parallel_loop3A_1485 = arith.index_cast %parallel_loop3A_1483 : i32 to index
        %parallel_loop3A_1486 = arith.index_cast %parallel_loop3A_1449 : i32 to index
        %parallel_loop3A_1487 = tpu.vector_load %arg9[%parallel_loop3A_1484, %parallel_loop3A_1485, %parallel_loop3A_1486] {strides = array<i32>} : memref<8x32x128xf32, #tpu.memory_space<vmem>>, vector<16xf32>,
        tpu.vector_store %arg9[%parallel_loop3A_1484, %parallel_loop3A_1485, %parallel_loop3A_1486], %parallel_loop3A_1469 {strides = array<i32>} : memref<8x32x128xf32, #tpu.memory_space<vmem>>, vector<16xf32>,
        %parallel_loop3A_1488 = arith.constant 4 : i32
        %parallel_loop3A_1489 = vector.broadcast %parallel_loop3A_1488 : i32 to vector<16xi32>
        %parallel_loop3A_1490 = arith.addi %parallel_loop3A_1464, %parallel_loop3A_1489 : vector<16xi32>
        %parallel_loop3A_1491 = tpu.vector_load_idx %arg6[%parallel_loop3A_1490] : memref<672xf32, #tpu.memory_space<vmem>>[vector<16xi32>], vector<16xf32>,
        %parallel_loop3A_1492 = arith.constant 2 : i32
        %parallel_loop3A_1493 = arith.index_cast %parallel_loop3A_1445 : i32 to index
        %parallel_loop3A_1494 = arith.index_cast %parallel_loop3A_1492 : i32 to index
        %parallel_loop3A_1495 = arith.index_cast %parallel_loop3A_1449 : i32 to index
        %parallel_loop3A_1496 = tpu.vector_load %arg9[%parallel_loop3A_1493, %parallel_loop3A_1494, %parallel_loop3A_1495] {strides = array<i32>} : memref<8x32x128xf32, #tpu.memory_space<vmem>>, vector<16xf32>,
        tpu.vector_store %arg9[%parallel_loop3A_1493, %parallel_loop3A_1494, %parallel_loop3A_1495], %parallel_loop3A_1473 {strides = array<i32>} : memref<8x32x128xf32, #tpu.memory_space<vmem>>, vector<16xf32>,
        %parallel_loop3A_1497 = arith.constant 5 : i32
        %parallel_loop3A_1498 = vector.broadcast %parallel_loop3A_1497 : i32 to vector<16xi32>
        %parallel_loop3A_1499 = arith.addi %parallel_loop3A_1464, %parallel_loop3A_1498 : vector<16xi32>
        %parallel_loop3A_1500 = tpu.vector_load_idx %arg6[%parallel_loop3A_1499] : memref<672xf32, #tpu.memory_space<vmem>>[vector<16xi32>], vector<16xf32>,
        %parallel_loop3A_1501 = arith.constant 3 : i32
        %parallel_loop3A_1502 = arith.index_cast %parallel_loop3A_1445 : i32 to index
        %parallel_loop3A_1503 = arith.index_cast %parallel_loop3A_1501 : i32 to index
        %parallel_loop3A_1504 = arith.index_cast %parallel_loop3A_1449 : i32 to index
        %parallel_loop3A_1505 = tpu.vector_load %arg9[%parallel_loop3A_1502, %parallel_loop3A_1503, %parallel_loop3A_1504] {strides = array<i32>} : memref<8x32x128xf32, #tpu.memory_space<vmem>>, vector<16xf32>,
        tpu.vector_store %arg9[%parallel_loop3A_1502, %parallel_loop3A_1503, %parallel_loop3A_1504], %parallel_loop3A_1482 {strides = array<i32>} : memref<8x32x128xf32, #tpu.memory_space<vmem>>, vector<16xf32>,
        %parallel_loop3A_1506 = arith.constant 6 : i32
        %parallel_loop3A_1507 = vector.broadcast %parallel_loop3A_1506 : i32 to vector<16xi32>
        %parallel_loop3A_1508 = arith.addi %parallel_loop3A_1464, %parallel_loop3A_1507 : vector<16xi32>
        %parallel_loop3A_1509 = tpu.vector_load_idx %arg6[%parallel_loop3A_1508] : memref<672xf32, #tpu.memory_space<vmem>>[vector<16xi32>], vector<16xf32>,
        %parallel_loop3A_1510 = arith.constant 4 : i32
        %parallel_loop3A_1511 = arith.index_cast %parallel_loop3A_1445 : i32 to index
        %parallel_loop3A_1512 = arith.index_cast %parallel_loop3A_1510 : i32 to index
        %parallel_loop3A_1513 = arith.index_cast %parallel_loop3A_1449 : i32 to index
        %parallel_loop3A_1514 = tpu.vector_load %arg9[%parallel_loop3A_1511, %parallel_loop3A_1512, %parallel_loop3A_1513] {strides = array<i32>} : memref<8x32x128xf32, #tpu.memory_space<vmem>>, vector<16xf32>,
        tpu.vector_store %arg9[%parallel_loop3A_1511, %parallel_loop3A_1512, %parallel_loop3A_1513], %parallel_loop3A_1491 {strides = array<i32>} : memref<8x32x128xf32, #tpu.memory_space<vmem>>, vector<16xf32>,
        %parallel_loop3A_1515 = arith.constant 7 : i32
        %parallel_loop3A_1516 = vector.broadcast %parallel_loop3A_1515 : i32 to vector<16xi32>
        %parallel_loop3A_1517 = arith.addi %parallel_loop3A_1464, %parallel_loop3A_1516 : vector<16xi32>
        %parallel_loop3A_1518 = tpu.vector_load_idx %arg6[%parallel_loop3A_1517] : memref<672xf32, #tpu.memory_space<vmem>>[vector<16xi32>], vector<16xf32>,
        %parallel_loop3A_1519 = arith.constant 5 : i32
        %parallel_loop3A_1520 = arith.index_cast %parallel_loop3A_1445 : i32 to index
        %parallel_loop3A_1521 = arith.index_cast %parallel_loop3A_1519 : i32 to index
        %parallel_loop3A_1522 = arith.index_cast %parallel_loop3A_1449 : i32 to index
        %parallel_loop3A_1523 = tpu.vector_load %arg9[%parallel_loop3A_1520, %parallel_loop3A_1521, %parallel_loop3A_1522] {strides = array<i32>} : memref<8x32x128xf32, #tpu.memory_space<vmem>>, vector<16xf32>,
        tpu.vector_store %arg9[%parallel_loop3A_1520, %parallel_loop3A_1521, %parallel_loop3A_1522], %parallel_loop3A_1500 {strides = array<i32>} : memref<8x32x128xf32, #tpu.memory_space<vmem>>, vector<16xf32>,
        %parallel_loop3A_1524 = arith.constant 8 : i32
        %parallel_loop3A_1525 = vector.broadcast %parallel_loop3A_1524 : i32 to vector<16xi32>
        %parallel_loop3A_1526 = arith.addi %parallel_loop3A_1464, %parallel_loop3A_1525 : vector<16xi32>
        %parallel_loop3A_1527 = tpu.vector_load_idx %arg6[%parallel_loop3A_1526] : memref<672xf32, #tpu.memory_space<vmem>>[vector<16xi32>], vector<16xf32>,
        %parallel_loop3A_1528 = arith.constant 6 : i32
        %parallel_loop3A_1529 = arith.index_cast %parallel_loop3A_1445 : i32 to index
        %parallel_loop3A_1530 = arith.index_cast %parallel_loop3A_1528 : i32 to index
        %parallel_loop3A_1531 = arith.index_cast %parallel_loop3A_1449 : i32 to index
        %parallel_loop3A_1532 = tpu.vector_load %arg9[%parallel_loop3A_1529, %parallel_loop3A_1530, %parallel_loop3A_1531] {strides = array<i32>} : memref<8x32x128xf32, #tpu.memory_space<vmem>>, vector<16xf32>,
        tpu.vector_store %arg9[%parallel_loop3A_1529, %parallel_loop3A_1530, %parallel_loop3A_1531], %parallel_loop3A_1509 {strides = array<i32>} : memref<8x32x128xf32, #tpu.memory_space<vmem>>, vector<16xf32>,
        %parallel_loop3A_1533 = arith.constant 9 : i32
        %parallel_loop3A_1534 = vector.broadcast %parallel_loop3A_1533 : i32 to vector<16xi32>
        %parallel_loop3A_1535 = arith.addi %parallel_loop3A_1464, %parallel_loop3A_1534 : vector<16xi32>
        %parallel_loop3A_1536 = tpu.vector_load_idx %arg6[%parallel_loop3A_1535] : memref<672xf32, #tpu.memory_space<vmem>>[vector<16xi32>], vector<16xf32>,
        %parallel_loop3A_1537 = arith.constant 7 : i32
        %parallel_loop3A_1538 = arith.index_cast %parallel_loop3A_1445 : i32 to index
        %parallel_loop3A_1539 = arith.index_cast %parallel_loop3A_1537 : i32 to index
        %parallel_loop3A_1540 = arith.index_cast %parallel_loop3A_1449 : i32 to index
        %parallel_loop3A_1541 = tpu.vector_load %arg9[%parallel_loop3A_1538, %parallel_loop3A_1539, %parallel_loop3A_1540] {strides = array<i32>} : memref<8x32x128xf32, #tpu.memory_space<vmem>>, vector<16xf32>,
        tpu.vector_store %arg9[%parallel_loop3A_1538, %parallel_loop3A_1539, %parallel_loop3A_1540], %parallel_loop3A_1518 {strides = array<i32>} : memref<8x32x128xf32, #tpu.memory_space<vmem>>, vector<16xf32>,
        %parallel_loop3A_1542 = arith.constant 10 : i32
        %parallel_loop3A_1543 = vector.broadcast %parallel_loop3A_1542 : i32 to vector<16xi32>
        %parallel_loop3A_1544 = arith.addi %parallel_loop3A_1464, %parallel_loop3A_1543 : vector<16xi32>
        %parallel_loop3A_1545 = tpu.vector_load_idx %arg6[%parallel_loop3A_1544] : memref<672xf32, #tpu.memory_space<vmem>>[vector<16xi32>], vector<16xf32>,
        %parallel_loop3A_1546 = arith.constant 8 : i32
        %parallel_loop3A_1547 = arith.index_cast %parallel_loop3A_1445 : i32 to index
        %parallel_loop3A_1548 = arith.index_cast %parallel_loop3A_1546 : i32 to index
        %parallel_loop3A_1549 = arith.index_cast %parallel_loop3A_1449 : i32 to index
        %parallel_loop3A_1550 = tpu.vector_load %arg9[%parallel_loop3A_1547, %parallel_loop3A_1548, %parallel_loop3A_1549] {strides = array<i32>} : memref<8x32x128xf32, #tpu.memory_space<vmem>>, vector<16xf32>,
        tpu.vector_store %arg9[%parallel_loop3A_1547, %parallel_loop3A_1548, %parallel_loop3A_1549], %parallel_loop3A_1527 {strides = array<i32>} : memref<8x32x128xf32, #tpu.memory_space<vmem>>, vector<16xf32>,
        %parallel_loop3A_1551 = arith.constant 11 : i32
        %parallel_loop3A_1552 = vector.broadcast %parallel_loop3A_1551 : i32 to vector<16xi32>
        %parallel_loop3A_1553 = arith.addi %parallel_loop3A_1464, %parallel_loop3A_1552 : vector<16xi32>
        %parallel_loop3A_1554 = tpu.vector_load_idx %arg6[%parallel_loop3A_1553] : memref<672xf32, #tpu.memory_space<vmem>>[vector<16xi32>], vector<16xf32>,
        %parallel_loop3A_1555 = arith.constant 9 : i32
        %parallel_loop3A_1556 = arith.index_cast %parallel_loop3A_1445 : i32 to index
        %parallel_loop3A_1557 = arith.index_cast %parallel_loop3A_1555 : i32 to index
        %parallel_loop3A_1558 = arith.index_cast %parallel_loop3A_1449 : i32 to index
        %parallel_loop3A_1559 = tpu.vector_load %arg9[%parallel_loop3A_1556, %parallel_loop3A_1557, %parallel_loop3A_1558] {strides = array<i32>} : memref<8x32x128xf32, #tpu.memory_space<vmem>>, vector<16xf32>,
        tpu.vector_store %arg9[%parallel_loop3A_1556, %parallel_loop3A_1557, %parallel_loop3A_1558], %parallel_loop3A_1536 {strides = array<i32>} : memref<8x32x128xf32, #tpu.memory_space<vmem>>, vector<16xf32>,
        %parallel_loop3A_1560 = arith.constant 12 : i32
        %parallel_loop3A_1561 = vector.broadcast %parallel_loop3A_1560 : i32 to vector<16xi32>
        %parallel_loop3A_1562 = arith.addi %parallel_loop3A_1464, %parallel_loop3A_1561 : vector<16xi32>
        %parallel_loop3A_1563 = tpu.vector_load_idx %arg6[%parallel_loop3A_1562] : memref<672xf32, #tpu.memory_space<vmem>>[vector<16xi32>], vector<16xf32>,
        %parallel_loop3A_1564 = arith.constant 10 : i32
        %parallel_loop3A_1565 = arith.index_cast %parallel_loop3A_1445 : i32 to index
        %parallel_loop3A_1566 = arith.index_cast %parallel_loop3A_1564 : i32 to index
        %parallel_loop3A_1567 = arith.index_cast %parallel_loop3A_1449 : i32 to index
        %parallel_loop3A_1568 = tpu.vector_load %arg9[%parallel_loop3A_1565, %parallel_loop3A_1566, %parallel_loop3A_1567] {strides = array<i32>} : memref<8x32x128xf32, #tpu.memory_space<vmem>>, vector<16xf32>,
        tpu.vector_store %arg9[%parallel_loop3A_1565, %parallel_loop3A_1566, %parallel_loop3A_1567], %parallel_loop3A_1545 {strides = array<i32>} : memref<8x32x128xf32, #tpu.memory_space<vmem>>, vector<16xf32>,
        %parallel_loop3A_1569 = arith.constant 13 : i32
        %parallel_loop3A_1570 = vector.broadcast %parallel_loop3A_1569 : i32 to vector<16xi32>
        %parallel_loop3A_1571 = arith.addi %parallel_loop3A_1464, %parallel_loop3A_1570 : vector<16xi32>
        %parallel_loop3A_1572 = tpu.vector_load_idx %arg6[%parallel_loop3A_1571] : memref<672xf32, #tpu.memory_space<vmem>>[vector<16xi32>], vector<16xf32>,
        %parallel_loop3A_1573 = arith.constant 11 : i32
        %parallel_loop3A_1574 = arith.index_cast %parallel_loop3A_1445 : i32 to index
        %parallel_loop3A_1575 = arith.index_cast %parallel_loop3A_1573 : i32 to index
        %parallel_loop3A_1576 = arith.index_cast %parallel_loop3A_1449 : i32 to index
        %parallel_loop3A_1577 = tpu.vector_load %arg9[%parallel_loop3A_1574, %parallel_loop3A_1575, %parallel_loop3A_1576] {strides = array<i32>} : memref<8x32x128xf32, #tpu.memory_space<vmem>>, vector<16xf32>,
        tpu.vector_store %arg9[%parallel_loop3A_1574, %parallel_loop3A_1575, %parallel_loop3A_1576], %parallel_loop3A_1554 {strides = array<i32>} : memref<8x32x128xf32, #tpu.memory_space<vmem>>, vector<16xf32>,
        %parallel_loop3A_1578 = arith.constant 14 : i32
        %parallel_loop3A_1579 = vector.broadcast %parallel_loop3A_1578 : i32 to vector<16xi32>
        %parallel_loop3A_1580 = arith.addi %parallel_loop3A_1464, %parallel_loop3A_1579 : vector<16xi32>
        %parallel_loop3A_1581 = tpu.vector_load_idx %arg6[%parallel_loop3A_1580] : memref<672xf32, #tpu.memory_space<vmem>>[vector<16xi32>], vector<16xf32>,
        %parallel_loop3A_1582 = arith.constant 12 : i32
        %parallel_loop3A_1583 = arith.index_cast %parallel_loop3A_1445 : i32 to index
        %parallel_loop3A_1584 = arith.index_cast %parallel_loop3A_1582 : i32 to index
        %parallel_loop3A_1585 = arith.index_cast %parallel_loop3A_1449 : i32 to index
        %parallel_loop3A_1586 = tpu.vector_load %arg9[%parallel_loop3A_1583, %parallel_loop3A_1584, %parallel_loop3A_1585] {strides = array<i32>} : memref<8x32x128xf32, #tpu.memory_space<vmem>>, vector<16xf32>,
        tpu.vector_store %arg9[%parallel_loop3A_1583, %parallel_loop3A_1584, %parallel_loop3A_1585], %parallel_loop3A_1563 {strides = array<i32>} : memref<8x32x128xf32, #tpu.memory_space<vmem>>, vector<16xf32>,
        %parallel_loop3A_1587 = arith.constant 15 : i32
        %parallel_loop3A_1588 = vector.broadcast %parallel_loop3A_1587 : i32 to vector<16xi32>
        %parallel_loop3A_1589 = arith.addi %parallel_loop3A_1464, %parallel_loop3A_1588 : vector<16xi32>
        %parallel_loop3A_1590 = tpu.vector_load_idx %arg6[%parallel_loop3A_1589] : memref<672xf32, #tpu.memory_space<vmem>>[vector<16xi32>], vector<16xf32>,
        %parallel_loop3A_1591 = arith.constant 13 : i32
        %parallel_loop3A_1592 = arith.index_cast %parallel_loop3A_1445 : i32 to index
        %parallel_loop3A_1593 = arith.index_cast %parallel_loop3A_1591 : i32 to index
        %parallel_loop3A_1594 = arith.index_cast %parallel_loop3A_1449 : i32 to index
        %parallel_loop3A_1595 = tpu.vector_load %arg9[%parallel_loop3A_1592, %parallel_loop3A_1593, %parallel_loop3A_1594] {strides = array<i32>} : memref<8x32x128xf32, #tpu.memory_space<vmem>>, vector<16xf32>,
        tpu.vector_store %arg9[%parallel_loop3A_1592, %parallel_loop3A_1593, %parallel_loop3A_1594], %parallel_loop3A_1572 {strides = array<i32>} : memref<8x32x128xf32, #tpu.memory_space<vmem>>, vector<16xf32>,
        %parallel_loop3A_1596 = arith.constant 16 : i32
        %parallel_loop3A_1597 = vector.broadcast %parallel_loop3A_1596 : i32 to vector<16xi32>
        %parallel_loop3A_1598 = arith.addi %parallel_loop3A_1464, %parallel_loop3A_1597 : vector<16xi32>
        %parallel_loop3A_1599 = tpu.vector_load_idx %arg6[%parallel_loop3A_1598] : memref<672xf32, #tpu.memory_space<vmem>>[vector<16xi32>], vector<16xf32>,
        %parallel_loop3A_1600 = arith.constant 14 : i32
        %parallel_loop3A_1601 = arith.index_cast %parallel_loop3A_1445 : i32 to index
        %parallel_loop3A_1602 = arith.index_cast %parallel_loop3A_1600 : i32 to index
        %parallel_loop3A_1603 = arith.index_cast %parallel_loop3A_1449 : i32 to index
        %parallel_loop3A_1604 = tpu.vector_load %arg9[%parallel_loop3A_1601, %parallel_loop3A_1602, %parallel_loop3A_1603] {strides = array<i32>} : memref<8x32x128xf32, #tpu.memory_space<vmem>>, vector<16xf32>,
        tpu.vector_store %arg9[%parallel_loop3A_1601, %parallel_loop3A_1602, %parallel_loop3A_1603], %parallel_loop3A_1581 {strides = array<i32>} : memref<8x32x128xf32, #tpu.memory_space<vmem>>, vector<16xf32>,
        %parallel_loop3A_1605 = arith.constant 17 : i32
        %parallel_loop3A_1606 = vector.broadcast %parallel_loop3A_1605 : i32 to vector<16xi32>
        %parallel_loop3A_1607 = arith.addi %parallel_loop3A_1464, %parallel_loop3A_1606 : vector<16xi32>
        %parallel_loop3A_1608 = tpu.vector_load_idx %arg6[%parallel_loop3A_1607] : memref<672xf32, #tpu.memory_space<vmem>>[vector<16xi32>], vector<16xf32>,
        %parallel_loop3A_1609 = arith.constant 15 : i32
        %parallel_loop3A_1610 = arith.index_cast %parallel_loop3A_1445 : i32 to index
        %parallel_loop3A_1611 = arith.index_cast %parallel_loop3A_1609 : i32 to index
        %parallel_loop3A_1612 = arith.index_cast %parallel_loop3A_1449 : i32 to index
        %parallel_loop3A_1613 = tpu.vector_load %arg9[%parallel_loop3A_1610, %parallel_loop3A_1611, %parallel_loop3A_1612] {strides = array<i32>} : memref<8x32x128xf32, #tpu.memory_space<vmem>>, vector<16xf32>,
        tpu.vector_store %arg9[%parallel_loop3A_1610, %parallel_loop3A_1611, %parallel_loop3A_1612], %parallel_loop3A_1590 {strides = array<i32>} : memref<8x32x128xf32, #tpu.memory_space<vmem>>, vector<16xf32>,
        %parallel_loop3A_1614 = arith.constant 18 : i32
        %parallel_loop3A_1615 = vector.broadcast %parallel_loop3A_1614 : i32 to vector<16xi32>
        %parallel_loop3A_1616 = arith.addi %parallel_loop3A_1464, %parallel_loop3A_1615 : vector<16xi32>
        %parallel_loop3A_1617 = tpu.vector_load_idx %arg6[%parallel_loop3A_1616] : memref<672xf32, #tpu.memory_space<vmem>>[vector<16xi32>], vector<16xf32>,
        %parallel_loop3A_1618 = arith.constant 16 : i32
        %parallel_loop3A_1619 = arith.index_cast %parallel_loop3A_1445 : i32 to index
        %parallel_loop3A_1620 = arith.index_cast %parallel_loop3A_1618 : i32 to index
        %parallel_loop3A_1621 = arith.index_cast %parallel_loop3A_1449 : i32 to index
        %parallel_loop3A_1622 = tpu.vector_load %arg9[%parallel_loop3A_1619, %parallel_loop3A_1620, %parallel_loop3A_1621] {strides = array<i32>} : memref<8x32x128xf32, #tpu.memory_space<vmem>>, vector<16xf32>,
        tpu.vector_store %arg9[%parallel_loop3A_1619, %parallel_loop3A_1620, %parallel_loop3A_1621], %parallel_loop3A_1599 {strides = array<i32>} : memref<8x32x128xf32, #tpu.memory_space<vmem>>, vector<16xf32>,
        %parallel_loop3A_1623 = arith.constant 19 : i32
        %parallel_loop3A_1624 = vector.broadcast %parallel_loop3A_1623 : i32 to vector<16xi32>
        %parallel_loop3A_1625 = arith.addi %parallel_loop3A_1464, %parallel_loop3A_1624 : vector<16xi32>
        %parallel_loop3A_1626 = tpu.vector_load_idx %arg6[%parallel_loop3A_1625] : memref<672xf32, #tpu.memory_space<vmem>>[vector<16xi32>], vector<16xf32>,
        %parallel_loop3A_1627 = arith.constant 17 : i32
        %parallel_loop3A_1628 = arith.index_cast %parallel_loop3A_1445 : i32 to index
        %parallel_loop3A_1629 = arith.index_cast %parallel_loop3A_1627 : i32 to index
        %parallel_loop3A_1630 = arith.index_cast %parallel_loop3A_1449 : i32 to index
        %parallel_loop3A_1631 = tpu.vector_load %arg9[%parallel_loop3A_1628, %parallel_loop3A_1629, %parallel_loop3A_1630] {strides = array<i32>} : memref<8x32x128xf32, #tpu.memory_space<vmem>>, vector<16xf32>,
        tpu.vector_store %arg9[%parallel_loop3A_1628, %parallel_loop3A_1629, %parallel_loop3A_1630], %parallel_loop3A_1608 {strides = array<i32>} : memref<8x32x128xf32, #tpu.memory_space<vmem>>, vector<16xf32>,
        %parallel_loop3A_1632 = arith.constant 20 : i32
        %parallel_loop3A_1633 = vector.broadcast %parallel_loop3A_1632 : i32 to vector<16xi32>
        %parallel_loop3A_1634 = arith.addi %parallel_loop3A_1464, %parallel_loop3A_1633 : vector<16xi32>
        %parallel_loop3A_1635 = tpu.vector_load_idx %arg6[%parallel_loop3A_1634] : memref<672xf32, #tpu.memory_space<vmem>>[vector<16xi32>], vector<16xf32>,
        %parallel_loop3A_1636 = arith.constant 18 : i32
        %parallel_loop3A_1637 = arith.index_cast %parallel_loop3A_1445 : i32 to index
        %parallel_loop3A_1638 = arith.index_cast %parallel_loop3A_1636 : i32 to index
        %parallel_loop3A_1639 = arith.index_cast %parallel_loop3A_1449 : i32 to index
        %parallel_loop3A_1640 = tpu.vector_load %arg9[%parallel_loop3A_1637, %parallel_loop3A_1638, %parallel_loop3A_1639] {strides = array<i32>} : memref<8x32x128xf32, #tpu.memory_space<vmem>>, vector<16xf32>,
        tpu.vector_store %arg9[%parallel_loop3A_1637, %parallel_loop3A_1638, %parallel_loop3A_1639], %parallel_loop3A_1617 {strides = array<i32>} : memref<8x32x128xf32, #tpu.memory_space<vmem>>, vector<16xf32>,
        %parallel_loop3A_1641 = arith.constant 21 : i32
        %parallel_loop3A_1642 = vector.broadcast %parallel_loop3A_1641 : i32 to vector<16xi32>
        %parallel_loop3A_1643 = arith.addi %parallel_loop3A_1464, %parallel_loop3A_1642 : vector<16xi32>
        %parallel_loop3A_1644 = tpu.vector_load_idx %arg6[%parallel_loop3A_1643] : memref<672xf32, #tpu.memory_space<vmem>>[vector<16xi32>], vector<16xf32>,
        %parallel_loop3A_1645 = arith.constant 19 : i32
        %parallel_loop3A_1646 = arith.index_cast %parallel_loop3A_1445 : i32 to index
        %parallel_loop3A_1647 = arith.index_cast %parallel_loop3A_1645 : i32 to index
        %parallel_loop3A_1648 = arith.index_cast %parallel_loop3A_1449 : i32 to index
        %parallel_loop3A_1649 = tpu.vector_load %arg9[%parallel_loop3A_1646, %parallel_loop3A_1647, %parallel_loop3A_1648] {strides = array<i32>} : memref<8x32x128xf32, #tpu.memory_space<vmem>>, vector<16xf32>,
        tpu.vector_store %arg9[%parallel_loop3A_1646, %parallel_loop3A_1647, %parallel_loop3A_1648], %parallel_loop3A_1626 {strides = array<i32>} : memref<8x32x128xf32, #tpu.memory_space<vmem>>, vector<16xf32>,
        %parallel_loop3A_1650 = arith.constant 22 : i32
        %parallel_loop3A_1651 = vector.broadcast %parallel_loop3A_1650 : i32 to vector<16xi32>
        %parallel_loop3A_1652 = arith.addi %parallel_loop3A_1464, %parallel_loop3A_1651 : vector<16xi32>
        %parallel_loop3A_1653 = tpu.vector_load_idx %arg6[%parallel_loop3A_1652] : memref<672xf32, #tpu.memory_space<vmem>>[vector<16xi32>], vector<16xf32>,
        %parallel_loop3A_1654 = arith.constant 20 : i32
        %parallel_loop3A_1655 = arith.index_cast %parallel_loop3A_1445 : i32 to index
        %parallel_loop3A_1656 = arith.index_cast %parallel_loop3A_1654 : i32 to index
        %parallel_loop3A_1657 = arith.index_cast %parallel_loop3A_1449 : i32 to index
        %parallel_loop3A_1658 = tpu.vector_load %arg9[%parallel_loop3A_1655, %parallel_loop3A_1656, %parallel_loop3A_1657] {strides = array<i32>} : memref<8x32x128xf32, #tpu.memory_space<vmem>>, vector<16xf32>,
        tpu.vector_store %arg9[%parallel_loop3A_1655, %parallel_loop3A_1656, %parallel_loop3A_1657], %parallel_loop3A_1635 {strides = array<i32>} : memref<8x32x128xf32, #tpu.memory_space<vmem>>, vector<16xf32>,
        %parallel_loop3A_1659 = arith.constant 23 : i32
        %parallel_loop3A_1660 = vector.broadcast %parallel_loop3A_1659 : i32 to vector<16xi32>
        %parallel_loop3A_1661 = arith.addi %parallel_loop3A_1464, %parallel_loop3A_1660 : vector<16xi32>
        %parallel_loop3A_1662 = tpu.vector_load_idx %arg6[%parallel_loop3A_1661] : memref<672xf32, #tpu.memory_space<vmem>>[vector<16xi32>], vector<16xf32>,
        %parallel_loop3A_1663 = arith.constant 21 : i32
        %parallel_loop3A_1664 = arith.index_cast %parallel_loop3A_1445 : i32 to index
        %parallel_loop3A_1665 = arith.index_cast %parallel_loop3A_1663 : i32 to index
        %parallel_loop3A_1666 = arith.index_cast %parallel_loop3A_1449 : i32 to index
        %parallel_loop3A_1667 = tpu.vector_load %arg9[%parallel_loop3A_1664, %parallel_loop3A_1665, %parallel_loop3A_1666] {strides = array<i32>} : memref<8x32x128xf32, #tpu.memory_space<vmem>>, vector<16xf32>,
        tpu.vector_store %arg9[%parallel_loop3A_1664, %parallel_loop3A_1665, %parallel_loop3A_1666], %parallel_loop3A_1644 {strides = array<i32>} : memref<8x32x128xf32, #tpu.memory_space<vmem>>, vector<16xf32>,
        %parallel_loop3A_1668 = arith.constant 24 : i32
        %parallel_loop3A_1669 = vector.broadcast %parallel_loop3A_1668 : i32 to vector<16xi32>
        %parallel_loop3A_1670 = arith.addi %parallel_loop3A_1464, %parallel_loop3A_1669 : vector<16xi32>
        %parallel_loop3A_1671 = tpu.vector_load_idx %arg6[%parallel_loop3A_1670] : memref<672xf32, #tpu.memory_space<vmem>>[vector<16xi32>], vector<16xf32>,
        %parallel_loop3A_1672 = arith.constant 22 : i32
        %parallel_loop3A_1673 = arith.index_cast %parallel_loop3A_1445 : i32 to index
        %parallel_loop3A_1674 = arith.index_cast %parallel_loop3A_1672 : i32 to index
        %parallel_loop3A_1675 = arith.index_cast %parallel_loop3A_1449 : i32 to index
        %parallel_loop3A_1676 = tpu.vector_load %arg9[%parallel_loop3A_1673, %parallel_loop3A_1674, %parallel_loop3A_1675] {strides = array<i32>} : memref<8x32x128xf32, #tpu.memory_space<vmem>>, vector<16xf32>,
        tpu.vector_store %arg9[%parallel_loop3A_1673, %parallel_loop3A_1674, %parallel_loop3A_1675], %parallel_loop3A_1653 {strides = array<i32>} : memref<8x32x128xf32, #tpu.memory_space<vmem>>, vector<16xf32>,
        %parallel_loop3A_1677 = arith.constant 25 : i32
        %parallel_loop3A_1678 = vector.broadcast %parallel_loop3A_1677 : i32 to vector<16xi32>
        %parallel_loop3A_1679 = arith.addi %parallel_loop3A_1464, %parallel_loop3A_1678 : vector<16xi32>
        %parallel_loop3A_1680 = tpu.vector_load_idx %arg6[%parallel_loop3A_1679] : memref<672xf32, #tpu.memory_space<vmem>>[vector<16xi32>], vector<16xf32>,
        %parallel_loop3A_1681 = arith.constant 23 : i32
        %parallel_loop3A_1682 = arith.index_cast %parallel_loop3A_1445 : i32 to index
        %parallel_loop3A_1683 = arith.index_cast %parallel_loop3A_1681 : i32 to index
        %parallel_loop3A_1684 = arith.index_cast %parallel_loop3A_1449 : i32 to index
        %parallel_loop3A_1685 = tpu.vector_load %arg9[%parallel_loop3A_1682, %parallel_loop3A_1683, %parallel_loop3A_1684] {strides = array<i32>} : memref<8x32x128xf32, #tpu.memory_space<vmem>>, vector<16xf32>,
        tpu.vector_store %arg9[%parallel_loop3A_1682, %parallel_loop3A_1683, %parallel_loop3A_1684], %parallel_loop3A_1662 {strides = array<i32>} : memref<8x32x128xf32, #tpu.memory_space<vmem>>, vector<16xf32>,
        %parallel_loop3A_1686 = arith.constant 26 : i32
        %parallel_loop3A_1687 = vector.broadcast %parallel_loop3A_1686 : i32 to vector<16xi32>
        %parallel_loop3A_1688 = arith.addi %parallel_loop3A_1464, %parallel_loop3A_1687 : vector<16xi32>
        %parallel_loop3A_1689 = tpu.vector_load_idx %arg6[%parallel_loop3A_1688] : memref<672xf32, #tpu.memory_space<vmem>>[vector<16xi32>], vector<16xf32>,
        %parallel_loop3A_1690 = arith.constant 24 : i32
        %parallel_loop3A_1691 = arith.index_cast %parallel_loop3A_1445 : i32 to index
        %parallel_loop3A_1692 = arith.index_cast %parallel_loop3A_1690 : i32 to index
        %parallel_loop3A_1693 = arith.index_cast %parallel_loop3A_1449 : i32 to index
        %parallel_loop3A_1694 = tpu.vector_load %arg9[%parallel_loop3A_1691, %parallel_loop3A_1692, %parallel_loop3A_1693] {strides = array<i32>} : memref<8x32x128xf32, #tpu.memory_space<vmem>>, vector<16xf32>,
        tpu.vector_store %arg9[%parallel_loop3A_1691, %parallel_loop3A_1692, %parallel_loop3A_1693], %parallel_loop3A_1671 {strides = array<i32>} : memref<8x32x128xf32, #tpu.memory_space<vmem>>, vector<16xf32>,
        %parallel_loop3A_1695 = arith.constant 27 : i32
        %parallel_loop3A_1696 = vector.broadcast %parallel_loop3A_1695 : i32 to vector<16xi32>
        %parallel_loop3A_1697 = arith.addi %parallel_loop3A_1464, %parallel_loop3A_1696 : vector<16xi32>
        %parallel_loop3A_1698 = tpu.vector_load_idx %arg6[%parallel_loop3A_1697] : memref<672xf32, #tpu.memory_space<vmem>>[vector<16xi32>], vector<16xf32>,
        %parallel_loop3A_1699 = arith.constant 25 : i32
        %parallel_loop3A_1700 = arith.index_cast %parallel_loop3A_1445 : i32 to index
        %parallel_loop3A_1701 = arith.index_cast %parallel_loop3A_1699 : i32 to index
        %parallel_loop3A_1702 = arith.index_cast %parallel_loop3A_1449 : i32 to index
        %parallel_loop3A_1703 = tpu.vector_load %arg9[%parallel_loop3A_1700, %parallel_loop3A_1701, %parallel_loop3A_1702] {strides = array<i32>} : memref<8x32x128xf32, #tpu.memory_space<vmem>>, vector<16xf32>,
        tpu.vector_store %arg9[%parallel_loop3A_1700, %parallel_loop3A_1701, %parallel_loop3A_1702], %parallel_loop3A_1680 {strides = array<i32>} : memref<8x32x128xf32, #tpu.memory_space<vmem>>, vector<16xf32>,
        %parallel_loop3A_1704 = arith.constant 28 : i32
        %parallel_loop3A_1705 = vector.broadcast %parallel_loop3A_1704 : i32 to vector<16xi32>
        %parallel_loop3A_1706 = arith.addi %parallel_loop3A_1464, %parallel_loop3A_1705 : vector<16xi32>
        %parallel_loop3A_1707 = tpu.vector_load_idx %arg6[%parallel_loop3A_1706] : memref<672xf32, #tpu.memory_space<vmem>>[vector<16xi32>], vector<16xf32>,
        %parallel_loop3A_1708 = arith.constant 26 : i32
        %parallel_loop3A_1709 = arith.index_cast %parallel_loop3A_1445 : i32 to index
        %parallel_loop3A_1710 = arith.index_cast %parallel_loop3A_1708 : i32 to index
        %parallel_loop3A_1711 = arith.index_cast %parallel_loop3A_1449 : i32 to index
        %parallel_loop3A_1712 = tpu.vector_load %arg9[%parallel_loop3A_1709, %parallel_loop3A_1710, %parallel_loop3A_1711] {strides = array<i32>} : memref<8x32x128xf32, #tpu.memory_space<vmem>>, vector<16xf32>,
        tpu.vector_store %arg9[%parallel_loop3A_1709, %parallel_loop3A_1710, %parallel_loop3A_1711], %parallel_loop3A_1689 {strides = array<i32>} : memref<8x32x128xf32, #tpu.memory_space<vmem>>, vector<16xf32>,
        %parallel_loop3A_1713 = arith.constant 29 : i32
        %parallel_loop3A_1714 = vector.broadcast %parallel_loop3A_1713 : i32 to vector<16xi32>
        %parallel_loop3A_1715 = arith.addi %parallel_loop3A_1464, %parallel_loop3A_1714 : vector<16xi32>
        %parallel_loop3A_1716 = tpu.vector_load_idx %arg6[%parallel_loop3A_1715] : memref<672xf32, #tpu.memory_space<vmem>>[vector<16xi32>], vector<16xf32>,
        %parallel_loop3A_1717 = arith.constant 27 : i32
        %parallel_loop3A_1718 = arith.index_cast %parallel_loop3A_1445 : i32 to index
        %parallel_loop3A_1719 = arith.index_cast %parallel_loop3A_1717 : i32 to index
        %parallel_loop3A_1720 = arith.index_cast %parallel_loop3A_1449 : i32 to index
        %parallel_loop3A_1721 = tpu.vector_load %arg9[%parallel_loop3A_1718, %parallel_loop3A_1719, %parallel_loop3A_1720] {strides = array<i32>} : memref<8x32x128xf32, #tpu.memory_space<vmem>>, vector<16xf32>,
        tpu.vector_store %arg9[%parallel_loop3A_1718, %parallel_loop3A_1719, %parallel_loop3A_1720], %parallel_loop3A_1698 {strides = array<i32>} : memref<8x32x128xf32, #tpu.memory_space<vmem>>, vector<16xf32>,
        %parallel_loop3A_1722 = arith.constant 30 : i32
        %parallel_loop3A_1723 = vector.broadcast %parallel_loop3A_1722 : i32 to vector<16xi32>
        %parallel_loop3A_1724 = arith.addi %parallel_loop3A_1464, %parallel_loop3A_1723 : vector<16xi32>
        %parallel_loop3A_1725 = tpu.vector_load_idx %arg6[%parallel_loop3A_1724] : memref<672xf32, #tpu.memory_space<vmem>>[vector<16xi32>], vector<16xf32>,
        %parallel_loop3A_1726 = arith.constant 28 : i32
        %parallel_loop3A_1727 = arith.index_cast %parallel_loop3A_1445 : i32 to index
        %parallel_loop3A_1728 = arith.index_cast %parallel_loop3A_1726 : i32 to index
        %parallel_loop3A_1729 = arith.index_cast %parallel_loop3A_1449 : i32 to index
        %parallel_loop3A_1730 = tpu.vector_load %arg9[%parallel_loop3A_1727, %parallel_loop3A_1728, %parallel_loop3A_1729] {strides = array<i32>} : memref<8x32x128xf32, #tpu.memory_space<vmem>>, vector<16xf32>,
        tpu.vector_store %arg9[%parallel_loop3A_1727, %parallel_loop3A_1728, %parallel_loop3A_1729], %parallel_loop3A_1707 {strides = array<i32>} : memref<8x32x128xf32, #tpu.memory_space<vmem>>, vector<16xf32>,
        %parallel_loop3A_1731 = arith.constant 31 : i32
        %parallel_loop3A_1732 = vector.broadcast %parallel_loop3A_1731 : i32 to vector<16xi32>
        %parallel_loop3A_1733 = arith.addi %parallel_loop3A_1464, %parallel_loop3A_1732 : vector<16xi32>
        %parallel_loop3A_1734 = tpu.vector_load_idx %arg6[%parallel_loop3A_1733] : memref<672xf32, #tpu.memory_space<vmem>>[vector<16xi32>], vector<16xf32>,
        %parallel_loop3A_1735 = arith.constant 29 : i32
        %parallel_loop3A_1736 = arith.index_cast %parallel_loop3A_1445 : i32 to index
        %parallel_loop3A_1737 = arith.index_cast %parallel_loop3A_1735 : i32 to index
        %parallel_loop3A_1738 = arith.index_cast %parallel_loop3A_1449 : i32 to index
        %parallel_loop3A_1739 = tpu.vector_load %arg9[%parallel_loop3A_1736, %parallel_loop3A_1737, %parallel_loop3A_1738] {strides = array<i32>} : memref<8x32x128xf32, #tpu.memory_space<vmem>>, vector<16xf32>,
        tpu.vector_store %arg9[%parallel_loop3A_1736, %parallel_loop3A_1737, %parallel_loop3A_1738], %parallel_loop3A_1716 {strides = array<i32>} : memref<8x32x128xf32, #tpu.memory_space<vmem>>, vector<16xf32>,
        %parallel_loop3A_1740 = arith.constant 30 : i32
        %parallel_loop3A_1741 = arith.index_cast %parallel_loop3A_1445 : i32 to index
        %parallel_loop3A_1742 = arith.index_cast %parallel_loop3A_1740 : i32 to index
        %parallel_loop3A_1743 = arith.index_cast %parallel_loop3A_1449 : i32 to index
        %parallel_loop3A_1744 = tpu.vector_load %arg9[%parallel_loop3A_1741, %parallel_loop3A_1742, %parallel_loop3A_1743] {strides = array<i32>} : memref<8x32x128xf32, #tpu.memory_space<vmem>>, vector<16xf32>,
        tpu.vector_store %arg9[%parallel_loop3A_1741, %parallel_loop3A_1742, %parallel_loop3A_1743], %parallel_loop3A_1725 {strides = array<i32>} : memref<8x32x128xf32, #tpu.memory_space<vmem>>, vector<16xf32>,
        %parallel_loop3A_1745 = arith.constant 31 : i32
        %parallel_loop3A_1746 = arith.index_cast %parallel_loop3A_1445 : i32 to index
        %parallel_loop3A_1747 = arith.index_cast %parallel_loop3A_1745 : i32 to index
        %parallel_loop3A_1748 = arith.index_cast %parallel_loop3A_1449 : i32 to index
        %parallel_loop3A_1749 = tpu.vector_load %arg9[%parallel_loop3A_1746, %parallel_loop3A_1747, %parallel_loop3A_1748] {strides = array<i32>} : memref<8x32x128xf32, #tpu.memory_space<vmem>>, vector<16xf32>,
        tpu.vector_store %arg9[%parallel_loop3A_1746, %parallel_loop3A_1747, %parallel_loop3A_1748], %parallel_loop3A_1734 {strides = array<i32>} : memref<8x32x128xf32, #tpu.memory_space<vmem>>, vector<16xf32>,
      } {sc.loop_unroll_factor = 2 : i64, sc.parallel_access}
      %jit3A_1143 = arith.constant 32 : i32
      %div3A_1144 = arith.divsi %add3A_1042, %jit3A_1143 : i32
      %sign3A_1145 = arith.constant 0 : i32
      %sign3A_1146 = arith.cmpi sgt, %add3A_1042, %sign3A_1145 : i32
      %sign3A_1147 = arith.extui %sign3A_1146 : i1 to i32
      %sign3A_1148 = arith.constant 0 : i32
      %sign3A_1149 = arith.cmpi slt, %add3A_1042, %sign3A_1148 : i32
      %sign3A_1150 = arith.extui %sign3A_1149 : i1 to i32
      %sign3A_1151 = arith.subi %sign3A_1147, %sign3A_1150 : i32
      %sign3A_1152 = arith.constant 0 : i32
      %sign3A_1153 = arith.cmpi sgt, %jit3A_1143, %sign3A_1152 : i32
      %sign3A_1154 = arith.extui %sign3A_1153 : i1 to i32
      %sign3A_1155 = arith.constant 0 : i32
      %sign3A_1156 = arith.cmpi slt, %jit3A_1143, %sign3A_1155 : i32
      %sign3A_1157 = arith.extui %sign3A_1156 : i1 to i32
      %sign3A_1158 = arith.subi %sign3A_1154, %sign3A_1157 : i32
      %ne3A_1159 = arith.cmpi ne, %sign3A_1151, %sign3A_1158 : i32
      %rem3A_1160 = arith.remsi %add3A_1042, %jit3A_1143 : i32
      %ne3A_1161 = arith.constant 0 : i32
      %ne3A_1162 = arith.cmpi ne, %rem3A_1160, %ne3A_1161 : i32
      %and3A_1163 = arith.andi %ne3A_1159, %ne3A_1162 : i1
      %sub3A_1164 = arith.constant 1 : i32
      %sub3A_1165 = arith.subi %div3A_1144, %sub3A_1164 : i32
      %select_n3A_1166 = arith.select %and3A_1163, %sub3A_1165, %div3A_1144 : i32
      %jit3A_1167 = arith.constant 32 : i32
      %eq3A_1168 = arith.constant 0 : i32
      %eq3A_1169 = arith.cmpi eq, %jit3A_1167, %eq3A_1168 : i32
      %jit3A_1170 = arith.constant 1 : i32
      %select_n3A_1171 = arith.select %eq3A_1169, %jit3A_1170, %jit3A_1167 : i32
      %rem3A_1172 = arith.remsi %add3A_1042, %select_n3A_1171 : i32
      %ne3A_1173 = arith.constant 0 : i32
      %ne3A_1174 = arith.cmpi ne, %rem3A_1172, %ne3A_1173 : i32
      %lt3A_1175 = arith.constant 0 : i32
      %lt3A_1176 = arith.cmpi slt, %rem3A_1172, %lt3A_1175 : i32
      %lt3A_1177 = arith.constant 0 : i32
      %lt3A_1178 = arith.cmpi slt, %select_n3A_1171, %lt3A_1177 : i32
      %ne3A_1179 = arith.xori %lt3A_1176, %lt3A_1178 : i1
      %and3A_1180 = arith.andi %ne3A_1179, %ne3A_1174 : i1
      %add3A_1181 = arith.addi %rem3A_1172, %select_n3A_1171 : i32
      %select_n3A_1182 = arith.select %and3A_1180, %add3A_1181, %rem3A_1172 : i32
      %mul3A_1183 = arith.constant 8 : i32
      %mul3A_1184 = arith.muli %select_n3A_1166, %mul3A_1183 : i32
      %mul3A_1185 = arith.constant 128 : i32
      %mul3A_1186 = arith.muli %select_n3A_1182, %mul3A_1185 : i32
      %dma_start3A_1187 = arith.constant 0 : i32
      %dma_start3A_1188 = tpu.memref_slice %arg4[%mul3A_1184, %dma_start3A_1187, %mul3A_1186] : memref<200x32x4096xf32, #tpu.memory_space<hbm>> -> memref<8x32x128xf32, #tpu.memory_space<hbm>>
      %dma_start3A_1189 = arith.constant 0 : i32
      %dma_start3A_1190 = tpu.memref_slice %arg4[%mul3A_1184, %dma_start3A_1189, %mul3A_1186] : memref<200x32x4096xf32, #tpu.memory_space<hbm>> -> memref<8x32x128xf32, #tpu.memory_space<hbm>>
      tpu.enqueue_dma source(%arg9 : memref<8x32x128xf32, #tpu.memory_space<vmem>>) target(%dma_start3A_1190 : memref<8x32x128xf32, #tpu.memory_space<hbm>>) target_semaphore(%arg11 : memref<!tpu.dma_semaphore, #tpu.memory_space<semaphore_mem>>)
      %add3A_1191 = arith.constant 2 : i32
      %add3A_1192 = arith.addi %add3A_1042, %add3A_1191 : i32
      %min3A_1193 = arith.minsi %add3A_1192, %sub3A_5 : i32
      %jit3A_1194 = arith.constant 32 : i32
      %div3A_1195 = arith.divsi %min3A_1193, %jit3A_1194 : i32
      %sign3A_1196 = arith.constant 0 : i32
      %sign3A_1197 = arith.cmpi sgt, %min3A_1193, %sign3A_1196 : i32
      %sign3A_1198 = arith.extui %sign3A_1197 : i1 to i32
      %sign3A_1199 = arith.constant 0 : i32
      %sign3A_1200 = arith.cmpi slt, %min3A_1193, %sign3A_1199 : i32
      %sign3A_1201 = arith.extui %sign3A_1200 : i1 to i32
      %sign3A_1202 = arith.subi %sign3A_1198, %sign3A_1201 : i32
      %sign3A_1203 = arith.constant 0 : i32
      %sign3A_1204 = arith.cmpi sgt, %jit3A_1194, %sign3A_1203 : i32
      %sign3A_1205 = arith.extui %sign3A_1204 : i1 to i32
      %sign3A_1206 = arith.constant 0 : i32
      %sign3A_1207 = arith.cmpi slt, %jit3A_1194, %sign3A_1206 : i32
      %sign3A_1208 = arith.extui %sign3A_1207 : i1 to i32
      %sign3A_1209 = arith.subi %sign3A_1205, %sign3A_1208 : i32
      %ne3A_1210 = arith.cmpi ne, %sign3A_1202, %sign3A_1209 : i32
      %rem3A_1211 = arith.remsi %min3A_1193, %jit3A_1194 : i32
      %ne3A_1212 = arith.constant 0 : i32
      %ne3A_1213 = arith.cmpi ne, %rem3A_1211, %ne3A_1212 : i32
      %and3A_1214 = arith.andi %ne3A_1210, %ne3A_1213 : i1
      %sub3A_1215 = arith.constant 1 : i32
      %sub3A_1216 = arith.subi %div3A_1195, %sub3A_1215 : i32
      %select_n3A_1217 = arith.select %and3A_1214, %sub3A_1216, %div3A_1195 : i32
      %jit3A_1218 = arith.constant 32 : i32
      %eq3A_1219 = arith.constant 0 : i32
      %eq3A_1220 = arith.cmpi eq, %jit3A_1218, %eq3A_1219 : i32
      %jit3A_1221 = arith.constant 1 : i32
      %select_n3A_1222 = arith.select %eq3A_1220, %jit3A_1221, %jit3A_1218 : i32
      %rem3A_1223 = arith.remsi %min3A_1193, %select_n3A_1222 : i32
      %ne3A_1224 = arith.constant 0 : i32
      %ne3A_1225 = arith.cmpi ne, %rem3A_1223, %ne3A_1224 : i32
      %lt3A_1226 = arith.constant 0 : i32
      %lt3A_1227 = arith.cmpi slt, %rem3A_1223, %lt3A_1226 : i32
      %lt3A_1228 = arith.constant 0 : i32
      %lt3A_1229 = arith.cmpi slt, %select_n3A_1222, %lt3A_1228 : i32
      %ne3A_1230 = arith.xori %lt3A_1227, %lt3A_1229 : i1
      %and3A_1231 = arith.andi %ne3A_1230, %ne3A_1225 : i1
      %add3A_1232 = arith.addi %rem3A_1223, %select_n3A_1222 : i32
      %select_n3A_1233 = arith.select %and3A_1231, %add3A_1232, %rem3A_1223 : i32
      %mul3A_1234 = arith.constant 8 : i32
      %mul3A_1235 = arith.muli %select_n3A_1217, %mul3A_1234 : i32
      %mul3A_1236 = arith.constant 128 : i32
      %mul3A_1237 = arith.muli %select_n3A_1233, %mul3A_1236 : i32
      %dma_start3A_1238 = tpu.memref_slice %arg2[%mul3A_1235, %mul3A_1237] : memref<200x4096xi32, #tpu.memory_space<hbm>> -> memref<8x128xi32, #tpu.memory_space<hbm>>
      %dma_start3A_1239 = tpu.memref_slice %arg2[%mul3A_1235, %mul3A_1237] : memref<200x4096xi32, #tpu.memory_space<hbm>> -> memref<8x128xi32, #tpu.memory_space<hbm>>
      tpu.enqueue_dma source(%dma_start3A_1239 : memref<8x128xi32, #tpu.memory_space<hbm>>) target(%arg7 : memref<8x128xi32, #tpu.memory_space<vmem>>) target_semaphore(%arg13 : memref<!tpu.dma_semaphore, #tpu.memory_space<semaphore_mem>>)
      %mul3A_1240 = arith.constant 2 : i32
      %mul3A_1241 = arith.muli %scan3A_1036, %mul3A_1240 : i32
      %add3A_1242 = arith.addi %mul3A_2, %mul3A_1241 : i32
      %add3A_1243 = arith.constant 1 : i32
      %add3A_1244 = arith.addi %add3A_1242, %add3A_1243 : i32
      %sub3A_1245 = arith.constant 2 : i32
      %sub3A_1246 = arith.subi %add3A_1244, %sub3A_1245 : i32
      %jit3A_1247 = arith.constant 32 : i32
      %div3A_1248 = arith.divsi %sub3A_1246, %jit3A_1247 : i32
      %sign3A_1249 = arith.constant 0 : i32
      %sign3A_1250 = arith.cmpi sgt, %sub3A_1246, %sign3A_1249 : i32
      %sign3A_1251 = arith.extui %sign3A_1250 : i1 to i32
      %sign3A_1252 = arith.constant 0 : i32
      %sign3A_1253 = arith.cmpi slt, %sub3A_1246, %sign3A_1252 : i32
      %sign3A_1254 = arith.extui %sign3A_1253 : i1 to i32
      %sign3A_1255 = arith.subi %sign3A_1251, %sign3A_1254 : i32
      %sign3A_1256 = arith.constant 0 : i32
      %sign3A_1257 = arith.cmpi sgt, %jit3A_1247, %sign3A_1256 : i32
      %sign3A_1258 = arith.extui %sign3A_1257 : i1 to i32
      %sign3A_1259 = arith.constant 0 : i32
      %sign3A_1260 = arith.cmpi slt, %jit3A_1247, %sign3A_1259 : i32
      %sign3A_1261 = arith.extui %sign3A_1260 : i1 to i32
      %sign3A_1262 = arith.subi %sign3A_1258, %sign3A_1261 : i32
      %ne3A_1263 = arith.cmpi ne, %sign3A_1255, %sign3A_1262 : i32
      %rem3A_1264 = arith.remsi %sub3A_1246, %jit3A_1247 : i32
      %ne3A_1265 = arith.constant 0 : i32
      %ne3A_1266 = arith.cmpi ne, %rem3A_1264, %ne3A_1265 : i32
      %and3A_1267 = arith.andi %ne3A_1263, %ne3A_1266 : i1
      %sub3A_1268 = arith.constant 1 : i32
      %sub3A_1269 = arith.subi %div3A_1248, %sub3A_1268 : i32
      %select_n3A_1270 = arith.select %and3A_1267, %sub3A_1269, %div3A_1248 : i32
      %jit3A_1271 = arith.constant 32 : i32
      %eq3A_1272 = arith.constant 0 : i32
      %eq3A_1273 = arith.cmpi eq, %jit3A_1271, %eq3A_1272 : i32
      %jit3A_1274 = arith.constant 1 : i32
      %select_n3A_1275 = arith.select %eq3A_1273, %jit3A_1274, %jit3A_1271 : i32
      %rem3A_1276 = arith.remsi %sub3A_1246, %select_n3A_1275 : i32
      %ne3A_1277 = arith.constant 0 : i32
      %ne3A_1278 = arith.cmpi ne, %rem3A_1276, %ne3A_1277 : i32
      %lt3A_1279 = arith.constant 0 : i32
      %lt3A_1280 = arith.cmpi slt, %rem3A_1276, %lt3A_1279 : i32
      %lt3A_1281 = arith.constant 0 : i32
      %lt3A_1282 = arith.cmpi slt, %select_n3A_1275, %lt3A_1281 : i32
      %ne3A_1283 = arith.xori %lt3A_1280, %lt3A_1282 : i1
      %and3A_1284 = arith.andi %ne3A_1283, %ne3A_1278 : i1
      %add3A_1285 = arith.addi %rem3A_1276, %select_n3A_1275 : i32
      %select_n3A_1286 = arith.select %and3A_1284, %add3A_1285, %rem3A_1276 : i32
      %mul3A_1287 = arith.constant 8 : i32
      %mul3A_1288 = arith.muli %select_n3A_1270, %mul3A_1287 : i32
      %mul3A_1289 = arith.constant 128 : i32
      %mul3A_1290 = arith.muli %select_n3A_1286, %mul3A_1289 : i32
      %dma_wait3A_1291 = arith.constant 0 : i32
      %dma_wait3A_1292 = tpu.memref_slice %arg4[%mul3A_1288, %dma_wait3A_1291, %mul3A_1290] : memref<200x32x4096xf32, #tpu.memory_space<hbm>> -> memref<8x32x128xf32, #tpu.memory_space<hbm>>
      %dma_wait3A_1293 = arith.constant 0 : i32
      %dma_wait3A_1294 = tpu.memref_slice %arg4[%mul3A_1288, %dma_wait3A_1293, %mul3A_1290] : memref<200x32x4096xf32, #tpu.memory_space<hbm>> -> memref<8x32x128xf32, #tpu.memory_space<hbm>>
      tpu.wait_dma2 semaphore(%arg12 : memref<!tpu.dma_semaphore, #tpu.memory_space<semaphore_mem>>) src(%arg10 : memref<8x32x128xf32, #tpu.memory_space<vmem>>) dst(%dma_wait3A_1294 : memref<8x32x128xf32, #tpu.memory_space<hbm>>)
      %min3A_1295 = arith.minsi %add3A_1244, %sub3A_5 : i32
      %jit3A_1296 = arith.constant 32 : i32
      %div3A_1297 = arith.divsi %min3A_1295, %jit3A_1296 : i32
      %sign3A_1298 = arith.constant 0 : i32
      %sign3A_1299 = arith.cmpi sgt, %min3A_1295, %sign3A_1298 : i32
      %sign3A_1300 = arith.extui %sign3A_1299 : i1 to i32
      %sign3A_1301 = arith.constant 0 : i32
      %sign3A_1302 = arith.cmpi slt, %min3A_1295, %sign3A_1301 : i32
      %sign3A_1303 = arith.extui %sign3A_1302 : i1 to i32
      %sign3A_1304 = arith.subi %sign3A_1300, %sign3A_1303 : i32
      %sign3A_1305 = arith.constant 0 : i32
      %sign3A_1306 = arith.cmpi sgt, %jit3A_1296, %sign3A_1305 : i32
      %sign3A_1307 = arith.extui %sign3A_1306 : i1 to i32
      %sign3A_1308 = arith.constant 0 : i32
      %sign3A_1309 = arith.cmpi slt, %jit3A_1296, %sign3A_1308 : i32
      %sign3A_1310 = arith.extui %sign3A_1309 : i1 to i32
      %sign3A_1311 = arith.subi %sign3A_1307, %sign3A_1310 : i32
      %ne3A_1312 = arith.cmpi ne, %sign3A_1304, %sign3A_1311 : i32
      %rem3A_1313 = arith.remsi %min3A_1295, %jit3A_1296 : i32
      %ne3A_1314 = arith.constant 0 : i32
      %ne3A_1315 = arith.cmpi ne, %rem3A_1313, %ne3A_1314 : i32
      %and3A_1316 = arith.andi %ne3A_1312, %ne3A_1315 : i1
      %sub3A_1317 = arith.constant 1 : i32
      %sub3A_1318 = arith.subi %div3A_1297, %sub3A_1317 : i32
      %select_n3A_1319 = arith.select %and3A_1316, %sub3A_1318, %div3A_1297 : i32
      %jit3A_1320 = arith.constant 32 : i32
      %eq3A_1321 = arith.constant 0 : i32
      %eq3A_1322 = arith.cmpi eq, %jit3A_1320, %eq3A_1321 : i32
      %jit3A_1323 = arith.constant 1 : i32
      %select_n3A_1324 = arith.select %eq3A_1322, %jit3A_1323, %jit3A_1320 : i32
      %rem3A_1325 = arith.remsi %min3A_1295, %select_n3A_1324 : i32
      %ne3A_1326 = arith.constant 0 : i32
      %ne3A_1327 = arith.cmpi ne, %rem3A_1325, %ne3A_1326 : i32
      %lt3A_1328 = arith.constant 0 : i32
      %lt3A_1329 = arith.cmpi slt, %rem3A_1325, %lt3A_1328 : i32
      %lt3A_1330 = arith.constant 0 : i32
      %lt3A_1331 = arith.cmpi slt, %select_n3A_1324, %lt3A_1330 : i32
      %ne3A_1332 = arith.xori %lt3A_1329, %lt3A_1331 : i1
      %and3A_1333 = arith.andi %ne3A_1332, %ne3A_1327 : i1
      %add3A_1334 = arith.addi %rem3A_1325, %select_n3A_1324 : i32
      %select_n3A_1335 = arith.select %and3A_1333, %add3A_1334, %rem3A_1325 : i32
      %mul3A_1336 = arith.constant 8 : i32
      %mul3A_1337 = arith.muli %select_n3A_1319, %mul3A_1336 : i32
      %mul3A_1338 = arith.constant 128 : i32
      %mul3A_1339 = arith.muli %select_n3A_1335, %mul3A_1338 : i32
      %dma_wait3A_1340 = tpu.memref_slice %arg2[%mul3A_1337, %mul3A_1339] : memref<200x4096xi32, #tpu.memory_space<hbm>> -> memref<8x128xi32, #tpu.memory_space<hbm>>
      %dma_wait3A_1341 = tpu.memref_slice %arg2[%mul3A_1337, %mul3A_1339] : memref<200x4096xi32, #tpu.memory_space<hbm>> -> memref<8x128xi32, #tpu.memory_space<hbm>>
      tpu.wait_dma2 semaphore(%arg14 : memref<!tpu.dma_semaphore, #tpu.memory_space<semaphore_mem>>) src(%dma_wait3A_1341 : memref<8x128xi32, #tpu.memory_space<hbm>>) dst(%arg8 : memref<8x128xi32, #tpu.memory_space<vmem>>)
      %parallel_loop3A_1342 = arith.constant 0 : i32
      %parallel_loop3A_1343 = arith.constant 64 : i32
      %parallel_loop3A_1344 = arith.constant 1 : i32
      scf.for %parallel_loop3A_1443 = %parallel_loop3A_1342 to %parallel_loop3A_1343 step %parallel_loop3A_1344  : i32 {
        %parallel_loop3A_1444 = arith.constant 3 : i32
        %parallel_loop3A_1445 = arith.shrsi %parallel_loop3A_1443, %parallel_loop3A_1444 : i32
        %parallel_loop3A_1446 = arith.constant 7 : i32
        %parallel_loop3A_1447 = arith.andi %parallel_loop3A_1443, %parallel_loop3A_1446 : i32
        %parallel_loop3A_1448 = arith.constant 16 : i32
        %parallel_loop3A_1449 = arith.muli %parallel_loop3A_1447, %parallel_loop3A_1448 : i32
        %parallel_loop3A_1450 = arith.index_cast %parallel_loop3A_1445 : i32 to index
        %parallel_loop3A_1451 = arith.index_cast %parallel_loop3A_1449 : i32 to index
        %parallel_loop3A_1452 = tpu.vector_load %arg8[%parallel_loop3A_1450, %parallel_loop3A_1451] {strides = array<i32>} : memref<8x128xi32, #tpu.memory_space<vmem>>, vector<16xi32>,
        %parallel_loop3A_1453 = arith.constant 10 : i32
        %parallel_loop3A_1454 = vector.broadcast %parallel_loop3A_1453 : i32 to vector<16xi32>
        %parallel_loop3A_1455 = arith.addi %parallel_loop3A_1452, %parallel_loop3A_1454 : vector<16xi32>
        %parallel_loop3A_1456 = arith.constant 0 : i32
        %parallel_loop3A_1457 = vector.broadcast %parallel_loop3A_1456 : i32 to vector<16xi32>
        %parallel_loop3A_1458 = arith.maxsi %parallel_loop3A_1455, %parallel_loop3A_1457 : vector<16xi32>
        %parallel_loop3A_1459 = arith.constant 20 : i32
        %parallel_loop3A_1460 = vector.broadcast %parallel_loop3A_1459 : i32 to vector<16xi32>
        %parallel_loop3A_1461 = arith.minsi %parallel_loop3A_1458, %parallel_loop3A_1460 : vector<16xi32>
        %parallel_loop3A_1462 = arith.constant 32 : i32
        %parallel_loop3A_1463 = vector.broadcast %parallel_loop3A_1462 : i32 to vector<16xi32>
        %parallel_loop3A_1464 = arith.muli %parallel_loop3A_1461, %parallel_loop3A_1463 : vector<16xi32>
        %parallel_loop3A_1465 = tpu.vector_load_idx %arg6[%parallel_loop3A_1464] : memref<672xf32, #tpu.memory_space<vmem>>[vector<16xi32>], vector<16xf32>,
        %parallel_loop3A_1466 = arith.constant 1 : i32
        %parallel_loop3A_1467 = vector.broadcast %parallel_loop3A_1466 : i32 to vector<16xi32>
        %parallel_loop3A_1468 = arith.addi %parallel_loop3A_1464, %parallel_loop3A_1467 : vector<16xi32>
        %parallel_loop3A_1469 = tpu.vector_load_idx %arg6[%parallel_loop3A_1468] : memref<672xf32, #tpu.memory_space<vmem>>[vector<16xi32>], vector<16xf32>,
        %parallel_loop3A_1470 = arith.constant 2 : i32
        %parallel_loop3A_1471 = vector.broadcast %parallel_loop3A_1470 : i32 to vector<16xi32>
        %parallel_loop3A_1472 = arith.addi %parallel_loop3A_1464, %parallel_loop3A_1471 : vector<16xi32>
        %parallel_loop3A_1473 = tpu.vector_load_idx %arg6[%parallel_loop3A_1472] : memref<672xf32, #tpu.memory_space<vmem>>[vector<16xi32>], vector<16xf32>,
        %parallel_loop3A_1474 = arith.constant 0 : i32
        %parallel_loop3A_1475 = arith.index_cast %parallel_loop3A_1445 : i32 to index
        %parallel_loop3A_1476 = arith.index_cast %parallel_loop3A_1474 : i32 to index
        %parallel_loop3A_1477 = arith.index_cast %parallel_loop3A_1449 : i32 to index
        %parallel_loop3A_1478 = tpu.vector_load %arg10[%parallel_loop3A_1475, %parallel_loop3A_1476, %parallel_loop3A_1477] {strides = array<i32>} : memref<8x32x128xf32, #tpu.memory_space<vmem>>, vector<16xf32>,
        tpu.vector_store %arg10[%parallel_loop3A_1475, %parallel_loop3A_1476, %parallel_loop3A_1477], %parallel_loop3A_1465 {strides = array<i32>} : memref<8x32x128xf32, #tpu.memory_space<vmem>>, vector<16xf32>,
        %parallel_loop3A_1479 = arith.constant 3 : i32
        %parallel_loop3A_1480 = vector.broadcast %parallel_loop3A_1479 : i32 to vector<16xi32>
        %parallel_loop3A_1481 = arith.addi %parallel_loop3A_1464, %parallel_loop3A_1480 : vector<16xi32>
        %parallel_loop3A_1482 = tpu.vector_load_idx %arg6[%parallel_loop3A_1481] : memref<672xf32, #tpu.memory_space<vmem>>[vector<16xi32>], vector<16xf32>,
        %parallel_loop3A_1483 = arith.constant 1 : i32
        %parallel_loop3A_1484 = arith.index_cast %parallel_loop3A_1445 : i32 to index
        %parallel_loop3A_1485 = arith.index_cast %parallel_loop3A_1483 : i32 to index
        %parallel_loop3A_1486 = arith.index_cast %parallel_loop3A_1449 : i32 to index
        %parallel_loop3A_1487 = tpu.vector_load %arg10[%parallel_loop3A_1484, %parallel_loop3A_1485, %parallel_loop3A_1486] {strides = array<i32>} : memref<8x32x128xf32, #tpu.memory_space<vmem>>, vector<16xf32>,
        tpu.vector_store %arg10[%parallel_loop3A_1484, %parallel_loop3A_1485, %parallel_loop3A_1486], %parallel_loop3A_1469 {strides = array<i32>} : memref<8x32x128xf32, #tpu.memory_space<vmem>>, vector<16xf32>,
        %parallel_loop3A_1488 = arith.constant 4 : i32
        %parallel_loop3A_1489 = vector.broadcast %parallel_loop3A_1488 : i32 to vector<16xi32>
        %parallel_loop3A_1490 = arith.addi %parallel_loop3A_1464, %parallel_loop3A_1489 : vector<16xi32>
        %parallel_loop3A_1491 = tpu.vector_load_idx %arg6[%parallel_loop3A_1490] : memref<672xf32, #tpu.memory_space<vmem>>[vector<16xi32>], vector<16xf32>,
        %parallel_loop3A_1492 = arith.constant 2 : i32
        %parallel_loop3A_1493 = arith.index_cast %parallel_loop3A_1445 : i32 to index
        %parallel_loop3A_1494 = arith.index_cast %parallel_loop3A_1492 : i32 to index
        %parallel_loop3A_1495 = arith.index_cast %parallel_loop3A_1449 : i32 to index
        %parallel_loop3A_1496 = tpu.vector_load %arg10[%parallel_loop3A_1493, %parallel_loop3A_1494, %parallel_loop3A_1495] {strides = array<i32>} : memref<8x32x128xf32, #tpu.memory_space<vmem>>, vector<16xf32>,
        tpu.vector_store %arg10[%parallel_loop3A_1493, %parallel_loop3A_1494, %parallel_loop3A_1495], %parallel_loop3A_1473 {strides = array<i32>} : memref<8x32x128xf32, #tpu.memory_space<vmem>>, vector<16xf32>,
        %parallel_loop3A_1497 = arith.constant 5 : i32
        %parallel_loop3A_1498 = vector.broadcast %parallel_loop3A_1497 : i32 to vector<16xi32>
        %parallel_loop3A_1499 = arith.addi %parallel_loop3A_1464, %parallel_loop3A_1498 : vector<16xi32>
        %parallel_loop3A_1500 = tpu.vector_load_idx %arg6[%parallel_loop3A_1499] : memref<672xf32, #tpu.memory_space<vmem>>[vector<16xi32>], vector<16xf32>,
        %parallel_loop3A_1501 = arith.constant 3 : i32
        %parallel_loop3A_1502 = arith.index_cast %parallel_loop3A_1445 : i32 to index
        %parallel_loop3A_1503 = arith.index_cast %parallel_loop3A_1501 : i32 to index
        %parallel_loop3A_1504 = arith.index_cast %parallel_loop3A_1449 : i32 to index
        %parallel_loop3A_1505 = tpu.vector_load %arg10[%parallel_loop3A_1502, %parallel_loop3A_1503, %parallel_loop3A_1504] {strides = array<i32>} : memref<8x32x128xf32, #tpu.memory_space<vmem>>, vector<16xf32>,
        tpu.vector_store %arg10[%parallel_loop3A_1502, %parallel_loop3A_1503, %parallel_loop3A_1504], %parallel_loop3A_1482 {strides = array<i32>} : memref<8x32x128xf32, #tpu.memory_space<vmem>>, vector<16xf32>,
        %parallel_loop3A_1506 = arith.constant 6 : i32
        %parallel_loop3A_1507 = vector.broadcast %parallel_loop3A_1506 : i32 to vector<16xi32>
        %parallel_loop3A_1508 = arith.addi %parallel_loop3A_1464, %parallel_loop3A_1507 : vector<16xi32>
        %parallel_loop3A_1509 = tpu.vector_load_idx %arg6[%parallel_loop3A_1508] : memref<672xf32, #tpu.memory_space<vmem>>[vector<16xi32>], vector<16xf32>,
        %parallel_loop3A_1510 = arith.constant 4 : i32
        %parallel_loop3A_1511 = arith.index_cast %parallel_loop3A_1445 : i32 to index
        %parallel_loop3A_1512 = arith.index_cast %parallel_loop3A_1510 : i32 to index
        %parallel_loop3A_1513 = arith.index_cast %parallel_loop3A_1449 : i32 to index
        %parallel_loop3A_1514 = tpu.vector_load %arg10[%parallel_loop3A_1511, %parallel_loop3A_1512, %parallel_loop3A_1513] {strides = array<i32>} : memref<8x32x128xf32, #tpu.memory_space<vmem>>, vector<16xf32>,
        tpu.vector_store %arg10[%parallel_loop3A_1511, %parallel_loop3A_1512, %parallel_loop3A_1513], %parallel_loop3A_1491 {strides = array<i32>} : memref<8x32x128xf32, #tpu.memory_space<vmem>>, vector<16xf32>,
        %parallel_loop3A_1515 = arith.constant 7 : i32
        %parallel_loop3A_1516 = vector.broadcast %parallel_loop3A_1515 : i32 to vector<16xi32>
        %parallel_loop3A_1517 = arith.addi %parallel_loop3A_1464, %parallel_loop3A_1516 : vector<16xi32>
        %parallel_loop3A_1518 = tpu.vector_load_idx %arg6[%parallel_loop3A_1517] : memref<672xf32, #tpu.memory_space<vmem>>[vector<16xi32>], vector<16xf32>,
        %parallel_loop3A_1519 = arith.constant 5 : i32
        %parallel_loop3A_1520 = arith.index_cast %parallel_loop3A_1445 : i32 to index
        %parallel_loop3A_1521 = arith.index_cast %parallel_loop3A_1519 : i32 to index
        %parallel_loop3A_1522 = arith.index_cast %parallel_loop3A_1449 : i32 to index
        %parallel_loop3A_1523 = tpu.vector_load %arg10[%parallel_loop3A_1520, %parallel_loop3A_1521, %parallel_loop3A_1522] {strides = array<i32>} : memref<8x32x128xf32, #tpu.memory_space<vmem>>, vector<16xf32>,
        tpu.vector_store %arg10[%parallel_loop3A_1520, %parallel_loop3A_1521, %parallel_loop3A_1522], %parallel_loop3A_1500 {strides = array<i32>} : memref<8x32x128xf32, #tpu.memory_space<vmem>>, vector<16xf32>,
        %parallel_loop3A_1524 = arith.constant 8 : i32
        %parallel_loop3A_1525 = vector.broadcast %parallel_loop3A_1524 : i32 to vector<16xi32>
        %parallel_loop3A_1526 = arith.addi %parallel_loop3A_1464, %parallel_loop3A_1525 : vector<16xi32>
        %parallel_loop3A_1527 = tpu.vector_load_idx %arg6[%parallel_loop3A_1526] : memref<672xf32, #tpu.memory_space<vmem>>[vector<16xi32>], vector<16xf32>,
        %parallel_loop3A_1528 = arith.constant 6 : i32
        %parallel_loop3A_1529 = arith.index_cast %parallel_loop3A_1445 : i32 to index
        %parallel_loop3A_1530 = arith.index_cast %parallel_loop3A_1528 : i32 to index
        %parallel_loop3A_1531 = arith.index_cast %parallel_loop3A_1449 : i32 to index
        %parallel_loop3A_1532 = tpu.vector_load %arg10[%parallel_loop3A_1529, %parallel_loop3A_1530, %parallel_loop3A_1531] {strides = array<i32>} : memref<8x32x128xf32, #tpu.memory_space<vmem>>, vector<16xf32>,
        tpu.vector_store %arg10[%parallel_loop3A_1529, %parallel_loop3A_1530, %parallel_loop3A_1531], %parallel_loop3A_1509 {strides = array<i32>} : memref<8x32x128xf32, #tpu.memory_space<vmem>>, vector<16xf32>,
        %parallel_loop3A_1533 = arith.constant 9 : i32
        %parallel_loop3A_1534 = vector.broadcast %parallel_loop3A_1533 : i32 to vector<16xi32>
        %parallel_loop3A_1535 = arith.addi %parallel_loop3A_1464, %parallel_loop3A_1534 : vector<16xi32>
        %parallel_loop3A_1536 = tpu.vector_load_idx %arg6[%parallel_loop3A_1535] : memref<672xf32, #tpu.memory_space<vmem>>[vector<16xi32>], vector<16xf32>,
        %parallel_loop3A_1537 = arith.constant 7 : i32
        %parallel_loop3A_1538 = arith.index_cast %parallel_loop3A_1445 : i32 to index
        %parallel_loop3A_1539 = arith.index_cast %parallel_loop3A_1537 : i32 to index
        %parallel_loop3A_1540 = arith.index_cast %parallel_loop3A_1449 : i32 to index
        %parallel_loop3A_1541 = tpu.vector_load %arg10[%parallel_loop3A_1538, %parallel_loop3A_1539, %parallel_loop3A_1540] {strides = array<i32>} : memref<8x32x128xf32, #tpu.memory_space<vmem>>, vector<16xf32>,
        tpu.vector_store %arg10[%parallel_loop3A_1538, %parallel_loop3A_1539, %parallel_loop3A_1540], %parallel_loop3A_1518 {strides = array<i32>} : memref<8x32x128xf32, #tpu.memory_space<vmem>>, vector<16xf32>,
        %parallel_loop3A_1542 = arith.constant 10 : i32
        %parallel_loop3A_1543 = vector.broadcast %parallel_loop3A_1542 : i32 to vector<16xi32>
        %parallel_loop3A_1544 = arith.addi %parallel_loop3A_1464, %parallel_loop3A_1543 : vector<16xi32>
        %parallel_loop3A_1545 = tpu.vector_load_idx %arg6[%parallel_loop3A_1544] : memref<672xf32, #tpu.memory_space<vmem>>[vector<16xi32>], vector<16xf32>,
        %parallel_loop3A_1546 = arith.constant 8 : i32
        %parallel_loop3A_1547 = arith.index_cast %parallel_loop3A_1445 : i32 to index
        %parallel_loop3A_1548 = arith.index_cast %parallel_loop3A_1546 : i32 to index
        %parallel_loop3A_1549 = arith.index_cast %parallel_loop3A_1449 : i32 to index
        %parallel_loop3A_1550 = tpu.vector_load %arg10[%parallel_loop3A_1547, %parallel_loop3A_1548, %parallel_loop3A_1549] {strides = array<i32>} : memref<8x32x128xf32, #tpu.memory_space<vmem>>, vector<16xf32>,
        tpu.vector_store %arg10[%parallel_loop3A_1547, %parallel_loop3A_1548, %parallel_loop3A_1549], %parallel_loop3A_1527 {strides = array<i32>} : memref<8x32x128xf32, #tpu.memory_space<vmem>>, vector<16xf32>,
        %parallel_loop3A_1551 = arith.constant 11 : i32
        %parallel_loop3A_1552 = vector.broadcast %parallel_loop3A_1551 : i32 to vector<16xi32>
        %parallel_loop3A_1553 = arith.addi %parallel_loop3A_1464, %parallel_loop3A_1552 : vector<16xi32>
        %parallel_loop3A_1554 = tpu.vector_load_idx %arg6[%parallel_loop3A_1553] : memref<672xf32, #tpu.memory_space<vmem>>[vector<16xi32>], vector<16xf32>,
        %parallel_loop3A_1555 = arith.constant 9 : i32
        %parallel_loop3A_1556 = arith.index_cast %parallel_loop3A_1445 : i32 to index
        %parallel_loop3A_1557 = arith.index_cast %parallel_loop3A_1555 : i32 to index
        %parallel_loop3A_1558 = arith.index_cast %parallel_loop3A_1449 : i32 to index
        %parallel_loop3A_1559 = tpu.vector_load %arg10[%parallel_loop3A_1556, %parallel_loop3A_1557, %parallel_loop3A_1558] {strides = array<i32>} : memref<8x32x128xf32, #tpu.memory_space<vmem>>, vector<16xf32>,
        tpu.vector_store %arg10[%parallel_loop3A_1556, %parallel_loop3A_1557, %parallel_loop3A_1558], %parallel_loop3A_1536 {strides = array<i32>} : memref<8x32x128xf32, #tpu.memory_space<vmem>>, vector<16xf32>,
        %parallel_loop3A_1560 = arith.constant 12 : i32
        %parallel_loop3A_1561 = vector.broadcast %parallel_loop3A_1560 : i32 to vector<16xi32>
        %parallel_loop3A_1562 = arith.addi %parallel_loop3A_1464, %parallel_loop3A_1561 : vector<16xi32>
        %parallel_loop3A_1563 = tpu.vector_load_idx %arg6[%parallel_loop3A_1562] : memref<672xf32, #tpu.memory_space<vmem>>[vector<16xi32>], vector<16xf32>,
        %parallel_loop3A_1564 = arith.constant 10 : i32
        %parallel_loop3A_1565 = arith.index_cast %parallel_loop3A_1445 : i32 to index
        %parallel_loop3A_1566 = arith.index_cast %parallel_loop3A_1564 : i32 to index
        %parallel_loop3A_1567 = arith.index_cast %parallel_loop3A_1449 : i32 to index
        %parallel_loop3A_1568 = tpu.vector_load %arg10[%parallel_loop3A_1565, %parallel_loop3A_1566, %parallel_loop3A_1567] {strides = array<i32>} : memref<8x32x128xf32, #tpu.memory_space<vmem>>, vector<16xf32>,
        tpu.vector_store %arg10[%parallel_loop3A_1565, %parallel_loop3A_1566, %parallel_loop3A_1567], %parallel_loop3A_1545 {strides = array<i32>} : memref<8x32x128xf32, #tpu.memory_space<vmem>>, vector<16xf32>,
        %parallel_loop3A_1569 = arith.constant 13 : i32
        %parallel_loop3A_1570 = vector.broadcast %parallel_loop3A_1569 : i32 to vector<16xi32>
        %parallel_loop3A_1571 = arith.addi %parallel_loop3A_1464, %parallel_loop3A_1570 : vector<16xi32>
        %parallel_loop3A_1572 = tpu.vector_load_idx %arg6[%parallel_loop3A_1571] : memref<672xf32, #tpu.memory_space<vmem>>[vector<16xi32>], vector<16xf32>,
        %parallel_loop3A_1573 = arith.constant 11 : i32
        %parallel_loop3A_1574 = arith.index_cast %parallel_loop3A_1445 : i32 to index
        %parallel_loop3A_1575 = arith.index_cast %parallel_loop3A_1573 : i32 to index
        %parallel_loop3A_1576 = arith.index_cast %parallel_loop3A_1449 : i32 to index
        %parallel_loop3A_1577 = tpu.vector_load %arg10[%parallel_loop3A_1574, %parallel_loop3A_1575, %parallel_loop3A_1576] {strides = array<i32>} : memref<8x32x128xf32, #tpu.memory_space<vmem>>, vector<16xf32>,
        tpu.vector_store %arg10[%parallel_loop3A_1574, %parallel_loop3A_1575, %parallel_loop3A_1576], %parallel_loop3A_1554 {strides = array<i32>} : memref<8x32x128xf32, #tpu.memory_space<vmem>>, vector<16xf32>,
        %parallel_loop3A_1578 = arith.constant 14 : i32
        %parallel_loop3A_1579 = vector.broadcast %parallel_loop3A_1578 : i32 to vector<16xi32>
        %parallel_loop3A_1580 = arith.addi %parallel_loop3A_1464, %parallel_loop3A_1579 : vector<16xi32>
        %parallel_loop3A_1581 = tpu.vector_load_idx %arg6[%parallel_loop3A_1580] : memref<672xf32, #tpu.memory_space<vmem>>[vector<16xi32>], vector<16xf32>,
        %parallel_loop3A_1582 = arith.constant 12 : i32
        %parallel_loop3A_1583 = arith.index_cast %parallel_loop3A_1445 : i32 to index
        %parallel_loop3A_1584 = arith.index_cast %parallel_loop3A_1582 : i32 to index
        %parallel_loop3A_1585 = arith.index_cast %parallel_loop3A_1449 : i32 to index
        %parallel_loop3A_1586 = tpu.vector_load %arg10[%parallel_loop3A_1583, %parallel_loop3A_1584, %parallel_loop3A_1585] {strides = array<i32>} : memref<8x32x128xf32, #tpu.memory_space<vmem>>, vector<16xf32>,
        tpu.vector_store %arg10[%parallel_loop3A_1583, %parallel_loop3A_1584, %parallel_loop3A_1585], %parallel_loop3A_1563 {strides = array<i32>} : memref<8x32x128xf32, #tpu.memory_space<vmem>>, vector<16xf32>,
        %parallel_loop3A_1587 = arith.constant 15 : i32
        %parallel_loop3A_1588 = vector.broadcast %parallel_loop3A_1587 : i32 to vector<16xi32>
        %parallel_loop3A_1589 = arith.addi %parallel_loop3A_1464, %parallel_loop3A_1588 : vector<16xi32>
        %parallel_loop3A_1590 = tpu.vector_load_idx %arg6[%parallel_loop3A_1589] : memref<672xf32, #tpu.memory_space<vmem>>[vector<16xi32>], vector<16xf32>,
        %parallel_loop3A_1591 = arith.constant 13 : i32
        %parallel_loop3A_1592 = arith.index_cast %parallel_loop3A_1445 : i32 to index
        %parallel_loop3A_1593 = arith.index_cast %parallel_loop3A_1591 : i32 to index
        %parallel_loop3A_1594 = arith.index_cast %parallel_loop3A_1449 : i32 to index
        %parallel_loop3A_1595 = tpu.vector_load %arg10[%parallel_loop3A_1592, %parallel_loop3A_1593, %parallel_loop3A_1594] {strides = array<i32>} : memref<8x32x128xf32, #tpu.memory_space<vmem>>, vector<16xf32>,
        tpu.vector_store %arg10[%parallel_loop3A_1592, %parallel_loop3A_1593, %parallel_loop3A_1594], %parallel_loop3A_1572 {strides = array<i32>} : memref<8x32x128xf32, #tpu.memory_space<vmem>>, vector<16xf32>,
        %parallel_loop3A_1596 = arith.constant 16 : i32
        %parallel_loop3A_1597 = vector.broadcast %parallel_loop3A_1596 : i32 to vector<16xi32>
        %parallel_loop3A_1598 = arith.addi %parallel_loop3A_1464, %parallel_loop3A_1597 : vector<16xi32>
        %parallel_loop3A_1599 = tpu.vector_load_idx %arg6[%parallel_loop3A_1598] : memref<672xf32, #tpu.memory_space<vmem>>[vector<16xi32>], vector<16xf32>,
        %parallel_loop3A_1600 = arith.constant 14 : i32
        %parallel_loop3A_1601 = arith.index_cast %parallel_loop3A_1445 : i32 to index
        %parallel_loop3A_1602 = arith.index_cast %parallel_loop3A_1600 : i32 to index
        %parallel_loop3A_1603 = arith.index_cast %parallel_loop3A_1449 : i32 to index
        %parallel_loop3A_1604 = tpu.vector_load %arg10[%parallel_loop3A_1601, %parallel_loop3A_1602, %parallel_loop3A_1603] {strides = array<i32>} : memref<8x32x128xf32, #tpu.memory_space<vmem>>, vector<16xf32>,
        tpu.vector_store %arg10[%parallel_loop3A_1601, %parallel_loop3A_1602, %parallel_loop3A_1603], %parallel_loop3A_1581 {strides = array<i32>} : memref<8x32x128xf32, #tpu.memory_space<vmem>>, vector<16xf32>,
        %parallel_loop3A_1605 = arith.constant 17 : i32
        %parallel_loop3A_1606 = vector.broadcast %parallel_loop3A_1605 : i32 to vector<16xi32>
        %parallel_loop3A_1607 = arith.addi %parallel_loop3A_1464, %parallel_loop3A_1606 : vector<16xi32>
        %parallel_loop3A_1608 = tpu.vector_load_idx %arg6[%parallel_loop3A_1607] : memref<672xf32, #tpu.memory_space<vmem>>[vector<16xi32>], vector<16xf32>,
        %parallel_loop3A_1609 = arith.constant 15 : i32
        %parallel_loop3A_1610 = arith.index_cast %parallel_loop3A_1445 : i32 to index
        %parallel_loop3A_1611 = arith.index_cast %parallel_loop3A_1609 : i32 to index
        %parallel_loop3A_1612 = arith.index_cast %parallel_loop3A_1449 : i32 to index
        %parallel_loop3A_1613 = tpu.vector_load %arg10[%parallel_loop3A_1610, %parallel_loop3A_1611, %parallel_loop3A_1612] {strides = array<i32>} : memref<8x32x128xf32, #tpu.memory_space<vmem>>, vector<16xf32>,
        tpu.vector_store %arg10[%parallel_loop3A_1610, %parallel_loop3A_1611, %parallel_loop3A_1612], %parallel_loop3A_1590 {strides = array<i32>} : memref<8x32x128xf32, #tpu.memory_space<vmem>>, vector<16xf32>,
        %parallel_loop3A_1614 = arith.constant 18 : i32
        %parallel_loop3A_1615 = vector.broadcast %parallel_loop3A_1614 : i32 to vector<16xi32>
        %parallel_loop3A_1616 = arith.addi %parallel_loop3A_1464, %parallel_loop3A_1615 : vector<16xi32>
        %parallel_loop3A_1617 = tpu.vector_load_idx %arg6[%parallel_loop3A_1616] : memref<672xf32, #tpu.memory_space<vmem>>[vector<16xi32>], vector<16xf32>,
        %parallel_loop3A_1618 = arith.constant 16 : i32
        %parallel_loop3A_1619 = arith.index_cast %parallel_loop3A_1445 : i32 to index
        %parallel_loop3A_1620 = arith.index_cast %parallel_loop3A_1618 : i32 to index
        %parallel_loop3A_1621 = arith.index_cast %parallel_loop3A_1449 : i32 to index
        %parallel_loop3A_1622 = tpu.vector_load %arg10[%parallel_loop3A_1619, %parallel_loop3A_1620, %parallel_loop3A_1621] {strides = array<i32>} : memref<8x32x128xf32, #tpu.memory_space<vmem>>, vector<16xf32>,
        tpu.vector_store %arg10[%parallel_loop3A_1619, %parallel_loop3A_1620, %parallel_loop3A_1621], %parallel_loop3A_1599 {strides = array<i32>} : memref<8x32x128xf32, #tpu.memory_space<vmem>>, vector<16xf32>,
        %parallel_loop3A_1623 = arith.constant 19 : i32
        %parallel_loop3A_1624 = vector.broadcast %parallel_loop3A_1623 : i32 to vector<16xi32>
        %parallel_loop3A_1625 = arith.addi %parallel_loop3A_1464, %parallel_loop3A_1624 : vector<16xi32>
        %parallel_loop3A_1626 = tpu.vector_load_idx %arg6[%parallel_loop3A_1625] : memref<672xf32, #tpu.memory_space<vmem>>[vector<16xi32>], vector<16xf32>,
        %parallel_loop3A_1627 = arith.constant 17 : i32
        %parallel_loop3A_1628 = arith.index_cast %parallel_loop3A_1445 : i32 to index
        %parallel_loop3A_1629 = arith.index_cast %parallel_loop3A_1627 : i32 to index
        %parallel_loop3A_1630 = arith.index_cast %parallel_loop3A_1449 : i32 to index
        %parallel_loop3A_1631 = tpu.vector_load %arg10[%parallel_loop3A_1628, %parallel_loop3A_1629, %parallel_loop3A_1630] {strides = array<i32>} : memref<8x32x128xf32, #tpu.memory_space<vmem>>, vector<16xf32>,
        tpu.vector_store %arg10[%parallel_loop3A_1628, %parallel_loop3A_1629, %parallel_loop3A_1630], %parallel_loop3A_1608 {strides = array<i32>} : memref<8x32x128xf32, #tpu.memory_space<vmem>>, vector<16xf32>,
        %parallel_loop3A_1632 = arith.constant 20 : i32
        %parallel_loop3A_1633 = vector.broadcast %parallel_loop3A_1632 : i32 to vector<16xi32>
        %parallel_loop3A_1634 = arith.addi %parallel_loop3A_1464, %parallel_loop3A_1633 : vector<16xi32>
        %parallel_loop3A_1635 = tpu.vector_load_idx %arg6[%parallel_loop3A_1634] : memref<672xf32, #tpu.memory_space<vmem>>[vector<16xi32>], vector<16xf32>,
        %parallel_loop3A_1636 = arith.constant 18 : i32
        %parallel_loop3A_1637 = arith.index_cast %parallel_loop3A_1445 : i32 to index
        %parallel_loop3A_1638 = arith.index_cast %parallel_loop3A_1636 : i32 to index
        %parallel_loop3A_1639 = arith.index_cast %parallel_loop3A_1449 : i32 to index
        %parallel_loop3A_1640 = tpu.vector_load %arg10[%parallel_loop3A_1637, %parallel_loop3A_1638, %parallel_loop3A_1639] {strides = array<i32>} : memref<8x32x128xf32, #tpu.memory_space<vmem>>, vector<16xf32>,
        tpu.vector_store %arg10[%parallel_loop3A_1637, %parallel_loop3A_1638, %parallel_loop3A_1639], %parallel_loop3A_1617 {strides = array<i32>} : memref<8x32x128xf32, #tpu.memory_space<vmem>>, vector<16xf32>,
        %parallel_loop3A_1641 = arith.constant 21 : i32
        %parallel_loop3A_1642 = vector.broadcast %parallel_loop3A_1641 : i32 to vector<16xi32>
        %parallel_loop3A_1643 = arith.addi %parallel_loop3A_1464, %parallel_loop3A_1642 : vector<16xi32>
        %parallel_loop3A_1644 = tpu.vector_load_idx %arg6[%parallel_loop3A_1643] : memref<672xf32, #tpu.memory_space<vmem>>[vector<16xi32>], vector<16xf32>,
        %parallel_loop3A_1645 = arith.constant 19 : i32
        %parallel_loop3A_1646 = arith.index_cast %parallel_loop3A_1445 : i32 to index
        %parallel_loop3A_1647 = arith.index_cast %parallel_loop3A_1645 : i32 to index
        %parallel_loop3A_1648 = arith.index_cast %parallel_loop3A_1449 : i32 to index
        %parallel_loop3A_1649 = tpu.vector_load %arg10[%parallel_loop3A_1646, %parallel_loop3A_1647, %parallel_loop3A_1648] {strides = array<i32>} : memref<8x32x128xf32, #tpu.memory_space<vmem>>, vector<16xf32>,
        tpu.vector_store %arg10[%parallel_loop3A_1646, %parallel_loop3A_1647, %parallel_loop3A_1648], %parallel_loop3A_1626 {strides = array<i32>} : memref<8x32x128xf32, #tpu.memory_space<vmem>>, vector<16xf32>,
        %parallel_loop3A_1650 = arith.constant 22 : i32
        %parallel_loop3A_1651 = vector.broadcast %parallel_loop3A_1650 : i32 to vector<16xi32>
        %parallel_loop3A_1652 = arith.addi %parallel_loop3A_1464, %parallel_loop3A_1651 : vector<16xi32>
        %parallel_loop3A_1653 = tpu.vector_load_idx %arg6[%parallel_loop3A_1652] : memref<672xf32, #tpu.memory_space<vmem>>[vector<16xi32>], vector<16xf32>,
        %parallel_loop3A_1654 = arith.constant 20 : i32
        %parallel_loop3A_1655 = arith.index_cast %parallel_loop3A_1445 : i32 to index
        %parallel_loop3A_1656 = arith.index_cast %parallel_loop3A_1654 : i32 to index
        %parallel_loop3A_1657 = arith.index_cast %parallel_loop3A_1449 : i32 to index
        %parallel_loop3A_1658 = tpu.vector_load %arg10[%parallel_loop3A_1655, %parallel_loop3A_1656, %parallel_loop3A_1657] {strides = array<i32>} : memref<8x32x128xf32, #tpu.memory_space<vmem>>, vector<16xf32>,
        tpu.vector_store %arg10[%parallel_loop3A_1655, %parallel_loop3A_1656, %parallel_loop3A_1657], %parallel_loop3A_1635 {strides = array<i32>} : memref<8x32x128xf32, #tpu.memory_space<vmem>>, vector<16xf32>,
        %parallel_loop3A_1659 = arith.constant 23 : i32
        %parallel_loop3A_1660 = vector.broadcast %parallel_loop3A_1659 : i32 to vector<16xi32>
        %parallel_loop3A_1661 = arith.addi %parallel_loop3A_1464, %parallel_loop3A_1660 : vector<16xi32>
        %parallel_loop3A_1662 = tpu.vector_load_idx %arg6[%parallel_loop3A_1661] : memref<672xf32, #tpu.memory_space<vmem>>[vector<16xi32>], vector<16xf32>,
        %parallel_loop3A_1663 = arith.constant 21 : i32
        %parallel_loop3A_1664 = arith.index_cast %parallel_loop3A_1445 : i32 to index
        %parallel_loop3A_1665 = arith.index_cast %parallel_loop3A_1663 : i32 to index
        %parallel_loop3A_1666 = arith.index_cast %parallel_loop3A_1449 : i32 to index
        %parallel_loop3A_1667 = tpu.vector_load %arg10[%parallel_loop3A_1664, %parallel_loop3A_1665, %parallel_loop3A_1666] {strides = array<i32>} : memref<8x32x128xf32, #tpu.memory_space<vmem>>, vector<16xf32>,
        tpu.vector_store %arg10[%parallel_loop3A_1664, %parallel_loop3A_1665, %parallel_loop3A_1666], %parallel_loop3A_1644 {strides = array<i32>} : memref<8x32x128xf32, #tpu.memory_space<vmem>>, vector<16xf32>,
        %parallel_loop3A_1668 = arith.constant 24 : i32
        %parallel_loop3A_1669 = vector.broadcast %parallel_loop3A_1668 : i32 to vector<16xi32>
        %parallel_loop3A_1670 = arith.addi %parallel_loop3A_1464, %parallel_loop3A_1669 : vector<16xi32>
        %parallel_loop3A_1671 = tpu.vector_load_idx %arg6[%parallel_loop3A_1670] : memref<672xf32, #tpu.memory_space<vmem>>[vector<16xi32>], vector<16xf32>,
        %parallel_loop3A_1672 = arith.constant 22 : i32
        %parallel_loop3A_1673 = arith.index_cast %parallel_loop3A_1445 : i32 to index
        %parallel_loop3A_1674 = arith.index_cast %parallel_loop3A_1672 : i32 to index
        %parallel_loop3A_1675 = arith.index_cast %parallel_loop3A_1449 : i32 to index
        %parallel_loop3A_1676 = tpu.vector_load %arg10[%parallel_loop3A_1673, %parallel_loop3A_1674, %parallel_loop3A_1675] {strides = array<i32>} : memref<8x32x128xf32, #tpu.memory_space<vmem>>, vector<16xf32>,
        tpu.vector_store %arg10[%parallel_loop3A_1673, %parallel_loop3A_1674, %parallel_loop3A_1675], %parallel_loop3A_1653 {strides = array<i32>} : memref<8x32x128xf32, #tpu.memory_space<vmem>>, vector<16xf32>,
        %parallel_loop3A_1677 = arith.constant 25 : i32
        %parallel_loop3A_1678 = vector.broadcast %parallel_loop3A_1677 : i32 to vector<16xi32>
        %parallel_loop3A_1679 = arith.addi %parallel_loop3A_1464, %parallel_loop3A_1678 : vector<16xi32>
        %parallel_loop3A_1680 = tpu.vector_load_idx %arg6[%parallel_loop3A_1679] : memref<672xf32, #tpu.memory_space<vmem>>[vector<16xi32>], vector<16xf32>,
        %parallel_loop3A_1681 = arith.constant 23 : i32
        %parallel_loop3A_1682 = arith.index_cast %parallel_loop3A_1445 : i32 to index
        %parallel_loop3A_1683 = arith.index_cast %parallel_loop3A_1681 : i32 to index
        %parallel_loop3A_1684 = arith.index_cast %parallel_loop3A_1449 : i32 to index
        %parallel_loop3A_1685 = tpu.vector_load %arg10[%parallel_loop3A_1682, %parallel_loop3A_1683, %parallel_loop3A_1684] {strides = array<i32>} : memref<8x32x128xf32, #tpu.memory_space<vmem>>, vector<16xf32>,
        tpu.vector_store %arg10[%parallel_loop3A_1682, %parallel_loop3A_1683, %parallel_loop3A_1684], %parallel_loop3A_1662 {strides = array<i32>} : memref<8x32x128xf32, #tpu.memory_space<vmem>>, vector<16xf32>,
        %parallel_loop3A_1686 = arith.constant 26 : i32
        %parallel_loop3A_1687 = vector.broadcast %parallel_loop3A_1686 : i32 to vector<16xi32>
        %parallel_loop3A_1688 = arith.addi %parallel_loop3A_1464, %parallel_loop3A_1687 : vector<16xi32>
        %parallel_loop3A_1689 = tpu.vector_load_idx %arg6[%parallel_loop3A_1688] : memref<672xf32, #tpu.memory_space<vmem>>[vector<16xi32>], vector<16xf32>,
        %parallel_loop3A_1690 = arith.constant 24 : i32
        %parallel_loop3A_1691 = arith.index_cast %parallel_loop3A_1445 : i32 to index
        %parallel_loop3A_1692 = arith.index_cast %parallel_loop3A_1690 : i32 to index
        %parallel_loop3A_1693 = arith.index_cast %parallel_loop3A_1449 : i32 to index
        %parallel_loop3A_1694 = tpu.vector_load %arg10[%parallel_loop3A_1691, %parallel_loop3A_1692, %parallel_loop3A_1693] {strides = array<i32>} : memref<8x32x128xf32, #tpu.memory_space<vmem>>, vector<16xf32>,
        tpu.vector_store %arg10[%parallel_loop3A_1691, %parallel_loop3A_1692, %parallel_loop3A_1693], %parallel_loop3A_1671 {strides = array<i32>} : memref<8x32x128xf32, #tpu.memory_space<vmem>>, vector<16xf32>,
        %parallel_loop3A_1695 = arith.constant 27 : i32
        %parallel_loop3A_1696 = vector.broadcast %parallel_loop3A_1695 : i32 to vector<16xi32>
        %parallel_loop3A_1697 = arith.addi %parallel_loop3A_1464, %parallel_loop3A_1696 : vector<16xi32>
        %parallel_loop3A_1698 = tpu.vector_load_idx %arg6[%parallel_loop3A_1697] : memref<672xf32, #tpu.memory_space<vmem>>[vector<16xi32>], vector<16xf32>,
        %parallel_loop3A_1699 = arith.constant 25 : i32
        %parallel_loop3A_1700 = arith.index_cast %parallel_loop3A_1445 : i32 to index
        %parallel_loop3A_1701 = arith.index_cast %parallel_loop3A_1699 : i32 to index
        %parallel_loop3A_1702 = arith.index_cast %parallel_loop3A_1449 : i32 to index
        %parallel_loop3A_1703 = tpu.vector_load %arg10[%parallel_loop3A_1700, %parallel_loop3A_1701, %parallel_loop3A_1702] {strides = array<i32>} : memref<8x32x128xf32, #tpu.memory_space<vmem>>, vector<16xf32>,
        tpu.vector_store %arg10[%parallel_loop3A_1700, %parallel_loop3A_1701, %parallel_loop3A_1702], %parallel_loop3A_1680 {strides = array<i32>} : memref<8x32x128xf32, #tpu.memory_space<vmem>>, vector<16xf32>,
        %parallel_loop3A_1704 = arith.constant 28 : i32
        %parallel_loop3A_1705 = vector.broadcast %parallel_loop3A_1704 : i32 to vector<16xi32>
        %parallel_loop3A_1706 = arith.addi %parallel_loop3A_1464, %parallel_loop3A_1705 : vector<16xi32>
        %parallel_loop3A_1707 = tpu.vector_load_idx %arg6[%parallel_loop3A_1706] : memref<672xf32, #tpu.memory_space<vmem>>[vector<16xi32>], vector<16xf32>,
        %parallel_loop3A_1708 = arith.constant 26 : i32
        %parallel_loop3A_1709 = arith.index_cast %parallel_loop3A_1445 : i32 to index
        %parallel_loop3A_1710 = arith.index_cast %parallel_loop3A_1708 : i32 to index
        %parallel_loop3A_1711 = arith.index_cast %parallel_loop3A_1449 : i32 to index
        %parallel_loop3A_1712 = tpu.vector_load %arg10[%parallel_loop3A_1709, %parallel_loop3A_1710, %parallel_loop3A_1711] {strides = array<i32>} : memref<8x32x128xf32, #tpu.memory_space<vmem>>, vector<16xf32>,
        tpu.vector_store %arg10[%parallel_loop3A_1709, %parallel_loop3A_1710, %parallel_loop3A_1711], %parallel_loop3A_1689 {strides = array<i32>} : memref<8x32x128xf32, #tpu.memory_space<vmem>>, vector<16xf32>,
        %parallel_loop3A_1713 = arith.constant 29 : i32
        %parallel_loop3A_1714 = vector.broadcast %parallel_loop3A_1713 : i32 to vector<16xi32>
        %parallel_loop3A_1715 = arith.addi %parallel_loop3A_1464, %parallel_loop3A_1714 : vector<16xi32>
        %parallel_loop3A_1716 = tpu.vector_load_idx %arg6[%parallel_loop3A_1715] : memref<672xf32, #tpu.memory_space<vmem>>[vector<16xi32>], vector<16xf32>,
        %parallel_loop3A_1717 = arith.constant 27 : i32
        %parallel_loop3A_1718 = arith.index_cast %parallel_loop3A_1445 : i32 to index
        %parallel_loop3A_1719 = arith.index_cast %parallel_loop3A_1717 : i32 to index
        %parallel_loop3A_1720 = arith.index_cast %parallel_loop3A_1449 : i32 to index
        %parallel_loop3A_1721 = tpu.vector_load %arg10[%parallel_loop3A_1718, %parallel_loop3A_1719, %parallel_loop3A_1720] {strides = array<i32>} : memref<8x32x128xf32, #tpu.memory_space<vmem>>, vector<16xf32>,
        tpu.vector_store %arg10[%parallel_loop3A_1718, %parallel_loop3A_1719, %parallel_loop3A_1720], %parallel_loop3A_1698 {strides = array<i32>} : memref<8x32x128xf32, #tpu.memory_space<vmem>>, vector<16xf32>,
        %parallel_loop3A_1722 = arith.constant 30 : i32
        %parallel_loop3A_1723 = vector.broadcast %parallel_loop3A_1722 : i32 to vector<16xi32>
        %parallel_loop3A_1724 = arith.addi %parallel_loop3A_1464, %parallel_loop3A_1723 : vector<16xi32>
        %parallel_loop3A_1725 = tpu.vector_load_idx %arg6[%parallel_loop3A_1724] : memref<672xf32, #tpu.memory_space<vmem>>[vector<16xi32>], vector<16xf32>,
        %parallel_loop3A_1726 = arith.constant 28 : i32
        %parallel_loop3A_1727 = arith.index_cast %parallel_loop3A_1445 : i32 to index
        %parallel_loop3A_1728 = arith.index_cast %parallel_loop3A_1726 : i32 to index
        %parallel_loop3A_1729 = arith.index_cast %parallel_loop3A_1449 : i32 to index
        %parallel_loop3A_1730 = tpu.vector_load %arg10[%parallel_loop3A_1727, %parallel_loop3A_1728, %parallel_loop3A_1729] {strides = array<i32>} : memref<8x32x128xf32, #tpu.memory_space<vmem>>, vector<16xf32>,
        tpu.vector_store %arg10[%parallel_loop3A_1727, %parallel_loop3A_1728, %parallel_loop3A_1729], %parallel_loop3A_1707 {strides = array<i32>} : memref<8x32x128xf32, #tpu.memory_space<vmem>>, vector<16xf32>,
        %parallel_loop3A_1731 = arith.constant 31 : i32
        %parallel_loop3A_1732 = vector.broadcast %parallel_loop3A_1731 : i32 to vector<16xi32>
        %parallel_loop3A_1733 = arith.addi %parallel_loop3A_1464, %parallel_loop3A_1732 : vector<16xi32>
        %parallel_loop3A_1734 = tpu.vector_load_idx %arg6[%parallel_loop3A_1733] : memref<672xf32, #tpu.memory_space<vmem>>[vector<16xi32>], vector<16xf32>,
        %parallel_loop3A_1735 = arith.constant 29 : i32
        %parallel_loop3A_1736 = arith.index_cast %parallel_loop3A_1445 : i32 to index
        %parallel_loop3A_1737 = arith.index_cast %parallel_loop3A_1735 : i32 to index
        %parallel_loop3A_1738 = arith.index_cast %parallel_loop3A_1449 : i32 to index
        %parallel_loop3A_1739 = tpu.vector_load %arg10[%parallel_loop3A_1736, %parallel_loop3A_1737, %parallel_loop3A_1738] {strides = array<i32>} : memref<8x32x128xf32, #tpu.memory_space<vmem>>, vector<16xf32>,
        tpu.vector_store %arg10[%parallel_loop3A_1736, %parallel_loop3A_1737, %parallel_loop3A_1738], %parallel_loop3A_1716 {strides = array<i32>} : memref<8x32x128xf32, #tpu.memory_space<vmem>>, vector<16xf32>,
        %parallel_loop3A_1740 = arith.constant 30 : i32
        %parallel_loop3A_1741 = arith.index_cast %parallel_loop3A_1445 : i32 to index
        %parallel_loop3A_1742 = arith.index_cast %parallel_loop3A_1740 : i32 to index
        %parallel_loop3A_1743 = arith.index_cast %parallel_loop3A_1449 : i32 to index
        %parallel_loop3A_1744 = tpu.vector_load %arg10[%parallel_loop3A_1741, %parallel_loop3A_1742, %parallel_loop3A_1743] {strides = array<i32>} : memref<8x32x128xf32, #tpu.memory_space<vmem>>, vector<16xf32>,
        tpu.vector_store %arg10[%parallel_loop3A_1741, %parallel_loop3A_1742, %parallel_loop3A_1743], %parallel_loop3A_1725 {strides = array<i32>} : memref<8x32x128xf32, #tpu.memory_space<vmem>>, vector<16xf32>,
        %parallel_loop3A_1745 = arith.constant 31 : i32
        %parallel_loop3A_1746 = arith.index_cast %parallel_loop3A_1445 : i32 to index
        %parallel_loop3A_1747 = arith.index_cast %parallel_loop3A_1745 : i32 to index
        %parallel_loop3A_1748 = arith.index_cast %parallel_loop3A_1449 : i32 to index
        %parallel_loop3A_1749 = tpu.vector_load %arg10[%parallel_loop3A_1746, %parallel_loop3A_1747, %parallel_loop3A_1748] {strides = array<i32>} : memref<8x32x128xf32, #tpu.memory_space<vmem>>, vector<16xf32>,
        tpu.vector_store %arg10[%parallel_loop3A_1746, %parallel_loop3A_1747, %parallel_loop3A_1748], %parallel_loop3A_1734 {strides = array<i32>} : memref<8x32x128xf32, #tpu.memory_space<vmem>>, vector<16xf32>,
      } {sc.loop_unroll_factor = 2 : i64, sc.parallel_access}
      %jit3A_1345 = arith.constant 32 : i32
      %div3A_1346 = arith.divsi %add3A_1244, %jit3A_1345 : i32
      %sign3A_1347 = arith.constant 0 : i32
      %sign3A_1348 = arith.cmpi sgt, %add3A_1244, %sign3A_1347 : i32
      %sign3A_1349 = arith.extui %sign3A_1348 : i1 to i32
      %sign3A_1350 = arith.constant 0 : i32
      %sign3A_1351 = arith.cmpi slt, %add3A_1244, %sign3A_1350 : i32
      %sign3A_1352 = arith.extui %sign3A_1351 : i1 to i32
      %sign3A_1353 = arith.subi %sign3A_1349, %sign3A_1352 : i32
      %sign3A_1354 = arith.constant 0 : i32
      %sign3A_1355 = arith.cmpi sgt, %jit3A_1345, %sign3A_1354 : i32
      %sign3A_1356 = arith.extui %sign3A_1355 : i1 to i32
      %sign3A_1357 = arith.constant 0 : i32
      %sign3A_1358 = arith.cmpi slt, %jit3A_1345, %sign3A_1357 : i32
      %sign3A_1359 = arith.extui %sign3A_1358 : i1 to i32
      %sign3A_1360 = arith.subi %sign3A_1356, %sign3A_1359 : i32
      %ne3A_1361 = arith.cmpi ne, %sign3A_1353, %sign3A_1360 : i32
      %rem3A_1362 = arith.remsi %add3A_1244, %jit3A_1345 : i32
      %ne3A_1363 = arith.constant 0 : i32
      %ne3A_1364 = arith.cmpi ne, %rem3A_1362, %ne3A_1363 : i32
      %and3A_1365 = arith.andi %ne3A_1361, %ne3A_1364 : i1
      %sub3A_1366 = arith.constant 1 : i32
      %sub3A_1367 = arith.subi %div3A_1346, %sub3A_1366 : i32
      %select_n3A_1368 = arith.select %and3A_1365, %sub3A_1367, %div3A_1346 : i32
      %jit3A_1369 = arith.constant 32 : i32
      %eq3A_1370 = arith.constant 0 : i32
      %eq3A_1371 = arith.cmpi eq, %jit3A_1369, %eq3A_1370 : i32
      %jit3A_1372 = arith.constant 1 : i32
      %select_n3A_1373 = arith.select %eq3A_1371, %jit3A_1372, %jit3A_1369 : i32
      %rem3A_1374 = arith.remsi %add3A_1244, %select_n3A_1373 : i32
      %ne3A_1375 = arith.constant 0 : i32
      %ne3A_1376 = arith.cmpi ne, %rem3A_1374, %ne3A_1375 : i32
      %lt3A_1377 = arith.constant 0 : i32
      %lt3A_1378 = arith.cmpi slt, %rem3A_1374, %lt3A_1377 : i32
      %lt3A_1379 = arith.constant 0 : i32
      %lt3A_1380 = arith.cmpi slt, %select_n3A_1373, %lt3A_1379 : i32
      %ne3A_1381 = arith.xori %lt3A_1378, %lt3A_1380 : i1
      %and3A_1382 = arith.andi %ne3A_1381, %ne3A_1376 : i1
      %add3A_1383 = arith.addi %rem3A_1374, %select_n3A_1373 : i32
      %select_n3A_1384 = arith.select %and3A_1382, %add3A_1383, %rem3A_1374 : i32
      %mul3A_1385 = arith.constant 8 : i32
      %mul3A_1386 = arith.muli %select_n3A_1368, %mul3A_1385 : i32
      %mul3A_1387 = arith.constant 128 : i32
      %mul3A_1388 = arith.muli %select_n3A_1384, %mul3A_1387 : i32
      %dma_start3A_1389 = arith.constant 0 : i32
      %dma_start3A_1390 = tpu.memref_slice %arg4[%mul3A_1386, %dma_start3A_1389, %mul3A_1388] : memref<200x32x4096xf32, #tpu.memory_space<hbm>> -> memref<8x32x128xf32, #tpu.memory_space<hbm>>
      %dma_start3A_1391 = arith.constant 0 : i32
      %dma_start3A_1392 = tpu.memref_slice %arg4[%mul3A_1386, %dma_start3A_1391, %mul3A_1388] : memref<200x32x4096xf32, #tpu.memory_space<hbm>> -> memref<8x32x128xf32, #tpu.memory_space<hbm>>
      tpu.enqueue_dma source(%arg10 : memref<8x32x128xf32, #tpu.memory_space<vmem>>) target(%dma_start3A_1392 : memref<8x32x128xf32, #tpu.memory_space<hbm>>) target_semaphore(%arg12 : memref<!tpu.dma_semaphore, #tpu.memory_space<semaphore_mem>>)
      %add3A_1393 = arith.constant 2 : i32
      %add3A_1394 = arith.addi %add3A_1244, %add3A_1393 : i32
      %min3A_1395 = arith.minsi %add3A_1394, %sub3A_5 : i32
      %jit3A_1396 = arith.constant 32 : i32
      %div3A_1397 = arith.divsi %min3A_1395, %jit3A_1396 : i32
      %sign3A_1398 = arith.constant 0 : i32
      %sign3A_1399 = arith.cmpi sgt, %min3A_1395, %sign3A_1398 : i32
      %sign3A_1400 = arith.extui %sign3A_1399 : i1 to i32
      %sign3A_1401 = arith.constant 0 : i32
      %sign3A_1402 = arith.cmpi slt, %min3A_1395, %sign3A_1401 : i32
      %sign3A_1403 = arith.extui %sign3A_1402 : i1 to i32
      %sign3A_1404 = arith.subi %sign3A_1400, %sign3A_1403 : i32
      %sign3A_1405 = arith.constant 0 : i32
      %sign3A_1406 = arith.cmpi sgt, %jit3A_1396, %sign3A_1405 : i32
      %sign3A_1407 = arith.extui %sign3A_1406 : i1 to i32
      %sign3A_1408 = arith.constant 0 : i32
      %sign3A_1409 = arith.cmpi slt, %jit3A_1396, %sign3A_1408 : i32
      %sign3A_1410 = arith.extui %sign3A_1409 : i1 to i32
      %sign3A_1411 = arith.subi %sign3A_1407, %sign3A_1410 : i32
      %ne3A_1412 = arith.cmpi ne, %sign3A_1404, %sign3A_1411 : i32
      %rem3A_1413 = arith.remsi %min3A_1395, %jit3A_1396 : i32
      %ne3A_1414 = arith.constant 0 : i32
      %ne3A_1415 = arith.cmpi ne, %rem3A_1413, %ne3A_1414 : i32
      %and3A_1416 = arith.andi %ne3A_1412, %ne3A_1415 : i1
      %sub3A_1417 = arith.constant 1 : i32
      %sub3A_1418 = arith.subi %div3A_1397, %sub3A_1417 : i32
      %select_n3A_1419 = arith.select %and3A_1416, %sub3A_1418, %div3A_1397 : i32
      %jit3A_1420 = arith.constant 32 : i32
      %eq3A_1421 = arith.constant 0 : i32
      %eq3A_1422 = arith.cmpi eq, %jit3A_1420, %eq3A_1421 : i32
      %jit3A_1423 = arith.constant 1 : i32
      %select_n3A_1424 = arith.select %eq3A_1422, %jit3A_1423, %jit3A_1420 : i32
      %rem3A_1425 = arith.remsi %min3A_1395, %select_n3A_1424 : i32
      %ne3A_1426 = arith.constant 0 : i32
      %ne3A_1427 = arith.cmpi ne, %rem3A_1425, %ne3A_1426 : i32
      %lt3A_1428 = arith.constant 0 : i32
      %lt3A_1429 = arith.cmpi slt, %rem3A_1425, %lt3A_1428 : i32
      %lt3A_1430 = arith.constant 0 : i32
      %lt3A_1431 = arith.cmpi slt, %select_n3A_1424, %lt3A_1430 : i32
      %ne3A_1432 = arith.xori %lt3A_1429, %lt3A_1431 : i1
      %and3A_1433 = arith.andi %ne3A_1432, %ne3A_1427 : i1
      %add3A_1434 = arith.addi %rem3A_1425, %select_n3A_1424 : i32
      %select_n3A_1435 = arith.select %and3A_1433, %add3A_1434, %rem3A_1425 : i32
      %mul3A_1436 = arith.constant 8 : i32
      %mul3A_1437 = arith.muli %select_n3A_1419, %mul3A_1436 : i32
      %mul3A_1438 = arith.constant 128 : i32
      %mul3A_1439 = arith.muli %select_n3A_1435, %mul3A_1438 : i32
      %dma_start3A_1440 = tpu.memref_slice %arg2[%mul3A_1437, %mul3A_1439] : memref<200x4096xi32, #tpu.memory_space<hbm>> -> memref<8x128xi32, #tpu.memory_space<hbm>>
      %dma_start3A_1441 = tpu.memref_slice %arg2[%mul3A_1437, %mul3A_1439] : memref<200x4096xi32, #tpu.memory_space<hbm>> -> memref<8x128xi32, #tpu.memory_space<hbm>>
      tpu.enqueue_dma source(%dma_start3A_1441 : memref<8x128xi32, #tpu.memory_space<hbm>>) target(%arg8 : memref<8x128xi32, #tpu.memory_space<vmem>>) target_semaphore(%arg14 : memref<!tpu.dma_semaphore, #tpu.memory_space<semaphore_mem>>)
      %scan3A_1442 = arith.constant 0 : i32
      scf.yield %scan3A_1442 : i32
    }
    %scan3A_644 = arith.constant 11 : i32
    %add3A_645 = arith.constant 24 : i32
    %add3A_646 = arith.addi %mul3A_2, %add3A_645 : i32
    %sub3A_647 = arith.constant 2 : i32
    %sub3A_648 = arith.subi %add3A_646, %sub3A_647 : i32
    %jit3A_649 = arith.constant 32 : i32
    %div3A_650 = arith.divsi %sub3A_648, %jit3A_649 : i32
    %sign3A_651 = arith.constant 0 : i32
    %sign3A_652 = arith.cmpi sgt, %sub3A_648, %sign3A_651 : i32
    %sign3A_653 = arith.extui %sign3A_652 : i1 to i32
    %sign3A_654 = arith.constant 0 : i32
    %sign3A_655 = arith.cmpi slt, %sub3A_648, %sign3A_654 : i32
    %sign3A_656 = arith.extui %sign3A_655 : i1 to i32
    %sign3A_657 = arith.subi %sign3A_653, %sign3A_656 : i32
    %sign3A_658 = arith.constant 0 : i32
    %sign3A_659 = arith.cmpi sgt, %jit3A_649, %sign3A_658 : i32
    %sign3A_660 = arith.extui %sign3A_659 : i1 to i32
    %sign3A_661 = arith.constant 0 : i32
    %sign3A_662 = arith.cmpi slt, %jit3A_649, %sign3A_661 : i32
    %sign3A_663 = arith.extui %sign3A_662 : i1 to i32
    %sign3A_664 = arith.subi %sign3A_660, %sign3A_663 : i32
    %ne3A_665 = arith.cmpi ne, %sign3A_657, %sign3A_664 : i32
    %rem3A_666 = arith.remsi %sub3A_648, %jit3A_649 : i32
    %ne3A_667 = arith.constant 0 : i32
    %ne3A_668 = arith.cmpi ne, %rem3A_666, %ne3A_667 : i32
    %and3A_669 = arith.andi %ne3A_665, %ne3A_668 : i1
    %sub3A_670 = arith.constant 1 : i32
    %sub3A_671 = arith.subi %div3A_650, %sub3A_670 : i32
    %select_n3A_672 = arith.select %and3A_669, %sub3A_671, %div3A_650 : i32
    %jit3A_673 = arith.constant 32 : i32
    %eq3A_674 = arith.constant 0 : i32
    %eq3A_675 = arith.cmpi eq, %jit3A_673, %eq3A_674 : i32
    %jit3A_676 = arith.constant 1 : i32
    %select_n3A_677 = arith.select %eq3A_675, %jit3A_676, %jit3A_673 : i32
    %rem3A_678 = arith.remsi %sub3A_648, %select_n3A_677 : i32
    %ne3A_679 = arith.constant 0 : i32
    %ne3A_680 = arith.cmpi ne, %rem3A_678, %ne3A_679 : i32
    %lt3A_681 = arith.constant 0 : i32
    %lt3A_682 = arith.cmpi slt, %rem3A_678, %lt3A_681 : i32
    %lt3A_683 = arith.constant 0 : i32
    %lt3A_684 = arith.cmpi slt, %select_n3A_677, %lt3A_683 : i32
    %ne3A_685 = arith.xori %lt3A_682, %lt3A_684 : i1
    %and3A_686 = arith.andi %ne3A_685, %ne3A_680 : i1
    %add3A_687 = arith.addi %rem3A_678, %select_n3A_677 : i32
    %select_n3A_688 = arith.select %and3A_686, %add3A_687, %rem3A_678 : i32
    %mul3A_689 = arith.constant 8 : i32
    %mul3A_690 = arith.muli %select_n3A_672, %mul3A_689 : i32
    %mul3A_691 = arith.constant 128 : i32
    %mul3A_692 = arith.muli %select_n3A_688, %mul3A_691 : i32
    %dma_wait3A_693 = arith.constant 0 : i32
    %dma_wait3A_694 = tpu.memref_slice %arg4[%mul3A_690, %dma_wait3A_693, %mul3A_692] : memref<200x32x4096xf32, #tpu.memory_space<hbm>> -> memref<8x32x128xf32, #tpu.memory_space<hbm>>
    %dma_wait3A_695 = arith.constant 0 : i32
    %dma_wait3A_696 = tpu.memref_slice %arg4[%mul3A_690, %dma_wait3A_695, %mul3A_692] : memref<200x32x4096xf32, #tpu.memory_space<hbm>> -> memref<8x32x128xf32, #tpu.memory_space<hbm>>
    tpu.wait_dma2 semaphore(%arg11 : memref<!tpu.dma_semaphore, #tpu.memory_space<semaphore_mem>>) src(%arg9 : memref<8x32x128xf32, #tpu.memory_space<vmem>>) dst(%dma_wait3A_696 : memref<8x32x128xf32, #tpu.memory_space<hbm>>)
    %min3A_697 = arith.minsi %add3A_646, %sub3A_5 : i32
    %jit3A_698 = arith.constant 32 : i32
    %div3A_699 = arith.divsi %min3A_697, %jit3A_698 : i32
    %sign3A_700 = arith.constant 0 : i32
    %sign3A_701 = arith.cmpi sgt, %min3A_697, %sign3A_700 : i32
    %sign3A_702 = arith.extui %sign3A_701 : i1 to i32
    %sign3A_703 = arith.constant 0 : i32
    %sign3A_704 = arith.cmpi slt, %min3A_697, %sign3A_703 : i32
    %sign3A_705 = arith.extui %sign3A_704 : i1 to i32
    %sign3A_706 = arith.subi %sign3A_702, %sign3A_705 : i32
    %sign3A_707 = arith.constant 0 : i32
    %sign3A_708 = arith.cmpi sgt, %jit3A_698, %sign3A_707 : i32
    %sign3A_709 = arith.extui %sign3A_708 : i1 to i32
    %sign3A_710 = arith.constant 0 : i32
    %sign3A_711 = arith.cmpi slt, %jit3A_698, %sign3A_710 : i32
    %sign3A_712 = arith.extui %sign3A_711 : i1 to i32
    %sign3A_713 = arith.subi %sign3A_709, %sign3A_712 : i32
    %ne3A_714 = arith.cmpi ne, %sign3A_706, %sign3A_713 : i32
    %rem3A_715 = arith.remsi %min3A_697, %jit3A_698 : i32
    %ne3A_716 = arith.constant 0 : i32
    %ne3A_717 = arith.cmpi ne, %rem3A_715, %ne3A_716 : i32
    %and3A_718 = arith.andi %ne3A_714, %ne3A_717 : i1
    %sub3A_719 = arith.constant 1 : i32
    %sub3A_720 = arith.subi %div3A_699, %sub3A_719 : i32
    %select_n3A_721 = arith.select %and3A_718, %sub3A_720, %div3A_699 : i32
    %jit3A_722 = arith.constant 32 : i32
    %eq3A_723 = arith.constant 0 : i32
    %eq3A_724 = arith.cmpi eq, %jit3A_722, %eq3A_723 : i32
    %jit3A_725 = arith.constant 1 : i32
    %select_n3A_726 = arith.select %eq3A_724, %jit3A_725, %jit3A_722 : i32
    %rem3A_727 = arith.remsi %min3A_697, %select_n3A_726 : i32
    %ne3A_728 = arith.constant 0 : i32
    %ne3A_729 = arith.cmpi ne, %rem3A_727, %ne3A_728 : i32
    %lt3A_730 = arith.constant 0 : i32
    %lt3A_731 = arith.cmpi slt, %rem3A_727, %lt3A_730 : i32
    %lt3A_732 = arith.constant 0 : i32
    %lt3A_733 = arith.cmpi slt, %select_n3A_726, %lt3A_732 : i32
    %ne3A_734 = arith.xori %lt3A_731, %lt3A_733 : i1
    %and3A_735 = arith.andi %ne3A_734, %ne3A_729 : i1
    %add3A_736 = arith.addi %rem3A_727, %select_n3A_726 : i32
    %select_n3A_737 = arith.select %and3A_735, %add3A_736, %rem3A_727 : i32
    %mul3A_738 = arith.constant 8 : i32
    %mul3A_739 = arith.muli %select_n3A_721, %mul3A_738 : i32
    %mul3A_740 = arith.constant 128 : i32
    %mul3A_741 = arith.muli %select_n3A_737, %mul3A_740 : i32
    %dma_wait3A_742 = tpu.memref_slice %arg2[%mul3A_739, %mul3A_741] : memref<200x4096xi32, #tpu.memory_space<hbm>> -> memref<8x128xi32, #tpu.memory_space<hbm>>
    %dma_wait3A_743 = tpu.memref_slice %arg2[%mul3A_739, %mul3A_741] : memref<200x4096xi32, #tpu.memory_space<hbm>> -> memref<8x128xi32, #tpu.memory_space<hbm>>
    tpu.wait_dma2 semaphore(%arg13 : memref<!tpu.dma_semaphore, #tpu.memory_space<semaphore_mem>>) src(%dma_wait3A_743 : memref<8x128xi32, #tpu.memory_space<hbm>>) dst(%arg7 : memref<8x128xi32, #tpu.memory_space<vmem>>)
    %parallel_loop3A_744 = arith.constant 0 : i32
    %parallel_loop3A_745 = arith.constant 64 : i32
    %parallel_loop3A_746 = arith.constant 1 : i32
    scf.for %parallel_loop3A_1036 = %parallel_loop3A_744 to %parallel_loop3A_745 step %parallel_loop3A_746  : i32 {
      %parallel_loop3A_1037 = arith.constant 3 : i32
      %parallel_loop3A_1038 = arith.shrsi %parallel_loop3A_1036, %parallel_loop3A_1037 : i32
      %parallel_loop3A_1039 = arith.constant 7 : i32
      %parallel_loop3A_1040 = arith.andi %parallel_loop3A_1036, %parallel_loop3A_1039 : i32
      %parallel_loop3A_1041 = arith.constant 16 : i32
      %parallel_loop3A_1042 = arith.muli %parallel_loop3A_1040, %parallel_loop3A_1041 : i32
      %parallel_loop3A_1043 = arith.index_cast %parallel_loop3A_1038 : i32 to index
      %parallel_loop3A_1044 = arith.index_cast %parallel_loop3A_1042 : i32 to index
      %parallel_loop3A_1045 = tpu.vector_load %arg7[%parallel_loop3A_1043, %parallel_loop3A_1044] {strides = array<i32>} : memref<8x128xi32, #tpu.memory_space<vmem>>, vector<16xi32>,
      %parallel_loop3A_1046 = arith.constant 10 : i32
      %parallel_loop3A_1047 = vector.broadcast %parallel_loop3A_1046 : i32 to vector<16xi32>
      %parallel_loop3A_1048 = arith.addi %parallel_loop3A_1045, %parallel_loop3A_1047 : vector<16xi32>
      %parallel_loop3A_1049 = arith.constant 0 : i32
      %parallel_loop3A_1050 = vector.broadcast %parallel_loop3A_1049 : i32 to vector<16xi32>
      %parallel_loop3A_1051 = arith.maxsi %parallel_loop3A_1048, %parallel_loop3A_1050 : vector<16xi32>
      %parallel_loop3A_1052 = arith.constant 20 : i32
      %parallel_loop3A_1053 = vector.broadcast %parallel_loop3A_1052 : i32 to vector<16xi32>
      %parallel_loop3A_1054 = arith.minsi %parallel_loop3A_1051, %parallel_loop3A_1053 : vector<16xi32>
      %parallel_loop3A_1055 = arith.constant 32 : i32
      %parallel_loop3A_1056 = vector.broadcast %parallel_loop3A_1055 : i32 to vector<16xi32>
      %parallel_loop3A_1057 = arith.muli %parallel_loop3A_1054, %parallel_loop3A_1056 : vector<16xi32>
      %parallel_loop3A_1058 = tpu.vector_load_idx %arg6[%parallel_loop3A_1057] : memref<672xf32, #tpu.memory_space<vmem>>[vector<16xi32>], vector<16xf32>,
      %parallel_loop3A_1059 = arith.constant 1 : i32
      %parallel_loop3A_1060 = vector.broadcast %parallel_loop3A_1059 : i32 to vector<16xi32>
      %parallel_loop3A_1061 = arith.addi %parallel_loop3A_1057, %parallel_loop3A_1060 : vector<16xi32>
      %parallel_loop3A_1062 = tpu.vector_load_idx %arg6[%parallel_loop3A_1061] : memref<672xf32, #tpu.memory_space<vmem>>[vector<16xi32>], vector<16xf32>,
      %parallel_loop3A_1063 = arith.constant 2 : i32
      %parallel_loop3A_1064 = vector.broadcast %parallel_loop3A_1063 : i32 to vector<16xi32>
      %parallel_loop3A_1065 = arith.addi %parallel_loop3A_1057, %parallel_loop3A_1064 : vector<16xi32>
      %parallel_loop3A_1066 = tpu.vector_load_idx %arg6[%parallel_loop3A_1065] : memref<672xf32, #tpu.memory_space<vmem>>[vector<16xi32>], vector<16xf32>,
      %parallel_loop3A_1067 = arith.constant 0 : i32
      %parallel_loop3A_1068 = arith.index_cast %parallel_loop3A_1038 : i32 to index
      %parallel_loop3A_1069 = arith.index_cast %parallel_loop3A_1067 : i32 to index
      %parallel_loop3A_1070 = arith.index_cast %parallel_loop3A_1042 : i32 to index
      %parallel_loop3A_1071 = tpu.vector_load %arg9[%parallel_loop3A_1068, %parallel_loop3A_1069, %parallel_loop3A_1070] {strides = array<i32>} : memref<8x32x128xf32, #tpu.memory_space<vmem>>, vector<16xf32>,
      tpu.vector_store %arg9[%parallel_loop3A_1068, %parallel_loop3A_1069, %parallel_loop3A_1070], %parallel_loop3A_1058 {strides = array<i32>} : memref<8x32x128xf32, #tpu.memory_space<vmem>>, vector<16xf32>,
      %parallel_loop3A_1072 = arith.constant 3 : i32
      %parallel_loop3A_1073 = vector.broadcast %parallel_loop3A_1072 : i32 to vector<16xi32>
      %parallel_loop3A_1074 = arith.addi %parallel_loop3A_1057, %parallel_loop3A_1073 : vector<16xi32>
      %parallel_loop3A_1075 = tpu.vector_load_idx %arg6[%parallel_loop3A_1074] : memref<672xf32, #tpu.memory_space<vmem>>[vector<16xi32>], vector<16xf32>,
      %parallel_loop3A_1076 = arith.constant 1 : i32
      %parallel_loop3A_1077 = arith.index_cast %parallel_loop3A_1038 : i32 to index
      %parallel_loop3A_1078 = arith.index_cast %parallel_loop3A_1076 : i32 to index
      %parallel_loop3A_1079 = arith.index_cast %parallel_loop3A_1042 : i32 to index
      %parallel_loop3A_1080 = tpu.vector_load %arg9[%parallel_loop3A_1077, %parallel_loop3A_1078, %parallel_loop3A_1079] {strides = array<i32>} : memref<8x32x128xf32, #tpu.memory_space<vmem>>, vector<16xf32>,
      tpu.vector_store %arg9[%parallel_loop3A_1077, %parallel_loop3A_1078, %parallel_loop3A_1079], %parallel_loop3A_1062 {strides = array<i32>} : memref<8x32x128xf32, #tpu.memory_space<vmem>>, vector<16xf32>,
      %parallel_loop3A_1081 = arith.constant 4 : i32
      %parallel_loop3A_1082 = vector.broadcast %parallel_loop3A_1081 : i32 to vector<16xi32>
      %parallel_loop3A_1083 = arith.addi %parallel_loop3A_1057, %parallel_loop3A_1082 : vector<16xi32>
      %parallel_loop3A_1084 = tpu.vector_load_idx %arg6[%parallel_loop3A_1083] : memref<672xf32, #tpu.memory_space<vmem>>[vector<16xi32>], vector<16xf32>,
      %parallel_loop3A_1085 = arith.constant 2 : i32
      %parallel_loop3A_1086 = arith.index_cast %parallel_loop3A_1038 : i32 to index
      %parallel_loop3A_1087 = arith.index_cast %parallel_loop3A_1085 : i32 to index
      %parallel_loop3A_1088 = arith.index_cast %parallel_loop3A_1042 : i32 to index
      %parallel_loop3A_1089 = tpu.vector_load %arg9[%parallel_loop3A_1086, %parallel_loop3A_1087, %parallel_loop3A_1088] {strides = array<i32>} : memref<8x32x128xf32, #tpu.memory_space<vmem>>, vector<16xf32>,
      tpu.vector_store %arg9[%parallel_loop3A_1086, %parallel_loop3A_1087, %parallel_loop3A_1088], %parallel_loop3A_1066 {strides = array<i32>} : memref<8x32x128xf32, #tpu.memory_space<vmem>>, vector<16xf32>,
      %parallel_loop3A_1090 = arith.constant 5 : i32
      %parallel_loop3A_1091 = vector.broadcast %parallel_loop3A_1090 : i32 to vector<16xi32>
      %parallel_loop3A_1092 = arith.addi %parallel_loop3A_1057, %parallel_loop3A_1091 : vector<16xi32>
      %parallel_loop3A_1093 = tpu.vector_load_idx %arg6[%parallel_loop3A_1092] : memref<672xf32, #tpu.memory_space<vmem>>[vector<16xi32>], vector<16xf32>,
      %parallel_loop3A_1094 = arith.constant 3 : i32
      %parallel_loop3A_1095 = arith.index_cast %parallel_loop3A_1038 : i32 to index
      %parallel_loop3A_1096 = arith.index_cast %parallel_loop3A_1094 : i32 to index
      %parallel_loop3A_1097 = arith.index_cast %parallel_loop3A_1042 : i32 to index
      %parallel_loop3A_1098 = tpu.vector_load %arg9[%parallel_loop3A_1095, %parallel_loop3A_1096, %parallel_loop3A_1097] {strides = array<i32>} : memref<8x32x128xf32, #tpu.memory_space<vmem>>, vector<16xf32>,
      tpu.vector_store %arg9[%parallel_loop3A_1095, %parallel_loop3A_1096, %parallel_loop3A_1097], %parallel_loop3A_1075 {strides = array<i32>} : memref<8x32x128xf32, #tpu.memory_space<vmem>>, vector<16xf32>,
      %parallel_loop3A_1099 = arith.constant 6 : i32
      %parallel_loop3A_1100 = vector.broadcast %parallel_loop3A_1099 : i32 to vector<16xi32>
      %parallel_loop3A_1101 = arith.addi %parallel_loop3A_1057, %parallel_loop3A_1100 : vector<16xi32>
      %parallel_loop3A_1102 = tpu.vector_load_idx %arg6[%parallel_loop3A_1101] : memref<672xf32, #tpu.memory_space<vmem>>[vector<16xi32>], vector<16xf32>,
      %parallel_loop3A_1103 = arith.constant 4 : i32
      %parallel_loop3A_1104 = arith.index_cast %parallel_loop3A_1038 : i32 to index
      %parallel_loop3A_1105 = arith.index_cast %parallel_loop3A_1103 : i32 to index
      %parallel_loop3A_1106 = arith.index_cast %parallel_loop3A_1042 : i32 to index
      %parallel_loop3A_1107 = tpu.vector_load %arg9[%parallel_loop3A_1104, %parallel_loop3A_1105, %parallel_loop3A_1106] {strides = array<i32>} : memref<8x32x128xf32, #tpu.memory_space<vmem>>, vector<16xf32>,
      tpu.vector_store %arg9[%parallel_loop3A_1104, %parallel_loop3A_1105, %parallel_loop3A_1106], %parallel_loop3A_1084 {strides = array<i32>} : memref<8x32x128xf32, #tpu.memory_space<vmem>>, vector<16xf32>,
      %parallel_loop3A_1108 = arith.constant 7 : i32
      %parallel_loop3A_1109 = vector.broadcast %parallel_loop3A_1108 : i32 to vector<16xi32>
      %parallel_loop3A_1110 = arith.addi %parallel_loop3A_1057, %parallel_loop3A_1109 : vector<16xi32>
      %parallel_loop3A_1111 = tpu.vector_load_idx %arg6[%parallel_loop3A_1110] : memref<672xf32, #tpu.memory_space<vmem>>[vector<16xi32>], vector<16xf32>,
      %parallel_loop3A_1112 = arith.constant 5 : i32
      %parallel_loop3A_1113 = arith.index_cast %parallel_loop3A_1038 : i32 to index
      %parallel_loop3A_1114 = arith.index_cast %parallel_loop3A_1112 : i32 to index
      %parallel_loop3A_1115 = arith.index_cast %parallel_loop3A_1042 : i32 to index
      %parallel_loop3A_1116 = tpu.vector_load %arg9[%parallel_loop3A_1113, %parallel_loop3A_1114, %parallel_loop3A_1115] {strides = array<i32>} : memref<8x32x128xf32, #tpu.memory_space<vmem>>, vector<16xf32>,
      tpu.vector_store %arg9[%parallel_loop3A_1113, %parallel_loop3A_1114, %parallel_loop3A_1115], %parallel_loop3A_1093 {strides = array<i32>} : memref<8x32x128xf32, #tpu.memory_space<vmem>>, vector<16xf32>,
      %parallel_loop3A_1117 = arith.constant 8 : i32
      %parallel_loop3A_1118 = vector.broadcast %parallel_loop3A_1117 : i32 to vector<16xi32>
      %parallel_loop3A_1119 = arith.addi %parallel_loop3A_1057, %parallel_loop3A_1118 : vector<16xi32>
      %parallel_loop3A_1120 = tpu.vector_load_idx %arg6[%parallel_loop3A_1119] : memref<672xf32, #tpu.memory_space<vmem>>[vector<16xi32>], vector<16xf32>,
      %parallel_loop3A_1121 = arith.constant 6 : i32
      %parallel_loop3A_1122 = arith.index_cast %parallel_loop3A_1038 : i32 to index
      %parallel_loop3A_1123 = arith.index_cast %parallel_loop3A_1121 : i32 to index
      %parallel_loop3A_1124 = arith.index_cast %parallel_loop3A_1042 : i32 to index
      %parallel_loop3A_1125 = tpu.vector_load %arg9[%parallel_loop3A_1122, %parallel_loop3A_1123, %parallel_loop3A_1124] {strides = array<i32>} : memref<8x32x128xf32, #tpu.memory_space<vmem>>, vector<16xf32>,
      tpu.vector_store %arg9[%parallel_loop3A_1122, %parallel_loop3A_1123, %parallel_loop3A_1124], %parallel_loop3A_1102 {strides = array<i32>} : memref<8x32x128xf32, #tpu.memory_space<vmem>>, vector<16xf32>,
      %parallel_loop3A_1126 = arith.constant 9 : i32
      %parallel_loop3A_1127 = vector.broadcast %parallel_loop3A_1126 : i32 to vector<16xi32>
      %parallel_loop3A_1128 = arith.addi %parallel_loop3A_1057, %parallel_loop3A_1127 : vector<16xi32>
      %parallel_loop3A_1129 = tpu.vector_load_idx %arg6[%parallel_loop3A_1128] : memref<672xf32, #tpu.memory_space<vmem>>[vector<16xi32>], vector<16xf32>,
      %parallel_loop3A_1130 = arith.constant 7 : i32
      %parallel_loop3A_1131 = arith.index_cast %parallel_loop3A_1038 : i32 to index
      %parallel_loop3A_1132 = arith.index_cast %parallel_loop3A_1130 : i32 to index
      %parallel_loop3A_1133 = arith.index_cast %parallel_loop3A_1042 : i32 to index
      %parallel_loop3A_1134 = tpu.vector_load %arg9[%parallel_loop3A_1131, %parallel_loop3A_1132, %parallel_loop3A_1133] {strides = array<i32>} : memref<8x32x128xf32, #tpu.memory_space<vmem>>, vector<16xf32>,
      tpu.vector_store %arg9[%parallel_loop3A_1131, %parallel_loop3A_1132, %parallel_loop3A_1133], %parallel_loop3A_1111 {strides = array<i32>} : memref<8x32x128xf32, #tpu.memory_space<vmem>>, vector<16xf32>,
      %parallel_loop3A_1135 = arith.constant 10 : i32
      %parallel_loop3A_1136 = vector.broadcast %parallel_loop3A_1135 : i32 to vector<16xi32>
      %parallel_loop3A_1137 = arith.addi %parallel_loop3A_1057, %parallel_loop3A_1136 : vector<16xi32>
      %parallel_loop3A_1138 = tpu.vector_load_idx %arg6[%parallel_loop3A_1137] : memref<672xf32, #tpu.memory_space<vmem>>[vector<16xi32>], vector<16xf32>,
      %parallel_loop3A_1139 = arith.constant 8 : i32
      %parallel_loop3A_1140 = arith.index_cast %parallel_loop3A_1038 : i32 to index
      %parallel_loop3A_1141 = arith.index_cast %parallel_loop3A_1139 : i32 to index
      %parallel_loop3A_1142 = arith.index_cast %parallel_loop3A_1042 : i32 to index
      %parallel_loop3A_1143 = tpu.vector_load %arg9[%parallel_loop3A_1140, %parallel_loop3A_1141, %parallel_loop3A_1142] {strides = array<i32>} : memref<8x32x128xf32, #tpu.memory_space<vmem>>, vector<16xf32>,
      tpu.vector_store %arg9[%parallel_loop3A_1140, %parallel_loop3A_1141, %parallel_loop3A_1142], %parallel_loop3A_1120 {strides = array<i32>} : memref<8x32x128xf32, #tpu.memory_space<vmem>>, vector<16xf32>,
      %parallel_loop3A_1144 = arith.constant 11 : i32
      %parallel_loop3A_1145 = vector.broadcast %parallel_loop3A_1144 : i32 to vector<16xi32>
      %parallel_loop3A_1146 = arith.addi %parallel_loop3A_1057, %parallel_loop3A_1145 : vector<16xi32>
      %parallel_loop3A_1147 = tpu.vector_load_idx %arg6[%parallel_loop3A_1146] : memref<672xf32, #tpu.memory_space<vmem>>[vector<16xi32>], vector<16xf32>,
      %parallel_loop3A_1148 = arith.constant 9 : i32
      %parallel_loop3A_1149 = arith.index_cast %parallel_loop3A_1038 : i32 to index
      %parallel_loop3A_1150 = arith.index_cast %parallel_loop3A_1148 : i32 to index
      %parallel_loop3A_1151 = arith.index_cast %parallel_loop3A_1042 : i32 to index
      %parallel_loop3A_1152 = tpu.vector_load %arg9[%parallel_loop3A_1149, %parallel_loop3A_1150, %parallel_loop3A_1151] {strides = array<i32>} : memref<8x32x128xf32, #tpu.memory_space<vmem>>, vector<16xf32>,
      tpu.vector_store %arg9[%parallel_loop3A_1149, %parallel_loop3A_1150, %parallel_loop3A_1151], %parallel_loop3A_1129 {strides = array<i32>} : memref<8x32x128xf32, #tpu.memory_space<vmem>>, vector<16xf32>,
      %parallel_loop3A_1153 = arith.constant 12 : i32
      %parallel_loop3A_1154 = vector.broadcast %parallel_loop3A_1153 : i32 to vector<16xi32>
      %parallel_loop3A_1155 = arith.addi %parallel_loop3A_1057, %parallel_loop3A_1154 : vector<16xi32>
      %parallel_loop3A_1156 = tpu.vector_load_idx %arg6[%parallel_loop3A_1155] : memref<672xf32, #tpu.memory_space<vmem>>[vector<16xi32>], vector<16xf32>,
      %parallel_loop3A_1157 = arith.constant 10 : i32
      %parallel_loop3A_1158 = arith.index_cast %parallel_loop3A_1038 : i32 to index
      %parallel_loop3A_1159 = arith.index_cast %parallel_loop3A_1157 : i32 to index
      %parallel_loop3A_1160 = arith.index_cast %parallel_loop3A_1042 : i32 to index
      %parallel_loop3A_1161 = tpu.vector_load %arg9[%parallel_loop3A_1158, %parallel_loop3A_1159, %parallel_loop3A_1160] {strides = array<i32>} : memref<8x32x128xf32, #tpu.memory_space<vmem>>, vector<16xf32>,
      tpu.vector_store %arg9[%parallel_loop3A_1158, %parallel_loop3A_1159, %parallel_loop3A_1160], %parallel_loop3A_1138 {strides = array<i32>} : memref<8x32x128xf32, #tpu.memory_space<vmem>>, vector<16xf32>,
      %parallel_loop3A_1162 = arith.constant 13 : i32
      %parallel_loop3A_1163 = vector.broadcast %parallel_loop3A_1162 : i32 to vector<16xi32>
      %parallel_loop3A_1164 = arith.addi %parallel_loop3A_1057, %parallel_loop3A_1163 : vector<16xi32>
      %parallel_loop3A_1165 = tpu.vector_load_idx %arg6[%parallel_loop3A_1164] : memref<672xf32, #tpu.memory_space<vmem>>[vector<16xi32>], vector<16xf32>,
      %parallel_loop3A_1166 = arith.constant 11 : i32
      %parallel_loop3A_1167 = arith.index_cast %parallel_loop3A_1038 : i32 to index
      %parallel_loop3A_1168 = arith.index_cast %parallel_loop3A_1166 : i32 to index
      %parallel_loop3A_1169 = arith.index_cast %parallel_loop3A_1042 : i32 to index
      %parallel_loop3A_1170 = tpu.vector_load %arg9[%parallel_loop3A_1167, %parallel_loop3A_1168, %parallel_loop3A_1169] {strides = array<i32>} : memref<8x32x128xf32, #tpu.memory_space<vmem>>, vector<16xf32>,
      tpu.vector_store %arg9[%parallel_loop3A_1167, %parallel_loop3A_1168, %parallel_loop3A_1169], %parallel_loop3A_1147 {strides = array<i32>} : memref<8x32x128xf32, #tpu.memory_space<vmem>>, vector<16xf32>,
      %parallel_loop3A_1171 = arith.constant 14 : i32
      %parallel_loop3A_1172 = vector.broadcast %parallel_loop3A_1171 : i32 to vector<16xi32>
      %parallel_loop3A_1173 = arith.addi %parallel_loop3A_1057, %parallel_loop3A_1172 : vector<16xi32>
      %parallel_loop3A_1174 = tpu.vector_load_idx %arg6[%parallel_loop3A_1173] : memref<672xf32, #tpu.memory_space<vmem>>[vector<16xi32>], vector<16xf32>,
      %parallel_loop3A_1175 = arith.constant 12 : i32
      %parallel_loop3A_1176 = arith.index_cast %parallel_loop3A_1038 : i32 to index
      %parallel_loop3A_1177 = arith.index_cast %parallel_loop3A_1175 : i32 to index
      %parallel_loop3A_1178 = arith.index_cast %parallel_loop3A_1042 : i32 to index
      %parallel_loop3A_1179 = tpu.vector_load %arg9[%parallel_loop3A_1176, %parallel_loop3A_1177, %parallel_loop3A_1178] {strides = array<i32>} : memref<8x32x128xf32, #tpu.memory_space<vmem>>, vector<16xf32>,
      tpu.vector_store %arg9[%parallel_loop3A_1176, %parallel_loop3A_1177, %parallel_loop3A_1178], %parallel_loop3A_1156 {strides = array<i32>} : memref<8x32x128xf32, #tpu.memory_space<vmem>>, vector<16xf32>,
      %parallel_loop3A_1180 = arith.constant 15 : i32
      %parallel_loop3A_1181 = vector.broadcast %parallel_loop3A_1180 : i32 to vector<16xi32>
      %parallel_loop3A_1182 = arith.addi %parallel_loop3A_1057, %parallel_loop3A_1181 : vector<16xi32>
      %parallel_loop3A_1183 = tpu.vector_load_idx %arg6[%parallel_loop3A_1182] : memref<672xf32, #tpu.memory_space<vmem>>[vector<16xi32>], vector<16xf32>,
      %parallel_loop3A_1184 = arith.constant 13 : i32
      %parallel_loop3A_1185 = arith.index_cast %parallel_loop3A_1038 : i32 to index
      %parallel_loop3A_1186 = arith.index_cast %parallel_loop3A_1184 : i32 to index
      %parallel_loop3A_1187 = arith.index_cast %parallel_loop3A_1042 : i32 to index
      %parallel_loop3A_1188 = tpu.vector_load %arg9[%parallel_loop3A_1185, %parallel_loop3A_1186, %parallel_loop3A_1187] {strides = array<i32>} : memref<8x32x128xf32, #tpu.memory_space<vmem>>, vector<16xf32>,
      tpu.vector_store %arg9[%parallel_loop3A_1185, %parallel_loop3A_1186, %parallel_loop3A_1187], %parallel_loop3A_1165 {strides = array<i32>} : memref<8x32x128xf32, #tpu.memory_space<vmem>>, vector<16xf32>,
      %parallel_loop3A_1189 = arith.constant 16 : i32
      %parallel_loop3A_1190 = vector.broadcast %parallel_loop3A_1189 : i32 to vector<16xi32>
      %parallel_loop3A_1191 = arith.addi %parallel_loop3A_1057, %parallel_loop3A_1190 : vector<16xi32>
      %parallel_loop3A_1192 = tpu.vector_load_idx %arg6[%parallel_loop3A_1191] : memref<672xf32, #tpu.memory_space<vmem>>[vector<16xi32>], vector<16xf32>,
      %parallel_loop3A_1193 = arith.constant 14 : i32
      %parallel_loop3A_1194 = arith.index_cast %parallel_loop3A_1038 : i32 to index
      %parallel_loop3A_1195 = arith.index_cast %parallel_loop3A_1193 : i32 to index
      %parallel_loop3A_1196 = arith.index_cast %parallel_loop3A_1042 : i32 to index
      %parallel_loop3A_1197 = tpu.vector_load %arg9[%parallel_loop3A_1194, %parallel_loop3A_1195, %parallel_loop3A_1196] {strides = array<i32>} : memref<8x32x128xf32, #tpu.memory_space<vmem>>, vector<16xf32>,
      tpu.vector_store %arg9[%parallel_loop3A_1194, %parallel_loop3A_1195, %parallel_loop3A_1196], %parallel_loop3A_1174 {strides = array<i32>} : memref<8x32x128xf32, #tpu.memory_space<vmem>>, vector<16xf32>,
      %parallel_loop3A_1198 = arith.constant 17 : i32
      %parallel_loop3A_1199 = vector.broadcast %parallel_loop3A_1198 : i32 to vector<16xi32>
      %parallel_loop3A_1200 = arith.addi %parallel_loop3A_1057, %parallel_loop3A_1199 : vector<16xi32>
      %parallel_loop3A_1201 = tpu.vector_load_idx %arg6[%parallel_loop3A_1200] : memref<672xf32, #tpu.memory_space<vmem>>[vector<16xi32>], vector<16xf32>,
      %parallel_loop3A_1202 = arith.constant 15 : i32
      %parallel_loop3A_1203 = arith.index_cast %parallel_loop3A_1038 : i32 to index
      %parallel_loop3A_1204 = arith.index_cast %parallel_loop3A_1202 : i32 to index
      %parallel_loop3A_1205 = arith.index_cast %parallel_loop3A_1042 : i32 to index
      %parallel_loop3A_1206 = tpu.vector_load %arg9[%parallel_loop3A_1203, %parallel_loop3A_1204, %parallel_loop3A_1205] {strides = array<i32>} : memref<8x32x128xf32, #tpu.memory_space<vmem>>, vector<16xf32>,
      tpu.vector_store %arg9[%parallel_loop3A_1203, %parallel_loop3A_1204, %parallel_loop3A_1205], %parallel_loop3A_1183 {strides = array<i32>} : memref<8x32x128xf32, #tpu.memory_space<vmem>>, vector<16xf32>,
      %parallel_loop3A_1207 = arith.constant 18 : i32
      %parallel_loop3A_1208 = vector.broadcast %parallel_loop3A_1207 : i32 to vector<16xi32>
      %parallel_loop3A_1209 = arith.addi %parallel_loop3A_1057, %parallel_loop3A_1208 : vector<16xi32>
      %parallel_loop3A_1210 = tpu.vector_load_idx %arg6[%parallel_loop3A_1209] : memref<672xf32, #tpu.memory_space<vmem>>[vector<16xi32>], vector<16xf32>,
      %parallel_loop3A_1211 = arith.constant 16 : i32
      %parallel_loop3A_1212 = arith.index_cast %parallel_loop3A_1038 : i32 to index
      %parallel_loop3A_1213 = arith.index_cast %parallel_loop3A_1211 : i32 to index
      %parallel_loop3A_1214 = arith.index_cast %parallel_loop3A_1042 : i32 to index
      %parallel_loop3A_1215 = tpu.vector_load %arg9[%parallel_loop3A_1212, %parallel_loop3A_1213, %parallel_loop3A_1214] {strides = array<i32>} : memref<8x32x128xf32, #tpu.memory_space<vmem>>, vector<16xf32>,
      tpu.vector_store %arg9[%parallel_loop3A_1212, %parallel_loop3A_1213, %parallel_loop3A_1214], %parallel_loop3A_1192 {strides = array<i32>} : memref<8x32x128xf32, #tpu.memory_space<vmem>>, vector<16xf32>,
      %parallel_loop3A_1216 = arith.constant 19 : i32
      %parallel_loop3A_1217 = vector.broadcast %parallel_loop3A_1216 : i32 to vector<16xi32>
      %parallel_loop3A_1218 = arith.addi %parallel_loop3A_1057, %parallel_loop3A_1217 : vector<16xi32>
      %parallel_loop3A_1219 = tpu.vector_load_idx %arg6[%parallel_loop3A_1218] : memref<672xf32, #tpu.memory_space<vmem>>[vector<16xi32>], vector<16xf32>,
      %parallel_loop3A_1220 = arith.constant 17 : i32
      %parallel_loop3A_1221 = arith.index_cast %parallel_loop3A_1038 : i32 to index
      %parallel_loop3A_1222 = arith.index_cast %parallel_loop3A_1220 : i32 to index
      %parallel_loop3A_1223 = arith.index_cast %parallel_loop3A_1042 : i32 to index
      %parallel_loop3A_1224 = tpu.vector_load %arg9[%parallel_loop3A_1221, %parallel_loop3A_1222, %parallel_loop3A_1223] {strides = array<i32>} : memref<8x32x128xf32, #tpu.memory_space<vmem>>, vector<16xf32>,
      tpu.vector_store %arg9[%parallel_loop3A_1221, %parallel_loop3A_1222, %parallel_loop3A_1223], %parallel_loop3A_1201 {strides = array<i32>} : memref<8x32x128xf32, #tpu.memory_space<vmem>>, vector<16xf32>,
      %parallel_loop3A_1225 = arith.constant 20 : i32
      %parallel_loop3A_1226 = vector.broadcast %parallel_loop3A_1225 : i32 to vector<16xi32>
      %parallel_loop3A_1227 = arith.addi %parallel_loop3A_1057, %parallel_loop3A_1226 : vector<16xi32>
      %parallel_loop3A_1228 = tpu.vector_load_idx %arg6[%parallel_loop3A_1227] : memref<672xf32, #tpu.memory_space<vmem>>[vector<16xi32>], vector<16xf32>,
      %parallel_loop3A_1229 = arith.constant 18 : i32
      %parallel_loop3A_1230 = arith.index_cast %parallel_loop3A_1038 : i32 to index
      %parallel_loop3A_1231 = arith.index_cast %parallel_loop3A_1229 : i32 to index
      %parallel_loop3A_1232 = arith.index_cast %parallel_loop3A_1042 : i32 to index
      %parallel_loop3A_1233 = tpu.vector_load %arg9[%parallel_loop3A_1230, %parallel_loop3A_1231, %parallel_loop3A_1232] {strides = array<i32>} : memref<8x32x128xf32, #tpu.memory_space<vmem>>, vector<16xf32>,
      tpu.vector_store %arg9[%parallel_loop3A_1230, %parallel_loop3A_1231, %parallel_loop3A_1232], %parallel_loop3A_1210 {strides = array<i32>} : memref<8x32x128xf32, #tpu.memory_space<vmem>>, vector<16xf32>,
      %parallel_loop3A_1234 = arith.constant 21 : i32
      %parallel_loop3A_1235 = vector.broadcast %parallel_loop3A_1234 : i32 to vector<16xi32>
      %parallel_loop3A_1236 = arith.addi %parallel_loop3A_1057, %parallel_loop3A_1235 : vector<16xi32>
      %parallel_loop3A_1237 = tpu.vector_load_idx %arg6[%parallel_loop3A_1236] : memref<672xf32, #tpu.memory_space<vmem>>[vector<16xi32>], vector<16xf32>,
      %parallel_loop3A_1238 = arith.constant 19 : i32
      %parallel_loop3A_1239 = arith.index_cast %parallel_loop3A_1038 : i32 to index
      %parallel_loop3A_1240 = arith.index_cast %parallel_loop3A_1238 : i32 to index
      %parallel_loop3A_1241 = arith.index_cast %parallel_loop3A_1042 : i32 to index
      %parallel_loop3A_1242 = tpu.vector_load %arg9[%parallel_loop3A_1239, %parallel_loop3A_1240, %parallel_loop3A_1241] {strides = array<i32>} : memref<8x32x128xf32, #tpu.memory_space<vmem>>, vector<16xf32>,
      tpu.vector_store %arg9[%parallel_loop3A_1239, %parallel_loop3A_1240, %parallel_loop3A_1241], %parallel_loop3A_1219 {strides = array<i32>} : memref<8x32x128xf32, #tpu.memory_space<vmem>>, vector<16xf32>,
      %parallel_loop3A_1243 = arith.constant 22 : i32
      %parallel_loop3A_1244 = vector.broadcast %parallel_loop3A_1243 : i32 to vector<16xi32>
      %parallel_loop3A_1245 = arith.addi %parallel_loop3A_1057, %parallel_loop3A_1244 : vector<16xi32>
      %parallel_loop3A_1246 = tpu.vector_load_idx %arg6[%parallel_loop3A_1245] : memref<672xf32, #tpu.memory_space<vmem>>[vector<16xi32>], vector<16xf32>,
      %parallel_loop3A_1247 = arith.constant 20 : i32
      %parallel_loop3A_1248 = arith.index_cast %parallel_loop3A_1038 : i32 to index
      %parallel_loop3A_1249 = arith.index_cast %parallel_loop3A_1247 : i32 to index
      %parallel_loop3A_1250 = arith.index_cast %parallel_loop3A_1042 : i32 to index
      %parallel_loop3A_1251 = tpu.vector_load %arg9[%parallel_loop3A_1248, %parallel_loop3A_1249, %parallel_loop3A_1250] {strides = array<i32>} : memref<8x32x128xf32, #tpu.memory_space<vmem>>, vector<16xf32>,
      tpu.vector_store %arg9[%parallel_loop3A_1248, %parallel_loop3A_1249, %parallel_loop3A_1250], %parallel_loop3A_1228 {strides = array<i32>} : memref<8x32x128xf32, #tpu.memory_space<vmem>>, vector<16xf32>,
      %parallel_loop3A_1252 = arith.constant 23 : i32
      %parallel_loop3A_1253 = vector.broadcast %parallel_loop3A_1252 : i32 to vector<16xi32>
      %parallel_loop3A_1254 = arith.addi %parallel_loop3A_1057, %parallel_loop3A_1253 : vector<16xi32>
      %parallel_loop3A_1255 = tpu.vector_load_idx %arg6[%parallel_loop3A_1254] : memref<672xf32, #tpu.memory_space<vmem>>[vector<16xi32>], vector<16xf32>,
      %parallel_loop3A_1256 = arith.constant 21 : i32
      %parallel_loop3A_1257 = arith.index_cast %parallel_loop3A_1038 : i32 to index
      %parallel_loop3A_1258 = arith.index_cast %parallel_loop3A_1256 : i32 to index
      %parallel_loop3A_1259 = arith.index_cast %parallel_loop3A_1042 : i32 to index
      %parallel_loop3A_1260 = tpu.vector_load %arg9[%parallel_loop3A_1257, %parallel_loop3A_1258, %parallel_loop3A_1259] {strides = array<i32>} : memref<8x32x128xf32, #tpu.memory_space<vmem>>, vector<16xf32>,
      tpu.vector_store %arg9[%parallel_loop3A_1257, %parallel_loop3A_1258, %parallel_loop3A_1259], %parallel_loop3A_1237 {strides = array<i32>} : memref<8x32x128xf32, #tpu.memory_space<vmem>>, vector<16xf32>,
      %parallel_loop3A_1261 = arith.constant 24 : i32
      %parallel_loop3A_1262 = vector.broadcast %parallel_loop3A_1261 : i32 to vector<16xi32>
      %parallel_loop3A_1263 = arith.addi %parallel_loop3A_1057, %parallel_loop3A_1262 : vector<16xi32>
      %parallel_loop3A_1264 = tpu.vector_load_idx %arg6[%parallel_loop3A_1263] : memref<672xf32, #tpu.memory_space<vmem>>[vector<16xi32>], vector<16xf32>,
      %parallel_loop3A_1265 = arith.constant 22 : i32
      %parallel_loop3A_1266 = arith.index_cast %parallel_loop3A_1038 : i32 to index
      %parallel_loop3A_1267 = arith.index_cast %parallel_loop3A_1265 : i32 to index
      %parallel_loop3A_1268 = arith.index_cast %parallel_loop3A_1042 : i32 to index
      %parallel_loop3A_1269 = tpu.vector_load %arg9[%parallel_loop3A_1266, %parallel_loop3A_1267, %parallel_loop3A_1268] {strides = array<i32>} : memref<8x32x128xf32, #tpu.memory_space<vmem>>, vector<16xf32>,
      tpu.vector_store %arg9[%parallel_loop3A_1266, %parallel_loop3A_1267, %parallel_loop3A_1268], %parallel_loop3A_1246 {strides = array<i32>} : memref<8x32x128xf32, #tpu.memory_space<vmem>>, vector<16xf32>,
      %parallel_loop3A_1270 = arith.constant 25 : i32
      %parallel_loop3A_1271 = vector.broadcast %parallel_loop3A_1270 : i32 to vector<16xi32>
      %parallel_loop3A_1272 = arith.addi %parallel_loop3A_1057, %parallel_loop3A_1271 : vector<16xi32>
      %parallel_loop3A_1273 = tpu.vector_load_idx %arg6[%parallel_loop3A_1272] : memref<672xf32, #tpu.memory_space<vmem>>[vector<16xi32>], vector<16xf32>,
      %parallel_loop3A_1274 = arith.constant 23 : i32
      %parallel_loop3A_1275 = arith.index_cast %parallel_loop3A_1038 : i32 to index
      %parallel_loop3A_1276 = arith.index_cast %parallel_loop3A_1274 : i32 to index
      %parallel_loop3A_1277 = arith.index_cast %parallel_loop3A_1042 : i32 to index
      %parallel_loop3A_1278 = tpu.vector_load %arg9[%parallel_loop3A_1275, %parallel_loop3A_1276, %parallel_loop3A_1277] {strides = array<i32>} : memref<8x32x128xf32, #tpu.memory_space<vmem>>, vector<16xf32>,
      tpu.vector_store %arg9[%parallel_loop3A_1275, %parallel_loop3A_1276, %parallel_loop3A_1277], %parallel_loop3A_1255 {strides = array<i32>} : memref<8x32x128xf32, #tpu.memory_space<vmem>>, vector<16xf32>,
      %parallel_loop3A_1279 = arith.constant 26 : i32
      %parallel_loop3A_1280 = vector.broadcast %parallel_loop3A_1279 : i32 to vector<16xi32>
      %parallel_loop3A_1281 = arith.addi %parallel_loop3A_1057, %parallel_loop3A_1280 : vector<16xi32>
      %parallel_loop3A_1282 = tpu.vector_load_idx %arg6[%parallel_loop3A_1281] : memref<672xf32, #tpu.memory_space<vmem>>[vector<16xi32>], vector<16xf32>,
      %parallel_loop3A_1283 = arith.constant 24 : i32
      %parallel_loop3A_1284 = arith.index_cast %parallel_loop3A_1038 : i32 to index
      %parallel_loop3A_1285 = arith.index_cast %parallel_loop3A_1283 : i32 to index
      %parallel_loop3A_1286 = arith.index_cast %parallel_loop3A_1042 : i32 to index
      %parallel_loop3A_1287 = tpu.vector_load %arg9[%parallel_loop3A_1284, %parallel_loop3A_1285, %parallel_loop3A_1286] {strides = array<i32>} : memref<8x32x128xf32, #tpu.memory_space<vmem>>, vector<16xf32>,
      tpu.vector_store %arg9[%parallel_loop3A_1284, %parallel_loop3A_1285, %parallel_loop3A_1286], %parallel_loop3A_1264 {strides = array<i32>} : memref<8x32x128xf32, #tpu.memory_space<vmem>>, vector<16xf32>,
      %parallel_loop3A_1288 = arith.constant 27 : i32
      %parallel_loop3A_1289 = vector.broadcast %parallel_loop3A_1288 : i32 to vector<16xi32>
      %parallel_loop3A_1290 = arith.addi %parallel_loop3A_1057, %parallel_loop3A_1289 : vector<16xi32>
      %parallel_loop3A_1291 = tpu.vector_load_idx %arg6[%parallel_loop3A_1290] : memref<672xf32, #tpu.memory_space<vmem>>[vector<16xi32>], vector<16xf32>,
      %parallel_loop3A_1292 = arith.constant 25 : i32
      %parallel_loop3A_1293 = arith.index_cast %parallel_loop3A_1038 : i32 to index
      %parallel_loop3A_1294 = arith.index_cast %parallel_loop3A_1292 : i32 to index
      %parallel_loop3A_1295 = arith.index_cast %parallel_loop3A_1042 : i32 to index
      %parallel_loop3A_1296 = tpu.vector_load %arg9[%parallel_loop3A_1293, %parallel_loop3A_1294, %parallel_loop3A_1295] {strides = array<i32>} : memref<8x32x128xf32, #tpu.memory_space<vmem>>, vector<16xf32>,
      tpu.vector_store %arg9[%parallel_loop3A_1293, %parallel_loop3A_1294, %parallel_loop3A_1295], %parallel_loop3A_1273 {strides = array<i32>} : memref<8x32x128xf32, #tpu.memory_space<vmem>>, vector<16xf32>,
      %parallel_loop3A_1297 = arith.constant 28 : i32
      %parallel_loop3A_1298 = vector.broadcast %parallel_loop3A_1297 : i32 to vector<16xi32>
      %parallel_loop3A_1299 = arith.addi %parallel_loop3A_1057, %parallel_loop3A_1298 : vector<16xi32>
      %parallel_loop3A_1300 = tpu.vector_load_idx %arg6[%parallel_loop3A_1299] : memref<672xf32, #tpu.memory_space<vmem>>[vector<16xi32>], vector<16xf32>,
      %parallel_loop3A_1301 = arith.constant 26 : i32
      %parallel_loop3A_1302 = arith.index_cast %parallel_loop3A_1038 : i32 to index
      %parallel_loop3A_1303 = arith.index_cast %parallel_loop3A_1301 : i32 to index
      %parallel_loop3A_1304 = arith.index_cast %parallel_loop3A_1042 : i32 to index
      %parallel_loop3A_1305 = tpu.vector_load %arg9[%parallel_loop3A_1302, %parallel_loop3A_1303, %parallel_loop3A_1304] {strides = array<i32>} : memref<8x32x128xf32, #tpu.memory_space<vmem>>, vector<16xf32>,
      tpu.vector_store %arg9[%parallel_loop3A_1302, %parallel_loop3A_1303, %parallel_loop3A_1304], %parallel_loop3A_1282 {strides = array<i32>} : memref<8x32x128xf32, #tpu.memory_space<vmem>>, vector<16xf32>,
      %parallel_loop3A_1306 = arith.constant 29 : i32
      %parallel_loop3A_1307 = vector.broadcast %parallel_loop3A_1306 : i32 to vector<16xi32>
      %parallel_loop3A_1308 = arith.addi %parallel_loop3A_1057, %parallel_loop3A_1307 : vector<16xi32>
      %parallel_loop3A_1309 = tpu.vector_load_idx %arg6[%parallel_loop3A_1308] : memref<672xf32, #tpu.memory_space<vmem>>[vector<16xi32>], vector<16xf32>,
      %parallel_loop3A_1310 = arith.constant 27 : i32
      %parallel_loop3A_1311 = arith.index_cast %parallel_loop3A_1038 : i32 to index
      %parallel_loop3A_1312 = arith.index_cast %parallel_loop3A_1310 : i32 to index
      %parallel_loop3A_1313 = arith.index_cast %parallel_loop3A_1042 : i32 to index
      %parallel_loop3A_1314 = tpu.vector_load %arg9[%parallel_loop3A_1311, %parallel_loop3A_1312, %parallel_loop3A_1313] {strides = array<i32>} : memref<8x32x128xf32, #tpu.memory_space<vmem>>, vector<16xf32>,
      tpu.vector_store %arg9[%parallel_loop3A_1311, %parallel_loop3A_1312, %parallel_loop3A_1313], %parallel_loop3A_1291 {strides = array<i32>} : memref<8x32x128xf32, #tpu.memory_space<vmem>>, vector<16xf32>,
      %parallel_loop3A_1315 = arith.constant 30 : i32
      %parallel_loop3A_1316 = vector.broadcast %parallel_loop3A_1315 : i32 to vector<16xi32>
      %parallel_loop3A_1317 = arith.addi %parallel_loop3A_1057, %parallel_loop3A_1316 : vector<16xi32>
      %parallel_loop3A_1318 = tpu.vector_load_idx %arg6[%parallel_loop3A_1317] : memref<672xf32, #tpu.memory_space<vmem>>[vector<16xi32>], vector<16xf32>,
      %parallel_loop3A_1319 = arith.constant 28 : i32
      %parallel_loop3A_1320 = arith.index_cast %parallel_loop3A_1038 : i32 to index
      %parallel_loop3A_1321 = arith.index_cast %parallel_loop3A_1319 : i32 to index
      %parallel_loop3A_1322 = arith.index_cast %parallel_loop3A_1042 : i32 to index
      %parallel_loop3A_1323 = tpu.vector_load %arg9[%parallel_loop3A_1320, %parallel_loop3A_1321, %parallel_loop3A_1322] {strides = array<i32>} : memref<8x32x128xf32, #tpu.memory_space<vmem>>, vector<16xf32>,
      tpu.vector_store %arg9[%parallel_loop3A_1320, %parallel_loop3A_1321, %parallel_loop3A_1322], %parallel_loop3A_1300 {strides = array<i32>} : memref<8x32x128xf32, #tpu.memory_space<vmem>>, vector<16xf32>,
      %parallel_loop3A_1324 = arith.constant 31 : i32
      %parallel_loop3A_1325 = vector.broadcast %parallel_loop3A_1324 : i32 to vector<16xi32>
      %parallel_loop3A_1326 = arith.addi %parallel_loop3A_1057, %parallel_loop3A_1325 : vector<16xi32>
      %parallel_loop3A_1327 = tpu.vector_load_idx %arg6[%parallel_loop3A_1326] : memref<672xf32, #tpu.memory_space<vmem>>[vector<16xi32>], vector<16xf32>,
      %parallel_loop3A_1328 = arith.constant 29 : i32
      %parallel_loop3A_1329 = arith.index_cast %parallel_loop3A_1038 : i32 to index
      %parallel_loop3A_1330 = arith.index_cast %parallel_loop3A_1328 : i32 to index
      %parallel_loop3A_1331 = arith.index_cast %parallel_loop3A_1042 : i32 to index
      %parallel_loop3A_1332 = tpu.vector_load %arg9[%parallel_loop3A_1329, %parallel_loop3A_1330, %parallel_loop3A_1331] {strides = array<i32>} : memref<8x32x128xf32, #tpu.memory_space<vmem>>, vector<16xf32>,
      tpu.vector_store %arg9[%parallel_loop3A_1329, %parallel_loop3A_1330, %parallel_loop3A_1331], %parallel_loop3A_1309 {strides = array<i32>} : memref<8x32x128xf32, #tpu.memory_space<vmem>>, vector<16xf32>,
      %parallel_loop3A_1333 = arith.constant 30 : i32
      %parallel_loop3A_1334 = arith.index_cast %parallel_loop3A_1038 : i32 to index
      %parallel_loop3A_1335 = arith.index_cast %parallel_loop3A_1333 : i32 to index
      %parallel_loop3A_1336 = arith.index_cast %parallel_loop3A_1042 : i32 to index
      %parallel_loop3A_1337 = tpu.vector_load %arg9[%parallel_loop3A_1334, %parallel_loop3A_1335, %parallel_loop3A_1336] {strides = array<i32>} : memref<8x32x128xf32, #tpu.memory_space<vmem>>, vector<16xf32>,
      tpu.vector_store %arg9[%parallel_loop3A_1334, %parallel_loop3A_1335, %parallel_loop3A_1336], %parallel_loop3A_1318 {strides = array<i32>} : memref<8x32x128xf32, #tpu.memory_space<vmem>>, vector<16xf32>,
      %parallel_loop3A_1338 = arith.constant 31 : i32
      %parallel_loop3A_1339 = arith.index_cast %parallel_loop3A_1038 : i32 to index
      %parallel_loop3A_1340 = arith.index_cast %parallel_loop3A_1338 : i32 to index
      %parallel_loop3A_1341 = arith.index_cast %parallel_loop3A_1042 : i32 to index
      %parallel_loop3A_1342 = tpu.vector_load %arg9[%parallel_loop3A_1339, %parallel_loop3A_1340, %parallel_loop3A_1341] {strides = array<i32>} : memref<8x32x128xf32, #tpu.memory_space<vmem>>, vector<16xf32>,
      tpu.vector_store %arg9[%parallel_loop3A_1339, %parallel_loop3A_1340, %parallel_loop3A_1341], %parallel_loop3A_1327 {strides = array<i32>} : memref<8x32x128xf32, #tpu.memory_space<vmem>>, vector<16xf32>,
    } {sc.loop_unroll_factor = 2 : i64, sc.parallel_access}
    %jit3A_747 = arith.constant 32 : i32
    %div3A_748 = arith.divsi %add3A_646, %jit3A_747 : i32
    %sign3A_749 = arith.constant 0 : i32
    %sign3A_750 = arith.cmpi sgt, %add3A_646, %sign3A_749 : i32
    %sign3A_751 = arith.extui %sign3A_750 : i1 to i32
    %sign3A_752 = arith.constant 0 : i32
    %sign3A_753 = arith.cmpi slt, %add3A_646, %sign3A_752 : i32
    %sign3A_754 = arith.extui %sign3A_753 : i1 to i32
    %sign3A_755 = arith.subi %sign3A_751, %sign3A_754 : i32
    %sign3A_756 = arith.constant 0 : i32
    %sign3A_757 = arith.cmpi sgt, %jit3A_747, %sign3A_756 : i32
    %sign3A_758 = arith.extui %sign3A_757 : i1 to i32
    %sign3A_759 = arith.constant 0 : i32
    %sign3A_760 = arith.cmpi slt, %jit3A_747, %sign3A_759 : i32
    %sign3A_761 = arith.extui %sign3A_760 : i1 to i32
    %sign3A_762 = arith.subi %sign3A_758, %sign3A_761 : i32
    %ne3A_763 = arith.cmpi ne, %sign3A_755, %sign3A_762 : i32
    %rem3A_764 = arith.remsi %add3A_646, %jit3A_747 : i32
    %ne3A_765 = arith.constant 0 : i32
    %ne3A_766 = arith.cmpi ne, %rem3A_764, %ne3A_765 : i32
    %and3A_767 = arith.andi %ne3A_763, %ne3A_766 : i1
    %sub3A_768 = arith.constant 1 : i32
    %sub3A_769 = arith.subi %div3A_748, %sub3A_768 : i32
    %select_n3A_770 = arith.select %and3A_767, %sub3A_769, %div3A_748 : i32
    %jit3A_771 = arith.constant 32 : i32
    %eq3A_772 = arith.constant 0 : i32
    %eq3A_773 = arith.cmpi eq, %jit3A_771, %eq3A_772 : i32
    %jit3A_774 = arith.constant 1 : i32
    %select_n3A_775 = arith.select %eq3A_773, %jit3A_774, %jit3A_771 : i32
    %rem3A_776 = arith.remsi %add3A_646, %select_n3A_775 : i32
    %ne3A_777 = arith.constant 0 : i32
    %ne3A_778 = arith.cmpi ne, %rem3A_776, %ne3A_777 : i32
    %lt3A_779 = arith.constant 0 : i32
    %lt3A_780 = arith.cmpi slt, %rem3A_776, %lt3A_779 : i32
    %lt3A_781 = arith.constant 0 : i32
    %lt3A_782 = arith.cmpi slt, %select_n3A_775, %lt3A_781 : i32
    %ne3A_783 = arith.xori %lt3A_780, %lt3A_782 : i1
    %and3A_784 = arith.andi %ne3A_783, %ne3A_778 : i1
    %add3A_785 = arith.addi %rem3A_776, %select_n3A_775 : i32
    %select_n3A_786 = arith.select %and3A_784, %add3A_785, %rem3A_776 : i32
    %mul3A_787 = arith.constant 8 : i32
    %mul3A_788 = arith.muli %select_n3A_770, %mul3A_787 : i32
    %mul3A_789 = arith.constant 128 : i32
    %mul3A_790 = arith.muli %select_n3A_786, %mul3A_789 : i32
    %dma_start3A_791 = arith.constant 0 : i32
    %dma_start3A_792 = tpu.memref_slice %arg4[%mul3A_788, %dma_start3A_791, %mul3A_790] : memref<200x32x4096xf32, #tpu.memory_space<hbm>> -> memref<8x32x128xf32, #tpu.memory_space<hbm>>
    %dma_start3A_793 = arith.constant 0 : i32
    %dma_start3A_794 = tpu.memref_slice %arg4[%mul3A_788, %dma_start3A_793, %mul3A_790] : memref<200x32x4096xf32, #tpu.memory_space<hbm>> -> memref<8x32x128xf32, #tpu.memory_space<hbm>>
    tpu.enqueue_dma source(%arg9 : memref<8x32x128xf32, #tpu.memory_space<vmem>>) target(%dma_start3A_794 : memref<8x32x128xf32, #tpu.memory_space<hbm>>) target_semaphore(%arg11 : memref<!tpu.dma_semaphore, #tpu.memory_space<semaphore_mem>>)
    %add3A_795 = arith.constant 2 : i32
    %add3A_796 = arith.addi %add3A_646, %add3A_795 : i32
    %min3A_797 = arith.minsi %add3A_796, %sub3A_5 : i32
    %jit3A_798 = arith.constant 32 : i32
    %div3A_799 = arith.divsi %min3A_797, %jit3A_798 : i32
    %sign3A_800 = arith.constant 0 : i32
    %sign3A_801 = arith.cmpi sgt, %min3A_797, %sign3A_800 : i32
    %sign3A_802 = arith.extui %sign3A_801 : i1 to i32
    %sign3A_803 = arith.constant 0 : i32
    %sign3A_804 = arith.cmpi slt, %min3A_797, %sign3A_803 : i32
    %sign3A_805 = arith.extui %sign3A_804 : i1 to i32
    %sign3A_806 = arith.subi %sign3A_802, %sign3A_805 : i32
    %sign3A_807 = arith.constant 0 : i32
    %sign3A_808 = arith.cmpi sgt, %jit3A_798, %sign3A_807 : i32
    %sign3A_809 = arith.extui %sign3A_808 : i1 to i32
    %sign3A_810 = arith.constant 0 : i32
    %sign3A_811 = arith.cmpi slt, %jit3A_798, %sign3A_810 : i32
    %sign3A_812 = arith.extui %sign3A_811 : i1 to i32
    %sign3A_813 = arith.subi %sign3A_809, %sign3A_812 : i32
    %ne3A_814 = arith.cmpi ne, %sign3A_806, %sign3A_813 : i32
    %rem3A_815 = arith.remsi %min3A_797, %jit3A_798 : i32
    %ne3A_816 = arith.constant 0 : i32
    %ne3A_817 = arith.cmpi ne, %rem3A_815, %ne3A_816 : i32
    %and3A_818 = arith.andi %ne3A_814, %ne3A_817 : i1
    %sub3A_819 = arith.constant 1 : i32
    %sub3A_820 = arith.subi %div3A_799, %sub3A_819 : i32
    %select_n3A_821 = arith.select %and3A_818, %sub3A_820, %div3A_799 : i32
    %jit3A_822 = arith.constant 32 : i32
    %eq3A_823 = arith.constant 0 : i32
    %eq3A_824 = arith.cmpi eq, %jit3A_822, %eq3A_823 : i32
    %jit3A_825 = arith.constant 1 : i32
    %select_n3A_826 = arith.select %eq3A_824, %jit3A_825, %jit3A_822 : i32
    %rem3A_827 = arith.remsi %min3A_797, %select_n3A_826 : i32
    %ne3A_828 = arith.constant 0 : i32
    %ne3A_829 = arith.cmpi ne, %rem3A_827, %ne3A_828 : i32
    %lt3A_830 = arith.constant 0 : i32
    %lt3A_831 = arith.cmpi slt, %rem3A_827, %lt3A_830 : i32
    %lt3A_832 = arith.constant 0 : i32
    %lt3A_833 = arith.cmpi slt, %select_n3A_826, %lt3A_832 : i32
    %ne3A_834 = arith.xori %lt3A_831, %lt3A_833 : i1
    %and3A_835 = arith.andi %ne3A_834, %ne3A_829 : i1
    %add3A_836 = arith.addi %rem3A_827, %select_n3A_826 : i32
    %select_n3A_837 = arith.select %and3A_835, %add3A_836, %rem3A_827 : i32
    %mul3A_838 = arith.constant 8 : i32
    %mul3A_839 = arith.muli %select_n3A_821, %mul3A_838 : i32
    %mul3A_840 = arith.constant 128 : i32
    %mul3A_841 = arith.muli %select_n3A_837, %mul3A_840 : i32
    %dma_start3A_842 = tpu.memref_slice %arg2[%mul3A_839, %mul3A_841] : memref<200x4096xi32, #tpu.memory_space<hbm>> -> memref<8x128xi32, #tpu.memory_space<hbm>>
    %dma_start3A_843 = tpu.memref_slice %arg2[%mul3A_839, %mul3A_841] : memref<200x4096xi32, #tpu.memory_space<hbm>> -> memref<8x128xi32, #tpu.memory_space<hbm>>
    tpu.enqueue_dma source(%dma_start3A_843 : memref<8x128xi32, #tpu.memory_space<hbm>>) target(%arg7 : memref<8x128xi32, #tpu.memory_space<vmem>>) target_semaphore(%arg13 : memref<!tpu.dma_semaphore, #tpu.memory_space<semaphore_mem>>)
    %sub3A_844 = arith.constant 2 : i32
    %sub3A_845 = arith.subi %add3A_646, %sub3A_844 : i32
    %add3A_846 = arith.constant 1 : i32
    %add3A_847 = arith.addi %sub3A_845, %add3A_846 : i32
    %jit3A_848 = arith.constant 32 : i32
    %div3A_849 = arith.divsi %add3A_847, %jit3A_848 : i32
    %sign3A_850 = arith.constant 0 : i32
    %sign3A_851 = arith.cmpi sgt, %add3A_847, %sign3A_850 : i32
    %sign3A_852 = arith.extui %sign3A_851 : i1 to i32
    %sign3A_853 = arith.constant 0 : i32
    %sign3A_854 = arith.cmpi slt, %add3A_847, %sign3A_853 : i32
    %sign3A_855 = arith.extui %sign3A_854 : i1 to i32
    %sign3A_856 = arith.subi %sign3A_852, %sign3A_855 : i32
    %sign3A_857 = arith.constant 0 : i32
    %sign3A_858 = arith.cmpi sgt, %jit3A_848, %sign3A_857 : i32
    %sign3A_859 = arith.extui %sign3A_858 : i1 to i32
    %sign3A_860 = arith.constant 0 : i32
    %sign3A_861 = arith.cmpi slt, %jit3A_848, %sign3A_860 : i32
    %sign3A_862 = arith.extui %sign3A_861 : i1 to i32
    %sign3A_863 = arith.subi %sign3A_859, %sign3A_862 : i32
    %ne3A_864 = arith.cmpi ne, %sign3A_856, %sign3A_863 : i32
    %rem3A_865 = arith.remsi %add3A_847, %jit3A_848 : i32
    %ne3A_866 = arith.constant 0 : i32
    %ne3A_867 = arith.cmpi ne, %rem3A_865, %ne3A_866 : i32
    %and3A_868 = arith.andi %ne3A_864, %ne3A_867 : i1
    %sub3A_869 = arith.constant 1 : i32
    %sub3A_870 = arith.subi %div3A_849, %sub3A_869 : i32
    %select_n3A_871 = arith.select %and3A_868, %sub3A_870, %div3A_849 : i32
    %jit3A_872 = arith.constant 32 : i32
    %eq3A_873 = arith.constant 0 : i32
    %eq3A_874 = arith.cmpi eq, %jit3A_872, %eq3A_873 : i32
    %jit3A_875 = arith.constant 1 : i32
    %select_n3A_876 = arith.select %eq3A_874, %jit3A_875, %jit3A_872 : i32
    %rem3A_877 = arith.remsi %add3A_847, %select_n3A_876 : i32
    %ne3A_878 = arith.constant 0 : i32
    %ne3A_879 = arith.cmpi ne, %rem3A_877, %ne3A_878 : i32
    %lt3A_880 = arith.constant 0 : i32
    %lt3A_881 = arith.cmpi slt, %rem3A_877, %lt3A_880 : i32
    %lt3A_882 = arith.constant 0 : i32
    %lt3A_883 = arith.cmpi slt, %select_n3A_876, %lt3A_882 : i32
    %ne3A_884 = arith.xori %lt3A_881, %lt3A_883 : i1
    %and3A_885 = arith.andi %ne3A_884, %ne3A_879 : i1
    %add3A_886 = arith.addi %rem3A_877, %select_n3A_876 : i32
    %select_n3A_887 = arith.select %and3A_885, %add3A_886, %rem3A_877 : i32
    %mul3A_888 = arith.constant 8 : i32
    %mul3A_889 = arith.muli %select_n3A_871, %mul3A_888 : i32
    %mul3A_890 = arith.constant 128 : i32
    %mul3A_891 = arith.muli %select_n3A_887, %mul3A_890 : i32
    %dma_wait3A_892 = arith.constant 0 : i32
    %dma_wait3A_893 = tpu.memref_slice %arg4[%mul3A_889, %dma_wait3A_892, %mul3A_891] : memref<200x32x4096xf32, #tpu.memory_space<hbm>> -> memref<8x32x128xf32, #tpu.memory_space<hbm>>
    %dma_wait3A_894 = arith.constant 0 : i32
    %dma_wait3A_895 = tpu.memref_slice %arg4[%mul3A_889, %dma_wait3A_894, %mul3A_891] : memref<200x32x4096xf32, #tpu.memory_space<hbm>> -> memref<8x32x128xf32, #tpu.memory_space<hbm>>
    tpu.wait_dma2 semaphore(%arg12 : memref<!tpu.dma_semaphore, #tpu.memory_space<semaphore_mem>>) src(%arg10 : memref<8x32x128xf32, #tpu.memory_space<vmem>>) dst(%dma_wait3A_895 : memref<8x32x128xf32, #tpu.memory_space<hbm>>)
    %jit3A_896 = arith.constant 32 : i32
    %div3A_897 = arith.divsi %add3A_646, %jit3A_896 : i32
    %sign3A_898 = arith.constant 0 : i32
    %sign3A_899 = arith.cmpi sgt, %add3A_646, %sign3A_898 : i32
    %sign3A_900 = arith.extui %sign3A_899 : i1 to i32
    %sign3A_901 = arith.constant 0 : i32
    %sign3A_902 = arith.cmpi slt, %add3A_646, %sign3A_901 : i32
    %sign3A_903 = arith.extui %sign3A_902 : i1 to i32
    %sign3A_904 = arith.subi %sign3A_900, %sign3A_903 : i32
    %sign3A_905 = arith.constant 0 : i32
    %sign3A_906 = arith.cmpi sgt, %jit3A_896, %sign3A_905 : i32
    %sign3A_907 = arith.extui %sign3A_906 : i1 to i32
    %sign3A_908 = arith.constant 0 : i32
    %sign3A_909 = arith.cmpi slt, %jit3A_896, %sign3A_908 : i32
    %sign3A_910 = arith.extui %sign3A_909 : i1 to i32
    %sign3A_911 = arith.subi %sign3A_907, %sign3A_910 : i32
    %ne3A_912 = arith.cmpi ne, %sign3A_904, %sign3A_911 : i32
    %rem3A_913 = arith.remsi %add3A_646, %jit3A_896 : i32
    %ne3A_914 = arith.constant 0 : i32
    %ne3A_915 = arith.cmpi ne, %rem3A_913, %ne3A_914 : i32
    %and3A_916 = arith.andi %ne3A_912, %ne3A_915 : i1
    %sub3A_917 = arith.constant 1 : i32
    %sub3A_918 = arith.subi %div3A_897, %sub3A_917 : i32
    %select_n3A_919 = arith.select %and3A_916, %sub3A_918, %div3A_897 : i32
    %jit3A_920 = arith.constant 32 : i32
    %eq3A_921 = arith.constant 0 : i32
    %eq3A_922 = arith.cmpi eq, %jit3A_920, %eq3A_921 : i32
    %jit3A_923 = arith.constant 1 : i32
    %select_n3A_924 = arith.select %eq3A_922, %jit3A_923, %jit3A_920 : i32
    %rem3A_925 = arith.remsi %add3A_646, %select_n3A_924 : i32
    %ne3A_926 = arith.constant 0 : i32
    %ne3A_927 = arith.cmpi ne, %rem3A_925, %ne3A_926 : i32
    %lt3A_928 = arith.constant 0 : i32
    %lt3A_929 = arith.cmpi slt, %rem3A_925, %lt3A_928 : i32
    %lt3A_930 = arith.constant 0 : i32
    %lt3A_931 = arith.cmpi slt, %select_n3A_924, %lt3A_930 : i32
    %ne3A_932 = arith.xori %lt3A_929, %lt3A_931 : i1
    %and3A_933 = arith.andi %ne3A_932, %ne3A_927 : i1
    %add3A_934 = arith.addi %rem3A_925, %select_n3A_924 : i32
    %select_n3A_935 = arith.select %and3A_933, %add3A_934, %rem3A_925 : i32
    %mul3A_936 = arith.constant 8 : i32
    %mul3A_937 = arith.muli %select_n3A_919, %mul3A_936 : i32
    %mul3A_938 = arith.constant 128 : i32
    %mul3A_939 = arith.muli %select_n3A_935, %mul3A_938 : i32
    %dma_wait3A_940 = arith.constant 0 : i32
    %dma_wait3A_941 = tpu.memref_slice %arg4[%mul3A_937, %dma_wait3A_940, %mul3A_939] : memref<200x32x4096xf32, #tpu.memory_space<hbm>> -> memref<8x32x128xf32, #tpu.memory_space<hbm>>
    %dma_wait3A_942 = arith.constant 0 : i32
    %dma_wait3A_943 = tpu.memref_slice %arg4[%mul3A_937, %dma_wait3A_942, %mul3A_939] : memref<200x32x4096xf32, #tpu.memory_space<hbm>> -> memref<8x32x128xf32, #tpu.memory_space<hbm>>
    tpu.wait_dma2 semaphore(%arg11 : memref<!tpu.dma_semaphore, #tpu.memory_space<semaphore_mem>>) src(%arg9 : memref<8x32x128xf32, #tpu.memory_space<vmem>>) dst(%dma_wait3A_943 : memref<8x32x128xf32, #tpu.memory_space<hbm>>)
    %jit3A_944 = arith.constant 32 : i32
    %div3A_945 = arith.divsi %sub3A_5, %jit3A_944 : i32
    %sign3A_946 = arith.constant 0 : i32
    %sign3A_947 = arith.cmpi sgt, %sub3A_5, %sign3A_946 : i32
    %sign3A_948 = arith.extui %sign3A_947 : i1 to i32
    %sign3A_949 = arith.constant 0 : i32
    %sign3A_950 = arith.cmpi slt, %sub3A_5, %sign3A_949 : i32
    %sign3A_951 = arith.extui %sign3A_950 : i1 to i32
    %sign3A_952 = arith.subi %sign3A_948, %sign3A_951 : i32
    %sign3A_953 = arith.constant 0 : i32
    %sign3A_954 = arith.cmpi sgt, %jit3A_944, %sign3A_953 : i32
    %sign3A_955 = arith.extui %sign3A_954 : i1 to i32
    %sign3A_956 = arith.constant 0 : i32
    %sign3A_957 = arith.cmpi slt, %jit3A_944, %sign3A_956 : i32
    %sign3A_958 = arith.extui %sign3A_957 : i1 to i32
    %sign3A_959 = arith.subi %sign3A_955, %sign3A_958 : i32
    %ne3A_960 = arith.cmpi ne, %sign3A_952, %sign3A_959 : i32
    %rem3A_961 = arith.remsi %sub3A_5, %jit3A_944 : i32
    %ne3A_962 = arith.constant 0 : i32
    %ne3A_963 = arith.cmpi ne, %rem3A_961, %ne3A_962 : i32
    %and3A_964 = arith.andi %ne3A_960, %ne3A_963 : i1
    %sub3A_965 = arith.constant 1 : i32
    %sub3A_966 = arith.subi %div3A_945, %sub3A_965 : i32
    %select_n3A_967 = arith.select %and3A_964, %sub3A_966, %div3A_945 : i32
    %jit3A_968 = arith.constant 32 : i32
    %eq3A_969 = arith.constant 0 : i32
    %eq3A_970 = arith.cmpi eq, %jit3A_968, %eq3A_969 : i32
    %jit3A_971 = arith.constant 1 : i32
    %select_n3A_972 = arith.select %eq3A_970, %jit3A_971, %jit3A_968 : i32
    %rem3A_973 = arith.remsi %sub3A_5, %select_n3A_972 : i32
    %ne3A_974 = arith.constant 0 : i32
    %ne3A_975 = arith.cmpi ne, %rem3A_973, %ne3A_974 : i32
    %lt3A_976 = arith.constant 0 : i32
    %lt3A_977 = arith.cmpi slt, %rem3A_973, %lt3A_976 : i32
    %lt3A_978 = arith.constant 0 : i32
    %lt3A_979 = arith.cmpi slt, %select_n3A_972, %lt3A_978 : i32
    %ne3A_980 = arith.xori %lt3A_977, %lt3A_979 : i1
    %and3A_981 = arith.andi %ne3A_980, %ne3A_975 : i1
    %add3A_982 = arith.addi %rem3A_973, %select_n3A_972 : i32
    %select_n3A_983 = arith.select %and3A_981, %add3A_982, %rem3A_973 : i32
    %mul3A_984 = arith.constant 8 : i32
    %mul3A_985 = arith.muli %select_n3A_967, %mul3A_984 : i32
    %mul3A_986 = arith.constant 128 : i32
    %mul3A_987 = arith.muli %select_n3A_983, %mul3A_986 : i32
    %dma_wait3A_988 = tpu.memref_slice %arg2[%mul3A_985, %mul3A_987] : memref<200x4096xi32, #tpu.memory_space<hbm>> -> memref<8x128xi32, #tpu.memory_space<hbm>>
    %dma_wait3A_989 = tpu.memref_slice %arg2[%mul3A_985, %mul3A_987] : memref<200x4096xi32, #tpu.memory_space<hbm>> -> memref<8x128xi32, #tpu.memory_space<hbm>>
    tpu.wait_dma2 semaphore(%arg14 : memref<!tpu.dma_semaphore, #tpu.memory_space<semaphore_mem>>) src(%dma_wait3A_989 : memref<8x128xi32, #tpu.memory_space<hbm>>) dst(%arg8 : memref<8x128xi32, #tpu.memory_space<vmem>>)
    %jit3A_990 = arith.constant 32 : i32
    %div3A_991 = arith.divsi %sub3A_5, %jit3A_990 : i32
    %sign3A_992 = arith.constant 0 : i32
    %sign3A_993 = arith.cmpi sgt, %sub3A_5, %sign3A_992 : i32
    %sign3A_994 = arith.extui %sign3A_993 : i1 to i32
    %sign3A_995 = arith.constant 0 : i32
    %sign3A_996 = arith.cmpi slt, %sub3A_5, %sign3A_995 : i32
    %sign3A_997 = arith.extui %sign3A_996 : i1 to i32
    %sign3A_998 = arith.subi %sign3A_994, %sign3A_997 : i32
    %sign3A_999 = arith.constant 0 : i32
    %sign3A_1000 = arith.cmpi sgt, %jit3A_990, %sign3A_999 : i32
    %sign3A_1001 = arith.extui %sign3A_1000 : i1 to i32
    %sign3A_1002 = arith.constant 0 : i32
    %sign3A_1003 = arith.cmpi slt, %jit3A_990, %sign3A_1002 : i32
    %sign3A_1004 = arith.extui %sign3A_1003 : i1 to i32
    %sign3A_1005 = arith.subi %sign3A_1001, %sign3A_1004 : i32
    %ne3A_1006 = arith.cmpi ne, %sign3A_998, %sign3A_1005 : i32
    %rem3A_1007 = arith.remsi %sub3A_5, %jit3A_990 : i32
    %ne3A_1008 = arith.constant 0 : i32
    %ne3A_1009 = arith.cmpi ne, %rem3A_1007, %ne3A_1008 : i32
    %and3A_1010 = arith.andi %ne3A_1006, %ne3A_1009 : i1
    %sub3A_1011 = arith.constant 1 : i32
    %sub3A_1012 = arith.subi %div3A_991, %sub3A_1011 : i32
    %select_n3A_1013 = arith.select %and3A_1010, %sub3A_1012, %div3A_991 : i32
    %jit3A_1014 = arith.constant 32 : i32
    %eq3A_1015 = arith.constant 0 : i32
    %eq3A_1016 = arith.cmpi eq, %jit3A_1014, %eq3A_1015 : i32
    %jit3A_1017 = arith.constant 1 : i32
    %select_n3A_1018 = arith.select %eq3A_1016, %jit3A_1017, %jit3A_1014 : i32
    %rem3A_1019 = arith.remsi %sub3A_5, %select_n3A_1018 : i32
    %ne3A_1020 = arith.constant 0 : i32
    %ne3A_1021 = arith.cmpi ne, %rem3A_1019, %ne3A_1020 : i32
    %lt3A_1022 = arith.constant 0 : i32
    %lt3A_1023 = arith.cmpi slt, %rem3A_1019, %lt3A_1022 : i32
    %lt3A_1024 = arith.constant 0 : i32
    %lt3A_1025 = arith.cmpi slt, %select_n3A_1018, %lt3A_1024 : i32
    %ne3A_1026 = arith.xori %lt3A_1023, %lt3A_1025 : i1
    %and3A_1027 = arith.andi %ne3A_1026, %ne3A_1021 : i1
    %add3A_1028 = arith.addi %rem3A_1019, %select_n3A_1018 : i32
    %select_n3A_1029 = arith.select %and3A_1027, %add3A_1028, %rem3A_1019 : i32
    %mul3A_1030 = arith.constant 8 : i32
    %mul3A_1031 = arith.muli %select_n3A_1013, %mul3A_1030 : i32
    %mul3A_1032 = arith.constant 128 : i32
    %mul3A_1033 = arith.muli %select_n3A_1029, %mul3A_1032 : i32
    %dma_wait3A_1034 = tpu.memref_slice %arg2[%mul3A_1031, %mul3A_1033] : memref<200x4096xi32, #tpu.memory_space<hbm>> -> memref<8x128xi32, #tpu.memory_space<hbm>>
    %dma_wait3A_1035 = tpu.memref_slice %arg2[%mul3A_1031, %mul3A_1033] : memref<200x4096xi32, #tpu.memory_space<hbm>> -> memref<8x128xi32, #tpu.memory_space<hbm>>
    tpu.wait_dma2 semaphore(%arg13 : memref<!tpu.dma_semaphore, #tpu.memory_space<semaphore_mem>>) src(%dma_wait3A_1035 : memref<8x128xi32, #tpu.memory_space<hbm>>) dst(%arg7 : memref<8x128xi32, #tpu.memory_space<vmem>>)
    return
  }
}

</mosaic_0001>

<sc_bundles>
// kernel: kernel.3.cloned.1.call-start
scs
__scs_entry_jumppad:
0x0: {  	(pc) =	sbr.rel $0x88, $3  }
0x1: {  	(tag) =	ssettag $0x0;
	lr =	simm.s32 $0x1  }
0x2: {  	[smem:$0x3F9F] =	sst lr;
	_ =	strace $0xD0000000  }
0x3: {  	_ = 	snop  }
0x4: {  	_ = 	snop  }
0x5: {  	_ = 	snop  }
0x6: {  	_ = 	snop  }
0x7: {  	_ = 	snop  }
__scs_overlays_trampoline_lowered:
0x8: {  	[smem:$0x3FAE] =	sst s0  }
0x9: {  	[smem:$0x3FAF] =	sst s1  }
0xa: {  	[smem:$0x3FB0] =	sst s2  }
0xb: {  	[smem:$0x3FB1] =	sst s3  }
0xc: {  	[smem:$0x3FB2] =	sst s4  }
0xd: {  	[smem:$0x3FB3] =	sst s5  }
0xe: {  	[smem:$0x3FB4] =	sst s6  }
0xf: {  	[smem:$0x3FB5] =	sst s7  }
0x10: {  	[smem:$0x3FB6] =	sst s8  }
0x11: {  	[smem:$0x3FB7] =	sst s9;
	s0 =	simm.s32 @!p0 $0x0  }
0x12: {  	s1 =	sld [smem:$0x3F9D];
	s0 =	simm.s32 @p0 $0x1  }
0x13: {  	[smem:$0x3FB8] =	sst s0;
	s0 =	simm.s32 @!p1 $0x0  }
0x14: {  	s2 =	sld [smem:$0x3F9C];
	s0 =	simm.s32 @p1 $0x1  }
0x15: {  	[smem:$0x3FB9] =	sst s0;
	s0 =	simm.s32 @!p2 $0x0  }
0x16: {  	s3 =	sld [smem:$0x3FDB];
	s0 =	simm.s32 @p2 $0x1  }
0x17: {  	s4 =	simm.s32 $0x1BF5;
	[smem:$0x3FBB] =	sst s0  }
0x18: {  	s0 =	sld [smem:$0x3F9E];
	_ =	swait.ge [sflag:s4], $0x0  }
0x19: {  	s7 =	sld [smem:$0x3F9F]  }
0x1a: {  	s8 =	sadd.s32 $0xFFFFE003, lr  }
0x1b: {  	s9 =	sadd.s32 $0xFFFFFEF7, lr;
	s5 =	simm.s32 $0xFFFFFFFF;
	p2 =	slt.u32 s8, $0xFFFFF086  }
0x1c: {  	p1 =	slt.u32 s9, $0xF7A;
	s5 =	simm.s32 @!p2 $0x0  }
0x1d: {  	s5 =	simm.s32 @p1 $0x1;
	p0 =	seq.s32 s7, s2  }
0x1e: {  	s7 =	smul.u32 @!p0 $0xF7A, s2;
	p2 =	seq.s32 @!p0 s5, $0x0  }
0x1f: {  	s9 =	smul.u32 $0xF7A, s1;
	s8 =	simm.s32 @!p0 $0x1BF5;
	p2 =	por !p2, p0  }
0x20: {  	[sflag:s8] =	ssyncset.s32 @!p0 $0xFFFFF086;
	s6 =	sadd.s32 @!p0 s3, s7;
	s7 =	simm.s32 @!p0 $0x108  }
0x21: {  	s3 =	sadd.s32 s3, s9;
	s6 =	sadd.s32 @!p0 $0x88, s6;
	s7 =	simm.s32 @p2 $0x1082  }
0x22: {  	[simem:s7], [sflag:s8] =	dma.local @!p0 [hbm:s6], $0xF7A  }
0x23: {  	s9 =	sor.u32 $0xD0000000, s2;
	s6 =	simm.s32 $0x108;
	_ =	swait.ge @!p0 [sflag:s8], $0x0  }
0x24: {  	s3 =	sadd.s32 $0x88, s3;
	s6 =	simm.s32 @!p1 $0x1082;
	[sflag:s4] =	ssyncset.s32 $0xFFFFF086  }
0x25: {  	[simem:s6], [sflag:s4] =	dma.local [hbm:s3], $0xF7A  }
0x26: {  	[smem:$0x3F9F] =	sst s1;
	(tag) =	ssettag s2;
	_ =	strace s9  }
0x27: {  	s1 =	sld [smem:$0x3FAF]  }
0x28: {  	s2 =	sld [smem:$0x3FB0]  }
0x29: {  	s4 =	sld [smem:$0x3FB2]  }
0x2a: {  	p0 =	seq.s32 s5, $0x0;
	s5 =	sld [smem:$0x3FB3]  }
0x2b: {  	s6 =	sld [smem:$0x3FB4]  }
0x2c: {  	s7 =	sld [smem:$0x3FB5]  }
0x2d: {  	s3 =	simm.s32 $0x108;
	s8 =	sld [smem:$0x3FB6]  }
0x2e: {  	s3 =	simm.s32 @!p0 $0x1082;
	s9 =	sld [smem:$0x3FB7]  }
0x2f: {  	lr =	sadd.s32 s0, s3;
	s0 =	sld [smem:$0x3FAE]  }
0x30: {  	s3 =	sld [smem:$0x3FB1]  }
0x31: {  	[smem:$0x3FBA] =	sst s10  }
0x32: {  	s10 =	sld [smem:$0x3FB8];
	_ =	sdelay $0x3  }
0x33: {  	p0 =	seq.s32 s10, $0x1;
	s10 =	sld [smem:$0x3FBA];
	_ =	sdelay $0x3  }
0x34: {  	[smem:$0x3FBA] =	sst s10  }
0x35: {  	s10 =	sld [smem:$0x3FB9];
	_ =	sdelay $0x3  }
0x36: {  	p1 =	seq.s32 s10, $0x1;
	s10 =	sld [smem:$0x3FBA];
	_ =	sdelay $0x3  }
0x37: {  	[smem:$0x3FBA] =	sst s10  }
0x38: {  	s10 =	sld [smem:$0x3FBB]  }
0x39: {  	_ = 	snop;
	(pc) =	sbr.ind lr, $3  }
0x3a: {  	_ = 	snop  }
0x3b: {  	_ = 	snop  }
0x3c: {  	p2 =	seq.s32 s10, $0x1;
	s10 =	sld [smem:$0x3FBA]  }
0x3d: {  	_ =	shalt  }
0x3e: {  	_ =	shalt  }
0x3f: {  	_ =	shalt  }
0x40: {  	_ =	shalt  }
0x41: {  	_ =	shalt  }
0x42: {  	_ =	shalt  }
0x43: {  	_ =	shalt  }
0x44: {  	_ =	shalt  }
0x45: {  	_ =	shalt  }
0x46: {  	_ =	shalt  }
0x47: {  	_ =	shalt  }
0x48: {  	_ =	shalt  }
0x49: {  	_ =	shalt  }
0x4a: {  	_ =	shalt  }
0x4b: {  	_ =	shalt  }
0x4c: {  	_ =	shalt  }
0x4d: {  	_ =	shalt  }
0x4e: {  	_ =	shalt  }
0x4f: {  	_ =	shalt  }
0x50: {  	_ =	shalt  }
0x51: {  	_ =	shalt  }
0x52: {  	_ =	shalt  }
0x53: {  	_ =	shalt  }
0x54: {  	_ =	shalt  }
0x55: {  	_ =	shalt  }
0x56: {  	_ =	shalt  }
0x57: {  	_ =	shalt  }
0x58: {  	_ =	shalt  }
0x59: {  	_ =	shalt  }
0x5a: {  	_ =	shalt  }
0x5b: {  	_ =	shalt  }
0x5c: {  	_ =	shalt  }
0x5d: {  	_ =	shalt  }
0x5e: {  	_ =	shalt  }
0x5f: {  	_ =	shalt  }
0x60: {  	_ =	shalt  }
0x61: {  	_ =	shalt  }
0x62: {  	_ =	shalt  }
0x63: {  	_ =	shalt  }
0x64: {  	_ =	shalt  }
0x65: {  	_ =	shalt  }
0x66: {  	_ =	shalt  }
0x67: {  	_ =	shalt  }
0x68: {  	_ =	shalt  }
0x69: {  	_ =	shalt  }
0x6a: {  	_ =	shalt  }
0x6b: {  	_ =	shalt  }
0x6c: {  	_ =	shalt  }
0x6d: {  	_ =	shalt  }
0x6e: {  	_ =	shalt  }
0x6f: {  	_ =	shalt  }
0x70: {  	_ =	shalt  }
0x71: {  	_ =	shalt  }
0x72: {  	_ =	shalt  }
0x73: {  	_ =	shalt  }
0x74: {  	_ =	shalt  }
0x75: {  	_ =	shalt  }
0x76: {  	_ =	shalt  }
0x77: {  	_ =	shalt  }
0x78: {  	_ =	shalt  }
0x79: {  	_ =	shalt  }
0x7a: {  	_ =	shalt  }
0x7b: {  	_ =	shalt  }
0x7c: {  	_ =	shalt  }
0x7d: {  	_ =	shalt  }
0x7e: {  	_ =	shalt  }
0x7f: {  	_ =	shalt  }
0x80: {  	_ =	shalt  }
0x81: {  	_ =	shalt  }
0x82: {  	_ =	shalt  }
0x83: {  	_ =	shalt  }
0x84: {  	_ =	shalt  }
0x85: {  	_ =	shalt  }
0x86: {  	_ =	shalt  }
0x87: {  	_ =	shalt  }
.Lfunc_end0:
.L_simem_size_0:
called_computation_lowered:
.L_overlay_start_0:
0x88: {  	s2 =	sld [smem:$0x3FD9]  }
0x89: {  	s3 =	sld [smem:$0x3FFE];
	_ =	sdelay $0x1  }
0x8a: {  	s1 =	srdreg.scid  }
0x8b: {  	s0 =	sand.u32 $0x1, s1  }
0x8c: {  	s18 =	sshll.u32 s0, $0xA;
	s2 =	sadd.s32 s3, s2  }
0x8d: {  	s2 =	sadd.s32 s2, s18  }
0x8e: {  	[smem:$0x3FC6] =	sst s2  }
0x8f: {  	_ = 	snop  }
0x90: {  	s2 =	sld [smem:$0x3FC9]  }
0x91: {  	s19 =	sld [smem:$0x3FC8]  }
0x92: {  	s4 =	sld [smem:$0x3FD0];
	(tm) =	ssettm $0x1  }
0x93: {  	s5 =	sld [smem:$0x3FFB];
	_ =	sdelay $0x3  }
0x94: {  	_ =	strace s5  }
0x95: {  	s5 =	sld [smem:$0x3FFC];
	_ =	sdelay $0x3  }
0x96: {  	_ =	strace s5  }
0x97: {  	s5 =	sld [smem:$0x3FFD];
	_ =	sdelay $0x3  }
0x98: {  	_ =	strace s5  }
0x99: {  	_ =	strace $0x8FFFFFFF  }
0x9a: {  	s20 =	sld [smem:$0x3FDB];
	_ =	sdelay $0x1  }
0x9b: {  	s6 =	simm.s32 $_scs_section_size  }
0x9c: {  	s7 =	simm.s32 $_size__tile_overlayer_lowered;
	s8 =	simm.s32 $_tile_overlayer_lowered  }
0x9d: {  	s23 =	simm.s32 $0x1BFF;
	s22 =	sshll.u32 s8, $0x1;
	s5 =	sadd.s32 s6, s20  }
0x9e: {  	s9 =	simm.s32 $0x0;
	s21 =	sshll.u32 s7, $0x1;
	s7 =	sadd.s32 s22, s5  }
0x9f: {  	[timem:s9], [sflag:s23] =	dma.local [hbm:s7], s21  }
0xa0: {  	_ =	swait.ge [sflag:s23], s21  }
0xa1: {  	s6 =	ssub.s32 $0x0, s21;
	[sflag:s23] =	ssyncset.done $0x0  }
0xa2: {  	[sflag:s23] =	ssyncadd.s32 s6;
	_ =	sdelay $0x1  }
0xa3: {  	s24 =	simm.s32 $0x1B8B  }
0xa4: {  	_ =	swait.ge [sflag:s24], $0x1  }
0xa5: {  	[sflag:s24] =	ssyncset.done $0x0  }
0xa6: {  	s25 =	simm.s32 $0x1B8E;
	[sflag:s24] =	ssyncadd.s32 $0xFFFFFFFF  }
0xa7: {  	s26 =	simm.s32 $execute0_lowered;
	[smem:$0x3FD2] =	sst s25  }
0xa8: {  	s6 =	sshll.u32 s26, $0x1;
	_ =	strace $0x80000046;
	[dreg:$0x1] =	wrdreg $0xFFFFFFFF  }
0xa9: {  	s28 =	simm.s32 $_size_execute0_lowered;
	s5 =	sadd.s32 s5, s6;
	[dreg:$0x0] =	wrdreg $0x0  }
0xaa: {  	s6 =	sshll.u32 s28, $0x1;
	[dreg:$0x2] =	wrdreg s5  }
0xab: {  	[dreg:$0x3] =	wrdreg s6  }
0xac: {  	[dreg:$0x4] =	wrdreg $0xC0  }
0xad: {  	_ =	task [dreg:s9], $0x5FFFF  }
0xae: {  	[dreg:$0x1] =	wrdreg $0xFFFFFFFF  }
0xaf: {  	[dreg:$0x0] =	wrdreg $0x60  }
0xb0: {  	[dreg:$0x2] =	wrdreg s2  }
0xb1: {  	[dreg:$0x3] =	wrdreg s19  }
0xb2: {  	[dreg:$0x4] =	wrdreg s4  }
0xb3: {  	[dreg:$0x5] =	wrdreg $0x9  }
0xb4: {  	_ =	task.clear_ibuf [dreg:s9], $0x6FFFF;
	_ =	strace $0x90000046  }
0xb5: {  	s29 =	simm.s32 $0x9;
	_ =	strace $0x80000048  }
0xb6: {  	_ =	swait.ge [sflag:s29], $0x1  }
0xb7: {  	[sflag:s29] =	ssyncadd.s32 $0xFFFFFFFF  }
0xb8: {  	_ =	strace $0x90000048  }
0xb9: {  	_ =	sfence  }
0xba: {  	s30 =	sld [smem:$0x0];
	_ =	sdelay $0x2  }
0xbb: {  	s31 =	sshll.u32 s1, $0xD;
	s1 =	sshrl.u32 s1, $0x2  }
0xbc: {  	s3 =	sand.u32 $0x4000, s31;
	s1 =	sadd.s32 s1, s30  }
0xbd: {  	s0 =	sor.u32 s3, s0;
	s1 =	sshll.u32 s1, $0x11  }
0xbe: {  	s0 =	sor.u32 s1, s0  }
0xbf: {  	s0 =	sadd.s32 $0x8F2B, s0  }
0xc0: {  	[sflag:s0] =	ssyncadd.remote.s32 $0x1  }
0xc1: {  	_ =	sfence.sel $0xFFFF  }
0xc2: {  	[dreg:$0x0] =	wrdreg $0xFFFFFFFF;
	(pc) =	sbr.abs _section_cstart, $3  }
0xc3: {  	[dreg:$0x1] =	wrdreg $0xFFFFFFFF  }
0xc4: {  	_ =	task.clear_ibuf [dreg:s9], $0x2FFFF;
	_ =	strace $0x9FFFFFFF  }
0xc5: {  	(tm) =	ssettm $0x7FFFFFFF  }
tec
execute0_lowered:
.L_overlay_start_1:
0x0: {  	(tag) =	ssettag $0x1  }
0x1: {  	s1 =	rddreg [dreg:$0x0];
	s0 =	srdreg.scid  }
0x2: {  	s2 =	stileid.u32;
	s4 =	rddreg [dreg:$0x2]  }
0x3: {  	s6 =	simm.s32 $0x0;
	s18 =	simm.s32 $0x5;
	s19 =	simm.s32 $0xF00  }
0x4: {  	s28 =	simm.s32 $0x9700;
	s0 =	sand.u32 $0x1, s0;
	s2 =	sshll.u32 s2, $0x1  }
0x5: {  	s29 =	simm.s32 $0x1;
	s30 =	simm.s32 $0x2;
	s2 =	sor.u32 s0, s2  }
0x6: {  	s31 =	simm.s32 $0x0;
	[smem:$0x7FF] =	sst s6;
	s5 =	smul.u32 $0x19, s2  }
0x7: {  	s17 =	sadd.s32 $0x100, s1;
	s0 =	ssub.s32 $0x2, s0;
	s3 =	smul.u32 $0x6400, s2  }
0x8: {  	_ =	strace $0x80000047;
	s7 =	sshrl.u32 s0, $0x1;
	s2 =	smul.u32 $0xC8000, s2  }
0x9: {  	s0 =	ssub.s32 s0, s7;
	s7 =	sadd.s32 $0x18, s5;
	s9 =	sadd.s32 $0x1, s5  }
0xa: {  	s2 =	sor.u32 s3, s2;
	s3 =	sshrl.u32 s3, $0x3;
	s0 =	smax.u32 s0, $0x1  }
0xb: {  	s10 =	sshll.u32 s9, $0x7;
	s2 =	sand.u32 $0x1F07C00, s2;
	s8 =	sadd.s32 s1, s3  }
0xc: {  	s21 =	sshll.u32 s9, $0xC;
	s22 =	sshll.u32 s7, $0xC;
	s23 =	sshll.u32 s7, $0x7  }
0xd: {  	[dreg:$0xc] =	wrdreg s0;
	s20 =	sand.u32 $0xF80, s10;
	s2 =	sshrl.u32 s2, $0x3  }
0xe: {  	s10 =	sadd.s32 s1, s10;
	s9 =	sand.u32 $0x7E0000, s22;
	[dreg:$0x4] =	wrdreg s8  }
0xf: {  	s11 =	sand.u32 $0xF80, s23;
	s12 =	sadd.s32 $0x100, s8;
	[dreg:$0x5] =	wrdreg s10  }
0x10: {  	s25 =	sadd.s32 $0x180, s8;
	s26 =	sadd.s32 s1, s23;
	[dreg:$0x7] =	wrdreg s12  }
0x11: {  	s22 =	simm.s32 $0xC00;
	s23 =	simm.s32 $0x400;
	[dreg:$0x9] =	wrdreg s25  }
0x12: {  	s2 =	sadd.s32 s4, s2;
	s3 =	sadd.s32 s4, s20;
	[dreg:$0xb] =	wrdreg s26  }
0x13: {  	s24 =	sor.u32 s11, s9;
	[dreg:$0x6] =	wrdreg s2;
	s2 =	sand.u32 $0x7E0000, s21  }
0x14: {  	s20 =	simm.s32 $0x1300;
	s25 =	simm.s32 $0x1700;
	s2 =	sadd.s32 s2, s3  }
0x15: {  	s26 =	simm.s32 $0x4;
	[dreg:$0x8] =	wrdreg s2;
	s2 =	sadd.s32 s4, s24  }
0x16: {  	s21 =	simm.s32 $0x3;
	s24 =	simm.s32 $0x8000;
	[dreg:$0xa] =	wrdreg s2  }
.LBB2_1:
0x17: {  	s0 =	rddreg [dreg:$0x1]  }
0x18: {  	[tilespmem:s6], [sflag:$0x5] =	stream.linear.gather [hbm4b:s0+s6], $0xA80, $0x38;
	[tilespmem:$0x11700] =	vst v63  }
0x19: {  	_ =	swait.ge [sflag:s18], $0xA80  }
0x1a: {  	[sflag:s18] =	ssyncset.done $0x0  }
0x1b: {  	[sflag:s18] =	ssyncadd.s32 $0xFFFFF580  }
0x1c: {  	v0 =	vld [tilespmem:$0x0]  }
0x1d: {  	v1 =	vld [tilespmem:$0x10]  }
0x1e: {  	v2 =	vld [tilespmem:$0x80]  }
0x1f: {  	v3 =	vld [tilespmem:$0x90]  }
0x20: {  	v4 =	vld [tilespmem:$0x100]  }
0x21: {  	[tilespmem:$0xC00] =	vst v0;
	v0 =	vld [tilespmem:$0x110]  }
0x22: {  	[tilespmem:$0xC10] =	vst v1;
	v1 =	vld [tilespmem:$0x180]  }
0x23: {  	[tilespmem:$0xC20] =	vst v2;
	v2 =	vld [tilespmem:$0x190]  }
0x24: {  	[tilespmem:$0xC30] =	vst v3;
	v3 =	vld [tilespmem:$0x200]  }
0x25: {  	[tilespmem:$0xC40] =	vst v4;
	v4 =	vld [tilespmem:$0x210]  }
0x26: {  	[tilespmem:$0xC50] =	vst v0;
	v0 =	vld [tilespmem:$0x280]  }
0x27: {  	[tilespmem:$0xC60] =	vst v1;
	v1 =	vld [tilespmem:$0x290]  }
0x28: {  	[tilespmem:$0xC70] =	vst v2;
	v2 =	vld [tilespmem:$0x300]  }
0x29: {  	[tilespmem:$0xC80] =	vst v3;
	v3 =	vld [tilespmem:$0x310]  }
0x2a: {  	[tilespmem:$0xC90] =	vst v4;
	v4 =	vld [tilespmem:$0x380]  }
0x2b: {  	[tilespmem:$0xCA0] =	vst v0;
	v0 =	vld [tilespmem:$0x390]  }
0x2c: {  	[tilespmem:$0xCB0] =	vst v1;
	v1 =	vld [tilespmem:$0x400]  }
0x2d: {  	[tilespmem:$0xCC0] =	vst v2;
	v2 =	vld [tilespmem:$0x410]  }
0x2e: {  	[tilespmem:$0xCD0] =	vst v3;
	v3 =	vld [tilespmem:$0x480]  }
0x2f: {  	[tilespmem:$0xCE0] =	vst v4;
	v4 =	vld [tilespmem:$0x490]  }
0x30: {  	[tilespmem:$0xCF0] =	vst v0;
	v0 =	vld [tilespmem:$0x500]  }
0x31: {  	[tilespmem:$0xD00] =	vst v1;
	v1 =	vld [tilespmem:$0x510]  }
0x32: {  	[tilespmem:$0xD10] =	vst v2;
	v2 =	vld [tilespmem:$0x580]  }
0x33: {  	[tilespmem:$0xD20] =	vst v3;
	v3 =	vld [tilespmem:$0x590]  }
0x34: {  	[tilespmem:$0xD30] =	vst v4;
	v4 =	vld [tilespmem:$0x600]  }
0x35: {  	[tilespmem:$0xD40] =	vst v0;
	v0 =	vld [tilespmem:$0x610]  }
0x36: {  	[tilespmem:$0xD50] =	vst v1;
	v1 =	vld [tilespmem:$0x680]  }
0x37: {  	[tilespmem:$0xD60] =	vst v2;
	v2 =	vld [tilespmem:$0x690]  }
0x38: {  	[tilespmem:$0xD70] =	vst v3;
	v3 =	vld [tilespmem:$0x700]  }
0x39: {  	[tilespmem:$0xD80] =	vst v4;
	v4 =	vld [tilespmem:$0x710]  }
0x3a: {  	[tilespmem:$0xD90] =	vst v0;
	v0 =	vld [tilespmem:$0x780]  }
0x3b: {  	[tilespmem:$0xDA0] =	vst v1;
	v1 =	vld [tilespmem:$0x790]  }
0x3c: {  	[tilespmem:$0xDB0] =	vst v2;
	v2 =	vld [tilespmem:$0x800]  }
0x3d: {  	[tilespmem:$0xDC0] =	vst v3;
	v3 =	vld [tilespmem:$0x810]  }
0x3e: {  	[tilespmem:$0xDD0] =	vst v4;
	v4 =	vld [tilespmem:$0x880]  }
0x3f: {  	[tilespmem:$0xDE0] =	vst v0;
	v0 =	vld [tilespmem:$0x890]  }
0x40: {  	[tilespmem:$0xDF0] =	vst v1;
	v1 =	vld [tilespmem:$0x900]  }
0x41: {  	[tilespmem:$0xE00] =	vst v2;
	v2 =	vld [tilespmem:$0x910]  }
0x42: {  	[tilespmem:$0xE10] =	vst v3;
	v3 =	vld [tilespmem:$0x980]  }
0x43: {  	[tilespmem:$0xE20] =	vst v4;
	v4 =	vld [tilespmem:$0x990]  }
0x44: {  	[tilespmem:$0xE30] =	vst v0;
	v0 =	vld [tilespmem:$0xA00]  }
0x45: {  	[tilespmem:$0xE40] =	vst v1;
	v1 =	vld [tilespmem:$0xA10]  }
0x46: {  	[tilespmem:$0xE50] =	vst v2  }
0x47: {  	[tilespmem:$0xE60] =	vst v3  }
0x48: {  	[tilespmem:$0xE70] =	vst v4  }
0x49: {  	[tilespmem:$0xE80] =	vst v0  }
0x4a: {  	s10 =	rddreg [dreg:$0x4];
	[tilespmem:$0xE90] =	vst v1  }
0x4b: {  	[tilespmem:s19], [sflag:$0x3] =	stream.linear.gather [hbm4b:s10+s6], $0x400, $0x38;
	[tilespmem:$0x11700] =	vst v63  }
0x4c: {  	s12 =	simm.s32 $0x0;
	s11 =	rddreg [dreg:$0x5]  }
0x4d: {  	[tilespmem:s20], [sflag:$0x4] =	stream.linear.gather [hbm4b:s11+s6], $0x400, $0x38;
	[tilespmem:$0x11700] =	vst v63  }
0x4e: {  	s3 =	sand.u32 $0x60, s6;
	s0 =	sand.u32 $0x3FFFFF80, s12;
	_ =	swait.ge [sflag:s21], $0x400  }
0x4f: {  	s2 =	sor.u32 $0x10, s3;
	s0 =	sadd.s32 $0xF00, s0;
	[sflag:s21] =	ssyncset.done $0x0  }
0x50: {  	s9 =	sor.u32 s2, s0;
	[sflag:s21] =	ssyncadd.s32 $0xFFFFFC00  }
0x51: {  	v0 =	vld [tilespmem:s9+$0x0];
	_ =	sdelay $0x3  }
0x52: {  	s0 =	sor.u32 s3, s0  }
0x53: {  	v2 =	vld [tilespmem:s0+$0x0];
	v0 =	vadd.s32 $0xA, v0  }
0x54: {  	vm0 =	vgt.s32 v0, $0x0  }
0x55: {  	v0 =	vnsel vm0, $0x0, v0  }
0x56: {  	v0 =	vmin.u32 v0, $0x14  }
0x57: {  	v1 =	vshll.u32 v0, $0x5  }
0x58: {  	v2 =	vadd.s32 $0xA, v2;
	v0 =	vor.u32 $0x1, v1  }
0x59: {  	vm13 =	vgt.s32 v2, $0x0  }
0x5a: {  	v2 =	vnsel vm13, $0x0, v2  }
0x5b: {  	v2 =	vmin.u32 v2, $0x14;
	v3 =	vor.u32 $0x2, v1  }
0x5c: {  	v2 =	vshll.u32 v2, $0x5;
	v4 =	vld.idx.msk [tilespmem:v1+s22+$0x0], $0xffff  }
0x5d: {  	s13 =	simm.s32 $0x0;
	v5 =	vor.u32 $0x3, v1;
	v0 =	vld.idx.msk [tilespmem:v0+s22+$0x0], $0xffff  }
0x5e: {  	s0 =	sand.u32 $0x3FFFF000, s13;
	v6 =	vor.u32 $0x4, v1  }
0x5f: {  	s0 =	sadd.s32 $0x1700, s0;
	v7 =	vor.u32 $0x1, v2  }
0x60: {  	s2 =	sor.u32 s2, s0;
	v8 =	vor.u32 $0x2, v2;
	v3 =	vld.idx.msk [tilespmem:v3+s22+$0x0], $0xffff  }
0x61: {  	v9 =	vld.idx.msk [tilespmem:v2+s22+$0x0], $0xffff;
	[tilespmem:s2+$0x0] =	vst v4;
	v4 =	vor.u32 $0x5, v1  }
0x62: {  	v10 =	vor.u32 $0x3, v2;
	v5 =	vld.idx.msk [tilespmem:v5+s22+$0x0], $0xffff;
	[tilespmem:s2+$0x80] =	vst v0  }
0x63: {  	v0 =	vor.u32 $0x6, v1;
	v6 =	vld.idx.msk [tilespmem:v6+s22+$0x0], $0xffff  }
0x64: {  	v11 =	vor.u32 $0x7, v1;
	v7 =	vld.idx.msk [tilespmem:v7+s22+$0x0], $0xffff  }
0x65: {  	s0 =	sor.u32 s3, s0;
	v8 =	vld.idx.msk [tilespmem:v8+s22+$0x0], $0xffff;
	[tilespmem:s2+$0x100] =	vst v3;
	v3 =	vor.u32 $0x4, v2  }
0x66: {  	v12 =	vor.u32 $0x5, v2;
	[tilespmem:s0+$0x0] =	vst v9;
	v4 =	vld.idx.msk [tilespmem:v4+s22+$0x0], $0xffff  }
0x67: {  	v9 =	vld.idx.msk [tilespmem:v10+s22+$0x0], $0xffff;
	[tilespmem:s2+$0x180] =	vst v5;
	v5 =	vor.u32 $0x8, v1  }
0x68: {  	v10 =	vor.u32 $0x6, v2;
	v0 =	vld.idx.msk [tilespmem:v0+s22+$0x0], $0xffff;
	[tilespmem:s2+$0x200] =	vst v6  }
0x69: {  	[tilespmem:s0+$0x80] =	vst v7;
	v6 =	vor.u32 $0x9, v1;
	v7 =	vld.idx.msk [tilespmem:v11+s22+$0x0], $0xffff  }
0x6a: {  	v3 =	vld.idx.msk [tilespmem:v3+s22+$0x0], $0xffff;
	[tilespmem:s0+$0x100] =	vst v8;
	v11 =	vor.u32 $0xA, v1  }
0x6b: {  	v8 =	vld.idx.msk [tilespmem:v12+s22+$0x0], $0xffff;
	[tilespmem:s2+$0x280] =	vst v4;
	v4 =	vor.u32 $0x7, v2  }
0x6c: {  	v12 =	vor.u32 $0x8, v2;
	[tilespmem:s0+$0x180] =	vst v9;
	v5 =	vld.idx.msk [tilespmem:v5+s22+$0x0], $0xffff  }
0x6d: {  	v9 =	vld.idx.msk [tilespmem:v10+s22+$0x0], $0xffff;
	[tilespmem:s2+$0x300] =	vst v0;
	v0 =	vor.u32 $0xB, v1  }
0x6e: {  	v10 =	vor.u32 $0x9, v2;
	v6 =	vld.idx.msk [tilespmem:v6+s22+$0x0], $0xffff;
	[tilespmem:s2+$0x380] =	vst v7  }
0x6f: {  	[tilespmem:s0+$0x200] =	vst v3;
	v7 =	vor.u32 $0xC, v1;
	v3 =	vld.idx.msk [tilespmem:v11+s22+$0x0], $0xffff  }
0x70: {  	v11 =	vor.u32 $0xD, v1;
	v4 =	vld.idx.msk [tilespmem:v4+s22+$0x0], $0xffff;
	[tilespmem:s0+$0x280] =	vst v8  }
0x71: {  	[tilespmem:s2+$0x400] =	vst v5;
	v5 =	vor.u32 $0xA, v2;
	v8 =	vld.idx.msk [tilespmem:v12+s22+$0x0], $0xffff  }
0x72: {  	v12 =	vor.u32 $0xB, v2;
	[tilespmem:s0+$0x300] =	vst v9;
	v0 =	vld.idx.msk [tilespmem:v0+s22+$0x0], $0xffff  }
0x73: {  	v9 =	vld.idx.msk [tilespmem:v10+s22+$0x0], $0xffff;
	[tilespmem:s2+$0x480] =	vst v6;
	v6 =	vor.u32 $0xE, v1  }
0x74: {  	v10 =	vor.u32 $0xC, v2;
	v7 =	vld.idx.msk [tilespmem:v7+s22+$0x0], $0xffff;
	[tilespmem:s2+$0x500] =	vst v3  }
0x75: {  	v3 =	vor.u32 $0xF, v1;
	[tilespmem:s0+$0x380] =	vst v4;
	v4 =	vld.idx.msk [tilespmem:v11+s22+$0x0], $0xffff  }
0x76: {  	v11 =	vor.u32 $0x10, v1;
	v5 =	vld.idx.msk [tilespmem:v5+s22+$0x0], $0xffff;
	[tilespmem:s0+$0x400] =	vst v8  }
0x77: {  	[tilespmem:s2+$0x580] =	vst v0;
	v0 =	vor.u32 $0xD, v2;
	v8 =	vld.idx.msk [tilespmem:v12+s22+$0x0], $0xffff  }
0x78: {  	v12 =	vor.u32 $0xE, v2;
	[tilespmem:s0+$0x480] =	vst v9;
	v6 =	vld.idx.msk [tilespmem:v6+s22+$0x0], $0xffff  }
0x79: {  	v9 =	vld.idx.msk [tilespmem:v10+s22+$0x0], $0xffff;
	[tilespmem:s2+$0x600] =	vst v7;
	v7 =	vor.u32 $0x11, v1  }
0x7a: {  	v10 =	vor.u32 $0xF, v2;
	v3 =	vld.idx.msk [tilespmem:v3+s22+$0x0], $0xffff;
	[tilespmem:s2+$0x680] =	vst v4  }
0x7b: {  	v4 =	vor.u32 $0x12, v1;
	[tilespmem:s0+$0x500] =	vst v5;
	v5 =	vld.idx.msk [tilespmem:v11+s22+$0x0], $0xffff  }
0x7c: {  	v11 =	vor.u32 $0x13, v1;
	v0 =	vld.idx.msk [tilespmem:v0+s22+$0x0], $0xffff;
	[tilespmem:s0+$0x580] =	vst v8  }
0x7d: {  	[tilespmem:s2+$0x700] =	vst v6;
	v6 =	vor.u32 $0x10, v2;
	v8 =	vld.idx.msk [tilespmem:v12+s22+$0x0], $0xffff  }
0x7e: {  	v12 =	vor.u32 $0x11, v2;
	[tilespmem:s0+$0x600] =	vst v9;
	v7 =	vld.idx.msk [tilespmem:v7+s22+$0x0], $0xffff  }
0x7f: {  	v9 =	vld.idx.msk [tilespmem:v10+s22+$0x0], $0xffff;
	[tilespmem:s2+$0x780] =	vst v3;
	v3 =	vor.u32 $0x14, v1  }
0x80: {  	v10 =	vor.u32 $0x12, v2;
	v4 =	vld.idx.msk [tilespmem:v4+s22+$0x0], $0xffff;
	[tilespmem:s2+$0x800] =	vst v5  }
0x81: {  	v5 =	vor.u32 $0x15, v1;
	[tilespmem:s0+$0x680] =	vst v0;
	v0 =	vld.idx.msk [tilespmem:v11+s22+$0x0], $0xffff  }
0x82: {  	v11 =	vor.u32 $0x16, v1;
	v6 =	vld.idx.msk [tilespmem:v6+s22+$0x0], $0xffff;
	[tilespmem:s0+$0x700] =	vst v8  }
0x83: {  	[tilespmem:s2+$0x880] =	vst v7;
	v8 =	vld.idx.msk [tilespmem:v12+s22+$0x0], $0xffff  }
0x84: {  	s10 =	simm.s32 $0x20;
	s3 =	simm.s32 $0x20;
	[tilespmem:s0+$0x780] =	vst v9;
	v3 =	vld.idx.msk [tilespmem:v3+s22+$0x0], $0xffff  }
0x85: {  	s10 =	sand.u32 $0x3FFFFF80, s10;
	s14 =	sand.u32 $0x60, s3;
	v7 =	vor.u32 $0x13, v2;
	v9 =	vld.idx.msk [tilespmem:v10+s22+$0x0], $0xffff;
	[tilespmem:s2+$0x900] =	vst v4  }
0x86: {  	s11 =	sadd.s32 $0xF00, s10;
	s15 =	sor.u32 $0x10, s14;
	v4 =	vld.idx.msk [tilespmem:v5+s22+$0x0], $0xffff;
	v5 =	vor.u32 $0x17, v1;
	[tilespmem:s2+$0x980] =	vst v0  }
0x87: {  	s12 =	sor.u32 s15, s11;
	v10 =	vor.u32 $0x18, v1;
	v0 =	vld.idx.msk [tilespmem:v11+s22+$0x0], $0xffff  }
0x88: {  	s11 =	sor.u32 s14, s11;
	v11 =	vor.u32 $0x14, v2;
	[tilespmem:s0+$0x800] =	vst v6;
	v6 =	vld [tilespmem:s12+$0x0]  }
0x89: {  	v13 =	vld [tilespmem:s11+$0x0];
	v12 =	vor.u32 $0x19, v1  }
0x8a: {  	v7 =	vld.idx.msk [tilespmem:v7+s22+$0x0], $0xffff;
	[tilespmem:s2+$0xA00] =	vst v3;
	v3 =	vor.u32 $0x15, v2  }
0x8b: {  	v14 =	vor.u32 $0x16, v2;
	v5 =	vld.idx.msk [tilespmem:v5+s22+$0x0], $0xffff;
	[tilespmem:s2+$0xA80] =	vst v4  }
0x8c: {  	[tilespmem:s0+$0x880] =	vst v8;
	v4 =	vor.u32 $0x1A, v1;
	v8 =	vld.idx.msk [tilespmem:v10+s22+$0x0], $0xffff  }
0x8d: {  	v10 =	vld.idx.msk [tilespmem:v11+s22+$0x0], $0xffff;
	[tilespmem:s2+$0xB00] =	vst v0;
	v0 =	vadd.s32 $0xA, v6;
	v6 =	vor.u32 $0x1B, v1  }
0x8e: {  	v11 =	vor.u32 $0x17, v2;
	[tilespmem:s0+$0x900] =	vst v9;
	v9 =	vld.idx.msk [tilespmem:v12+s22+$0x0], $0xffff;
	vm14 =	vgt.s32 v0, $0x0  }
0x8f: {  	v12 =	vor.u32 $0x1C, v1;
	v3 =	vld.idx.msk [tilespmem:v3+s22+$0x0], $0xffff;
	v0 =	vnsel vm14, $0x0, v0;
	[tilespmem:s0+$0x980] =	vst v7  }
0x90: {  	v13 =	vadd.s32 $0xA, v13;
	v0 =	vmin.u32 v0, $0x14;
	v7 =	vld.idx.msk [tilespmem:v14+s22+$0x0], $0xffff;
	[tilespmem:s2+$0xB80] =	vst v5;
	v5 =	vor.u32 $0x18, v2  }
0x91: {  	vm15 =	vgt.s32 v13, $0x0;
	v0 =	vshll.u32 v0, $0x5;
	v4 =	vld.idx.msk [tilespmem:v4+s22+$0x0], $0xffff;
	[tilespmem:s2+$0xC00] =	vst v8  }
0x92: {  	v8 =	vnsel vm15, $0x0, v13;
	[tilespmem:s0+$0xA00] =	vst v10;
	v13 =	vor.u32 $0x1, v0;
	v6 =	vld.idx.msk [tilespmem:v6+s22+$0x0], $0xffff  }
0x93: {  	v8 =	vmin.u32 v8, $0x14;
	v11 =	vld.idx.msk [tilespmem:v11+s22+$0x0], $0xffff;
	[tilespmem:s2+$0xC80] =	vst v9;
	v9 =	vor.u32 $0x1D, v1  }
0x94: {  	v10 =	vshll.u32 v8, $0x5;
	[tilespmem:s0+$0xA80] =	vst v3;
	v3 =	vld.idx.msk [tilespmem:v12+s22+$0x0], $0xffff  }
0x95: {  	v8 =	vor.u32 $0x1E, v1;
	v5 =	vld.idx.msk [tilespmem:v5+s22+$0x0], $0xffff  }
0x96: {  	v14 =	vor.u32 $0x2, v0;
	v12 =	vld.idx.msk [tilespmem:v0+s22+$0x0], $0xffff  }
0x97: {  	v15 =	vor.u32 $0x1F, v1;
	v13 =	vld.idx.msk [tilespmem:v13+s22+$0x0], $0xffff;
	[tilespmem:s2+$0xD00] =	vst v4  }
0x98: {  	s16 =	simm.s32 $0x400;
	v4 =	vor.u32 $0x3, v0;
	v9 =	vld.idx.msk [tilespmem:v9+s22+$0x0], $0xffff  }
0x99: {  	s11 =	sand.u32 $0x3FFFF000, s16;
	v16 =	vor.u32 $0x1, v10;
	[tilespmem:s2+$0xD80] =	vst v6;
	v17 =	vld.idx.msk [tilespmem:v10+s22+$0x0], $0xffff  }
0x9a: {  	s11 =	sadd.s32 $0x1700, s11;
	v6 =	vor.u32 $0x2, v10;
	v1 =	vld.idx.msk [tilespmem:v8+s22+$0x0], $0xffff  }
0x9b: {  	s10 =	sor.u32 s15, s11;
	v8 =	vor.u32 $0x4, v0;
	[tilespmem:s2+$0xE00] =	vst v3;
	v3 =	vld.idx.msk [tilespmem:v14+s22+$0x0], $0xffff  }
0x9c: {  	v14 =	vor.u32 $0x3, v10;
	v15 =	vld.idx.msk [tilespmem:v15+s22+$0x0], $0xffff;
	[tilespmem:s10+$0x0] =	vst v12  }
0x9d: {  	[tilespmem:s0+$0xB00] =	vst v7;
	v7 =	vor.u32 $0x5, v0;
	v4 =	vld.idx.msk [tilespmem:v4+s22+$0x0], $0xffff  }
0x9e: {  	v12 =	vor.u32 $0x19, v2;
	[tilespmem:s10+$0x80] =	vst v13;
	v13 =	vld.idx.msk [tilespmem:v16+s22+$0x0], $0xffff  }
0x9f: {  	s9 =	sor.u32 s14, s11;
	v16 =	vor.u32 $0x4, v10;
	[tilespmem:s2+$0xE80] =	vst v9;
	v6 =	vld.idx.msk [tilespmem:v6+s22+$0x0], $0xffff  }
0xa0: {  	v9 =	vor.u32 $0x6, v0;
	v8 =	vld.idx.msk [tilespmem:v8+s22+$0x0], $0xffff;
	[tilespmem:s9+$0x0] =	vst v17  }
0xa1: {  	v17 =	vor.u32 $0x5, v10;
	[tilespmem:s10+$0x100] =	vst v3;
	v14 =	vld.idx.msk [tilespmem:v14+s22+$0x0], $0xffff  }
0xa2: {  	[tilespmem:s2+$0xF80] =	vst v15;
	v15 =	vor.u32 $0x7, v0;
	v7 =	vld.idx.msk [tilespmem:v7+s22+$0x0], $0xffff  }
0xa3: {  	v3 =	vld.idx.msk [tilespmem:v12+s22+$0x0], $0xffff;
	v12 =	vor.u32 $0x6, v10;
	[tilespmem:s9+$0x80] =	vst v13  }
0xa4: {  	v13 =	vor.u32 $0x1A, v2;
	[tilespmem:s10+$0x180] =	vst v4;
	v4 =	vld.idx.msk [tilespmem:v16+s22+$0x0], $0xffff  }
0xa5: {  	v9 =	vld.idx.msk [tilespmem:v9+s22+$0x0], $0xffff;
	v16 =	vor.u32 $0x8, v0;
	[tilespmem:s9+$0x100] =	vst v6  }
0xa6: {  	v6 =	vor.u32 $0x7, v10;
	[tilespmem:s10+$0x200] =	vst v8;
	v8 =	vld.idx.msk [tilespmem:v17+s22+$0x0], $0xffff  }
0xa7: {  	v17 =	vor.u32 $0x9, v0;
	v15 =	vld.idx.msk [tilespmem:v15+s22+$0x0], $0xffff;
	[tilespmem:s9+$0x180] =	vst v14  }
0xa8: {  	[tilespmem:s0+$0xB80] =	vst v11;
	v14 =	vor.u32 $0x8, v10;
	v12 =	vld.idx.msk [tilespmem:v12+s22+$0x0], $0xffff  }
0xa9: {  	v11 =	vor.u32 $0xA, v0;
	[tilespmem:s10+$0x280] =	vst v7;
	v7 =	vld.idx.msk [tilespmem:v13+s22+$0x0], $0xffff  }
0xaa: {  	v13 =	vor.u32 $0x9, v10;
	v16 =	vld.idx.msk [tilespmem:v16+s22+$0x0], $0xffff;
	[tilespmem:s9+$0x200] =	vst v4  }
0xab: {  	v4 =	vor.u32 $0x1B, v2;
	[tilespmem:s10+$0x300] =	vst v9;
	v6 =	vld.idx.msk [tilespmem:v6+s22+$0x0], $0xffff  }
0xac: {  	v9 =	vld.idx.msk [tilespmem:v17+s22+$0x0], $0xffff;
	v17 =	vor.u32 $0xB, v0;
	[tilespmem:s9+$0x280] =	vst v8  }
0xad: {  	v8 =	vor.u32 $0xA, v10;
	[tilespmem:s10+$0x380] =	vst v15;
	v14 =	vld.idx.msk [tilespmem:v14+s22+$0x0], $0xffff  }
0xae: {  	v15 =	vor.u32 $0xC, v0;
	v11 =	vld.idx.msk [tilespmem:v11+s22+$0x0], $0xffff;
	[tilespmem:s9+$0x300] =	vst v12  }
0xaf: {  	[tilespmem:s0+$0xC00] =	vst v5;
	v12 =	vor.u32 $0xB, v10;
	v13 =	vld.idx.msk [tilespmem:v13+s22+$0x0], $0xffff  }
0xb0: {  	v5 =	vor.u32 $0xD, v0;
	[tilespmem:s10+$0x400] =	vst v16;
	v28 =	vld.idx.msk [tilespmem:v4+s22+$0x0], $0xffff  }
0xb1: {  	v4 =	vor.u32 $0xC, v10;
	v16 =	vld.idx.msk [tilespmem:v17+s22+$0x0], $0xffff;
	[tilespmem:s9+$0x380] =	vst v6  }
0xb2: {  	v6 =	vor.u32 $0x1C, v2;
	[tilespmem:s10+$0x480] =	vst v9;
	v8 =	vld.idx.msk [tilespmem:v8+s22+$0x0], $0xffff  }
0xb3: {  	v9 =	vld.idx.msk [tilespmem:v15+s22+$0x0], $0xffff;
	v15 =	vor.u32 $0xE, v0;
	[tilespmem:s9+$0x400] =	vst v14  }
0xb4: {  	v14 =	vor.u32 $0xD, v10;
	[tilespmem:s10+$0x500] =	vst v11;
	v11 =	vld.idx.msk [tilespmem:v12+s22+$0x0], $0xffff  }
0xb5: {  	v12 =	vor.u32 $0xF, v0;
	v5 =	vld.idx.msk [tilespmem:v5+s22+$0x0], $0xffff;
	[tilespmem:s9+$0x480] =	vst v13  }
0xb6: {  	[tilespmem:s0+$0xC80] =	vst v3;
	v13 =	vor.u32 $0xE, v10;
	v4 =	vld.idx.msk [tilespmem:v4+s22+$0x0], $0xffff  }
0xb7: {  	v3 =	vor.u32 $0x10, v0;
	[tilespmem:s10+$0x580] =	vst v16;
	v21 =	vld.idx.msk [tilespmem:v6+s22+$0x0], $0xffff  }
0xb8: {  	v6 =	vor.u32 $0xF, v10;
	v15 =	vld.idx.msk [tilespmem:v15+s22+$0x0], $0xffff;
	[tilespmem:s9+$0x500] =	vst v8  }
0xb9: {  	v16 =	vor.u32 $0x1D, v2;
	[tilespmem:s10+$0x600] =	vst v9;
	v9 =	vld.idx.msk [tilespmem:v14+s22+$0x0], $0xffff  }
0xba: {  	v17 =	vld.idx.msk [tilespmem:v12+s22+$0x0], $0xffff;
	v12 =	vor.u32 $0x11, v0;
	[tilespmem:s9+$0x580] =	vst v11  }
0xbb: {  	v11 =	vor.u32 $0x10, v10;
	[tilespmem:s10+$0x680] =	vst v5;
	v18 =	vld.idx.msk [tilespmem:v13+s22+$0x0], $0xffff  }
0xbc: {  	v19 =	vld.idx.msk [tilespmem:v3+s22+$0x0], $0xffff;
	v3 =	vor.u32 $0x12, v0;
	[tilespmem:s9+$0x600] =	vst v4  }
0xbd: {  	v24 =	vor.u32 $0x11, v10;
	[tilespmem:s0+$0xD00] =	vst v7;
	v25 =	vld.idx.msk [tilespmem:v6+s22+$0x0], $0xffff  }
0xbe: {  	v26 =	vor.u32 $0x13, v0;
	v14 =	vld.idx.msk [tilespmem:v16+s22+$0x0], $0xffff;
	[tilespmem:s10+$0x700] =	vst v15  }
0xbf: {  	v27 =	vor.u32 $0x14, v0;
	v22 =	vld.idx.msk [tilespmem:v12+s22+$0x0], $0xffff;
	[tilespmem:s9+$0x680] =	vst v9  }
0xc0: {  	v29 =	vor.u32 $0x12, v10;
	v7 =	vor.u32 $0x19, v10;
	v8 =	vor.u32 $0x1E, v2;
	[tilespmem:s10+$0x780] =	vst v17;
	v20 =	vld.idx.msk [tilespmem:v11+s22+$0x0], $0xffff  }
0xc1: {  	v5 =	vor.u32 $0x1F, v2;
	v13 =	vor.u32 $0x15, v10;
	v2 =	vor.u32 $0x1D, v10;
	[tilespmem:s9+$0x700] =	vst v18;
	v23 =	vld.idx.msk [tilespmem:v3+s22+$0x0], $0xffff  }
0xc2: {  	v4 =	vor.u32 $0x1B, v10;
	v16 =	vor.u32 $0x13, v10;
	v6 =	vor.u32 $0x1A, v10;
	[tilespmem:s10+$0x800] =	vst v19;
	v19 =	vld.idx.msk [tilespmem:v24+s22+$0x0], $0xffff  }
0xc3: {  	v15 =	vor.u32 $0x14, v10;
	v12 =	vor.u32 $0x16, v10;
	v24 =	vld.idx.msk [tilespmem:v26+s22+$0x0], $0xffff;
	v26 =	vor.u32 $0x15, v0  }
0xc4: {  	v9 =	vor.u32 $0x18, v10;
	v17 =	vor.u32 $0x1E, v10;
	[tilespmem:s9+$0x780] =	vst v25;
	v25 =	vor.u32 $0x16, v0  }
0xc5: {  	s11 =	simm.s32 $0x2;
	[tilespmem:s0+$0xD80] =	vst v28;
	v11 =	vor.u32 $0x17, v10;
	v3 =	vor.u32 $0x1C, v10;
	v10 =	vor.u32 $0x1F, v10;
	v18 =	vld.idx.msk [tilespmem:v29+s22+$0x0], $0xffff  }
.LBB2_2:
0xc6: {  	s11 =	sadd.s32 $0x2, s11;
	[tilespmem:s10+$0x880] =	vst v22;
	v22 =	vld.idx.msk [tilespmem:v8+s22+$0x0], $0xffff;
	v8 =	vmov v17  }
0xc7: {  	s3 =	sadd.s32 $0x20, s3;
	s13 =	sshll.u32 s11, $0x4;
	p0 =	slt.u32 s11, $0x3E;
	v17 =	vld.idx.msk [tilespmem:v27+s22+$0x0], $0xffff;
	[tilespmem:s10+$0x900] =	vst v23  }
0xc8: {  	s12 =	sand.u32 $0x60, s3;
	s13 =	sand.u32 $0x3FFFFF80, s13;
	v23 =	vld.idx.msk [tilespmem:v26+s22+$0x0], $0xffff;
	[tilespmem:s10+$0x980] =	vst v24  }
0xc9: {  	v24 =	vor.u32 $0x17, v0;
	s14 =	sadd.s32 $0xF00, s13;
	s13 =	sor.u32 $0x10, s12;
	[tilespmem:s9+$0x800] =	vst v20;
	v20 =	vld.idx.msk [tilespmem:v25+s22+$0x0], $0xffff  }
0xca: {  	s15 =	sor.u32 s12, s14;
	s14 =	sor.u32 s13, s14;
	v16 =	vld.idx.msk [tilespmem:v16+s22+$0x0], $0xffff;
	[tilespmem:s9+$0x880] =	vst v19;
	v19 =	vor.u32 $0x18, v0  }
0xcb: {  	v26 =	vor.u32 $0x19, v0;
	v25 =	vld [tilespmem:s14+$0x0];
	[tilespmem:s0+$0xE00] =	vst v21  }
0xcc: {  	v21 =	vld [tilespmem:s15+$0x0];
	[tilespmem:s2+$0xF00] =	vst v1;
	s2 =	smov.u32 s10  }
0xcd: {  	v1 =	vld.idx.msk [tilespmem:v15+s22+$0x0], $0xffff;
	[tilespmem:s2+$0xA00] =	vst v17  }
0xce: {  	v15 =	vld.idx.msk [tilespmem:v24+s22+$0x0], $0xffff;
	[tilespmem:s2+$0xA80] =	vst v23  }
0xcf: {  	v17 =	vld.idx.msk [tilespmem:v19+s22+$0x0], $0xffff;
	[tilespmem:s2+$0xB00] =	vst v20  }
0xd0: {  	v20 =	vor.u32 $0x1A, v0;
	v19 =	vadd.s32 $0xA, v25;
	[tilespmem:s9+$0x900] =	vst v18;
	v18 =	vld.idx.msk [tilespmem:v26+s22+$0x0], $0xffff  }
0xd1: {  	v21 =	vadd.s32 $0xA, v21;
	vm0 =	vgt.s32 v19, $0x0;
	v13 =	vld.idx.msk [tilespmem:v13+s22+$0x0], $0xffff;
	[tilespmem:s9+$0x980] =	vst v16;
	v16 =	vor.u32 $0x1B, v0  }
0xd2: {  	v23 =	vor.u32 $0x1C, v0;
	vm1 =	vgt.s32 v21, $0x0;
	v19 =	vnsel vm0, $0x0, v19;
	v12 =	vld.idx.msk [tilespmem:v12+s22+$0x0], $0xffff  }
0xd3: {  	v21 =	vnsel vm1, $0x0, v21;
	v19 =	vmin.u32 v19, $0x14;
	[tilespmem:s9+$0xA00] =	vst v1;
	v1 =	vld.idx.msk [tilespmem:v5+s22+$0x0], $0xffff;
	v5 =	vmov v10  }
0xd4: {  	v10 =	vmin.u32 v21, $0x14;
	v19 =	vshll.u32 v19, $0x5;
	v27 =	vld.idx.msk [tilespmem:v11+s22+$0x0], $0xffff;
	[tilespmem:s2+$0xB80] =	vst v15  }
0xd5: {  	v10 =	vshll.u32 v10, $0x5;
	v11 =	vor.u32 $0x1, v19;
	v15 =	vld.idx.msk [tilespmem:v20+s22+$0x0], $0xffff;
	[tilespmem:s2+$0xC00] =	vst v17  }
0xd6: {  	v17 =	vor.u32 $0x1, v10;
	v28 =	vor.u32 $0x2, v10;
	v29 =	vor.u32 $0x3, v10;
	v16 =	vld.idx.msk [tilespmem:v16+s22+$0x0], $0xffff;
	[tilespmem:s2+$0xC80] =	vst v18  }
0xd7: {  	v30 =	vor.u32 $0x4, v10;
	v31 =	vor.u32 $0x5, v10;
	v18 =	vor.u32 $0x1D, v0;
	[tilespmem:s9+$0xA80] =	vst v13;
	v13 =	vld.idx.msk [tilespmem:v23+s22+$0x0], $0xffff  }
0xd8: {  	v32 =	vor.u32 $0x6, v10;
	v33 =	vor.u32 $0x7, v10;
	v34 =	vld.idx.msk [tilespmem:v9+s22+$0x0], $0xffff;
	[tilespmem:s9+$0xB00] =	vst v12;
	v9 =	vor.u32 $0x1E, v0  }
0xd9: {  	v35 =	vor.u32 $0x8, v10;
	v36 =	vor.u32 $0x9, v10;
	v12 =	vor.u32 $0x1F, v0;
	v0 =	vmovc v19;
	v37 =	vld.idx.msk [tilespmem:v19+s22+$0x0], $0xffff;
	[tilespmem:s0+$0xF80] =	vst v1  }
0xda: {  	v25 =	vor.u32 $0xA, v10;
	v21 =	vor.u32 $0xB, v10;
	v39 =	vor.u32 $0x2, v0;
	v38 =	vld.idx.msk [tilespmem:v11+s22+$0x0], $0xffff;
	[tilespmem:s0+$0xF00] =	vst v22  }
0xdb: {  	s10 =	sshll.u32 s11, $0x9;
	v26 =	vor.u32 $0xC, v10;
	v23 =	vor.u32 $0xD, v10;
	v41 =	vor.u32 $0x3, v0;
	v40 =	vld.idx.msk [tilespmem:v10+s22+$0x0], $0xffff;
	[tilespmem:s2+$0xD00] =	vst v15  }
0xdc: {  	s10 =	sand.u32 $0x3FFFF000, s10;
	v24 =	vor.u32 $0xE, v10;
	v42 =	vor.u32 $0x4, v0;
	v22 =	vor.u32 $0xF, v10;
	v43 =	vld.idx.msk [tilespmem:v18+s22+$0x0], $0xffff;
	[tilespmem:s2+$0xD80] =	vst v16  }
0xdd: {  	s14 =	sadd.s32 $0x1700, s10;
	v20 =	vor.u32 $0x10, v10;
	v19 =	vor.u32 $0x11, v10;
	v18 =	vor.u32 $0x12, v10;
	v1 =	vld.idx.msk [tilespmem:v9+s22+$0x0], $0xffff;
	[tilespmem:s2+$0xE00] =	vst v13  }
0xde: {  	s10 =	sor.u32 s13, s14;
	v15 =	vor.u32 $0x14, v10;
	v16 =	vor.u32 $0x13, v10;
	v13 =	vor.u32 $0x15, v10;
	v44 =	vld.idx.msk [tilespmem:v12+s22+$0x0], $0xffff;
	[tilespmem:s0+$0xE80] =	vst v14;
	s0 =	smov.u32 s9;
	s9 =	sor.u32 s12, s14  }
0xdf: {  	v11 =	vor.u32 $0x17, v10;
	v9 =	vor.u32 $0x18, v10;
	v12 =	vor.u32 $0x16, v10;
	v14 =	vld.idx.msk [tilespmem:v39+s22+$0x0], $0xffff;
	[tilespmem:s10+$0x0] =	vst v37  }
0xe0: {  	v45 =	vor.u32 $0x1B, v10;
	v37 =	vor.u32 $0x19, v10;
	v39 =	vor.u32 $0x1A, v10;
	v41 =	vld.idx.msk [tilespmem:v41+s22+$0x0], $0xffff;
	[tilespmem:s10+$0x80] =	vst v38  }
0xe1: {  	v46 =	vor.u32 $0x1D, v10;
	v47 =	vor.u32 $0x5, v0;
	v38 =	vor.u32 $0x1C, v10;
	v42 =	vld.idx.msk [tilespmem:v42+s22+$0x0], $0xffff  }
0xe2: {  	v49 =	vor.u32 $0x6, v0;
	v48 =	vld.idx.msk [tilespmem:v17+s22+$0x0], $0xffff;
	v17 =	vor.u32 $0x1E, v10;
	v10 =	vor.u32 $0x1F, v10;
	[tilespmem:s2+$0xE80] =	vst v43  }
0xe3: {  	v28 =	vld.idx.msk [tilespmem:v28+s22+$0x0], $0xffff;
	[tilespmem:s9+$0x0] =	vst v40;
	v40 =	vor.u32 $0x7, v0  }
0xe4: {  	v29 =	vld.idx.msk [tilespmem:v29+s22+$0x0], $0xffff;
	[tilespmem:s2+$0xF80] =	vst v44  }
0xe5: {  	[tilespmem:s10+$0x100] =	vst v14;
	v14 =	vld.idx.msk [tilespmem:v7+s22+$0x0], $0xffff;
	v7 =	vmov v37  }
0xe6: {  	v37 =	vld.idx.msk [tilespmem:v47+s22+$0x0], $0xffff;
	[tilespmem:s10+$0x180] =	vst v41  }
0xe7: {  	v41 =	vld.idx.msk [tilespmem:v49+s22+$0x0], $0xffff;
	[tilespmem:s10+$0x200] =	vst v42  }
0xe8: {  	v42 =	vor.u32 $0x8, v0;
	[tilespmem:s9+$0x80] =	vst v48;
	v40 =	vld.idx.msk [tilespmem:v40+s22+$0x0], $0xffff  }
0xe9: {  	v30 =	vld.idx.msk [tilespmem:v30+s22+$0x0], $0xffff;
	[tilespmem:s9+$0x100] =	vst v28;
	v28 =	vor.u32 $0x9, v0  }
0xea: {  	v31 =	vld.idx.msk [tilespmem:v31+s22+$0x0], $0xffff;
	[tilespmem:s9+$0x180] =	vst v29;
	v29 =	vor.u32 $0xA, v0  }
0xeb: {  	v32 =	vld.idx.msk [tilespmem:v32+s22+$0x0], $0xffff;
	[tilespmem:s0+$0xB80] =	vst v27  }
0xec: {  	[tilespmem:s10+$0x280] =	vst v37;
	v27 =	vld.idx.msk [tilespmem:v6+s22+$0x0], $0xffff;
	v6 =	vmov v39  }
0xed: {  	v37 =	vld.idx.msk [tilespmem:v42+s22+$0x0], $0xffff;
	[tilespmem:s10+$0x300] =	vst v41  }
0xee: {  	v28 =	vld.idx.msk [tilespmem:v28+s22+$0x0], $0xffff;
	[tilespmem:s10+$0x380] =	vst v40  }
0xef: {  	[tilespmem:s9+$0x200] =	vst v30;
	v29 =	vld.idx.msk [tilespmem:v29+s22+$0x0], $0xffff;
	v30 =	vor.u32 $0xB, v0  }
0xf0: {  	v33 =	vld.idx.msk [tilespmem:v33+s22+$0x0], $0xffff;
	[tilespmem:s9+$0x280] =	vst v31;
	v31 =	vor.u32 $0xC, v0  }
0xf1: {  	v35 =	vld.idx.msk [tilespmem:v35+s22+$0x0], $0xffff;
	[tilespmem:s9+$0x300] =	vst v32;
	v32 =	vor.u32 $0xD, v0  }
0xf2: {  	v36 =	vld.idx.msk [tilespmem:v36+s22+$0x0], $0xffff;
	[tilespmem:s0+$0xC00] =	vst v34  }
0xf3: {  	[tilespmem:s10+$0x400] =	vst v37;
	v34 =	vld.idx.msk [tilespmem:v4+s22+$0x0], $0xffff;
	v4 =	vmov v45  }
0xf4: {  	v30 =	vld.idx.msk [tilespmem:v30+s22+$0x0], $0xffff;
	[tilespmem:s10+$0x480] =	vst v28  }
0xf5: {  	v28 =	vld.idx.msk [tilespmem:v31+s22+$0x0], $0xffff;
	[tilespmem:s10+$0x500] =	vst v29  }
0xf6: {  	v31 =	vor.u32 $0xE, v0;
	[tilespmem:s9+$0x380] =	vst v33;
	v29 =	vld.idx.msk [tilespmem:v32+s22+$0x0], $0xffff  }
0xf7: {  	v32 =	vor.u32 $0xF, v0;
	v25 =	vld.idx.msk [tilespmem:v25+s22+$0x0], $0xffff;
	[tilespmem:s9+$0x400] =	vst v35  }
0xf8: {  	v35 =	vor.u32 $0x10, v0;
	v33 =	vld.idx.msk [tilespmem:v21+s22+$0x0], $0xffff;
	[tilespmem:s9+$0x480] =	vst v36  }
0xf9: {  	v26 =	vld.idx.msk [tilespmem:v26+s22+$0x0], $0xffff;
	[tilespmem:s0+$0xC80] =	vst v14  }
0xfa: {  	[tilespmem:s10+$0x580] =	vst v30;
	v21 =	vld.idx.msk [tilespmem:v3+s22+$0x0], $0xffff;
	v3 =	vmov v38  }
0xfb: {  	v14 =	vld.idx.msk [tilespmem:v31+s22+$0x0], $0xffff;
	[tilespmem:s10+$0x600] =	vst v28  }
0xfc: {  	v28 =	vld.idx.msk [tilespmem:v32+s22+$0x0], $0xffff;
	[tilespmem:s10+$0x680] =	vst v29  }
0xfd: {  	v29 =	vor.u32 $0x11, v0;
	[tilespmem:s9+$0x500] =	vst v25;
	v25 =	vld.idx.msk [tilespmem:v35+s22+$0x0], $0xffff  }
0xfe: {  	v30 =	vld.idx.msk [tilespmem:v23+s22+$0x0], $0xffff;
	[tilespmem:s9+$0x580] =	vst v33;
	v23 =	vor.u32 $0x12, v0  }
0xff: {  	v31 =	vld.idx.msk [tilespmem:v24+s22+$0x0], $0xffff;
	[tilespmem:s9+$0x600] =	vst v26;
	v24 =	vor.u32 $0x13, v0  }
0x100: {  	v32 =	vld.idx.msk [tilespmem:v22+s22+$0x0], $0xffff;
	[tilespmem:s0+$0xD00] =	vst v27  }
0x101: {  	[tilespmem:s10+$0x700] =	vst v14;
	v14 =	vld.idx.msk [tilespmem:v2+s22+$0x0], $0xffff;
	v2 =	vmov v46  }
0x102: {  	v22 =	vld.idx.msk [tilespmem:v29+s22+$0x0], $0xffff;
	[tilespmem:s10+$0x780] =	vst v28  }
.Ltmp0:
0x103: {  	v23 =	vld.idx.msk [tilespmem:v23+s22+$0x0], $0xffff;
	[tilespmem:s10+$0x800] =	vst v25;
	(pc) =	sbr.rel @p0 .LBB2_2-.Ltmp0, $4  }
0x104: {  	v27 =	vor.u32 $0x14, v0;
	[tilespmem:s9+$0x680] =	vst v30;
	v24 =	vld.idx.msk [tilespmem:v24+s22+$0x0], $0xffff  }
0x105: {  	v26 =	vor.u32 $0x15, v0;
	v20 =	vld.idx.msk [tilespmem:v20+s22+$0x0], $0xffff;
	[tilespmem:s9+$0x700] =	vst v31  }
0x106: {  	v25 =	vor.u32 $0x16, v0;
	v19 =	vld.idx.msk [tilespmem:v19+s22+$0x0], $0xffff;
	[tilespmem:s9+$0x780] =	vst v32  }
0x107: {  	v18 =	vld.idx.msk [tilespmem:v18+s22+$0x0], $0xffff;
	[tilespmem:s0+$0xD80] =	vst v34  }
0x108: {  	_ =	sdelay $0x2  }
0x109: {  	[tilespmem:s10+$0x880] =	vst v22  }
0x10a: {  	v8 =	vld.idx.msk [tilespmem:v8+s22+$0x0], $0xffff;
	[tilespmem:s0+$0xE00] =	vst v21  }
0x10b: {  	[tilespmem:s2+$0xF00] =	vst v1  }
0x10c: {  	v22 =	vld.idx.msk [tilespmem:v27+s22+$0x0], $0xffff;
	[tilespmem:s10+$0x900] =	vst v23  }
0x10d: {  	v5 =	vld.idx.msk [tilespmem:v5+s22+$0x0], $0xffff;
	[tilespmem:s0+$0xE80] =	vst v14  }
0x10e: {  	v23 =	vld.idx.msk [tilespmem:v26+s22+$0x0], $0xffff;
	[tilespmem:s9+$0x800] =	vst v20  }
0x10f: {  	v20 =	vor.u32 $0x17, v0;
	[tilespmem:s10+$0x980] =	vst v24;
	v16 =	vld.idx.msk [tilespmem:v16+s22+$0x0], $0xffff  }
0x110: {  	[tilespmem:s9+$0x880] =	vst v19;
	v24 =	vld.idx.msk [tilespmem:v25+s22+$0x0], $0xffff  }
0x111: {  	v19 =	vor.u32 $0x18, v0;
	v15 =	vld.idx.msk [tilespmem:v15+s22+$0x0], $0xffff;
	[tilespmem:s9+$0x900] =	vst v18  }
0x112: {  	v21 =	vor.u32 $0x19, v0;
	[tilespmem:s0+$0xF00] =	vst v8  }
0x113: {  	v13 =	vld.idx.msk [tilespmem:v13+s22+$0x0], $0xffff;
	[tilespmem:s10+$0xA00] =	vst v22  }
0x114: {  	v20 =	vld.idx.msk [tilespmem:v20+s22+$0x0], $0xffff;
	[tilespmem:s9+$0x980] =	vst v16  }
0x115: {  	[tilespmem:s10+$0xA80] =	vst v23;
	v16 =	vor.u32 $0x1A, v0;
	v12 =	vld.idx.msk [tilespmem:v12+s22+$0x0], $0xffff  }
0x116: {  	v18 =	vld.idx.msk [tilespmem:v19+s22+$0x0], $0xffff;
	[tilespmem:s10+$0xB00] =	vst v24  }
0x117: {  	v1 =	vor.u32 $0x1B, v0;
	v19 =	vld.idx.msk [tilespmem:v21+s22+$0x0], $0xffff;
	[tilespmem:s9+$0xA00] =	vst v15  }
0x118: {  	v11 =	vld.idx.msk [tilespmem:v11+s22+$0x0], $0xffff;
	[tilespmem:s9+$0xA80] =	vst v13;
	v13 =	vor.u32 $0x1C, v0  }
0x119: {  	v9 =	vld.idx.msk [tilespmem:v9+s22+$0x0], $0xffff;
	[tilespmem:s10+$0xB80] =	vst v20  }
0x11a: {  	v15 =	vld.idx.msk [tilespmem:v16+s22+$0x0], $0xffff;
	[tilespmem:s9+$0xB00] =	vst v12  }
0x11b: {  	[tilespmem:s10+$0xC00] =	vst v18;
	v12 =	vor.u32 $0x1D, v0;
	v7 =	vld.idx.msk [tilespmem:v7+s22+$0x0], $0xffff  }
0x11c: {  	v1 =	vld.idx.msk [tilespmem:v1+s22+$0x0], $0xffff;
	[tilespmem:s10+$0xC80] =	vst v19  }
0x11d: {  	[tilespmem:s9+$0xB80] =	vst v11;
	v13 =	vld.idx.msk [tilespmem:v13+s22+$0x0], $0xffff  }
0x11e: {  	v11 =	vor.u32 $0x1E, v0;
	v6 =	vld.idx.msk [tilespmem:v6+s22+$0x0], $0xffff;
	[tilespmem:s9+$0xC00] =	vst v9  }
0x11f: {  	v0 =	vor.u32 $0x1F, v0;
	v4 =	vld.idx.msk [tilespmem:v4+s22+$0x0], $0xffff;
	[tilespmem:s10+$0xD00] =	vst v15  }
0x120: {  	v9 =	vld.idx.msk [tilespmem:v12+s22+$0x0], $0xffff;
	[tilespmem:s9+$0xC80] =	vst v7  }
0x121: {  	[tilespmem:s10+$0xD80] =	vst v1;
	v1 =	vld.idx.msk [tilespmem:v3+s22+$0x0], $0xffff  }
0x122: {  	[tilespmem:s0+$0xF80] =	vst v5  }
0x123: {  	v3 =	vld.idx.msk [tilespmem:v11+s22+$0x0], $0xffff;
	[tilespmem:s10+$0xE00] =	vst v13  }
0x124: {  	[tilespmem:s9+$0xD00] =	vst v6;
	v0 =	vld.idx.msk [tilespmem:v0+s22+$0x0], $0xffff  }
0x125: {  	v2 =	vld.idx.msk [tilespmem:v2+s22+$0x0], $0xffff;
	[tilespmem:s9+$0xD80] =	vst v4  }
0x126: {  	v4 =	vld.idx.msk [tilespmem:v17+s22+$0x0], $0xffff;
	[tilespmem:s9+$0xE00] =	vst v1  }
0x127: {  	[tilespmem:s10+$0xE80] =	vst v9;
	v1 =	vld.idx.msk [tilespmem:v10+s22+$0x0], $0xffff  }
0x128: {  	[tilespmem:s10+$0xF00] =	vst v3  }
0x129: {  	[tilespmem:s10+$0xF80] =	vst v0  }
0x12a: {  	[tilespmem:s9+$0xE80] =	vst v2  }
0x12b: {  	[tilespmem:s9+$0xF00] =	vst v4  }
0x12c: {  	[tilespmem:s9+$0xF80] =	vst v1  }
0x12d: {  	s0 =	rddreg [dreg:$0x6]  }
0x12e: {  	[hbm4b:s0+s23] =	stream.strided.scatter [tilespmem:s25], [sflag:$0x1], $0x8000, s24, s23, $0x38;
	[tilespmem:$0x11700] =	vst v63  }
0x12f: {  	s8 =	simm.s32 $0x0;
	s9 =	simm.s32 $0x0;
	s2 =	rddreg [dreg:$0x7]  }
0x130: {  	[tilespmem:s19], [sflag:$0x3] =	stream.linear.gather [hbm4b:s2+s8], $0x400, $0x38;
	[tilespmem:$0x11700] =	vst v63  }
0x131: {  	s0 =	sand.u32 $0x60, s8;
	s2 =	sand.u32 $0x3FFFFF80, s9;
	_ =	swait.ge [sflag:s26], $0x400  }
0x132: {  	s3 =	sor.u32 $0x10, s0;
	s2 =	sadd.s32 $0x1300, s2;
	[sflag:s26] =	ssyncset.done $0x0  }
0x133: {  	s10 =	sor.u32 s3, s2;
	[sflag:s26] =	ssyncadd.s32 $0xFFFFFC00  }
0x134: {  	v0 =	vld [tilespmem:s10+$0x0];
	_ =	sdelay $0x3  }
0x135: {  	s2 =	sor.u32 s0, s2  }
0x136: {  	v2 =	vld [tilespmem:s2+$0x0];
	v0 =	vadd.s32 $0xA, v0  }
0x137: {  	vm0 =	vgt.s32 v0, $0x0  }
0x138: {  	v0 =	vnsel vm0, $0x0, v0  }
0x139: {  	v0 =	vmin.u32 v0, $0x14  }
0x13a: {  	v1 =	vshll.u32 v0, $0x5  }
0x13b: {  	v2 =	vadd.s32 $0xA, v2;
	v0 =	vor.u32 $0x1, v1  }
0x13c: {  	vm13 =	vgt.s32 v2, $0x0  }
0x13d: {  	v2 =	vnsel vm13, $0x0, v2  }
0x13e: {  	v2 =	vmin.u32 v2, $0x14;
	v3 =	vor.u32 $0x2, v1  }
0x13f: {  	v2 =	vshll.u32 v2, $0x5;
	v4 =	vld.idx.msk [tilespmem:v1+s22+$0x0], $0xffff  }
0x140: {  	s11 =	simm.s32 $0x0;
	v5 =	vor.u32 $0x3, v1;
	v0 =	vld.idx.msk [tilespmem:v0+s22+$0x0], $0xffff  }
0x141: {  	s2 =	sand.u32 $0x3FFFF000, s11;
	v6 =	vor.u32 $0x4, v1  }
0x142: {  	s12 =	sadd.s32 $0x9700, s2;
	v7 =	vor.u32 $0x1, v2  }
0x143: {  	s2 =	sor.u32 s3, s12;
	v8 =	vor.u32 $0x2, v2;
	v3 =	vld.idx.msk [tilespmem:v3+s22+$0x0], $0xffff  }
0x144: {  	v9 =	vld.idx.msk [tilespmem:v2+s22+$0x0], $0xffff;
	[tilespmem:s2+$0x0] =	vst v4;
	v4 =	vor.u32 $0x5, v1  }
0x145: {  	v10 =	vor.u32 $0x3, v2;
	v5 =	vld.idx.msk [tilespmem:v5+s22+$0x0], $0xffff;
	[tilespmem:s2+$0x80] =	vst v0  }
0x146: {  	v0 =	vor.u32 $0x6, v1;
	v6 =	vld.idx.msk [tilespmem:v6+s22+$0x0], $0xffff  }
0x147: {  	v11 =	vor.u32 $0x7, v1;
	v7 =	vld.idx.msk [tilespmem:v7+s22+$0x0], $0xffff  }
0x148: {  	s0 =	sor.u32 s0, s12;
	v8 =	vld.idx.msk [tilespmem:v8+s22+$0x0], $0xffff;
	[tilespmem:s2+$0x100] =	vst v3;
	v3 =	vor.u32 $0x4, v2  }
0x149: {  	v12 =	vor.u32 $0x5, v2;
	[tilespmem:s0+$0x0] =	vst v9;
	v4 =	vld.idx.msk [tilespmem:v4+s22+$0x0], $0xffff  }
0x14a: {  	v9 =	vld.idx.msk [tilespmem:v10+s22+$0x0], $0xffff;
	[tilespmem:s2+$0x180] =	vst v5;
	v5 =	vor.u32 $0x8, v1  }
0x14b: {  	v10 =	vor.u32 $0x6, v2;
	v0 =	vld.idx.msk [tilespmem:v0+s22+$0x0], $0xffff;
	[tilespmem:s2+$0x200] =	vst v6  }
0x14c: {  	[tilespmem:s0+$0x80] =	vst v7;
	v6 =	vor.u32 $0x9, v1;
	v7 =	vld.idx.msk [tilespmem:v11+s22+$0x0], $0xffff  }
0x14d: {  	v3 =	vld.idx.msk [tilespmem:v3+s22+$0x0], $0xffff;
	[tilespmem:s0+$0x100] =	vst v8;
	v11 =	vor.u32 $0xA, v1  }
0x14e: {  	v8 =	vld.idx.msk [tilespmem:v12+s22+$0x0], $0xffff;
	[tilespmem:s2+$0x280] =	vst v4;
	v4 =	vor.u32 $0x7, v2  }
0x14f: {  	v12 =	vor.u32 $0x8, v2;
	[tilespmem:s0+$0x180] =	vst v9;
	v5 =	vld.idx.msk [tilespmem:v5+s22+$0x0], $0xffff  }
0x150: {  	v9 =	vld.idx.msk [tilespmem:v10+s22+$0x0], $0xffff;
	[tilespmem:s2+$0x300] =	vst v0;
	v0 =	vor.u32 $0xB, v1  }
0x151: {  	v10 =	vor.u32 $0x9, v2;
	v6 =	vld.idx.msk [tilespmem:v6+s22+$0x0], $0xffff;
	[tilespmem:s2+$0x380] =	vst v7  }
0x152: {  	[tilespmem:s0+$0x200] =	vst v3;
	v7 =	vor.u32 $0xC, v1;
	v3 =	vld.idx.msk [tilespmem:v11+s22+$0x0], $0xffff  }
0x153: {  	v11 =	vor.u32 $0xD, v1;
	v4 =	vld.idx.msk [tilespmem:v4+s22+$0x0], $0xffff;
	[tilespmem:s0+$0x280] =	vst v8  }
0x154: {  	[tilespmem:s2+$0x400] =	vst v5;
	v5 =	vor.u32 $0xA, v2;
	v8 =	vld.idx.msk [tilespmem:v12+s22+$0x0], $0xffff  }
0x155: {  	v12 =	vor.u32 $0xB, v2;
	[tilespmem:s0+$0x300] =	vst v9;
	v0 =	vld.idx.msk [tilespmem:v0+s22+$0x0], $0xffff  }
0x156: {  	v9 =	vld.idx.msk [tilespmem:v10+s22+$0x0], $0xffff;
	[tilespmem:s2+$0x480] =	vst v6;
	v6 =	vor.u32 $0xE, v1  }
0x157: {  	v10 =	vor.u32 $0xC, v2;
	v7 =	vld.idx.msk [tilespmem:v7+s22+$0x0], $0xffff;
	[tilespmem:s2+$0x500] =	vst v3  }
0x158: {  	v3 =	vor.u32 $0xF, v1;
	[tilespmem:s0+$0x380] =	vst v4;
	v4 =	vld.idx.msk [tilespmem:v11+s22+$0x0], $0xffff  }
0x159: {  	v11 =	vor.u32 $0x10, v1;
	v5 =	vld.idx.msk [tilespmem:v5+s22+$0x0], $0xffff;
	[tilespmem:s0+$0x400] =	vst v8  }
0x15a: {  	[tilespmem:s2+$0x580] =	vst v0;
	v0 =	vor.u32 $0xD, v2;
	v8 =	vld.idx.msk [tilespmem:v12+s22+$0x0], $0xffff  }
0x15b: {  	v12 =	vor.u32 $0xE, v2;
	[tilespmem:s0+$0x480] =	vst v9;
	v6 =	vld.idx.msk [tilespmem:v6+s22+$0x0], $0xffff  }
0x15c: {  	v9 =	vld.idx.msk [tilespmem:v10+s22+$0x0], $0xffff;
	[tilespmem:s2+$0x600] =	vst v7;
	v7 =	vor.u32 $0x11, v1  }
0x15d: {  	v10 =	vor.u32 $0xF, v2;
	v3 =	vld.idx.msk [tilespmem:v3+s22+$0x0], $0xffff;
	[tilespmem:s2+$0x680] =	vst v4  }
0x15e: {  	v4 =	vor.u32 $0x12, v1;
	[tilespmem:s0+$0x500] =	vst v5;
	v5 =	vld.idx.msk [tilespmem:v11+s22+$0x0], $0xffff  }
0x15f: {  	v11 =	vor.u32 $0x13, v1;
	v0 =	vld.idx.msk [tilespmem:v0+s22+$0x0], $0xffff;
	[tilespmem:s0+$0x580] =	vst v8  }
0x160: {  	[tilespmem:s2+$0x700] =	vst v6;
	v6 =	vor.u32 $0x10, v2;
	v8 =	vld.idx.msk [tilespmem:v12+s22+$0x0], $0xffff  }
0x161: {  	v12 =	vor.u32 $0x11, v2;
	[tilespmem:s0+$0x600] =	vst v9;
	v7 =	vld.idx.msk [tilespmem:v7+s22+$0x0], $0xffff  }
0x162: {  	v9 =	vld.idx.msk [tilespmem:v10+s22+$0x0], $0xffff;
	[tilespmem:s2+$0x780] =	vst v3;
	v3 =	vor.u32 $0x14, v1  }
0x163: {  	v10 =	vor.u32 $0x12, v2;
	v4 =	vld.idx.msk [tilespmem:v4+s22+$0x0], $0xffff;
	[tilespmem:s2+$0x800] =	vst v5  }
0x164: {  	v5 =	vor.u32 $0x15, v1;
	[tilespmem:s0+$0x680] =	vst v0;
	v0 =	vld.idx.msk [tilespmem:v11+s22+$0x0], $0xffff  }
0x165: {  	v11 =	vor.u32 $0x16, v1;
	v6 =	vld.idx.msk [tilespmem:v6+s22+$0x0], $0xffff;
	[tilespmem:s0+$0x700] =	vst v8  }
0x166: {  	[tilespmem:s2+$0x880] =	vst v7;
	v8 =	vld.idx.msk [tilespmem:v12+s22+$0x0], $0xffff  }
0x167: {  	s13 =	simm.s32 $0x20;
	s3 =	simm.s32 $0x20;
	[tilespmem:s0+$0x780] =	vst v9;
	v3 =	vld.idx.msk [tilespmem:v3+s22+$0x0], $0xffff  }
0x168: {  	s10 =	sand.u32 $0x3FFFFF80, s13;
	s14 =	sand.u32 $0x60, s3;
	v7 =	vor.u32 $0x13, v2;
	v9 =	vld.idx.msk [tilespmem:v10+s22+$0x0], $0xffff;
	[tilespmem:s2+$0x900] =	vst v4  }
0x169: {  	s11 =	sadd.s32 $0x1300, s10;
	s15 =	sor.u32 $0x10, s14;
	v4 =	vld.idx.msk [tilespmem:v5+s22+$0x0], $0xffff;
	v5 =	vor.u32 $0x17, v1;
	[tilespmem:s2+$0x980] =	vst v0  }
0x16a: {  	s12 =	sor.u32 s15, s11;
	v10 =	vor.u32 $0x18, v1;
	v0 =	vld.idx.msk [tilespmem:v11+s22+$0x0], $0xffff  }
0x16b: {  	s11 =	sor.u32 s14, s11;
	v11 =	vor.u32 $0x14, v2;
	[tilespmem:s0+$0x800] =	vst v6;
	v6 =	vld [tilespmem:s12+$0x0]  }
0x16c: {  	v13 =	vld [tilespmem:s11+$0x0];
	v12 =	vor.u32 $0x19, v1  }
0x16d: {  	v7 =	vld.idx.msk [tilespmem:v7+s22+$0x0], $0xffff;
	[tilespmem:s2+$0xA00] =	vst v3;
	v3 =	vor.u32 $0x15, v2  }
0x16e: {  	v14 =	vor.u32 $0x16, v2;
	v5 =	vld.idx.msk [tilespmem:v5+s22+$0x0], $0xffff;
	[tilespmem:s2+$0xA80] =	vst v4  }
0x16f: {  	[tilespmem:s0+$0x880] =	vst v8;
	v4 =	vor.u32 $0x1A, v1;
	v8 =	vld.idx.msk [tilespmem:v10+s22+$0x0], $0xffff  }
0x170: {  	v10 =	vld.idx.msk [tilespmem:v11+s22+$0x0], $0xffff;
	[tilespmem:s2+$0xB00] =	vst v0;
	v0 =	vadd.s32 $0xA, v6;
	v6 =	vor.u32 $0x1B, v1  }
0x171: {  	v11 =	vor.u32 $0x17, v2;
	[tilespmem:s0+$0x900] =	vst v9;
	v9 =	vld.idx.msk [tilespmem:v12+s22+$0x0], $0xffff;
	vm14 =	vgt.s32 v0, $0x0  }
0x172: {  	v12 =	vor.u32 $0x1C, v1;
	v3 =	vld.idx.msk [tilespmem:v3+s22+$0x0], $0xffff;
	v0 =	vnsel vm14, $0x0, v0;
	[tilespmem:s0+$0x980] =	vst v7  }
0x173: {  	v13 =	vadd.s32 $0xA, v13;
	v0 =	vmin.u32 v0, $0x14;
	v7 =	vld.idx.msk [tilespmem:v14+s22+$0x0], $0xffff;
	[tilespmem:s2+$0xB80] =	vst v5;
	v5 =	vor.u32 $0x18, v2  }
0x174: {  	vm15 =	vgt.s32 v13, $0x0;
	v0 =	vshll.u32 v0, $0x5;
	v4 =	vld.idx.msk [tilespmem:v4+s22+$0x0], $0xffff;
	[tilespmem:s2+$0xC00] =	vst v8  }
0x175: {  	v8 =	vnsel vm15, $0x0, v13;
	[tilespmem:s0+$0xA00] =	vst v10;
	v13 =	vor.u32 $0x1, v0;
	v6 =	vld.idx.msk [tilespmem:v6+s22+$0x0], $0xffff  }
0x176: {  	v8 =	vmin.u32 v8, $0x14;
	v11 =	vld.idx.msk [tilespmem:v11+s22+$0x0], $0xffff;
	[tilespmem:s2+$0xC80] =	vst v9;
	v9 =	vor.u32 $0x1D, v1  }
0x177: {  	v10 =	vshll.u32 v8, $0x5;
	[tilespmem:s0+$0xA80] =	vst v3;
	v3 =	vld.idx.msk [tilespmem:v12+s22+$0x0], $0xffff  }
0x178: {  	v8 =	vor.u32 $0x1E, v1;
	v5 =	vld.idx.msk [tilespmem:v5+s22+$0x0], $0xffff  }
0x179: {  	v14 =	vor.u32 $0x2, v0;
	v12 =	vld.idx.msk [tilespmem:v0+s22+$0x0], $0xffff  }
0x17a: {  	v15 =	vor.u32 $0x1F, v1;
	v13 =	vld.idx.msk [tilespmem:v13+s22+$0x0], $0xffff;
	[tilespmem:s2+$0xD00] =	vst v4  }
0x17b: {  	s16 =	simm.s32 $0x400;
	v4 =	vor.u32 $0x3, v0;
	v9 =	vld.idx.msk [tilespmem:v9+s22+$0x0], $0xffff  }
0x17c: {  	s11 =	sand.u32 $0x3FFFF000, s16;
	v16 =	vor.u32 $0x1, v10;
	[tilespmem:s2+$0xD80] =	vst v6;
	v17 =	vld.idx.msk [tilespmem:v10+s22+$0x0], $0xffff  }
0x17d: {  	s11 =	sadd.s32 $0x9700, s11;
	v6 =	vor.u32 $0x2, v10;
	v1 =	vld.idx.msk [tilespmem:v8+s22+$0x0], $0xffff  }
0x17e: {  	s10 =	sor.u32 s15, s11;
	v8 =	vor.u32 $0x4, v0;
	[tilespmem:s2+$0xE00] =	vst v3;
	v3 =	vld.idx.msk [tilespmem:v14+s22+$0x0], $0xffff  }
0x17f: {  	v14 =	vor.u32 $0x3, v10;
	v15 =	vld.idx.msk [tilespmem:v15+s22+$0x0], $0xffff;
	[tilespmem:s10+$0x0] =	vst v12  }
0x180: {  	[tilespmem:s0+$0xB00] =	vst v7;
	v7 =	vor.u32 $0x5, v0;
	v4 =	vld.idx.msk [tilespmem:v4+s22+$0x0], $0xffff  }
0x181: {  	v12 =	vor.u32 $0x19, v2;
	[tilespmem:s10+$0x80] =	vst v13;
	v13 =	vld.idx.msk [tilespmem:v16+s22+$0x0], $0xffff  }
0x182: {  	s9 =	sor.u32 s14, s11;
	v16 =	vor.u32 $0x4, v10;
	[tilespmem:s2+$0xE80] =	vst v9;
	v6 =	vld.idx.msk [tilespmem:v6+s22+$0x0], $0xffff  }
0x183: {  	v9 =	vor.u32 $0x6, v0;
	v8 =	vld.idx.msk [tilespmem:v8+s22+$0x0], $0xffff;
	[tilespmem:s9+$0x0] =	vst v17  }
0x184: {  	v17 =	vor.u32 $0x5, v10;
	[tilespmem:s10+$0x100] =	vst v3;
	v14 =	vld.idx.msk [tilespmem:v14+s22+$0x0], $0xffff  }
0x185: {  	[tilespmem:s2+$0xF80] =	vst v15;
	v15 =	vor.u32 $0x7, v0;
	v7 =	vld.idx.msk [tilespmem:v7+s22+$0x0], $0xffff  }
0x186: {  	v3 =	vld.idx.msk [tilespmem:v12+s22+$0x0], $0xffff;
	v12 =	vor.u32 $0x6, v10;
	[tilespmem:s9+$0x80] =	vst v13  }
0x187: {  	v13 =	vor.u32 $0x1A, v2;
	[tilespmem:s10+$0x180] =	vst v4;
	v4 =	vld.idx.msk [tilespmem:v16+s22+$0x0], $0xffff  }
0x188: {  	v9 =	vld.idx.msk [tilespmem:v9+s22+$0x0], $0xffff;
	v16 =	vor.u32 $0x8, v0;
	[tilespmem:s9+$0x100] =	vst v6  }
0x189: {  	v6 =	vor.u32 $0x7, v10;
	[tilespmem:s10+$0x200] =	vst v8;
	v8 =	vld.idx.msk [tilespmem:v17+s22+$0x0], $0xffff  }
0x18a: {  	v17 =	vor.u32 $0x9, v0;
	v15 =	vld.idx.msk [tilespmem:v15+s22+$0x0], $0xffff;
	[tilespmem:s9+$0x180] =	vst v14  }
0x18b: {  	[tilespmem:s0+$0xB80] =	vst v11;
	v14 =	vor.u32 $0x8, v10;
	v12 =	vld.idx.msk [tilespmem:v12+s22+$0x0], $0xffff  }
0x18c: {  	v11 =	vor.u32 $0xA, v0;
	[tilespmem:s10+$0x280] =	vst v7;
	v7 =	vld.idx.msk [tilespmem:v13+s22+$0x0], $0xffff  }
0x18d: {  	v13 =	vor.u32 $0x9, v10;
	v16 =	vld.idx.msk [tilespmem:v16+s22+$0x0], $0xffff;
	[tilespmem:s9+$0x200] =	vst v4  }
0x18e: {  	v4 =	vor.u32 $0x1B, v2;
	[tilespmem:s10+$0x300] =	vst v9;
	v6 =	vld.idx.msk [tilespmem:v6+s22+$0x0], $0xffff  }
0x18f: {  	v9 =	vld.idx.msk [tilespmem:v17+s22+$0x0], $0xffff;
	v17 =	vor.u32 $0xB, v0;
	[tilespmem:s9+$0x280] =	vst v8  }
0x190: {  	v8 =	vor.u32 $0xA, v10;
	[tilespmem:s10+$0x380] =	vst v15;
	v14 =	vld.idx.msk [tilespmem:v14+s22+$0x0], $0xffff  }
0x191: {  	v15 =	vor.u32 $0xC, v0;
	v11 =	vld.idx.msk [tilespmem:v11+s22+$0x0], $0xffff;
	[tilespmem:s9+$0x300] =	vst v12  }
0x192: {  	[tilespmem:s0+$0xC00] =	vst v5;
	v12 =	vor.u32 $0xB, v10;
	v13 =	vld.idx.msk [tilespmem:v13+s22+$0x0], $0xffff  }
0x193: {  	v5 =	vor.u32 $0xD, v0;
	[tilespmem:s10+$0x400] =	vst v16;
	v28 =	vld.idx.msk [tilespmem:v4+s22+$0x0], $0xffff  }
0x194: {  	v4 =	vor.u32 $0xC, v10;
	v16 =	vld.idx.msk [tilespmem:v17+s22+$0x0], $0xffff;
	[tilespmem:s9+$0x380] =	vst v6  }
0x195: {  	v6 =	vor.u32 $0x1C, v2;
	[tilespmem:s10+$0x480] =	vst v9;
	v8 =	vld.idx.msk [tilespmem:v8+s22+$0x0], $0xffff  }
0x196: {  	v9 =	vld.idx.msk [tilespmem:v15+s22+$0x0], $0xffff;
	v15 =	vor.u32 $0xE, v0;
	[tilespmem:s9+$0x400] =	vst v14  }
0x197: {  	v14 =	vor.u32 $0xD, v10;
	[tilespmem:s10+$0x500] =	vst v11;
	v11 =	vld.idx.msk [tilespmem:v12+s22+$0x0], $0xffff  }
0x198: {  	v12 =	vor.u32 $0xF, v0;
	v5 =	vld.idx.msk [tilespmem:v5+s22+$0x0], $0xffff;
	[tilespmem:s9+$0x480] =	vst v13  }
0x199: {  	[tilespmem:s0+$0xC80] =	vst v3;
	v13 =	vor.u32 $0xE, v10;
	v4 =	vld.idx.msk [tilespmem:v4+s22+$0x0], $0xffff  }
0x19a: {  	v3 =	vor.u32 $0x10, v0;
	[tilespmem:s10+$0x580] =	vst v16;
	v21 =	vld.idx.msk [tilespmem:v6+s22+$0x0], $0xffff  }
0x19b: {  	v6 =	vor.u32 $0xF, v10;
	v15 =	vld.idx.msk [tilespmem:v15+s22+$0x0], $0xffff;
	[tilespmem:s9+$0x500] =	vst v8  }
0x19c: {  	v16 =	vor.u32 $0x1D, v2;
	[tilespmem:s10+$0x600] =	vst v9;
	v9 =	vld.idx.msk [tilespmem:v14+s22+$0x0], $0xffff  }
0x19d: {  	v17 =	vld.idx.msk [tilespmem:v12+s22+$0x0], $0xffff;
	v12 =	vor.u32 $0x11, v0;
	[tilespmem:s9+$0x580] =	vst v11  }
0x19e: {  	v11 =	vor.u32 $0x10, v10;
	[tilespmem:s10+$0x680] =	vst v5;
	v18 =	vld.idx.msk [tilespmem:v13+s22+$0x0], $0xffff  }
0x19f: {  	v19 =	vld.idx.msk [tilespmem:v3+s22+$0x0], $0xffff;
	v3 =	vor.u32 $0x12, v0;
	[tilespmem:s9+$0x600] =	vst v4  }
0x1a0: {  	v24 =	vor.u32 $0x11, v10;
	[tilespmem:s0+$0xD00] =	vst v7;
	v25 =	vld.idx.msk [tilespmem:v6+s22+$0x0], $0xffff  }
0x1a1: {  	v26 =	vor.u32 $0x13, v0;
	v14 =	vld.idx.msk [tilespmem:v16+s22+$0x0], $0xffff;
	[tilespmem:s10+$0x700] =	vst v15  }
0x1a2: {  	v27 =	vor.u32 $0x14, v0;
	v22 =	vld.idx.msk [tilespmem:v12+s22+$0x0], $0xffff;
	[tilespmem:s9+$0x680] =	vst v9  }
0x1a3: {  	v29 =	vor.u32 $0x12, v10;
	v7 =	vor.u32 $0x19, v10;
	v8 =	vor.u32 $0x1E, v2;
	[tilespmem:s10+$0x780] =	vst v17;
	v20 =	vld.idx.msk [tilespmem:v11+s22+$0x0], $0xffff  }
0x1a4: {  	v5 =	vor.u32 $0x1F, v2;
	v13 =	vor.u32 $0x15, v10;
	v2 =	vor.u32 $0x1D, v10;
	[tilespmem:s9+$0x700] =	vst v18;
	v23 =	vld.idx.msk [tilespmem:v3+s22+$0x0], $0xffff  }
0x1a5: {  	v4 =	vor.u32 $0x1B, v10;
	v16 =	vor.u32 $0x13, v10;
	v6 =	vor.u32 $0x1A, v10;
	[tilespmem:s10+$0x800] =	vst v19;
	v19 =	vld.idx.msk [tilespmem:v24+s22+$0x0], $0xffff  }
0x1a6: {  	v15 =	vor.u32 $0x14, v10;
	v12 =	vor.u32 $0x16, v10;
	v24 =	vld.idx.msk [tilespmem:v26+s22+$0x0], $0xffff;
	v26 =	vor.u32 $0x15, v0  }
0x1a7: {  	v9 =	vor.u32 $0x18, v10;
	v17 =	vor.u32 $0x1E, v10;
	[tilespmem:s9+$0x780] =	vst v25;
	v25 =	vor.u32 $0x16, v0  }
0x1a8: {  	s11 =	simm.s32 $0x2;
	[tilespmem:s0+$0xD80] =	vst v28;
	v11 =	vor.u32 $0x17, v10;
	v3 =	vor.u32 $0x1C, v10;
	v10 =	vor.u32 $0x1F, v10;
	v18 =	vld.idx.msk [tilespmem:v29+s22+$0x0], $0xffff  }
.LBB2_4:
0x1a9: {  	s11 =	sadd.s32 $0x2, s11;
	[tilespmem:s10+$0x880] =	vst v22;
	v22 =	vld.idx.msk [tilespmem:v8+s22+$0x0], $0xffff;
	v8 =	vmov v17  }
0x1aa: {  	s3 =	sadd.s32 $0x20, s3;
	s13 =	sshll.u32 s11, $0x4;
	p0 =	slt.u32 s11, $0x3E;
	v17 =	vld.idx.msk [tilespmem:v27+s22+$0x0], $0xffff;
	[tilespmem:s10+$0x900] =	vst v23  }
0x1ab: {  	s12 =	sand.u32 $0x60, s3;
	s13 =	sand.u32 $0x3FFFFF80, s13;
	v23 =	vld.idx.msk [tilespmem:v26+s22+$0x0], $0xffff;
	[tilespmem:s10+$0x980] =	vst v24  }
0x1ac: {  	v24 =	vor.u32 $0x17, v0;
	s14 =	sadd.s32 $0x1300, s13;
	s13 =	sor.u32 $0x10, s12;
	[tilespmem:s9+$0x800] =	vst v20;
	v20 =	vld.idx.msk [tilespmem:v25+s22+$0x0], $0xffff  }
0x1ad: {  	s15 =	sor.u32 s12, s14;
	s14 =	sor.u32 s13, s14;
	v16 =	vld.idx.msk [tilespmem:v16+s22+$0x0], $0xffff;
	[tilespmem:s9+$0x880] =	vst v19;
	v19 =	vor.u32 $0x18, v0  }
0x1ae: {  	v26 =	vor.u32 $0x19, v0;
	v25 =	vld [tilespmem:s14+$0x0];
	[tilespmem:s0+$0xE00] =	vst v21  }
0x1af: {  	v21 =	vld [tilespmem:s15+$0x0];
	[tilespmem:s2+$0xF00] =	vst v1;
	s2 =	smov.u32 s10  }
0x1b0: {  	v1 =	vld.idx.msk [tilespmem:v15+s22+$0x0], $0xffff;
	[tilespmem:s2+$0xA00] =	vst v17  }
0x1b1: {  	v15 =	vld.idx.msk [tilespmem:v24+s22+$0x0], $0xffff;
	[tilespmem:s2+$0xA80] =	vst v23  }
0x1b2: {  	v17 =	vld.idx.msk [tilespmem:v19+s22+$0x0], $0xffff;
	[tilespmem:s2+$0xB00] =	vst v20  }
0x1b3: {  	v20 =	vor.u32 $0x1A, v0;
	v19 =	vadd.s32 $0xA, v25;
	[tilespmem:s9+$0x900] =	vst v18;
	v18 =	vld.idx.msk [tilespmem:v26+s22+$0x0], $0xffff  }
0x1b4: {  	v21 =	vadd.s32 $0xA, v21;
	vm0 =	vgt.s32 v19, $0x0;
	v13 =	vld.idx.msk [tilespmem:v13+s22+$0x0], $0xffff;
	[tilespmem:s9+$0x980] =	vst v16;
	v16 =	vor.u32 $0x1B, v0  }
0x1b5: {  	v23 =	vor.u32 $0x1C, v0;
	vm1 =	vgt.s32 v21, $0x0;
	v19 =	vnsel vm0, $0x0, v19;
	v12 =	vld.idx.msk [tilespmem:v12+s22+$0x0], $0xffff  }
0x1b6: {  	v21 =	vnsel vm1, $0x0, v21;
	v19 =	vmin.u32 v19, $0x14;
	[tilespmem:s9+$0xA00] =	vst v1;
	v1 =	vld.idx.msk [tilespmem:v5+s22+$0x0], $0xffff;
	v5 =	vmov v10  }
0x1b7: {  	v10 =	vmin.u32 v21, $0x14;
	v19 =	vshll.u32 v19, $0x5;
	v27 =	vld.idx.msk [tilespmem:v11+s22+$0x0], $0xffff;
	[tilespmem:s2+$0xB80] =	vst v15  }
0x1b8: {  	v10 =	vshll.u32 v10, $0x5;
	v11 =	vor.u32 $0x1, v19;
	v15 =	vld.idx.msk [tilespmem:v20+s22+$0x0], $0xffff;
	[tilespmem:s2+$0xC00] =	vst v17  }
0x1b9: {  	v17 =	vor.u32 $0x1, v10;
	v28 =	vor.u32 $0x2, v10;
	v29 =	vor.u32 $0x3, v10;
	v16 =	vld.idx.msk [tilespmem:v16+s22+$0x0], $0xffff;
	[tilespmem:s2+$0xC80] =	vst v18  }
0x1ba: {  	v30 =	vor.u32 $0x4, v10;
	v31 =	vor.u32 $0x5, v10;
	v18 =	vor.u32 $0x1D, v0;
	[tilespmem:s9+$0xA80] =	vst v13;
	v13 =	vld.idx.msk [tilespmem:v23+s22+$0x0], $0xffff  }
0x1bb: {  	v32 =	vor.u32 $0x6, v10;
	v33 =	vor.u32 $0x7, v10;
	v34 =	vld.idx.msk [tilespmem:v9+s22+$0x0], $0xffff;
	[tilespmem:s9+$0xB00] =	vst v12;
	v9 =	vor.u32 $0x1E, v0  }
0x1bc: {  	v35 =	vor.u32 $0x8, v10;
	v36 =	vor.u32 $0x9, v10;
	v12 =	vor.u32 $0x1F, v0;
	v0 =	vmovc v19;
	v37 =	vld.idx.msk [tilespmem:v19+s22+$0x0], $0xffff;
	[tilespmem:s0+$0xF80] =	vst v1  }
0x1bd: {  	v25 =	vor.u32 $0xA, v10;
	v21 =	vor.u32 $0xB, v10;
	v39 =	vor.u32 $0x2, v0;
	v38 =	vld.idx.msk [tilespmem:v11+s22+$0x0], $0xffff;
	[tilespmem:s0+$0xF00] =	vst v22  }
0x1be: {  	s10 =	sshll.u32 s11, $0x9;
	v26 =	vor.u32 $0xC, v10;
	v23 =	vor.u32 $0xD, v10;
	v41 =	vor.u32 $0x3, v0;
	v40 =	vld.idx.msk [tilespmem:v10+s22+$0x0], $0xffff;
	[tilespmem:s2+$0xD00] =	vst v15  }
0x1bf: {  	s10 =	sand.u32 $0x3FFFF000, s10;
	v24 =	vor.u32 $0xE, v10;
	v42 =	vor.u32 $0x4, v0;
	v22 =	vor.u32 $0xF, v10;
	v43 =	vld.idx.msk [tilespmem:v18+s22+$0x0], $0xffff;
	[tilespmem:s2+$0xD80] =	vst v16  }
0x1c0: {  	s14 =	sadd.s32 $0x9700, s10;
	v20 =	vor.u32 $0x10, v10;
	v19 =	vor.u32 $0x11, v10;
	v18 =	vor.u32 $0x12, v10;
	v1 =	vld.idx.msk [tilespmem:v9+s22+$0x0], $0xffff;
	[tilespmem:s2+$0xE00] =	vst v13  }
0x1c1: {  	s10 =	sor.u32 s13, s14;
	v15 =	vor.u32 $0x14, v10;
	v16 =	vor.u32 $0x13, v10;
	v13 =	vor.u32 $0x15, v10;
	v44 =	vld.idx.msk [tilespmem:v12+s22+$0x0], $0xffff;
	[tilespmem:s0+$0xE80] =	vst v14;
	s0 =	smov.u32 s9;
	s9 =	sor.u32 s12, s14  }
0x1c2: {  	v11 =	vor.u32 $0x17, v10;
	v9 =	vor.u32 $0x18, v10;
	v12 =	vor.u32 $0x16, v10;
	v14 =	vld.idx.msk [tilespmem:v39+s22+$0x0], $0xffff;
	[tilespmem:s10+$0x0] =	vst v37  }
0x1c3: {  	v45 =	vor.u32 $0x1B, v10;
	v37 =	vor.u32 $0x19, v10;
	v39 =	vor.u32 $0x1A, v10;
	v41 =	vld.idx.msk [tilespmem:v41+s22+$0x0], $0xffff;
	[tilespmem:s10+$0x80] =	vst v38  }
0x1c4: {  	v46 =	vor.u32 $0x1D, v10;
	v47 =	vor.u32 $0x5, v0;
	v38 =	vor.u32 $0x1C, v10;
	v42 =	vld.idx.msk [tilespmem:v42+s22+$0x0], $0xffff  }
0x1c5: {  	v49 =	vor.u32 $0x6, v0;
	v48 =	vld.idx.msk [tilespmem:v17+s22+$0x0], $0xffff;
	v17 =	vor.u32 $0x1E, v10;
	v10 =	vor.u32 $0x1F, v10;
	[tilespmem:s2+$0xE80] =	vst v43  }
0x1c6: {  	v28 =	vld.idx.msk [tilespmem:v28+s22+$0x0], $0xffff;
	[tilespmem:s9+$0x0] =	vst v40;
	v40 =	vor.u32 $0x7, v0  }
0x1c7: {  	v29 =	vld.idx.msk [tilespmem:v29+s22+$0x0], $0xffff;
	[tilespmem:s2+$0xF80] =	vst v44  }
0x1c8: {  	[tilespmem:s10+$0x100] =	vst v14;
	v14 =	vld.idx.msk [tilespmem:v7+s22+$0x0], $0xffff;
	v7 =	vmov v37  }
0x1c9: {  	v37 =	vld.idx.msk [tilespmem:v47+s22+$0x0], $0xffff;
	[tilespmem:s10+$0x180] =	vst v41  }
0x1ca: {  	v41 =	vld.idx.msk [tilespmem:v49+s22+$0x0], $0xffff;
	[tilespmem:s10+$0x200] =	vst v42  }
0x1cb: {  	v42 =	vor.u32 $0x8, v0;
	[tilespmem:s9+$0x80] =	vst v48;
	v40 =	vld.idx.msk [tilespmem:v40+s22+$0x0], $0xffff  }
0x1cc: {  	v30 =	vld.idx.msk [tilespmem:v30+s22+$0x0], $0xffff;
	[tilespmem:s9+$0x100] =	vst v28;
	v28 =	vor.u32 $0x9, v0  }
0x1cd: {  	v31 =	vld.idx.msk [tilespmem:v31+s22+$0x0], $0xffff;
	[tilespmem:s9+$0x180] =	vst v29;
	v29 =	vor.u32 $0xA, v0  }
0x1ce: {  	v32 =	vld.idx.msk [tilespmem:v32+s22+$0x0], $0xffff;
	[tilespmem:s0+$0xB80] =	vst v27  }
0x1cf: {  	[tilespmem:s10+$0x280] =	vst v37;
	v27 =	vld.idx.msk [tilespmem:v6+s22+$0x0], $0xffff;
	v6 =	vmov v39  }
0x1d0: {  	v37 =	vld.idx.msk [tilespmem:v42+s22+$0x0], $0xffff;
	[tilespmem:s10+$0x300] =	vst v41  }
0x1d1: {  	v28 =	vld.idx.msk [tilespmem:v28+s22+$0x0], $0xffff;
	[tilespmem:s10+$0x380] =	vst v40  }
0x1d2: {  	[tilespmem:s9+$0x200] =	vst v30;
	v29 =	vld.idx.msk [tilespmem:v29+s22+$0x0], $0xffff;
	v30 =	vor.u32 $0xB, v0  }
0x1d3: {  	v33 =	vld.idx.msk [tilespmem:v33+s22+$0x0], $0xffff;
	[tilespmem:s9+$0x280] =	vst v31;
	v31 =	vor.u32 $0xC, v0  }
0x1d4: {  	v35 =	vld.idx.msk [tilespmem:v35+s22+$0x0], $0xffff;
	[tilespmem:s9+$0x300] =	vst v32;
	v32 =	vor.u32 $0xD, v0  }
0x1d5: {  	v36 =	vld.idx.msk [tilespmem:v36+s22+$0x0], $0xffff;
	[tilespmem:s0+$0xC00] =	vst v34  }
0x1d6: {  	[tilespmem:s10+$0x400] =	vst v37;
	v34 =	vld.idx.msk [tilespmem:v4+s22+$0x0], $0xffff;
	v4 =	vmov v45  }
0x1d7: {  	v30 =	vld.idx.msk [tilespmem:v30+s22+$0x0], $0xffff;
	[tilespmem:s10+$0x480] =	vst v28  }
0x1d8: {  	v28 =	vld.idx.msk [tilespmem:v31+s22+$0x0], $0xffff;
	[tilespmem:s10+$0x500] =	vst v29  }
0x1d9: {  	v31 =	vor.u32 $0xE, v0;
	[tilespmem:s9+$0x380] =	vst v33;
	v29 =	vld.idx.msk [tilespmem:v32+s22+$0x0], $0xffff  }
0x1da: {  	v32 =	vor.u32 $0xF, v0;
	v25 =	vld.idx.msk [tilespmem:v25+s22+$0x0], $0xffff;
	[tilespmem:s9+$0x400] =	vst v35  }
0x1db: {  	v35 =	vor.u32 $0x10, v0;
	v33 =	vld.idx.msk [tilespmem:v21+s22+$0x0], $0xffff;
	[tilespmem:s9+$0x480] =	vst v36  }
0x1dc: {  	v26 =	vld.idx.msk [tilespmem:v26+s22+$0x0], $0xffff;
	[tilespmem:s0+$0xC80] =	vst v14  }
0x1dd: {  	[tilespmem:s10+$0x580] =	vst v30;
	v21 =	vld.idx.msk [tilespmem:v3+s22+$0x0], $0xffff;
	v3 =	vmov v38  }
0x1de: {  	v14 =	vld.idx.msk [tilespmem:v31+s22+$0x0], $0xffff;
	[tilespmem:s10+$0x600] =	vst v28  }
0x1df: {  	v28 =	vld.idx.msk [tilespmem:v32+s22+$0x0], $0xffff;
	[tilespmem:s10+$0x680] =	vst v29  }
0x1e0: {  	v29 =	vor.u32 $0x11, v0;
	[tilespmem:s9+$0x500] =	vst v25;
	v25 =	vld.idx.msk [tilespmem:v35+s22+$0x0], $0xffff  }
0x1e1: {  	v30 =	vld.idx.msk [tilespmem:v23+s22+$0x0], $0xffff;
	[tilespmem:s9+$0x580] =	vst v33;
	v23 =	vor.u32 $0x12, v0  }
0x1e2: {  	v31 =	vld.idx.msk [tilespmem:v24+s22+$0x0], $0xffff;
	[tilespmem:s9+$0x600] =	vst v26;
	v24 =	vor.u32 $0x13, v0  }
0x1e3: {  	v32 =	vld.idx.msk [tilespmem:v22+s22+$0x0], $0xffff;
	[tilespmem:s0+$0xD00] =	vst v27  }
0x1e4: {  	[tilespmem:s10+$0x700] =	vst v14;
	v14 =	vld.idx.msk [tilespmem:v2+s22+$0x0], $0xffff;
	v2 =	vmov v46  }
0x1e5: {  	v22 =	vld.idx.msk [tilespmem:v29+s22+$0x0], $0xffff;
	[tilespmem:s10+$0x780] =	vst v28  }
.Ltmp1:
0x1e6: {  	v23 =	vld.idx.msk [tilespmem:v23+s22+$0x0], $0xffff;
	[tilespmem:s10+$0x800] =	vst v25;
	(pc) =	sbr.rel @p0 .LBB2_4-.Ltmp1, $4  }
0x1e7: {  	v27 =	vor.u32 $0x14, v0;
	[tilespmem:s9+$0x680] =	vst v30;
	v24 =	vld.idx.msk [tilespmem:v24+s22+$0x0], $0xffff  }
0x1e8: {  	v26 =	vor.u32 $0x15, v0;
	v20 =	vld.idx.msk [tilespmem:v20+s22+$0x0], $0xffff;
	[tilespmem:s9+$0x700] =	vst v31  }
0x1e9: {  	v25 =	vor.u32 $0x16, v0;
	v19 =	vld.idx.msk [tilespmem:v19+s22+$0x0], $0xffff;
	[tilespmem:s9+$0x780] =	vst v32  }
0x1ea: {  	v18 =	vld.idx.msk [tilespmem:v18+s22+$0x0], $0xffff;
	[tilespmem:s0+$0xD80] =	vst v34  }
0x1eb: {  	_ =	sdelay $0x2  }
0x1ec: {  	[tilespmem:s10+$0x880] =	vst v22  }
0x1ed: {  	v8 =	vld.idx.msk [tilespmem:v8+s22+$0x0], $0xffff;
	[tilespmem:s0+$0xE00] =	vst v21  }
0x1ee: {  	[tilespmem:s2+$0xF00] =	vst v1  }
0x1ef: {  	v22 =	vld.idx.msk [tilespmem:v27+s22+$0x0], $0xffff;
	[tilespmem:s10+$0x900] =	vst v23  }
0x1f0: {  	v5 =	vld.idx.msk [tilespmem:v5+s22+$0x0], $0xffff;
	[tilespmem:s0+$0xE80] =	vst v14  }
0x1f1: {  	v23 =	vld.idx.msk [tilespmem:v26+s22+$0x0], $0xffff;
	[tilespmem:s9+$0x800] =	vst v20  }
0x1f2: {  	[tilespmem:s10+$0x980] =	vst v24;
	v16 =	vld.idx.msk [tilespmem:v16+s22+$0x0], $0xffff  }
0x1f3: {  	[tilespmem:s9+$0x880] =	vst v19  }
0x1f4: {  	v49 =	vor.u32 $0x17, v0;
	v15 =	vld.idx.msk [tilespmem:v15+s22+$0x0], $0xffff;
	[tilespmem:s9+$0x900] =	vst v18  }
0x1f5: {  	v50 =	vor.u32 $0x18, v0;
	v24 =	vld.idx.msk [tilespmem:v25+s22+$0x0], $0xffff;
	[tilespmem:s0+$0xF00] =	vst v8  }
0x1f6: {  	v51 =	vor.u32 $0x19, v0;
	[tilespmem:s10+$0xA00] =	vst v22  }
0x1f7: {  	v13 =	vld.idx.msk [tilespmem:v13+s22+$0x0], $0xffff;
	[tilespmem:s9+$0x980] =	vst v16  }
0x1f8: {  	[tilespmem:s0+$0xF80] =	vst v5;
	v12 =	vld.idx.msk [tilespmem:v12+s22+$0x0], $0xffff  }
0x1f9: {  	v20 =	vld.idx.msk [tilespmem:v49+s22+$0x0], $0xffff;
	[tilespmem:s10+$0xA80] =	vst v23  }
0x1fa: {  	v53 =	vor.u32 $0x1A, v0;
	v52 =	vld.idx.msk [tilespmem:v50+s22+$0x0], $0xffff;
	[tilespmem:s10+$0xB00] =	vst v24  }
0x1fb: {  	v55 =	vor.u32 $0x1B, v0;
	v54 =	vld.idx.msk [tilespmem:v51+s22+$0x0], $0xffff;
	[tilespmem:s9+$0xA00] =	vst v15  }
0x1fc: {  	v56 =	vor.u32 $0x1C, v0;
	v11 =	vld.idx.msk [tilespmem:v11+s22+$0x0], $0xffff;
	[tilespmem:s9+$0xA80] =	vst v13  }
0x1fd: {  	v9 =	vld.idx.msk [tilespmem:v9+s22+$0x0], $0xffff;
	[tilespmem:s9+$0xB00] =	vst v12  }
0x1fe: {  	[tilespmem:s10+$0xB80] =	vst v20;
	v7 =	vld.idx.msk [tilespmem:v7+s22+$0x0], $0xffff  }
0x1ff: {  	v57 =	vld.idx.msk [tilespmem:v53+s22+$0x0], $0xffff;
	[tilespmem:s10+$0xC00] =	vst v52  }
0x200: {  	v58 =	vor.u32 $0x1D, v0;
	v1 =	vld.idx.msk [tilespmem:v55+s22+$0x0], $0xffff;
	[tilespmem:s10+$0xC80] =	vst v54  }
0x201: {  	v59 =	vor.u32 $0x1E, v0;
	[tilespmem:s9+$0xB80] =	vst v11;
	v13 =	vld.idx.msk [tilespmem:v56+s22+$0x0], $0xffff  }
0x202: {  	v60 =	vor.u32 $0x1F, v0;
	v6 =	vld.idx.msk [tilespmem:v6+s22+$0x0], $0xffff;
	[tilespmem:s9+$0xC00] =	vst v9  }
0x203: {  	v4 =	vld.idx.msk [tilespmem:v4+s22+$0x0], $0xffff;
	[tilespmem:s9+$0xC80] =	vst v7  }
0x204: {  	[tilespmem:s10+$0xD00] =	vst v57;
	v62 =	vld.idx.msk [tilespmem:v3+s22+$0x0], $0xffff  }
0x205: {  	v61 =	vld.idx.msk [tilespmem:v58+s22+$0x0], $0xffff;
	[tilespmem:s10+$0xD80] =	vst v1  }
0x206: {  	v63 =	vld.idx.msk [tilespmem:v59+s22+$0x0], $0xffff;
	[tilespmem:s10+$0xE00] =	vst v13  }
0x207: {  	[tilespmem:s9+$0xD00] =	vst v6;
	v0 =	vld.idx.msk [tilespmem:v60+s22+$0x0], $0xffff  }
0x208: {  	v2 =	vld.idx.msk [tilespmem:v2+s22+$0x0], $0xffff;
	[tilespmem:s9+$0xD80] =	vst v4  }
0x209: {  	v4 =	vld.idx.msk [tilespmem:v17+s22+$0x0], $0xffff;
	[tilespmem:s9+$0xE00] =	vst v62  }
0x20a: {  	[tilespmem:s10+$0xE80] =	vst v61;
	v1 =	vld.idx.msk [tilespmem:v10+s22+$0x0], $0xffff  }
0x20b: {  	[tilespmem:s10+$0xF00] =	vst v63  }
0x20c: {  	[tilespmem:s10+$0xF80] =	vst v0  }
0x20d: {  	[tilespmem:s9+$0xE80] =	vst v2  }
0x20e: {  	[tilespmem:s9+$0xF00] =	vst v4  }
0x20f: {  	[tilespmem:s9+$0xF80] =	vst v1  }
0x210: {  	s0 =	rddreg [dreg:$0x8]  }
0x211: {  	[hbm4b:s0+s23] =	stream.strided.scatter [tilespmem:s28], [sflag:$0x2], $0x8000, s24, s23, $0x38;
	[tilespmem:$0x11700] =	vst v63  }
0x212: {  	s2 =	simm.s32 $0x1;
	s16 =	rddreg [dreg:$0x9]  }
0x213: {  	[tilespmem:s20], [sflag:$0x4] =	stream.linear.gather [hbm4b:s16+s6], $0x400, $0x38;
	[tilespmem:$0x11700] =	vst v63  }
.LBB2_6:
0x214: {  	_ =	swait.ge [sflag:s29], $0x8000  }
0x215: {  	[sflag:s29] =	ssyncset.done $0x0  }
0x216: {  	s0 =	simm.s32 $0x0;
	s3 =	simm.s32 $0x0;
	[sflag:s29] =	ssyncadd.s32 $0xFFFF8000  }
0x217: {  	s0 =	sand.u32 $0x60, s0;
	s3 =	sand.u32 $0x3FFFFF80, s3;
	_ =	swait.ge [sflag:s21], $0x400  }
0x218: {  	s3 =	sadd.s32 $0xF00, s3;
	s9 =	sor.u32 $0x10, s0;
	[sflag:s21] =	ssyncset.done $0x0  }
0x219: {  	s10 =	sor.u32 s9, s3;
	[sflag:s21] =	ssyncadd.s32 $0xFFFFFC00  }
0x21a: {  	v0 =	vld [tilespmem:s10+$0x0];
	_ =	sdelay $0x3  }
0x21b: {  	s3 =	sor.u32 s0, s3  }
0x21c: {  	v2 =	vld [tilespmem:s3+$0x0];
	v0 =	vadd.s32 $0xA, v0  }
0x21d: {  	vm0 =	vgt.s32 v0, $0x0  }
0x21e: {  	v0 =	vnsel vm0, $0x0, v0  }
0x21f: {  	v0 =	vmin.u32 v0, $0x14  }
0x220: {  	v1 =	vshll.u32 v0, $0x5  }
0x221: {  	v2 =	vadd.s32 $0xA, v2;
	v0 =	vor.u32 $0x1, v1  }
0x222: {  	vm13 =	vgt.s32 v2, $0x0  }
0x223: {  	v2 =	vnsel vm13, $0x0, v2  }
0x224: {  	v2 =	vmin.u32 v2, $0x14;
	v3 =	vor.u32 $0x2, v1  }
0x225: {  	v2 =	vshll.u32 v2, $0x5;
	v4 =	vld.idx.msk [tilespmem:v1+s22+$0x0], $0xffff  }
0x226: {  	s12 =	simm.s32 $0x0;
	v5 =	vor.u32 $0x3, v1;
	v0 =	vld.idx.msk [tilespmem:v0+s22+$0x0], $0xffff  }
0x227: {  	s3 =	sand.u32 $0x3FFFF000, s12;
	v6 =	vor.u32 $0x4, v1  }
0x228: {  	s13 =	sadd.s32 $0x1700, s3;
	v7 =	vor.u32 $0x1, v2  }
0x229: {  	s3 =	sor.u32 s9, s13;
	v8 =	vor.u32 $0x2, v2;
	v3 =	vld.idx.msk [tilespmem:v3+s22+$0x0], $0xffff  }
0x22a: {  	v9 =	vld.idx.msk [tilespmem:v2+s22+$0x0], $0xffff;
	[tilespmem:s3+$0x0] =	vst v4;
	v4 =	vor.u32 $0x5, v1  }
0x22b: {  	v10 =	vor.u32 $0x3, v2;
	v5 =	vld.idx.msk [tilespmem:v5+s22+$0x0], $0xffff;
	[tilespmem:s3+$0x80] =	vst v0  }
0x22c: {  	v0 =	vor.u32 $0x6, v1;
	v6 =	vld.idx.msk [tilespmem:v6+s22+$0x0], $0xffff  }
0x22d: {  	v11 =	vor.u32 $0x7, v1;
	v7 =	vld.idx.msk [tilespmem:v7+s22+$0x0], $0xffff  }
0x22e: {  	s0 =	sor.u32 s0, s13;
	v8 =	vld.idx.msk [tilespmem:v8+s22+$0x0], $0xffff;
	[tilespmem:s3+$0x100] =	vst v3;
	v3 =	vor.u32 $0x4, v2  }
0x22f: {  	v12 =	vor.u32 $0x5, v2;
	[tilespmem:s0+$0x0] =	vst v9;
	v4 =	vld.idx.msk [tilespmem:v4+s22+$0x0], $0xffff  }
0x230: {  	v9 =	vld.idx.msk [tilespmem:v10+s22+$0x0], $0xffff;
	[tilespmem:s3+$0x180] =	vst v5;
	v5 =	vor.u32 $0x8, v1  }
0x231: {  	v10 =	vor.u32 $0x6, v2;
	v0 =	vld.idx.msk [tilespmem:v0+s22+$0x0], $0xffff;
	[tilespmem:s3+$0x200] =	vst v6  }
0x232: {  	[tilespmem:s0+$0x80] =	vst v7;
	v6 =	vor.u32 $0x9, v1;
	v7 =	vld.idx.msk [tilespmem:v11+s22+$0x0], $0xffff  }
0x233: {  	v3 =	vld.idx.msk [tilespmem:v3+s22+$0x0], $0xffff;
	[tilespmem:s0+$0x100] =	vst v8;
	v11 =	vor.u32 $0xA, v1  }
0x234: {  	v8 =	vld.idx.msk [tilespmem:v12+s22+$0x0], $0xffff;
	[tilespmem:s3+$0x280] =	vst v4;
	v4 =	vor.u32 $0x7, v2  }
0x235: {  	v12 =	vor.u32 $0x8, v2;
	[tilespmem:s0+$0x180] =	vst v9;
	v5 =	vld.idx.msk [tilespmem:v5+s22+$0x0], $0xffff  }
0x236: {  	v9 =	vld.idx.msk [tilespmem:v10+s22+$0x0], $0xffff;
	[tilespmem:s3+$0x300] =	vst v0;
	v0 =	vor.u32 $0xB, v1  }
0x237: {  	v10 =	vor.u32 $0x9, v2;
	v6 =	vld.idx.msk [tilespmem:v6+s22+$0x0], $0xffff;
	[tilespmem:s3+$0x380] =	vst v7  }
0x238: {  	[tilespmem:s0+$0x200] =	vst v3;
	v7 =	vor.u32 $0xC, v1;
	v3 =	vld.idx.msk [tilespmem:v11+s22+$0x0], $0xffff  }
0x239: {  	v11 =	vor.u32 $0xD, v1;
	v4 =	vld.idx.msk [tilespmem:v4+s22+$0x0], $0xffff;
	[tilespmem:s0+$0x280] =	vst v8  }
0x23a: {  	[tilespmem:s3+$0x400] =	vst v5;
	v5 =	vor.u32 $0xA, v2;
	v8 =	vld.idx.msk [tilespmem:v12+s22+$0x0], $0xffff  }
0x23b: {  	v12 =	vor.u32 $0xB, v2;
	[tilespmem:s0+$0x300] =	vst v9;
	v0 =	vld.idx.msk [tilespmem:v0+s22+$0x0], $0xffff  }
0x23c: {  	v9 =	vld.idx.msk [tilespmem:v10+s22+$0x0], $0xffff;
	[tilespmem:s3+$0x480] =	vst v6;
	v6 =	vor.u32 $0xE, v1  }
0x23d: {  	v10 =	vor.u32 $0xC, v2;
	v7 =	vld.idx.msk [tilespmem:v7+s22+$0x0], $0xffff;
	[tilespmem:s3+$0x500] =	vst v3  }
0x23e: {  	v3 =	vor.u32 $0xF, v1;
	[tilespmem:s0+$0x380] =	vst v4;
	v4 =	vld.idx.msk [tilespmem:v11+s22+$0x0], $0xffff  }
0x23f: {  	v11 =	vor.u32 $0x10, v1;
	v5 =	vld.idx.msk [tilespmem:v5+s22+$0x0], $0xffff;
	[tilespmem:s0+$0x400] =	vst v8  }
0x240: {  	[tilespmem:s3+$0x580] =	vst v0;
	v0 =	vor.u32 $0xD, v2;
	v8 =	vld.idx.msk [tilespmem:v12+s22+$0x0], $0xffff  }
0x241: {  	v12 =	vor.u32 $0xE, v2;
	[tilespmem:s0+$0x480] =	vst v9;
	v6 =	vld.idx.msk [tilespmem:v6+s22+$0x0], $0xffff  }
0x242: {  	v9 =	vld.idx.msk [tilespmem:v10+s22+$0x0], $0xffff;
	[tilespmem:s3+$0x600] =	vst v7;
	v7 =	vor.u32 $0x11, v1  }
0x243: {  	v10 =	vor.u32 $0xF, v2;
	v3 =	vld.idx.msk [tilespmem:v3+s22+$0x0], $0xffff;
	[tilespmem:s3+$0x680] =	vst v4  }
0x244: {  	v4 =	vor.u32 $0x12, v1;
	[tilespmem:s0+$0x500] =	vst v5;
	v5 =	vld.idx.msk [tilespmem:v11+s22+$0x0], $0xffff  }
0x245: {  	v11 =	vor.u32 $0x13, v1;
	v0 =	vld.idx.msk [tilespmem:v0+s22+$0x0], $0xffff;
	[tilespmem:s0+$0x580] =	vst v8  }
0x246: {  	[tilespmem:s3+$0x700] =	vst v6;
	v6 =	vor.u32 $0x10, v2;
	v8 =	vld.idx.msk [tilespmem:v12+s22+$0x0], $0xffff  }
0x247: {  	v12 =	vor.u32 $0x11, v2;
	[tilespmem:s0+$0x600] =	vst v9;
	v7 =	vld.idx.msk [tilespmem:v7+s22+$0x0], $0xffff  }
0x248: {  	v9 =	vld.idx.msk [tilespmem:v10+s22+$0x0], $0xffff;
	[tilespmem:s3+$0x780] =	vst v3;
	v3 =	vor.u32 $0x14, v1  }
0x249: {  	v10 =	vor.u32 $0x12, v2;
	v4 =	vld.idx.msk [tilespmem:v4+s22+$0x0], $0xffff;
	[tilespmem:s3+$0x800] =	vst v5  }
0x24a: {  	v5 =	vor.u32 $0x15, v1;
	[tilespmem:s0+$0x680] =	vst v0;
	v0 =	vld.idx.msk [tilespmem:v11+s22+$0x0], $0xffff  }
0x24b: {  	v11 =	vor.u32 $0x16, v1;
	v6 =	vld.idx.msk [tilespmem:v6+s22+$0x0], $0xffff;
	[tilespmem:s0+$0x700] =	vst v8  }
0x24c: {  	[tilespmem:s3+$0x880] =	vst v7;
	v8 =	vld.idx.msk [tilespmem:v12+s22+$0x0], $0xffff  }
0x24d: {  	s11 =	simm.s32 $0x20;
	s9 =	simm.s32 $0x20;
	[tilespmem:s0+$0x780] =	vst v9;
	v3 =	vld.idx.msk [tilespmem:v3+s22+$0x0], $0xffff  }
0x24e: {  	s11 =	sand.u32 $0x3FFFFF80, s11;
	s14 =	sand.u32 $0x60, s9;
	v7 =	vor.u32 $0x13, v2;
	v9 =	vld.idx.msk [tilespmem:v10+s22+$0x0], $0xffff;
	[tilespmem:s3+$0x900] =	vst v4  }
0x24f: {  	s12 =	sadd.s32 $0xF00, s11;
	s15 =	sor.u32 $0x10, s14;
	v4 =	vld.idx.msk [tilespmem:v5+s22+$0x0], $0xffff;
	v5 =	vor.u32 $0x17, v1;
	[tilespmem:s3+$0x980] =	vst v0  }
0x250: {  	s13 =	sor.u32 s15, s12;
	v10 =	vor.u32 $0x18, v1;
	v0 =	vld.idx.msk [tilespmem:v11+s22+$0x0], $0xffff  }
0x251: {  	s12 =	sor.u32 s14, s12;
	v11 =	vor.u32 $0x14, v2;
	[tilespmem:s0+$0x800] =	vst v6;
	v6 =	vld [tilespmem:s13+$0x0]  }
0x252: {  	v13 =	vld [tilespmem:s12+$0x0];
	v12 =	vor.u32 $0x19, v1  }
0x253: {  	v7 =	vld.idx.msk [tilespmem:v7+s22+$0x0], $0xffff;
	[tilespmem:s3+$0xA00] =	vst v3;
	v3 =	vor.u32 $0x15, v2  }
0x254: {  	v14 =	vor.u32 $0x16, v2;
	v5 =	vld.idx.msk [tilespmem:v5+s22+$0x0], $0xffff;
	[tilespmem:s3+$0xA80] =	vst v4  }
0x255: {  	[tilespmem:s0+$0x880] =	vst v8;
	v4 =	vor.u32 $0x1A, v1;
	v8 =	vld.idx.msk [tilespmem:v10+s22+$0x0], $0xffff  }
0x256: {  	v10 =	vld.idx.msk [tilespmem:v11+s22+$0x0], $0xffff;
	[tilespmem:s3+$0xB00] =	vst v0;
	v0 =	vadd.s32 $0xA, v6;
	v6 =	vor.u32 $0x1B, v1  }
0x257: {  	v11 =	vor.u32 $0x17, v2;
	[tilespmem:s0+$0x900] =	vst v9;
	v9 =	vld.idx.msk [tilespmem:v12+s22+$0x0], $0xffff;
	vm14 =	vgt.s32 v0, $0x0  }
0x258: {  	v12 =	vor.u32 $0x1C, v1;
	v3 =	vld.idx.msk [tilespmem:v3+s22+$0x0], $0xffff;
	v0 =	vnsel vm14, $0x0, v0;
	[tilespmem:s0+$0x980] =	vst v7  }
0x259: {  	v13 =	vadd.s32 $0xA, v13;
	v0 =	vmin.u32 v0, $0x14;
	v7 =	vld.idx.msk [tilespmem:v14+s22+$0x0], $0xffff;
	[tilespmem:s3+$0xB80] =	vst v5;
	v5 =	vor.u32 $0x18, v2  }
0x25a: {  	vm15 =	vgt.s32 v13, $0x0;
	v0 =	vshll.u32 v0, $0x5;
	v4 =	vld.idx.msk [tilespmem:v4+s22+$0x0], $0xffff;
	[tilespmem:s3+$0xC00] =	vst v8  }
0x25b: {  	v8 =	vnsel vm15, $0x0, v13;
	[tilespmem:s0+$0xA00] =	vst v10;
	v13 =	vor.u32 $0x1, v0;
	v6 =	vld.idx.msk [tilespmem:v6+s22+$0x0], $0xffff  }
0x25c: {  	v8 =	vmin.u32 v8, $0x14;
	v11 =	vld.idx.msk [tilespmem:v11+s22+$0x0], $0xffff;
	[tilespmem:s3+$0xC80] =	vst v9;
	v9 =	vor.u32 $0x1D, v1  }
0x25d: {  	v10 =	vshll.u32 v8, $0x5;
	[tilespmem:s0+$0xA80] =	vst v3;
	v3 =	vld.idx.msk [tilespmem:v12+s22+$0x0], $0xffff  }
0x25e: {  	v8 =	vor.u32 $0x1E, v1;
	v5 =	vld.idx.msk [tilespmem:v5+s22+$0x0], $0xffff  }
0x25f: {  	v14 =	vor.u32 $0x2, v0;
	v12 =	vld.idx.msk [tilespmem:v0+s22+$0x0], $0xffff  }
0x260: {  	v15 =	vor.u32 $0x1F, v1;
	v13 =	vld.idx.msk [tilespmem:v13+s22+$0x0], $0xffff;
	[tilespmem:s3+$0xD00] =	vst v4  }
0x261: {  	s16 =	simm.s32 $0x400;
	v4 =	vor.u32 $0x3, v0;
	v9 =	vld.idx.msk [tilespmem:v9+s22+$0x0], $0xffff  }
0x262: {  	s12 =	sand.u32 $0x3FFFF000, s16;
	v16 =	vor.u32 $0x1, v10;
	[tilespmem:s3+$0xD80] =	vst v6;
	v17 =	vld.idx.msk [tilespmem:v10+s22+$0x0], $0xffff  }
0x263: {  	s12 =	sadd.s32 $0x1700, s12;
	v6 =	vor.u32 $0x2, v10;
	v1 =	vld.idx.msk [tilespmem:v8+s22+$0x0], $0xffff  }
0x264: {  	s11 =	sor.u32 s15, s12;
	v8 =	vor.u32 $0x4, v0;
	[tilespmem:s3+$0xE00] =	vst v3;
	v3 =	vld.idx.msk [tilespmem:v14+s22+$0x0], $0xffff  }
0x265: {  	v14 =	vor.u32 $0x3, v10;
	v15 =	vld.idx.msk [tilespmem:v15+s22+$0x0], $0xffff;
	[tilespmem:s11+$0x0] =	vst v12  }
0x266: {  	[tilespmem:s0+$0xB00] =	vst v7;
	v7 =	vor.u32 $0x5, v0;
	v4 =	vld.idx.msk [tilespmem:v4+s22+$0x0], $0xffff  }
0x267: {  	v12 =	vor.u32 $0x19, v2;
	[tilespmem:s11+$0x80] =	vst v13;
	v13 =	vld.idx.msk [tilespmem:v16+s22+$0x0], $0xffff  }
0x268: {  	s10 =	sor.u32 s14, s12;
	v16 =	vor.u32 $0x4, v10;
	[tilespmem:s3+$0xE80] =	vst v9;
	v6 =	vld.idx.msk [tilespmem:v6+s22+$0x0], $0xffff  }
0x269: {  	v9 =	vor.u32 $0x6, v0;
	v8 =	vld.idx.msk [tilespmem:v8+s22+$0x0], $0xffff;
	[tilespmem:s10+$0x0] =	vst v17  }
0x26a: {  	v17 =	vor.u32 $0x5, v10;
	[tilespmem:s11+$0x100] =	vst v3;
	v14 =	vld.idx.msk [tilespmem:v14+s22+$0x0], $0xffff  }
0x26b: {  	[tilespmem:s3+$0xF80] =	vst v15;
	v15 =	vor.u32 $0x7, v0;
	v7 =	vld.idx.msk [tilespmem:v7+s22+$0x0], $0xffff  }
0x26c: {  	v3 =	vld.idx.msk [tilespmem:v12+s22+$0x0], $0xffff;
	v12 =	vor.u32 $0x6, v10;
	[tilespmem:s10+$0x80] =	vst v13  }
0x26d: {  	v13 =	vor.u32 $0x1A, v2;
	[tilespmem:s11+$0x180] =	vst v4;
	v4 =	vld.idx.msk [tilespmem:v16+s22+$0x0], $0xffff  }
0x26e: {  	v9 =	vld.idx.msk [tilespmem:v9+s22+$0x0], $0xffff;
	v16 =	vor.u32 $0x8, v0;
	[tilespmem:s10+$0x100] =	vst v6  }
0x26f: {  	v6 =	vor.u32 $0x7, v10;
	[tilespmem:s11+$0x200] =	vst v8;
	v8 =	vld.idx.msk [tilespmem:v17+s22+$0x0], $0xffff  }
0x270: {  	v17 =	vor.u32 $0x9, v0;
	v15 =	vld.idx.msk [tilespmem:v15+s22+$0x0], $0xffff;
	[tilespmem:s10+$0x180] =	vst v14  }
0x271: {  	[tilespmem:s0+$0xB80] =	vst v11;
	v14 =	vor.u32 $0x8, v10;
	v12 =	vld.idx.msk [tilespmem:v12+s22+$0x0], $0xffff  }
0x272: {  	v11 =	vor.u32 $0xA, v0;
	[tilespmem:s11+$0x280] =	vst v7;
	v7 =	vld.idx.msk [tilespmem:v13+s22+$0x0], $0xffff  }
0x273: {  	v13 =	vor.u32 $0x9, v10;
	v16 =	vld.idx.msk [tilespmem:v16+s22+$0x0], $0xffff;
	[tilespmem:s10+$0x200] =	vst v4  }
0x274: {  	v4 =	vor.u32 $0x1B, v2;
	[tilespmem:s11+$0x300] =	vst v9;
	v6 =	vld.idx.msk [tilespmem:v6+s22+$0x0], $0xffff  }
0x275: {  	v9 =	vld.idx.msk [tilespmem:v17+s22+$0x0], $0xffff;
	v17 =	vor.u32 $0xB, v0;
	[tilespmem:s10+$0x280] =	vst v8  }
0x276: {  	v8 =	vor.u32 $0xA, v10;
	[tilespmem:s11+$0x380] =	vst v15;
	v14 =	vld.idx.msk [tilespmem:v14+s22+$0x0], $0xffff  }
0x277: {  	v15 =	vor.u32 $0xC, v0;
	v11 =	vld.idx.msk [tilespmem:v11+s22+$0x0], $0xffff;
	[tilespmem:s10+$0x300] =	vst v12  }
0x278: {  	[tilespmem:s0+$0xC00] =	vst v5;
	v12 =	vor.u32 $0xB, v10;
	v13 =	vld.idx.msk [tilespmem:v13+s22+$0x0], $0xffff  }
0x279: {  	v5 =	vor.u32 $0xD, v0;
	[tilespmem:s11+$0x400] =	vst v16;
	v28 =	vld.idx.msk [tilespmem:v4+s22+$0x0], $0xffff  }
0x27a: {  	v4 =	vor.u32 $0xC, v10;
	v16 =	vld.idx.msk [tilespmem:v17+s22+$0x0], $0xffff;
	[tilespmem:s10+$0x380] =	vst v6  }
0x27b: {  	v6 =	vor.u32 $0x1C, v2;
	[tilespmem:s11+$0x480] =	vst v9;
	v8 =	vld.idx.msk [tilespmem:v8+s22+$0x0], $0xffff  }
0x27c: {  	v9 =	vld.idx.msk [tilespmem:v15+s22+$0x0], $0xffff;
	v15 =	vor.u32 $0xE, v0;
	[tilespmem:s10+$0x400] =	vst v14  }
0x27d: {  	v14 =	vor.u32 $0xD, v10;
	[tilespmem:s11+$0x500] =	vst v11;
	v11 =	vld.idx.msk [tilespmem:v12+s22+$0x0], $0xffff  }
0x27e: {  	v12 =	vor.u32 $0xF, v0;
	v5 =	vld.idx.msk [tilespmem:v5+s22+$0x0], $0xffff;
	[tilespmem:s10+$0x480] =	vst v13  }
0x27f: {  	[tilespmem:s0+$0xC80] =	vst v3;
	v13 =	vor.u32 $0xE, v10;
	v4 =	vld.idx.msk [tilespmem:v4+s22+$0x0], $0xffff  }
0x280: {  	v3 =	vor.u32 $0x10, v0;
	[tilespmem:s11+$0x580] =	vst v16;
	v21 =	vld.idx.msk [tilespmem:v6+s22+$0x0], $0xffff  }
0x281: {  	v6 =	vor.u32 $0xF, v10;
	v15 =	vld.idx.msk [tilespmem:v15+s22+$0x0], $0xffff;
	[tilespmem:s10+$0x500] =	vst v8  }
0x282: {  	v16 =	vor.u32 $0x1D, v2;
	[tilespmem:s11+$0x600] =	vst v9;
	v9 =	vld.idx.msk [tilespmem:v14+s22+$0x0], $0xffff  }
0x283: {  	v17 =	vld.idx.msk [tilespmem:v12+s22+$0x0], $0xffff;
	v12 =	vor.u32 $0x11, v0;
	[tilespmem:s10+$0x580] =	vst v11  }
0x284: {  	v11 =	vor.u32 $0x10, v10;
	[tilespmem:s11+$0x680] =	vst v5;
	v18 =	vld.idx.msk [tilespmem:v13+s22+$0x0], $0xffff  }
0x285: {  	v19 =	vld.idx.msk [tilespmem:v3+s22+$0x0], $0xffff;
	v3 =	vor.u32 $0x12, v0;
	[tilespmem:s10+$0x600] =	vst v4  }
0x286: {  	v24 =	vor.u32 $0x11, v10;
	[tilespmem:s0+$0xD00] =	vst v7;
	v25 =	vld.idx.msk [tilespmem:v6+s22+$0x0], $0xffff  }
0x287: {  	v26 =	vor.u32 $0x13, v0;
	v14 =	vld.idx.msk [tilespmem:v16+s22+$0x0], $0xffff;
	[tilespmem:s11+$0x700] =	vst v15  }
0x288: {  	v27 =	vor.u32 $0x14, v0;
	v22 =	vld.idx.msk [tilespmem:v12+s22+$0x0], $0xffff;
	[tilespmem:s10+$0x680] =	vst v9  }
0x289: {  	v29 =	vor.u32 $0x12, v10;
	v7 =	vor.u32 $0x19, v10;
	v8 =	vor.u32 $0x1E, v2;
	[tilespmem:s11+$0x780] =	vst v17;
	v20 =	vld.idx.msk [tilespmem:v11+s22+$0x0], $0xffff  }
0x28a: {  	v5 =	vor.u32 $0x1F, v2;
	v13 =	vor.u32 $0x15, v10;
	v2 =	vor.u32 $0x1D, v10;
	[tilespmem:s10+$0x700] =	vst v18;
	v23 =	vld.idx.msk [tilespmem:v3+s22+$0x0], $0xffff  }
0x28b: {  	v4 =	vor.u32 $0x1B, v10;
	v16 =	vor.u32 $0x13, v10;
	v6 =	vor.u32 $0x1A, v10;
	[tilespmem:s11+$0x800] =	vst v19;
	v19 =	vld.idx.msk [tilespmem:v24+s22+$0x0], $0xffff  }
0x28c: {  	v15 =	vor.u32 $0x14, v10;
	v12 =	vor.u32 $0x16, v10;
	v24 =	vld.idx.msk [tilespmem:v26+s22+$0x0], $0xffff;
	v26 =	vor.u32 $0x15, v0  }
0x28d: {  	v9 =	vor.u32 $0x18, v10;
	v17 =	vor.u32 $0x1E, v10;
	[tilespmem:s10+$0x780] =	vst v25;
	v25 =	vor.u32 $0x16, v0  }
0x28e: {  	s12 =	simm.s32 $0x2;
	[tilespmem:s0+$0xD80] =	vst v28;
	v11 =	vor.u32 $0x17, v10;
	v3 =	vor.u32 $0x1C, v10;
	v10 =	vor.u32 $0x1F, v10;
	v18 =	vld.idx.msk [tilespmem:v29+s22+$0x0], $0xffff  }
.LBB2_7:
0x28f: {  	s12 =	sadd.s32 $0x2, s12;
	[tilespmem:s11+$0x880] =	vst v22;
	v22 =	vld.idx.msk [tilespmem:v8+s22+$0x0], $0xffff;
	v8 =	vmov v17  }
0x290: {  	s9 =	sadd.s32 $0x20, s9;
	s14 =	sshll.u32 s12, $0x4;
	p0 =	slt.u32 s12, $0x3E;
	v17 =	vld.idx.msk [tilespmem:v27+s22+$0x0], $0xffff;
	[tilespmem:s11+$0x900] =	vst v23  }
0x291: {  	s13 =	sand.u32 $0x60, s9;
	s14 =	sand.u32 $0x3FFFFF80, s14;
	v23 =	vld.idx.msk [tilespmem:v26+s22+$0x0], $0xffff;
	[tilespmem:s11+$0x980] =	vst v24  }
0x292: {  	v24 =	vor.u32 $0x17, v0;
	s15 =	sadd.s32 $0xF00, s14;
	s14 =	sor.u32 $0x10, s13;
	[tilespmem:s10+$0x800] =	vst v20;
	v20 =	vld.idx.msk [tilespmem:v25+s22+$0x0], $0xffff  }
0x293: {  	s16 =	sor.u32 s13, s15;
	s15 =	sor.u32 s14, s15;
	v16 =	vld.idx.msk [tilespmem:v16+s22+$0x0], $0xffff;
	[tilespmem:s10+$0x880] =	vst v19;
	v19 =	vor.u32 $0x18, v0  }
0x294: {  	v26 =	vor.u32 $0x19, v0;
	v25 =	vld [tilespmem:s15+$0x0];
	[tilespmem:s0+$0xE00] =	vst v21  }
0x295: {  	v21 =	vld [tilespmem:s16+$0x0];
	[tilespmem:s3+$0xF00] =	vst v1;
	s3 =	smov.u32 s11  }
0x296: {  	v1 =	vld.idx.msk [tilespmem:v15+s22+$0x0], $0xffff;
	[tilespmem:s3+$0xA00] =	vst v17  }
0x297: {  	v15 =	vld.idx.msk [tilespmem:v24+s22+$0x0], $0xffff;
	[tilespmem:s3+$0xA80] =	vst v23  }
0x298: {  	v17 =	vld.idx.msk [tilespmem:v19+s22+$0x0], $0xffff;
	[tilespmem:s3+$0xB00] =	vst v20  }
0x299: {  	v20 =	vor.u32 $0x1A, v0;
	v19 =	vadd.s32 $0xA, v25;
	[tilespmem:s10+$0x900] =	vst v18;
	v18 =	vld.idx.msk [tilespmem:v26+s22+$0x0], $0xffff  }
0x29a: {  	v21 =	vadd.s32 $0xA, v21;
	vm0 =	vgt.s32 v19, $0x0;
	v13 =	vld.idx.msk [tilespmem:v13+s22+$0x0], $0xffff;
	[tilespmem:s10+$0x980] =	vst v16;
	v16 =	vor.u32 $0x1B, v0  }
0x29b: {  	v23 =	vor.u32 $0x1C, v0;
	vm1 =	vgt.s32 v21, $0x0;
	v19 =	vnsel vm0, $0x0, v19;
	v12 =	vld.idx.msk [tilespmem:v12+s22+$0x0], $0xffff  }
0x29c: {  	v21 =	vnsel vm1, $0x0, v21;
	v19 =	vmin.u32 v19, $0x14;
	[tilespmem:s10+$0xA00] =	vst v1;
	v1 =	vld.idx.msk [tilespmem:v5+s22+$0x0], $0xffff;
	v5 =	vmov v10  }
0x29d: {  	v10 =	vmin.u32 v21, $0x14;
	v19 =	vshll.u32 v19, $0x5;
	v27 =	vld.idx.msk [tilespmem:v11+s22+$0x0], $0xffff;
	[tilespmem:s3+$0xB80] =	vst v15  }
0x29e: {  	v10 =	vshll.u32 v10, $0x5;
	v11 =	vor.u32 $0x1, v19;
	v15 =	vld.idx.msk [tilespmem:v20+s22+$0x0], $0xffff;
	[tilespmem:s3+$0xC00] =	vst v17  }
0x29f: {  	v17 =	vor.u32 $0x1, v10;
	v28 =	vor.u32 $0x2, v10;
	v29 =	vor.u32 $0x3, v10;
	v16 =	vld.idx.msk [tilespmem:v16+s22+$0x0], $0xffff;
	[tilespmem:s3+$0xC80] =	vst v18  }
0x2a0: {  	v30 =	vor.u32 $0x4, v10;
	v31 =	vor.u32 $0x5, v10;
	v18 =	vor.u32 $0x1D, v0;
	[tilespmem:s10+$0xA80] =	vst v13;
	v13 =	vld.idx.msk [tilespmem:v23+s22+$0x0], $0xffff  }
0x2a1: {  	v32 =	vor.u32 $0x6, v10;
	v33 =	vor.u32 $0x7, v10;
	v34 =	vld.idx.msk [tilespmem:v9+s22+$0x0], $0xffff;
	[tilespmem:s10+$0xB00] =	vst v12;
	v9 =	vor.u32 $0x1E, v0  }
0x2a2: {  	v35 =	vor.u32 $0x8, v10;
	v36 =	vor.u32 $0x9, v10;
	v12 =	vor.u32 $0x1F, v0;
	v0 =	vmovc v19;
	v37 =	vld.idx.msk [tilespmem:v19+s22+$0x0], $0xffff;
	[tilespmem:s0+$0xF80] =	vst v1  }
0x2a3: {  	v25 =	vor.u32 $0xA, v10;
	v21 =	vor.u32 $0xB, v10;
	v39 =	vor.u32 $0x2, v0;
	v38 =	vld.idx.msk [tilespmem:v11+s22+$0x0], $0xffff;
	[tilespmem:s0+$0xF00] =	vst v22  }
0x2a4: {  	s11 =	sshll.u32 s12, $0x9;
	v26 =	vor.u32 $0xC, v10;
	v23 =	vor.u32 $0xD, v10;
	v41 =	vor.u32 $0x3, v0;
	v40 =	vld.idx.msk [tilespmem:v10+s22+$0x0], $0xffff;
	[tilespmem:s3+$0xD00] =	vst v15  }
0x2a5: {  	s11 =	sand.u32 $0x3FFFF000, s11;
	v24 =	vor.u32 $0xE, v10;
	v42 =	vor.u32 $0x4, v0;
	v22 =	vor.u32 $0xF, v10;
	v43 =	vld.idx.msk [tilespmem:v18+s22+$0x0], $0xffff;
	[tilespmem:s3+$0xD80] =	vst v16  }
0x2a6: {  	s15 =	sadd.s32 $0x1700, s11;
	v20 =	vor.u32 $0x10, v10;
	v19 =	vor.u32 $0x11, v10;
	v18 =	vor.u32 $0x12, v10;
	v1 =	vld.idx.msk [tilespmem:v9+s22+$0x0], $0xffff;
	[tilespmem:s3+$0xE00] =	vst v13  }
0x2a7: {  	s11 =	sor.u32 s14, s15;
	v15 =	vor.u32 $0x14, v10;
	v16 =	vor.u32 $0x13, v10;
	v13 =	vor.u32 $0x15, v10;
	v44 =	vld.idx.msk [tilespmem:v12+s22+$0x0], $0xffff;
	[tilespmem:s0+$0xE80] =	vst v14;
	s0 =	smov.u32 s10;
	s10 =	sor.u32 s13, s15  }
0x2a8: {  	v11 =	vor.u32 $0x17, v10;
	v9 =	vor.u32 $0x18, v10;
	v12 =	vor.u32 $0x16, v10;
	v14 =	vld.idx.msk [tilespmem:v39+s22+$0x0], $0xffff;
	[tilespmem:s11+$0x0] =	vst v37  }
0x2a9: {  	v45 =	vor.u32 $0x1B, v10;
	v37 =	vor.u32 $0x19, v10;
	v39 =	vor.u32 $0x1A, v10;
	v41 =	vld.idx.msk [tilespmem:v41+s22+$0x0], $0xffff;
	[tilespmem:s11+$0x80] =	vst v38  }
0x2aa: {  	v46 =	vor.u32 $0x1D, v10;
	v47 =	vor.u32 $0x5, v0;
	v38 =	vor.u32 $0x1C, v10;
	v42 =	vld.idx.msk [tilespmem:v42+s22+$0x0], $0xffff  }
0x2ab: {  	v49 =	vor.u32 $0x6, v0;
	v48 =	vld.idx.msk [tilespmem:v17+s22+$0x0], $0xffff;
	v17 =	vor.u32 $0x1E, v10;
	v10 =	vor.u32 $0x1F, v10;
	[tilespmem:s3+$0xE80] =	vst v43  }
0x2ac: {  	v28 =	vld.idx.msk [tilespmem:v28+s22+$0x0], $0xffff;
	[tilespmem:s10+$0x0] =	vst v40;
	v40 =	vor.u32 $0x7, v0  }
0x2ad: {  	v29 =	vld.idx.msk [tilespmem:v29+s22+$0x0], $0xffff;
	[tilespmem:s3+$0xF80] =	vst v44  }
0x2ae: {  	[tilespmem:s11+$0x100] =	vst v14;
	v14 =	vld.idx.msk [tilespmem:v7+s22+$0x0], $0xffff;
	v7 =	vmov v37  }
0x2af: {  	v37 =	vld.idx.msk [tilespmem:v47+s22+$0x0], $0xffff;
	[tilespmem:s11+$0x180] =	vst v41  }
0x2b0: {  	v41 =	vld.idx.msk [tilespmem:v49+s22+$0x0], $0xffff;
	[tilespmem:s11+$0x200] =	vst v42  }
0x2b1: {  	v42 =	vor.u32 $0x8, v0;
	[tilespmem:s10+$0x80] =	vst v48;
	v40 =	vld.idx.msk [tilespmem:v40+s22+$0x0], $0xffff  }
0x2b2: {  	v30 =	vld.idx.msk [tilespmem:v30+s22+$0x0], $0xffff;
	[tilespmem:s10+$0x100] =	vst v28;
	v28 =	vor.u32 $0x9, v0  }
0x2b3: {  	v31 =	vld.idx.msk [tilespmem:v31+s22+$0x0], $0xffff;
	[tilespmem:s10+$0x180] =	vst v29;
	v29 =	vor.u32 $0xA, v0  }
0x2b4: {  	v32 =	vld.idx.msk [tilespmem:v32+s22+$0x0], $0xffff;
	[tilespmem:s0+$0xB80] =	vst v27  }
0x2b5: {  	[tilespmem:s11+$0x280] =	vst v37;
	v27 =	vld.idx.msk [tilespmem:v6+s22+$0x0], $0xffff;
	v6 =	vmov v39  }
0x2b6: {  	v37 =	vld.idx.msk [tilespmem:v42+s22+$0x0], $0xffff;
	[tilespmem:s11+$0x300] =	vst v41  }
0x2b7: {  	v28 =	vld.idx.msk [tilespmem:v28+s22+$0x0], $0xffff;
	[tilespmem:s11+$0x380] =	vst v40  }
0x2b8: {  	[tilespmem:s10+$0x200] =	vst v30;
	v29 =	vld.idx.msk [tilespmem:v29+s22+$0x0], $0xffff;
	v30 =	vor.u32 $0xB, v0  }
0x2b9: {  	v33 =	vld.idx.msk [tilespmem:v33+s22+$0x0], $0xffff;
	[tilespmem:s10+$0x280] =	vst v31;
	v31 =	vor.u32 $0xC, v0  }
0x2ba: {  	v35 =	vld.idx.msk [tilespmem:v35+s22+$0x0], $0xffff;
	[tilespmem:s10+$0x300] =	vst v32;
	v32 =	vor.u32 $0xD, v0  }
0x2bb: {  	v36 =	vld.idx.msk [tilespmem:v36+s22+$0x0], $0xffff;
	[tilespmem:s0+$0xC00] =	vst v34  }
0x2bc: {  	[tilespmem:s11+$0x400] =	vst v37;
	v34 =	vld.idx.msk [tilespmem:v4+s22+$0x0], $0xffff;
	v4 =	vmov v45  }
0x2bd: {  	v30 =	vld.idx.msk [tilespmem:v30+s22+$0x0], $0xffff;
	[tilespmem:s11+$0x480] =	vst v28  }
0x2be: {  	v28 =	vld.idx.msk [tilespmem:v31+s22+$0x0], $0xffff;
	[tilespmem:s11+$0x500] =	vst v29  }
0x2bf: {  	v31 =	vor.u32 $0xE, v0;
	[tilespmem:s10+$0x380] =	vst v33;
	v29 =	vld.idx.msk [tilespmem:v32+s22+$0x0], $0xffff  }
0x2c0: {  	v32 =	vor.u32 $0xF, v0;
	v25 =	vld.idx.msk [tilespmem:v25+s22+$0x0], $0xffff;
	[tilespmem:s10+$0x400] =	vst v35  }
0x2c1: {  	v35 =	vor.u32 $0x10, v0;
	v33 =	vld.idx.msk [tilespmem:v21+s22+$0x0], $0xffff;
	[tilespmem:s10+$0x480] =	vst v36  }
0x2c2: {  	v26 =	vld.idx.msk [tilespmem:v26+s22+$0x0], $0xffff;
	[tilespmem:s0+$0xC80] =	vst v14  }
0x2c3: {  	[tilespmem:s11+$0x580] =	vst v30;
	v21 =	vld.idx.msk [tilespmem:v3+s22+$0x0], $0xffff;
	v3 =	vmov v38  }
0x2c4: {  	v14 =	vld.idx.msk [tilespmem:v31+s22+$0x0], $0xffff;
	[tilespmem:s11+$0x600] =	vst v28  }
0x2c5: {  	v28 =	vld.idx.msk [tilespmem:v32+s22+$0x0], $0xffff;
	[tilespmem:s11+$0x680] =	vst v29  }
0x2c6: {  	v29 =	vor.u32 $0x11, v0;
	[tilespmem:s10+$0x500] =	vst v25;
	v25 =	vld.idx.msk [tilespmem:v35+s22+$0x0], $0xffff  }
0x2c7: {  	v30 =	vld.idx.msk [tilespmem:v23+s22+$0x0], $0xffff;
	[tilespmem:s10+$0x580] =	vst v33;
	v23 =	vor.u32 $0x12, v0  }
0x2c8: {  	v31 =	vld.idx.msk [tilespmem:v24+s22+$0x0], $0xffff;
	[tilespmem:s10+$0x600] =	vst v26;
	v24 =	vor.u32 $0x13, v0  }
0x2c9: {  	v32 =	vld.idx.msk [tilespmem:v22+s22+$0x0], $0xffff;
	[tilespmem:s0+$0xD00] =	vst v27  }
0x2ca: {  	[tilespmem:s11+$0x700] =	vst v14;
	v14 =	vld.idx.msk [tilespmem:v2+s22+$0x0], $0xffff;
	v2 =	vmov v46  }
0x2cb: {  	v22 =	vld.idx.msk [tilespmem:v29+s22+$0x0], $0xffff;
	[tilespmem:s11+$0x780] =	vst v28  }
.Ltmp2:
0x2cc: {  	v23 =	vld.idx.msk [tilespmem:v23+s22+$0x0], $0xffff;
	[tilespmem:s11+$0x800] =	vst v25;
	(pc) =	sbr.rel @p0 .LBB2_7-.Ltmp2, $4  }
0x2cd: {  	v27 =	vor.u32 $0x14, v0;
	[tilespmem:s10+$0x680] =	vst v30;
	v24 =	vld.idx.msk [tilespmem:v24+s22+$0x0], $0xffff  }
0x2ce: {  	v26 =	vor.u32 $0x15, v0;
	v20 =	vld.idx.msk [tilespmem:v20+s22+$0x0], $0xffff;
	[tilespmem:s10+$0x700] =	vst v31  }
0x2cf: {  	v25 =	vor.u32 $0x16, v0;
	v19 =	vld.idx.msk [tilespmem:v19+s22+$0x0], $0xffff;
	[tilespmem:s10+$0x780] =	vst v32  }
0x2d0: {  	v18 =	vld.idx.msk [tilespmem:v18+s22+$0x0], $0xffff;
	[tilespmem:s0+$0xD80] =	vst v34  }
0x2d1: {  	_ =	sdelay $0x2  }
0x2d2: {  	[tilespmem:s11+$0x880] =	vst v22  }
0x2d3: {  	v8 =	vld.idx.msk [tilespmem:v8+s22+$0x0], $0xffff;
	[tilespmem:s0+$0xE00] =	vst v21  }
0x2d4: {  	[tilespmem:s3+$0xF00] =	vst v1  }
0x2d5: {  	v22 =	vld.idx.msk [tilespmem:v27+s22+$0x0], $0xffff;
	[tilespmem:s11+$0x900] =	vst v23  }
0x2d6: {  	v5 =	vld.idx.msk [tilespmem:v5+s22+$0x0], $0xffff;
	[tilespmem:s0+$0xE80] =	vst v14  }
0x2d7: {  	v23 =	vld.idx.msk [tilespmem:v26+s22+$0x0], $0xffff;
	[tilespmem:s10+$0x800] =	vst v20  }
0x2d8: {  	v20 =	vor.u32 $0x17, v0;
	[tilespmem:s11+$0x980] =	vst v24;
	v16 =	vld.idx.msk [tilespmem:v16+s22+$0x0], $0xffff  }
0x2d9: {  	[tilespmem:s10+$0x880] =	vst v19;
	v24 =	vld.idx.msk [tilespmem:v25+s22+$0x0], $0xffff  }
0x2da: {  	v19 =	vor.u32 $0x18, v0;
	v15 =	vld.idx.msk [tilespmem:v15+s22+$0x0], $0xffff;
	[tilespmem:s10+$0x900] =	vst v18  }
0x2db: {  	v21 =	vor.u32 $0x19, v0;
	[tilespmem:s0+$0xF00] =	vst v8  }
0x2dc: {  	v13 =	vld.idx.msk [tilespmem:v13+s22+$0x0], $0xffff;
	[tilespmem:s11+$0xA00] =	vst v22  }
0x2dd: {  	v20 =	vld.idx.msk [tilespmem:v20+s22+$0x0], $0xffff;
	[tilespmem:s10+$0x980] =	vst v16  }
0x2de: {  	[tilespmem:s11+$0xA80] =	vst v23;
	v16 =	vor.u32 $0x1A, v0;
	v12 =	vld.idx.msk [tilespmem:v12+s22+$0x0], $0xffff  }
0x2df: {  	v18 =	vld.idx.msk [tilespmem:v19+s22+$0x0], $0xffff;
	[tilespmem:s11+$0xB00] =	vst v24  }
0x2e0: {  	v1 =	vor.u32 $0x1B, v0;
	v19 =	vld.idx.msk [tilespmem:v21+s22+$0x0], $0xffff;
	[tilespmem:s10+$0xA00] =	vst v15  }
0x2e1: {  	v11 =	vld.idx.msk [tilespmem:v11+s22+$0x0], $0xffff;
	[tilespmem:s10+$0xA80] =	vst v13;
	v13 =	vor.u32 $0x1C, v0  }
0x2e2: {  	v9 =	vld.idx.msk [tilespmem:v9+s22+$0x0], $0xffff;
	[tilespmem:s11+$0xB80] =	vst v20  }
0x2e3: {  	v15 =	vld.idx.msk [tilespmem:v16+s22+$0x0], $0xffff;
	[tilespmem:s10+$0xB00] =	vst v12  }
0x2e4: {  	[tilespmem:s11+$0xC00] =	vst v18;
	v12 =	vor.u32 $0x1D, v0;
	v7 =	vld.idx.msk [tilespmem:v7+s22+$0x0], $0xffff  }
0x2e5: {  	v1 =	vld.idx.msk [tilespmem:v1+s22+$0x0], $0xffff;
	[tilespmem:s11+$0xC80] =	vst v19  }
0x2e6: {  	[tilespmem:s10+$0xB80] =	vst v11;
	v13 =	vld.idx.msk [tilespmem:v13+s22+$0x0], $0xffff  }
0x2e7: {  	v11 =	vor.u32 $0x1E, v0;
	v6 =	vld.idx.msk [tilespmem:v6+s22+$0x0], $0xffff;
	[tilespmem:s10+$0xC00] =	vst v9  }
0x2e8: {  	v0 =	vor.u32 $0x1F, v0;
	v4 =	vld.idx.msk [tilespmem:v4+s22+$0x0], $0xffff;
	[tilespmem:s11+$0xD00] =	vst v15  }
0x2e9: {  	v9 =	vld.idx.msk [tilespmem:v12+s22+$0x0], $0xffff;
	[tilespmem:s10+$0xC80] =	vst v7  }
0x2ea: {  	[tilespmem:s11+$0xD80] =	vst v1;
	v1 =	vld.idx.msk [tilespmem:v3+s22+$0x0], $0xffff  }
0x2eb: {  	[tilespmem:s0+$0xF80] =	vst v5  }
0x2ec: {  	v3 =	vld.idx.msk [tilespmem:v11+s22+$0x0], $0xffff;
	[tilespmem:s11+$0xE00] =	vst v13  }
0x2ed: {  	[tilespmem:s10+$0xD00] =	vst v6;
	v0 =	vld.idx.msk [tilespmem:v0+s22+$0x0], $0xffff  }
0x2ee: {  	v2 =	vld.idx.msk [tilespmem:v2+s22+$0x0], $0xffff;
	[tilespmem:s10+$0xD80] =	vst v4  }
0x2ef: {  	v4 =	vld.idx.msk [tilespmem:v17+s22+$0x0], $0xffff;
	[tilespmem:s10+$0xE00] =	vst v1  }
0x2f0: {  	s15 =	sshll.u32 s2, $0x1;
	[tilespmem:s11+$0xE80] =	vst v9;
	v1 =	vld.idx.msk [tilespmem:v10+s22+$0x0], $0xffff  }
0x2f1: {  	s0 =	sadd.s32 s5, s15;
	[tilespmem:s11+$0xF00] =	vst v3  }
0x2f2: {  	s16 =	sshll.u32 s0, $0x7;
	[tilespmem:s11+$0xF80] =	vst v0  }
0x2f3: {  	s9 =	sshll.u32 s0, $0xC;
	s8 =	sand.u32 $0xF80, s16;
	[tilespmem:s10+$0xE80] =	vst v2  }
0x2f4: {  	s9 =	sand.u32 $0xFFE0000, s9;
	s11 =	sadd.s32 s4, s8;
	[tilespmem:s10+$0xF00] =	vst v4  }
0x2f5: {  	s9 =	sadd.s32 s9, s11;
	[tilespmem:s10+$0xF80] =	vst v1  }
0x2f6: {  	[hbm4b:s9+s23] =	stream.strided.scatter [tilespmem:s25], [sflag:$0x1], $0x8000, s24, s23, $0x38;
	[tilespmem:$0x11700] =	vst v63  }
0x2f7: {  	s12 =	simm.s32 $0x0;
	s3 =	sadd.s32 s17, s16  }
0x2f8: {  	[tilespmem:s19], [sflag:$0x3] =	stream.linear.gather [hbm4b:s3+s12], $0x400, $0x38;
	[tilespmem:$0x11700] =	vst v63  }
0x2f9: {  	_ =	swait.ge [sflag:s30], $0x8000  }
0x2fa: {  	[sflag:s30] =	ssyncset.done $0x0  }
0x2fb: {  	s13 =	simm.s32 $0x0;
	[sflag:s30] =	ssyncadd.s32 $0xFFFF8000  }
0x2fc: {  	s14 =	sand.u32 $0x60, s12;
	s3 =	sand.u32 $0x3FFFFF80, s13;
	_ =	swait.ge [sflag:s26], $0x400  }
0x2fd: {  	s9 =	sor.u32 $0x10, s14;
	s3 =	sadd.s32 $0x1300, s3;
	[sflag:s26] =	ssyncset.done $0x0  }
0x2fe: {  	s15 =	sor.u32 s9, s3;
	[sflag:s26] =	ssyncadd.s32 $0xFFFFFC00  }
0x2ff: {  	v0 =	vld [tilespmem:s15+$0x0];
	_ =	sdelay $0x3  }
0x300: {  	s3 =	sor.u32 s14, s3  }
0x301: {  	v2 =	vld [tilespmem:s3+$0x0];
	v0 =	vadd.s32 $0xA, v0  }
0x302: {  	vm0 =	vgt.s32 v0, $0x0  }
0x303: {  	v0 =	vnsel vm0, $0x0, v0  }
0x304: {  	v0 =	vmin.u32 v0, $0x14  }
0x305: {  	v1 =	vshll.u32 v0, $0x5  }
0x306: {  	v2 =	vadd.s32 $0xA, v2;
	v0 =	vor.u32 $0x1, v1  }
0x307: {  	vm13 =	vgt.s32 v2, $0x0  }
0x308: {  	v2 =	vnsel vm13, $0x0, v2  }
0x309: {  	v2 =	vmin.u32 v2, $0x14;
	v3 =	vor.u32 $0x2, v1  }
0x30a: {  	v2 =	vshll.u32 v2, $0x5;
	v4 =	vld.idx.msk [tilespmem:v1+s22+$0x0], $0xffff  }
0x30b: {  	s16 =	simm.s32 $0x0;
	v5 =	vor.u32 $0x3, v1;
	v0 =	vld.idx.msk [tilespmem:v0+s22+$0x0], $0xffff  }
0x30c: {  	s3 =	sand.u32 $0x3FFFF000, s16;
	v6 =	vor.u32 $0x4, v1  }
0x30d: {  	s3 =	sadd.s32 $0x9700, s3;
	v7 =	vor.u32 $0x1, v2  }
0x30e: {  	s9 =	sor.u32 s9, s3;
	v8 =	vor.u32 $0x2, v2;
	v3 =	vld.idx.msk [tilespmem:v3+s22+$0x0], $0xffff  }
0x30f: {  	v9 =	vld.idx.msk [tilespmem:v2+s22+$0x0], $0xffff;
	[tilespmem:s9+$0x0] =	vst v4;
	v4 =	vor.u32 $0x5, v1  }
0x310: {  	v10 =	vor.u32 $0x3, v2;
	v5 =	vld.idx.msk [tilespmem:v5+s22+$0x0], $0xffff;
	[tilespmem:s9+$0x80] =	vst v0  }
0x311: {  	v0 =	vor.u32 $0x6, v1;
	v6 =	vld.idx.msk [tilespmem:v6+s22+$0x0], $0xffff  }
0x312: {  	v11 =	vor.u32 $0x7, v1;
	v7 =	vld.idx.msk [tilespmem:v7+s22+$0x0], $0xffff  }
0x313: {  	s3 =	sor.u32 s14, s3;
	v8 =	vld.idx.msk [tilespmem:v8+s22+$0x0], $0xffff;
	[tilespmem:s9+$0x100] =	vst v3;
	v3 =	vor.u32 $0x4, v2  }
0x314: {  	v12 =	vor.u32 $0x5, v2;
	[tilespmem:s3+$0x0] =	vst v9;
	v4 =	vld.idx.msk [tilespmem:v4+s22+$0x0], $0xffff  }
0x315: {  	v9 =	vld.idx.msk [tilespmem:v10+s22+$0x0], $0xffff;
	[tilespmem:s9+$0x180] =	vst v5;
	v5 =	vor.u32 $0x8, v1  }
0x316: {  	v10 =	vor.u32 $0x6, v2;
	v0 =	vld.idx.msk [tilespmem:v0+s22+$0x0], $0xffff;
	[tilespmem:s9+$0x200] =	vst v6  }
0x317: {  	[tilespmem:s3+$0x80] =	vst v7;
	v6 =	vor.u32 $0x9, v1;
	v7 =	vld.idx.msk [tilespmem:v11+s22+$0x0], $0xffff  }
0x318: {  	v3 =	vld.idx.msk [tilespmem:v3+s22+$0x0], $0xffff;
	[tilespmem:s3+$0x100] =	vst v8;
	v11 =	vor.u32 $0xA, v1  }
0x319: {  	v8 =	vld.idx.msk [tilespmem:v12+s22+$0x0], $0xffff;
	[tilespmem:s9+$0x280] =	vst v4;
	v4 =	vor.u32 $0x7, v2  }
0x31a: {  	v12 =	vor.u32 $0x8, v2;
	[tilespmem:s3+$0x180] =	vst v9;
	v5 =	vld.idx.msk [tilespmem:v5+s22+$0x0], $0xffff  }
0x31b: {  	v9 =	vld.idx.msk [tilespmem:v10+s22+$0x0], $0xffff;
	[tilespmem:s9+$0x300] =	vst v0;
	v0 =	vor.u32 $0xB, v1  }
0x31c: {  	v10 =	vor.u32 $0x9, v2;
	v6 =	vld.idx.msk [tilespmem:v6+s22+$0x0], $0xffff;
	[tilespmem:s9+$0x380] =	vst v7  }
0x31d: {  	[tilespmem:s3+$0x200] =	vst v3;
	v7 =	vor.u32 $0xC, v1;
	v3 =	vld.idx.msk [tilespmem:v11+s22+$0x0], $0xffff  }
0x31e: {  	v11 =	vor.u32 $0xD, v1;
	v4 =	vld.idx.msk [tilespmem:v4+s22+$0x0], $0xffff;
	[tilespmem:s3+$0x280] =	vst v8  }
0x31f: {  	[tilespmem:s9+$0x400] =	vst v5;
	v5 =	vor.u32 $0xA, v2;
	v8 =	vld.idx.msk [tilespmem:v12+s22+$0x0], $0xffff  }
0x320: {  	v12 =	vor.u32 $0xB, v2;
	[tilespmem:s3+$0x300] =	vst v9;
	v0 =	vld.idx.msk [tilespmem:v0+s22+$0x0], $0xffff  }
0x321: {  	v9 =	vld.idx.msk [tilespmem:v10+s22+$0x0], $0xffff;
	[tilespmem:s9+$0x480] =	vst v6;
	v6 =	vor.u32 $0xE, v1  }
0x322: {  	v10 =	vor.u32 $0xC, v2;
	v7 =	vld.idx.msk [tilespmem:v7+s22+$0x0], $0xffff;
	[tilespmem:s9+$0x500] =	vst v3  }
0x323: {  	v3 =	vor.u32 $0xF, v1;
	[tilespmem:s3+$0x380] =	vst v4;
	v4 =	vld.idx.msk [tilespmem:v11+s22+$0x0], $0xffff  }
0x324: {  	v11 =	vor.u32 $0x10, v1;
	v5 =	vld.idx.msk [tilespmem:v5+s22+$0x0], $0xffff;
	[tilespmem:s3+$0x400] =	vst v8  }
0x325: {  	[tilespmem:s9+$0x580] =	vst v0;
	v0 =	vor.u32 $0xD, v2;
	v8 =	vld.idx.msk [tilespmem:v12+s22+$0x0], $0xffff  }
0x326: {  	v12 =	vor.u32 $0xE, v2;
	[tilespmem:s3+$0x480] =	vst v9;
	v6 =	vld.idx.msk [tilespmem:v6+s22+$0x0], $0xffff  }
0x327: {  	v9 =	vld.idx.msk [tilespmem:v10+s22+$0x0], $0xffff;
	[tilespmem:s9+$0x600] =	vst v7;
	v7 =	vor.u32 $0x11, v1  }
0x328: {  	v10 =	vor.u32 $0xF, v2;
	v3 =	vld.idx.msk [tilespmem:v3+s22+$0x0], $0xffff;
	[tilespmem:s9+$0x680] =	vst v4  }
0x329: {  	v4 =	vor.u32 $0x12, v1;
	[tilespmem:s3+$0x500] =	vst v5;
	v5 =	vld.idx.msk [tilespmem:v11+s22+$0x0], $0xffff  }
0x32a: {  	v11 =	vor.u32 $0x13, v1;
	v0 =	vld.idx.msk [tilespmem:v0+s22+$0x0], $0xffff;
	[tilespmem:s3+$0x580] =	vst v8  }
0x32b: {  	[tilespmem:s9+$0x700] =	vst v6;
	v6 =	vor.u32 $0x10, v2;
	v8 =	vld.idx.msk [tilespmem:v12+s22+$0x0], $0xffff  }
0x32c: {  	v12 =	vor.u32 $0x11, v2;
	[tilespmem:s3+$0x600] =	vst v9;
	v7 =	vld.idx.msk [tilespmem:v7+s22+$0x0], $0xffff  }
0x32d: {  	v9 =	vld.idx.msk [tilespmem:v10+s22+$0x0], $0xffff;
	[tilespmem:s9+$0x780] =	vst v3;
	v3 =	vor.u32 $0x14, v1  }
0x32e: {  	v10 =	vor.u32 $0x12, v2;
	v4 =	vld.idx.msk [tilespmem:v4+s22+$0x0], $0xffff;
	[tilespmem:s9+$0x800] =	vst v5  }
0x32f: {  	v5 =	vor.u32 $0x15, v1;
	[tilespmem:s3+$0x680] =	vst v0;
	v0 =	vld.idx.msk [tilespmem:v11+s22+$0x0], $0xffff  }
0x330: {  	v11 =	vor.u32 $0x16, v1;
	v6 =	vld.idx.msk [tilespmem:v6+s22+$0x0], $0xffff;
	[tilespmem:s3+$0x700] =	vst v8  }
0x331: {  	[tilespmem:s9+$0x880] =	vst v7;
	v8 =	vld.idx.msk [tilespmem:v12+s22+$0x0], $0xffff  }
0x332: {  	s10 =	simm.s32 $0x20;
	s12 =	simm.s32 $0x20;
	[tilespmem:s3+$0x780] =	vst v9;
	v3 =	vld.idx.msk [tilespmem:v3+s22+$0x0], $0xffff  }
0x333: {  	s8 =	sand.u32 $0x60, s10;
	s12 =	sand.u32 $0x3FFFFF80, s12;
	v7 =	vor.u32 $0x13, v2;
	v9 =	vld.idx.msk [tilespmem:v10+s22+$0x0], $0xffff;
	[tilespmem:s9+$0x900] =	vst v4  }
0x334: {  	s13 =	sadd.s32 $0x1300, s12;
	s15 =	sor.u32 $0x10, s8;
	v4 =	vld.idx.msk [tilespmem:v5+s22+$0x0], $0xffff;
	v5 =	vor.u32 $0x17, v1;
	[tilespmem:s9+$0x980] =	vst v0  }
0x335: {  	s14 =	sor.u32 s15, s13;
	v10 =	vor.u32 $0x18, v1;
	v0 =	vld.idx.msk [tilespmem:v11+s22+$0x0], $0xffff  }
0x336: {  	s13 =	sor.u32 s8, s13;
	v11 =	vor.u32 $0x14, v2;
	[tilespmem:s3+$0x800] =	vst v6;
	v6 =	vld [tilespmem:s14+$0x0]  }
0x337: {  	v13 =	vld [tilespmem:s13+$0x0];
	v12 =	vor.u32 $0x19, v1  }
0x338: {  	v7 =	vld.idx.msk [tilespmem:v7+s22+$0x0], $0xffff;
	[tilespmem:s9+$0xA00] =	vst v3;
	v3 =	vor.u32 $0x15, v2  }
0x339: {  	v14 =	vor.u32 $0x16, v2;
	v5 =	vld.idx.msk [tilespmem:v5+s22+$0x0], $0xffff;
	[tilespmem:s9+$0xA80] =	vst v4  }
0x33a: {  	[tilespmem:s3+$0x880] =	vst v8;
	v4 =	vor.u32 $0x1A, v1;
	v8 =	vld.idx.msk [tilespmem:v10+s22+$0x0], $0xffff  }
0x33b: {  	v10 =	vld.idx.msk [tilespmem:v11+s22+$0x0], $0xffff;
	[tilespmem:s9+$0xB00] =	vst v0;
	v0 =	vadd.s32 $0xA, v6;
	v6 =	vor.u32 $0x1B, v1  }
0x33c: {  	v11 =	vor.u32 $0x17, v2;
	[tilespmem:s3+$0x900] =	vst v9;
	v9 =	vld.idx.msk [tilespmem:v12+s22+$0x0], $0xffff;
	vm14 =	vgt.s32 v0, $0x0  }
0x33d: {  	v12 =	vor.u32 $0x1C, v1;
	v3 =	vld.idx.msk [tilespmem:v3+s22+$0x0], $0xffff;
	v0 =	vnsel vm14, $0x0, v0;
	[tilespmem:s3+$0x980] =	vst v7  }
0x33e: {  	v13 =	vadd.s32 $0xA, v13;
	v0 =	vmin.u32 v0, $0x14;
	v7 =	vld.idx.msk [tilespmem:v14+s22+$0x0], $0xffff;
	[tilespmem:s9+$0xB80] =	vst v5;
	v5 =	vor.u32 $0x18, v2  }
0x33f: {  	vm15 =	vgt.s32 v13, $0x0;
	v0 =	vshll.u32 v0, $0x5;
	v4 =	vld.idx.msk [tilespmem:v4+s22+$0x0], $0xffff;
	[tilespmem:s9+$0xC00] =	vst v8  }
0x340: {  	v8 =	vnsel vm15, $0x0, v13;
	[tilespmem:s3+$0xA00] =	vst v10;
	v13 =	vor.u32 $0x1, v0;
	v6 =	vld.idx.msk [tilespmem:v6+s22+$0x0], $0xffff  }
0x341: {  	v8 =	vmin.u32 v8, $0x14;
	v11 =	vld.idx.msk [tilespmem:v11+s22+$0x0], $0xffff;
	[tilespmem:s9+$0xC80] =	vst v9;
	v9 =	vor.u32 $0x1D, v1  }
0x342: {  	v10 =	vshll.u32 v8, $0x5;
	[tilespmem:s3+$0xA80] =	vst v3;
	v3 =	vld.idx.msk [tilespmem:v12+s22+$0x0], $0xffff  }
0x343: {  	v8 =	vor.u32 $0x1E, v1;
	v5 =	vld.idx.msk [tilespmem:v5+s22+$0x0], $0xffff  }
0x344: {  	v14 =	vor.u32 $0x2, v0;
	v12 =	vld.idx.msk [tilespmem:v0+s22+$0x0], $0xffff  }
0x345: {  	v15 =	vor.u32 $0x1F, v1;
	v13 =	vld.idx.msk [tilespmem:v13+s22+$0x0], $0xffff;
	[tilespmem:s9+$0xD00] =	vst v4  }
0x346: {  	s16 =	simm.s32 $0x400;
	v4 =	vor.u32 $0x3, v0;
	v9 =	vld.idx.msk [tilespmem:v9+s22+$0x0], $0xffff  }
0x347: {  	s13 =	sand.u32 $0x3FFFF000, s16;
	v16 =	vor.u32 $0x1, v10;
	[tilespmem:s9+$0xD80] =	vst v6;
	v17 =	vld.idx.msk [tilespmem:v10+s22+$0x0], $0xffff  }
0x348: {  	s13 =	sadd.s32 $0x9700, s13;
	v6 =	vor.u32 $0x2, v10;
	v1 =	vld.idx.msk [tilespmem:v8+s22+$0x0], $0xffff  }
0x349: {  	s12 =	sor.u32 s15, s13;
	v8 =	vor.u32 $0x4, v0;
	[tilespmem:s9+$0xE00] =	vst v3;
	v3 =	vld.idx.msk [tilespmem:v14+s22+$0x0], $0xffff  }
0x34a: {  	v14 =	vor.u32 $0x3, v10;
	v15 =	vld.idx.msk [tilespmem:v15+s22+$0x0], $0xffff;
	[tilespmem:s12+$0x0] =	vst v12  }
0x34b: {  	[tilespmem:s3+$0xB00] =	vst v7;
	v7 =	vor.u32 $0x5, v0;
	v4 =	vld.idx.msk [tilespmem:v4+s22+$0x0], $0xffff  }
0x34c: {  	v12 =	vor.u32 $0x19, v2;
	[tilespmem:s12+$0x80] =	vst v13;
	v13 =	vld.idx.msk [tilespmem:v16+s22+$0x0], $0xffff  }
0x34d: {  	s11 =	sor.u32 s8, s13;
	v16 =	vor.u32 $0x4, v10;
	[tilespmem:s9+$0xE80] =	vst v9;
	v6 =	vld.idx.msk [tilespmem:v6+s22+$0x0], $0xffff  }
0x34e: {  	v9 =	vor.u32 $0x6, v0;
	v8 =	vld.idx.msk [tilespmem:v8+s22+$0x0], $0xffff;
	[tilespmem:s11+$0x0] =	vst v17  }
0x34f: {  	v17 =	vor.u32 $0x5, v10;
	[tilespmem:s12+$0x100] =	vst v3;
	v14 =	vld.idx.msk [tilespmem:v14+s22+$0x0], $0xffff  }
0x350: {  	[tilespmem:s9+$0xF80] =	vst v15;
	v15 =	vor.u32 $0x7, v0;
	v7 =	vld.idx.msk [tilespmem:v7+s22+$0x0], $0xffff  }
0x351: {  	v3 =	vld.idx.msk [tilespmem:v12+s22+$0x0], $0xffff;
	v12 =	vor.u32 $0x6, v10;
	[tilespmem:s11+$0x80] =	vst v13  }
0x352: {  	v13 =	vor.u32 $0x1A, v2;
	[tilespmem:s12+$0x180] =	vst v4;
	v4 =	vld.idx.msk [tilespmem:v16+s22+$0x0], $0xffff  }
0x353: {  	v9 =	vld.idx.msk [tilespmem:v9+s22+$0x0], $0xffff;
	v16 =	vor.u32 $0x8, v0;
	[tilespmem:s11+$0x100] =	vst v6  }
0x354: {  	v6 =	vor.u32 $0x7, v10;
	[tilespmem:s12+$0x200] =	vst v8;
	v8 =	vld.idx.msk [tilespmem:v17+s22+$0x0], $0xffff  }
0x355: {  	v17 =	vor.u32 $0x9, v0;
	v15 =	vld.idx.msk [tilespmem:v15+s22+$0x0], $0xffff;
	[tilespmem:s11+$0x180] =	vst v14  }
0x356: {  	[tilespmem:s3+$0xB80] =	vst v11;
	v14 =	vor.u32 $0x8, v10;
	v12 =	vld.idx.msk [tilespmem:v12+s22+$0x0], $0xffff  }
0x357: {  	v11 =	vor.u32 $0xA, v0;
	[tilespmem:s12+$0x280] =	vst v7;
	v7 =	vld.idx.msk [tilespmem:v13+s22+$0x0], $0xffff  }
0x358: {  	v13 =	vor.u32 $0x9, v10;
	v16 =	vld.idx.msk [tilespmem:v16+s22+$0x0], $0xffff;
	[tilespmem:s11+$0x200] =	vst v4  }
0x359: {  	v4 =	vor.u32 $0x1B, v2;
	[tilespmem:s12+$0x300] =	vst v9;
	v6 =	vld.idx.msk [tilespmem:v6+s22+$0x0], $0xffff  }
0x35a: {  	v9 =	vld.idx.msk [tilespmem:v17+s22+$0x0], $0xffff;
	v17 =	vor.u32 $0xB, v0;
	[tilespmem:s11+$0x280] =	vst v8  }
0x35b: {  	v8 =	vor.u32 $0xA, v10;
	[tilespmem:s12+$0x380] =	vst v15;
	v14 =	vld.idx.msk [tilespmem:v14+s22+$0x0], $0xffff  }
0x35c: {  	v15 =	vor.u32 $0xC, v0;
	v11 =	vld.idx.msk [tilespmem:v11+s22+$0x0], $0xffff;
	[tilespmem:s11+$0x300] =	vst v12  }
0x35d: {  	[tilespmem:s3+$0xC00] =	vst v5;
	v12 =	vor.u32 $0xB, v10;
	v13 =	vld.idx.msk [tilespmem:v13+s22+$0x0], $0xffff  }
0x35e: {  	v5 =	vor.u32 $0xD, v0;
	[tilespmem:s12+$0x400] =	vst v16;
	v28 =	vld.idx.msk [tilespmem:v4+s22+$0x0], $0xffff  }
0x35f: {  	v4 =	vor.u32 $0xC, v10;
	v16 =	vld.idx.msk [tilespmem:v17+s22+$0x0], $0xffff;
	[tilespmem:s11+$0x380] =	vst v6  }
0x360: {  	v6 =	vor.u32 $0x1C, v2;
	[tilespmem:s12+$0x480] =	vst v9;
	v8 =	vld.idx.msk [tilespmem:v8+s22+$0x0], $0xffff  }
0x361: {  	v9 =	vld.idx.msk [tilespmem:v15+s22+$0x0], $0xffff;
	v15 =	vor.u32 $0xE, v0;
	[tilespmem:s11+$0x400] =	vst v14  }
0x362: {  	v14 =	vor.u32 $0xD, v10;
	[tilespmem:s12+$0x500] =	vst v11;
	v11 =	vld.idx.msk [tilespmem:v12+s22+$0x0], $0xffff  }
0x363: {  	v12 =	vor.u32 $0xF, v0;
	v5 =	vld.idx.msk [tilespmem:v5+s22+$0x0], $0xffff;
	[tilespmem:s11+$0x480] =	vst v13  }
0x364: {  	[tilespmem:s3+$0xC80] =	vst v3;
	v13 =	vor.u32 $0xE, v10;
	v4 =	vld.idx.msk [tilespmem:v4+s22+$0x0], $0xffff  }
0x365: {  	v3 =	vor.u32 $0x10, v0;
	[tilespmem:s12+$0x580] =	vst v16;
	v21 =	vld.idx.msk [tilespmem:v6+s22+$0x0], $0xffff  }
0x366: {  	v6 =	vor.u32 $0xF, v10;
	v15 =	vld.idx.msk [tilespmem:v15+s22+$0x0], $0xffff;
	[tilespmem:s11+$0x500] =	vst v8  }
0x367: {  	v16 =	vor.u32 $0x1D, v2;
	[tilespmem:s12+$0x600] =	vst v9;
	v9 =	vld.idx.msk [tilespmem:v14+s22+$0x0], $0xffff  }
0x368: {  	v17 =	vld.idx.msk [tilespmem:v12+s22+$0x0], $0xffff;
	v12 =	vor.u32 $0x11, v0;
	[tilespmem:s11+$0x580] =	vst v11  }
0x369: {  	v11 =	vor.u32 $0x10, v10;
	[tilespmem:s12+$0x680] =	vst v5;
	v18 =	vld.idx.msk [tilespmem:v13+s22+$0x0], $0xffff  }
0x36a: {  	v19 =	vld.idx.msk [tilespmem:v3+s22+$0x0], $0xffff;
	v3 =	vor.u32 $0x12, v0;
	[tilespmem:s11+$0x600] =	vst v4  }
0x36b: {  	v24 =	vor.u32 $0x11, v10;
	[tilespmem:s3+$0xD00] =	vst v7;
	v25 =	vld.idx.msk [tilespmem:v6+s22+$0x0], $0xffff  }
0x36c: {  	v26 =	vor.u32 $0x13, v0;
	v14 =	vld.idx.msk [tilespmem:v16+s22+$0x0], $0xffff;
	[tilespmem:s12+$0x700] =	vst v15  }
0x36d: {  	v27 =	vor.u32 $0x14, v0;
	v22 =	vld.idx.msk [tilespmem:v12+s22+$0x0], $0xffff;
	[tilespmem:s11+$0x680] =	vst v9  }
0x36e: {  	v29 =	vor.u32 $0x12, v10;
	v7 =	vor.u32 $0x19, v10;
	v8 =	vor.u32 $0x1E, v2;
	[tilespmem:s12+$0x780] =	vst v17;
	v20 =	vld.idx.msk [tilespmem:v11+s22+$0x0], $0xffff  }
0x36f: {  	v5 =	vor.u32 $0x1F, v2;
	v13 =	vor.u32 $0x15, v10;
	v2 =	vor.u32 $0x1D, v10;
	[tilespmem:s11+$0x700] =	vst v18;
	v23 =	vld.idx.msk [tilespmem:v3+s22+$0x0], $0xffff  }
0x370: {  	v4 =	vor.u32 $0x1B, v10;
	v16 =	vor.u32 $0x13, v10;
	v6 =	vor.u32 $0x1A, v10;
	[tilespmem:s12+$0x800] =	vst v19;
	v19 =	vld.idx.msk [tilespmem:v24+s22+$0x0], $0xffff  }
0x371: {  	v15 =	vor.u32 $0x14, v10;
	v12 =	vor.u32 $0x16, v10;
	v24 =	vld.idx.msk [tilespmem:v26+s22+$0x0], $0xffff;
	v26 =	vor.u32 $0x15, v0  }
0x372: {  	v9 =	vor.u32 $0x18, v10;
	v17 =	vor.u32 $0x1E, v10;
	[tilespmem:s11+$0x780] =	vst v25;
	v25 =	vor.u32 $0x16, v0  }
0x373: {  	s13 =	simm.s32 $0x2;
	[tilespmem:s3+$0xD80] =	vst v28;
	v11 =	vor.u32 $0x17, v10;
	v3 =	vor.u32 $0x1C, v10;
	v10 =	vor.u32 $0x1F, v10;
	v18 =	vld.idx.msk [tilespmem:v29+s22+$0x0], $0xffff  }
.LBB2_9:
0x374: {  	s13 =	sadd.s32 $0x2, s13;
	[tilespmem:s12+$0x880] =	vst v22;
	v22 =	vld.idx.msk [tilespmem:v8+s22+$0x0], $0xffff;
	v8 =	vmov v17  }
0x375: {  	s10 =	sadd.s32 $0x20, s10;
	s15 =	sshll.u32 s13, $0x4;
	p0 =	slt.u32 s13, $0x3E;
	v17 =	vld.idx.msk [tilespmem:v27+s22+$0x0], $0xffff;
	[tilespmem:s12+$0x900] =	vst v23  }
0x376: {  	s14 =	sand.u32 $0x60, s10;
	s15 =	sand.u32 $0x3FFFFF80, s15;
	v23 =	vld.idx.msk [tilespmem:v26+s22+$0x0], $0xffff;
	[tilespmem:s12+$0x980] =	vst v24  }
0x377: {  	v24 =	vor.u32 $0x17, v0;
	s16 =	sadd.s32 $0x1300, s15;
	s15 =	sor.u32 $0x10, s14;
	[tilespmem:s11+$0x800] =	vst v20;
	v20 =	vld.idx.msk [tilespmem:v25+s22+$0x0], $0xffff  }
0x378: {  	s8 =	sor.u32 s14, s16;
	s16 =	sor.u32 s15, s16;
	v16 =	vld.idx.msk [tilespmem:v16+s22+$0x0], $0xffff;
	[tilespmem:s11+$0x880] =	vst v19;
	v19 =	vor.u32 $0x18, v0  }
0x379: {  	v26 =	vor.u32 $0x19, v0;
	v25 =	vld [tilespmem:s16+$0x0];
	[tilespmem:s3+$0xE00] =	vst v21  }
0x37a: {  	v21 =	vld [tilespmem:s8+$0x0];
	[tilespmem:s9+$0xF00] =	vst v1;
	s9 =	smov.u32 s12  }
0x37b: {  	v1 =	vld.idx.msk [tilespmem:v15+s22+$0x0], $0xffff;
	[tilespmem:s9+$0xA00] =	vst v17  }
0x37c: {  	v15 =	vld.idx.msk [tilespmem:v24+s22+$0x0], $0xffff;
	[tilespmem:s9+$0xA80] =	vst v23  }
0x37d: {  	v17 =	vld.idx.msk [tilespmem:v19+s22+$0x0], $0xffff;
	[tilespmem:s9+$0xB00] =	vst v20  }
0x37e: {  	v20 =	vor.u32 $0x1A, v0;
	v19 =	vadd.s32 $0xA, v25;
	[tilespmem:s11+$0x900] =	vst v18;
	v18 =	vld.idx.msk [tilespmem:v26+s22+$0x0], $0xffff  }
0x37f: {  	v21 =	vadd.s32 $0xA, v21;
	vm0 =	vgt.s32 v19, $0x0;
	v13 =	vld.idx.msk [tilespmem:v13+s22+$0x0], $0xffff;
	[tilespmem:s11+$0x980] =	vst v16;
	v16 =	vor.u32 $0x1B, v0  }
0x380: {  	v23 =	vor.u32 $0x1C, v0;
	vm1 =	vgt.s32 v21, $0x0;
	v19 =	vnsel vm0, $0x0, v19;
	v12 =	vld.idx.msk [tilespmem:v12+s22+$0x0], $0xffff  }
0x381: {  	v21 =	vnsel vm1, $0x0, v21;
	v19 =	vmin.u32 v19, $0x14;
	[tilespmem:s11+$0xA00] =	vst v1;
	v1 =	vld.idx.msk [tilespmem:v5+s22+$0x0], $0xffff;
	v5 =	vmov v10  }
0x382: {  	v10 =	vmin.u32 v21, $0x14;
	v19 =	vshll.u32 v19, $0x5;
	v27 =	vld.idx.msk [tilespmem:v11+s22+$0x0], $0xffff;
	[tilespmem:s9+$0xB80] =	vst v15  }
0x383: {  	v10 =	vshll.u32 v10, $0x5;
	v11 =	vor.u32 $0x1, v19;
	v15 =	vld.idx.msk [tilespmem:v20+s22+$0x0], $0xffff;
	[tilespmem:s9+$0xC00] =	vst v17  }
0x384: {  	v17 =	vor.u32 $0x1, v10;
	v28 =	vor.u32 $0x2, v10;
	v29 =	vor.u32 $0x3, v10;
	v16 =	vld.idx.msk [tilespmem:v16+s22+$0x0], $0xffff;
	[tilespmem:s9+$0xC80] =	vst v18  }
0x385: {  	v30 =	vor.u32 $0x4, v10;
	v31 =	vor.u32 $0x5, v10;
	v18 =	vor.u32 $0x1D, v0;
	[tilespmem:s11+$0xA80] =	vst v13;
	v13 =	vld.idx.msk [tilespmem:v23+s22+$0x0], $0xffff  }
0x386: {  	v32 =	vor.u32 $0x6, v10;
	v33 =	vor.u32 $0x7, v10;
	v34 =	vld.idx.msk [tilespmem:v9+s22+$0x0], $0xffff;
	[tilespmem:s11+$0xB00] =	vst v12;
	v9 =	vor.u32 $0x1E, v0  }
0x387: {  	v35 =	vor.u32 $0x8, v10;
	v36 =	vor.u32 $0x9, v10;
	v12 =	vor.u32 $0x1F, v0;
	v0 =	vmovc v19;
	v37 =	vld.idx.msk [tilespmem:v19+s22+$0x0], $0xffff;
	[tilespmem:s3+$0xF80] =	vst v1  }
0x388: {  	v25 =	vor.u32 $0xA, v10;
	v21 =	vor.u32 $0xB, v10;
	v39 =	vor.u32 $0x2, v0;
	v38 =	vld.idx.msk [tilespmem:v11+s22+$0x0], $0xffff;
	[tilespmem:s3+$0xF00] =	vst v22  }
0x389: {  	s8 =	sshll.u32 s13, $0x9;
	v26 =	vor.u32 $0xC, v10;
	v23 =	vor.u32 $0xD, v10;
	v41 =	vor.u32 $0x3, v0;
	v40 =	vld.idx.msk [tilespmem:v10+s22+$0x0], $0xffff;
	[tilespmem:s9+$0xD00] =	vst v15  }
0x38a: {  	s8 =	sand.u32 $0x3FFFF000, s8;
	v24 =	vor.u32 $0xE, v10;
	v42 =	vor.u32 $0x4, v0;
	v22 =	vor.u32 $0xF, v10;
	v43 =	vld.idx.msk [tilespmem:v18+s22+$0x0], $0xffff;
	[tilespmem:s9+$0xD80] =	vst v16  }
0x38b: {  	s8 =	sadd.s32 $0x9700, s8;
	v20 =	vor.u32 $0x10, v10;
	v19 =	vor.u32 $0x11, v10;
	v18 =	vor.u32 $0x12, v10;
	v1 =	vld.idx.msk [tilespmem:v9+s22+$0x0], $0xffff;
	[tilespmem:s9+$0xE00] =	vst v13  }
0x38c: {  	s12 =	sor.u32 s15, s8;
	v15 =	vor.u32 $0x14, v10;
	v16 =	vor.u32 $0x13, v10;
	v13 =	vor.u32 $0x15, v10;
	v44 =	vld.idx.msk [tilespmem:v12+s22+$0x0], $0xffff;
	[tilespmem:s3+$0xE80] =	vst v14;
	s3 =	smov.u32 s11;
	s11 =	sor.u32 s14, s8  }
0x38d: {  	v11 =	vor.u32 $0x17, v10;
	v9 =	vor.u32 $0x18, v10;
	v12 =	vor.u32 $0x16, v10;
	v14 =	vld.idx.msk [tilespmem:v39+s22+$0x0], $0xffff;
	[tilespmem:s12+$0x0] =	vst v37  }
0x38e: {  	v45 =	vor.u32 $0x1B, v10;
	v37 =	vor.u32 $0x19, v10;
	v39 =	vor.u32 $0x1A, v10;
	v41 =	vld.idx.msk [tilespmem:v41+s22+$0x0], $0xffff;
	[tilespmem:s12+$0x80] =	vst v38  }
0x38f: {  	v46 =	vor.u32 $0x1D, v10;
	v47 =	vor.u32 $0x5, v0;
	v38 =	vor.u32 $0x1C, v10;
	v42 =	vld.idx.msk [tilespmem:v42+s22+$0x0], $0xffff  }
0x390: {  	v49 =	vor.u32 $0x6, v0;
	v48 =	vld.idx.msk [tilespmem:v17+s22+$0x0], $0xffff;
	v17 =	vor.u32 $0x1E, v10;
	v10 =	vor.u32 $0x1F, v10;
	[tilespmem:s9+$0xE80] =	vst v43  }
0x391: {  	v28 =	vld.idx.msk [tilespmem:v28+s22+$0x0], $0xffff;
	[tilespmem:s11+$0x0] =	vst v40;
	v40 =	vor.u32 $0x7, v0  }
0x392: {  	v29 =	vld.idx.msk [tilespmem:v29+s22+$0x0], $0xffff;
	[tilespmem:s9+$0xF80] =	vst v44  }
0x393: {  	[tilespmem:s12+$0x100] =	vst v14;
	v14 =	vld.idx.msk [tilespmem:v7+s22+$0x0], $0xffff;
	v7 =	vmov v37  }
0x394: {  	v37 =	vld.idx.msk [tilespmem:v47+s22+$0x0], $0xffff;
	[tilespmem:s12+$0x180] =	vst v41  }
0x395: {  	v41 =	vld.idx.msk [tilespmem:v49+s22+$0x0], $0xffff;
	[tilespmem:s12+$0x200] =	vst v42  }
0x396: {  	v42 =	vor.u32 $0x8, v0;
	[tilespmem:s11+$0x80] =	vst v48;
	v40 =	vld.idx.msk [tilespmem:v40+s22+$0x0], $0xffff  }
0x397: {  	v30 =	vld.idx.msk [tilespmem:v30+s22+$0x0], $0xffff;
	[tilespmem:s11+$0x100] =	vst v28;
	v28 =	vor.u32 $0x9, v0  }
0x398: {  	v31 =	vld.idx.msk [tilespmem:v31+s22+$0x0], $0xffff;
	[tilespmem:s11+$0x180] =	vst v29;
	v29 =	vor.u32 $0xA, v0  }
0x399: {  	v32 =	vld.idx.msk [tilespmem:v32+s22+$0x0], $0xffff;
	[tilespmem:s3+$0xB80] =	vst v27  }
0x39a: {  	[tilespmem:s12+$0x280] =	vst v37;
	v27 =	vld.idx.msk [tilespmem:v6+s22+$0x0], $0xffff;
	v6 =	vmov v39  }
0x39b: {  	v37 =	vld.idx.msk [tilespmem:v42+s22+$0x0], $0xffff;
	[tilespmem:s12+$0x300] =	vst v41  }
0x39c: {  	v28 =	vld.idx.msk [tilespmem:v28+s22+$0x0], $0xffff;
	[tilespmem:s12+$0x380] =	vst v40  }
0x39d: {  	[tilespmem:s11+$0x200] =	vst v30;
	v29 =	vld.idx.msk [tilespmem:v29+s22+$0x0], $0xffff;
	v30 =	vor.u32 $0xB, v0  }
0x39e: {  	v33 =	vld.idx.msk [tilespmem:v33+s22+$0x0], $0xffff;
	[tilespmem:s11+$0x280] =	vst v31;
	v31 =	vor.u32 $0xC, v0  }
0x39f: {  	v35 =	vld.idx.msk [tilespmem:v35+s22+$0x0], $0xffff;
	[tilespmem:s11+$0x300] =	vst v32;
	v32 =	vor.u32 $0xD, v0  }
0x3a0: {  	v36 =	vld.idx.msk [tilespmem:v36+s22+$0x0], $0xffff;
	[tilespmem:s3+$0xC00] =	vst v34  }
0x3a1: {  	[tilespmem:s12+$0x400] =	vst v37;
	v34 =	vld.idx.msk [tilespmem:v4+s22+$0x0], $0xffff;
	v4 =	vmov v45  }
0x3a2: {  	v30 =	vld.idx.msk [tilespmem:v30+s22+$0x0], $0xffff;
	[tilespmem:s12+$0x480] =	vst v28  }
0x3a3: {  	v28 =	vld.idx.msk [tilespmem:v31+s22+$0x0], $0xffff;
	[tilespmem:s12+$0x500] =	vst v29  }
0x3a4: {  	v31 =	vor.u32 $0xE, v0;
	[tilespmem:s11+$0x380] =	vst v33;
	v29 =	vld.idx.msk [tilespmem:v32+s22+$0x0], $0xffff  }
0x3a5: {  	v32 =	vor.u32 $0xF, v0;
	v25 =	vld.idx.msk [tilespmem:v25+s22+$0x0], $0xffff;
	[tilespmem:s11+$0x400] =	vst v35  }
0x3a6: {  	v35 =	vor.u32 $0x10, v0;
	v33 =	vld.idx.msk [tilespmem:v21+s22+$0x0], $0xffff;
	[tilespmem:s11+$0x480] =	vst v36  }
0x3a7: {  	v26 =	vld.idx.msk [tilespmem:v26+s22+$0x0], $0xffff;
	[tilespmem:s3+$0xC80] =	vst v14  }
0x3a8: {  	[tilespmem:s12+$0x580] =	vst v30;
	v21 =	vld.idx.msk [tilespmem:v3+s22+$0x0], $0xffff;
	v3 =	vmov v38  }
0x3a9: {  	v14 =	vld.idx.msk [tilespmem:v31+s22+$0x0], $0xffff;
	[tilespmem:s12+$0x600] =	vst v28  }
0x3aa: {  	v28 =	vld.idx.msk [tilespmem:v32+s22+$0x0], $0xffff;
	[tilespmem:s12+$0x680] =	vst v29  }
0x3ab: {  	v29 =	vor.u32 $0x11, v0;
	[tilespmem:s11+$0x500] =	vst v25;
	v25 =	vld.idx.msk [tilespmem:v35+s22+$0x0], $0xffff  }
0x3ac: {  	v30 =	vld.idx.msk [tilespmem:v23+s22+$0x0], $0xffff;
	[tilespmem:s11+$0x580] =	vst v33;
	v23 =	vor.u32 $0x12, v0  }
0x3ad: {  	v31 =	vld.idx.msk [tilespmem:v24+s22+$0x0], $0xffff;
	[tilespmem:s11+$0x600] =	vst v26;
	v24 =	vor.u32 $0x13, v0  }
0x3ae: {  	v32 =	vld.idx.msk [tilespmem:v22+s22+$0x0], $0xffff;
	[tilespmem:s3+$0xD00] =	vst v27  }
0x3af: {  	[tilespmem:s12+$0x700] =	vst v14;
	v14 =	vld.idx.msk [tilespmem:v2+s22+$0x0], $0xffff;
	v2 =	vmov v46  }
0x3b0: {  	v22 =	vld.idx.msk [tilespmem:v29+s22+$0x0], $0xffff;
	[tilespmem:s12+$0x780] =	vst v28  }
.Ltmp3:
0x3b1: {  	v23 =	vld.idx.msk [tilespmem:v23+s22+$0x0], $0xffff;
	[tilespmem:s12+$0x800] =	vst v25;
	(pc) =	sbr.rel @p0 .LBB2_9-.Ltmp3, $4  }
0x3b2: {  	v27 =	vor.u32 $0x14, v0;
	[tilespmem:s11+$0x680] =	vst v30;
	v24 =	vld.idx.msk [tilespmem:v24+s22+$0x0], $0xffff  }
0x3b3: {  	v26 =	vor.u32 $0x15, v0;
	v20 =	vld.idx.msk [tilespmem:v20+s22+$0x0], $0xffff;
	[tilespmem:s11+$0x700] =	vst v31  }
0x3b4: {  	v25 =	vor.u32 $0x16, v0;
	v19 =	vld.idx.msk [tilespmem:v19+s22+$0x0], $0xffff;
	[tilespmem:s11+$0x780] =	vst v32  }
0x3b5: {  	v18 =	vld.idx.msk [tilespmem:v18+s22+$0x0], $0xffff;
	[tilespmem:s3+$0xD80] =	vst v34  }
0x3b6: {  	_ =	sdelay $0x2  }
0x3b7: {  	[tilespmem:s12+$0x880] =	vst v22  }
0x3b8: {  	v8 =	vld.idx.msk [tilespmem:v8+s22+$0x0], $0xffff;
	[tilespmem:s3+$0xE00] =	vst v21  }
0x3b9: {  	[tilespmem:s9+$0xF00] =	vst v1  }
0x3ba: {  	v22 =	vld.idx.msk [tilespmem:v27+s22+$0x0], $0xffff;
	[tilespmem:s12+$0x900] =	vst v23  }
0x3bb: {  	v5 =	vld.idx.msk [tilespmem:v5+s22+$0x0], $0xffff;
	[tilespmem:s3+$0xE80] =	vst v14  }
0x3bc: {  	v23 =	vld.idx.msk [tilespmem:v26+s22+$0x0], $0xffff;
	[tilespmem:s11+$0x800] =	vst v20  }
0x3bd: {  	[tilespmem:s12+$0x980] =	vst v24;
	v16 =	vld.idx.msk [tilespmem:v16+s22+$0x0], $0xffff  }
0x3be: {  	[tilespmem:s11+$0x880] =	vst v19  }
0x3bf: {  	v49 =	vor.u32 $0x17, v0;
	v15 =	vld.idx.msk [tilespmem:v15+s22+$0x0], $0xffff;
	[tilespmem:s11+$0x900] =	vst v18  }
0x3c0: {  	v50 =	vor.u32 $0x18, v0;
	v24 =	vld.idx.msk [tilespmem:v25+s22+$0x0], $0xffff;
	[tilespmem:s3+$0xF00] =	vst v8  }
0x3c1: {  	v51 =	vor.u32 $0x19, v0;
	[tilespmem:s12+$0xA00] =	vst v22  }
0x3c2: {  	v13 =	vld.idx.msk [tilespmem:v13+s22+$0x0], $0xffff;
	[tilespmem:s11+$0x980] =	vst v16  }
0x3c3: {  	[tilespmem:s3+$0xF80] =	vst v5;
	v12 =	vld.idx.msk [tilespmem:v12+s22+$0x0], $0xffff  }
0x3c4: {  	v20 =	vld.idx.msk [tilespmem:v49+s22+$0x0], $0xffff;
	[tilespmem:s12+$0xA80] =	vst v23  }
0x3c5: {  	v53 =	vor.u32 $0x1A, v0;
	v52 =	vld.idx.msk [tilespmem:v50+s22+$0x0], $0xffff;
	[tilespmem:s12+$0xB00] =	vst v24  }
0x3c6: {  	v55 =	vor.u32 $0x1B, v0;
	v54 =	vld.idx.msk [tilespmem:v51+s22+$0x0], $0xffff;
	[tilespmem:s11+$0xA00] =	vst v15  }
0x3c7: {  	v56 =	vor.u32 $0x1C, v0;
	v11 =	vld.idx.msk [tilespmem:v11+s22+$0x0], $0xffff;
	[tilespmem:s11+$0xA80] =	vst v13  }
0x3c8: {  	v9 =	vld.idx.msk [tilespmem:v9+s22+$0x0], $0xffff;
	[tilespmem:s11+$0xB00] =	vst v12  }
0x3c9: {  	[tilespmem:s12+$0xB80] =	vst v20;
	v7 =	vld.idx.msk [tilespmem:v7+s22+$0x0], $0xffff  }
0x3ca: {  	v57 =	vld.idx.msk [tilespmem:v53+s22+$0x0], $0xffff;
	[tilespmem:s12+$0xC00] =	vst v52  }
0x3cb: {  	v58 =	vor.u32 $0x1D, v0;
	v1 =	vld.idx.msk [tilespmem:v55+s22+$0x0], $0xffff;
	[tilespmem:s12+$0xC80] =	vst v54  }
0x3cc: {  	v59 =	vor.u32 $0x1E, v0;
	[tilespmem:s11+$0xB80] =	vst v11;
	v13 =	vld.idx.msk [tilespmem:v56+s22+$0x0], $0xffff  }
0x3cd: {  	v60 =	vor.u32 $0x1F, v0;
	v6 =	vld.idx.msk [tilespmem:v6+s22+$0x0], $0xffff;
	[tilespmem:s11+$0xC00] =	vst v9  }
0x3ce: {  	v4 =	vld.idx.msk [tilespmem:v4+s22+$0x0], $0xffff;
	[tilespmem:s11+$0xC80] =	vst v7  }
0x3cf: {  	[tilespmem:s12+$0xD00] =	vst v57;
	v62 =	vld.idx.msk [tilespmem:v3+s22+$0x0], $0xffff  }
0x3d0: {  	v61 =	vld.idx.msk [tilespmem:v58+s22+$0x0], $0xffff;
	[tilespmem:s12+$0xD80] =	vst v1  }
0x3d1: {  	v63 =	vld.idx.msk [tilespmem:v59+s22+$0x0], $0xffff;
	[tilespmem:s12+$0xE00] =	vst v13  }
0x3d2: {  	[tilespmem:s11+$0xD00] =	vst v6;
	v0 =	vld.idx.msk [tilespmem:v60+s22+$0x0], $0xffff  }
0x3d3: {  	v2 =	vld.idx.msk [tilespmem:v2+s22+$0x0], $0xffff;
	[tilespmem:s11+$0xD80] =	vst v4  }
0x3d4: {  	v4 =	vld.idx.msk [tilespmem:v17+s22+$0x0], $0xffff;
	[tilespmem:s11+$0xE00] =	vst v62  }
0x3d5: {  	[tilespmem:s12+$0xE80] =	vst v61;
	v1 =	vld.idx.msk [tilespmem:v10+s22+$0x0], $0xffff  }
0x3d6: {  	s15 =	sadd.s32 $0x1, s0;
	s16 =	sadd.s32 $0x3, s0;
	[tilespmem:s12+$0xF00] =	vst v63  }
0x3d7: {  	s2 =	sadd.s32 $0x1, s2;
	s8 =	sshll.u32 s15, $0x7;
	s0 =	smin.u32 s16, s7;
	[tilespmem:s12+$0xF80] =	vst v0  }
0x3d8: {  	p0 =	sne.s32 s2, $0xC;
	s8 =	sand.u32 $0xF80, s8;
	s3 =	sshll.u32 s15, $0xC;
	[tilespmem:s11+$0xE80] =	vst v2  }
.Ltmp4:
0x3d9: {  	s8 =	sadd.s32 s4, s8;
	s3 =	sand.u32 $0xFFE0000, s3;
	[tilespmem:s11+$0xF00] =	vst v4;
	(pc) =	sbr.rel @p0 .LBB2_6-.Ltmp4, $4  }
0x3da: {  	s0 =	sshll.u32 s0, $0x7;
	s3 =	sadd.s32 s3, s8;
	[tilespmem:s11+$0xF80] =	vst v1  }
0x3db: {  	[hbm4b:s3+s23] =	stream.strided.scatter [tilespmem:s28], [sflag:$0x2], $0x8000, s24, s23, $0x38;
	[tilespmem:$0x11700] =	vst v63  }
0x3dc: {  	s0 =	sadd.s32 s1, s0  }
0x3dd: {  	[tilespmem:s20], [sflag:$0x4] =	stream.linear.gather [hbm4b:s0+s6], $0x400, $0x38;
	[tilespmem:$0x11700] =	vst v63  }
0x3de: {  	_ =	swait.ge [sflag:s29], $0x8000  }
0x3df: {  	[sflag:s29] =	ssyncset.done $0x0  }
0x3e0: {  	s0 =	simm.s32 $0x0;
	s2 =	simm.s32 $0x0;
	[sflag:s29] =	ssyncadd.s32 $0xFFFF8000  }
0x3e1: {  	s0 =	sand.u32 $0x60, s0;
	s2 =	sand.u32 $0x3FFFFF80, s2;
	_ =	swait.ge [sflag:s21], $0x400  }
0x3e2: {  	s2 =	sadd.s32 $0xF00, s2;
	s3 =	sor.u32 $0x10, s0;
	[sflag:s21] =	ssyncset.done $0x0  }
0x3e3: {  	s8 =	sor.u32 s3, s2;
	[sflag:s21] =	ssyncadd.s32 $0xFFFFFC00  }
0x3e4: {  	v0 =	vld [tilespmem:s8+$0x0];
	_ =	sdelay $0x3  }
0x3e5: {  	s2 =	sor.u32 s0, s2  }
0x3e6: {  	v2 =	vld [tilespmem:s2+$0x0];
	v0 =	vadd.s32 $0xA, v0  }
0x3e7: {  	vm0 =	vgt.s32 v0, $0x0  }
0x3e8: {  	v0 =	vnsel vm0, $0x0, v0  }
0x3e9: {  	v0 =	vmin.u32 v0, $0x14  }
0x3ea: {  	v1 =	vshll.u32 v0, $0x5  }
0x3eb: {  	v2 =	vadd.s32 $0xA, v2;
	v0 =	vor.u32 $0x1, v1  }
0x3ec: {  	vm13 =	vgt.s32 v2, $0x0  }
0x3ed: {  	v2 =	vnsel vm13, $0x0, v2  }
0x3ee: {  	v2 =	vmin.u32 v2, $0x14;
	v3 =	vor.u32 $0x2, v1  }
0x3ef: {  	v2 =	vshll.u32 v2, $0x5;
	v4 =	vld.idx.msk [tilespmem:v1+s22+$0x0], $0xffff  }
0x3f0: {  	s13 =	simm.s32 $0x0;
	v5 =	vor.u32 $0x3, v1;
	v0 =	vld.idx.msk [tilespmem:v0+s22+$0x0], $0xffff  }
0x3f1: {  	s2 =	sand.u32 $0x3FFFF000, s13;
	v6 =	vor.u32 $0x4, v1  }
0x3f2: {  	s14 =	sadd.s32 $0x1700, s2;
	v7 =	vor.u32 $0x1, v2  }
0x3f3: {  	s2 =	sor.u32 s3, s14;
	v8 =	vor.u32 $0x2, v2;
	v3 =	vld.idx.msk [tilespmem:v3+s22+$0x0], $0xffff  }
0x3f4: {  	v9 =	vld.idx.msk [tilespmem:v2+s22+$0x0], $0xffff;
	[tilespmem:s2+$0x0] =	vst v4;
	v4 =	vor.u32 $0x5, v1  }
0x3f5: {  	v10 =	vor.u32 $0x3, v2;
	v5 =	vld.idx.msk [tilespmem:v5+s22+$0x0], $0xffff;
	[tilespmem:s2+$0x80] =	vst v0  }
0x3f6: {  	v0 =	vor.u32 $0x6, v1;
	v6 =	vld.idx.msk [tilespmem:v6+s22+$0x0], $0xffff  }
0x3f7: {  	v11 =	vor.u32 $0x7, v1;
	v7 =	vld.idx.msk [tilespmem:v7+s22+$0x0], $0xffff  }
0x3f8: {  	s0 =	sor.u32 s0, s14;
	v8 =	vld.idx.msk [tilespmem:v8+s22+$0x0], $0xffff;
	[tilespmem:s2+$0x100] =	vst v3;
	v3 =	vor.u32 $0x4, v2  }
0x3f9: {  	v12 =	vor.u32 $0x5, v2;
	[tilespmem:s0+$0x0] =	vst v9;
	v4 =	vld.idx.msk [tilespmem:v4+s22+$0x0], $0xffff  }
0x3fa: {  	v9 =	vld.idx.msk [tilespmem:v10+s22+$0x0], $0xffff;
	[tilespmem:s2+$0x180] =	vst v5;
	v5 =	vor.u32 $0x8, v1  }
0x3fb: {  	v10 =	vor.u32 $0x6, v2;
	v0 =	vld.idx.msk [tilespmem:v0+s22+$0x0], $0xffff;
	[tilespmem:s2+$0x200] =	vst v6  }
0x3fc: {  	[tilespmem:s0+$0x80] =	vst v7;
	v6 =	vor.u32 $0x9, v1;
	v7 =	vld.idx.msk [tilespmem:v11+s22+$0x0], $0xffff  }
0x3fd: {  	v3 =	vld.idx.msk [tilespmem:v3+s22+$0x0], $0xffff;
	[tilespmem:s0+$0x100] =	vst v8;
	v11 =	vor.u32 $0xA, v1  }
0x3fe: {  	v8 =	vld.idx.msk [tilespmem:v12+s22+$0x0], $0xffff;
	[tilespmem:s2+$0x280] =	vst v4;
	v4 =	vor.u32 $0x7, v2  }
0x3ff: {  	v12 =	vor.u32 $0x8, v2;
	[tilespmem:s0+$0x180] =	vst v9;
	v5 =	vld.idx.msk [tilespmem:v5+s22+$0x0], $0xffff  }
0x400: {  	v9 =	vld.idx.msk [tilespmem:v10+s22+$0x0], $0xffff;
	[tilespmem:s2+$0x300] =	vst v0;
	v0 =	vor.u32 $0xB, v1  }
0x401: {  	v10 =	vor.u32 $0x9, v2;
	v6 =	vld.idx.msk [tilespmem:v6+s22+$0x0], $0xffff;
	[tilespmem:s2+$0x380] =	vst v7  }
0x402: {  	[tilespmem:s0+$0x200] =	vst v3;
	v7 =	vor.u32 $0xC, v1;
	v3 =	vld.idx.msk [tilespmem:v11+s22+$0x0], $0xffff  }
0x403: {  	v11 =	vor.u32 $0xD, v1;
	v4 =	vld.idx.msk [tilespmem:v4+s22+$0x0], $0xffff;
	[tilespmem:s0+$0x280] =	vst v8  }
0x404: {  	[tilespmem:s2+$0x400] =	vst v5;
	v5 =	vor.u32 $0xA, v2;
	v8 =	vld.idx.msk [tilespmem:v12+s22+$0x0], $0xffff  }
0x405: {  	v12 =	vor.u32 $0xB, v2;
	[tilespmem:s0+$0x300] =	vst v9;
	v0 =	vld.idx.msk [tilespmem:v0+s22+$0x0], $0xffff  }
0x406: {  	v9 =	vld.idx.msk [tilespmem:v10+s22+$0x0], $0xffff;
	[tilespmem:s2+$0x480] =	vst v6;
	v6 =	vor.u32 $0xE, v1  }
0x407: {  	v10 =	vor.u32 $0xC, v2;
	v7 =	vld.idx.msk [tilespmem:v7+s22+$0x0], $0xffff;
	[tilespmem:s2+$0x500] =	vst v3  }
0x408: {  	v3 =	vor.u32 $0xF, v1;
	[tilespmem:s0+$0x380] =	vst v4;
	v4 =	vld.idx.msk [tilespmem:v11+s22+$0x0], $0xffff  }
0x409: {  	v11 =	vor.u32 $0x10, v1;
	v5 =	vld.idx.msk [tilespmem:v5+s22+$0x0], $0xffff;
	[tilespmem:s0+$0x400] =	vst v8  }
0x40a: {  	[tilespmem:s2+$0x580] =	vst v0;
	v0 =	vor.u32 $0xD, v2;
	v8 =	vld.idx.msk [tilespmem:v12+s22+$0x0], $0xffff  }
0x40b: {  	v12 =	vor.u32 $0xE, v2;
	[tilespmem:s0+$0x480] =	vst v9;
	v6 =	vld.idx.msk [tilespmem:v6+s22+$0x0], $0xffff  }
0x40c: {  	v9 =	vld.idx.msk [tilespmem:v10+s22+$0x0], $0xffff;
	[tilespmem:s2+$0x600] =	vst v7;
	v7 =	vor.u32 $0x11, v1  }
0x40d: {  	v10 =	vor.u32 $0xF, v2;
	v3 =	vld.idx.msk [tilespmem:v3+s22+$0x0], $0xffff;
	[tilespmem:s2+$0x680] =	vst v4  }
0x40e: {  	v4 =	vor.u32 $0x12, v1;
	[tilespmem:s0+$0x500] =	vst v5;
	v5 =	vld.idx.msk [tilespmem:v11+s22+$0x0], $0xffff  }
0x40f: {  	v11 =	vor.u32 $0x13, v1;
	v0 =	vld.idx.msk [tilespmem:v0+s22+$0x0], $0xffff;
	[tilespmem:s0+$0x580] =	vst v8  }
0x410: {  	[tilespmem:s2+$0x700] =	vst v6;
	v6 =	vor.u32 $0x10, v2;
	v8 =	vld.idx.msk [tilespmem:v12+s22+$0x0], $0xffff  }
0x411: {  	v12 =	vor.u32 $0x11, v2;
	[tilespmem:s0+$0x600] =	vst v9;
	v7 =	vld.idx.msk [tilespmem:v7+s22+$0x0], $0xffff  }
0x412: {  	v9 =	vld.idx.msk [tilespmem:v10+s22+$0x0], $0xffff;
	[tilespmem:s2+$0x780] =	vst v3;
	v3 =	vor.u32 $0x14, v1  }
0x413: {  	v10 =	vor.u32 $0x12, v2;
	v4 =	vld.idx.msk [tilespmem:v4+s22+$0x0], $0xffff;
	[tilespmem:s2+$0x800] =	vst v5  }
0x414: {  	v5 =	vor.u32 $0x15, v1;
	[tilespmem:s0+$0x680] =	vst v0;
	v0 =	vld.idx.msk [tilespmem:v11+s22+$0x0], $0xffff  }
0x415: {  	v11 =	vor.u32 $0x16, v1;
	v6 =	vld.idx.msk [tilespmem:v6+s22+$0x0], $0xffff;
	[tilespmem:s0+$0x700] =	vst v8  }
0x416: {  	[tilespmem:s2+$0x880] =	vst v7;
	v8 =	vld.idx.msk [tilespmem:v12+s22+$0x0], $0xffff  }
0x417: {  	s15 =	simm.s32 $0x20;
	s3 =	simm.s32 $0x20;
	[tilespmem:s0+$0x780] =	vst v9;
	v3 =	vld.idx.msk [tilespmem:v3+s22+$0x0], $0xffff  }
0x418: {  	s8 =	sand.u32 $0x3FFFFF80, s15;
	s9 =	sand.u32 $0x60, s3;
	v7 =	vor.u32 $0x13, v2;
	v9 =	vld.idx.msk [tilespmem:v10+s22+$0x0], $0xffff;
	[tilespmem:s2+$0x900] =	vst v4  }
0x419: {  	s8 =	sadd.s32 $0xF00, s8;
	s10 =	sor.u32 $0x10, s9;
	v4 =	vld.idx.msk [tilespmem:v5+s22+$0x0], $0xffff;
	v5 =	vor.u32 $0x17, v1;
	[tilespmem:s2+$0x980] =	vst v0  }
0x41a: {  	s11 =	sor.u32 s10, s8;
	v10 =	vor.u32 $0x18, v1;
	v0 =	vld.idx.msk [tilespmem:v11+s22+$0x0], $0xffff  }
0x41b: {  	s8 =	sor.u32 s9, s8;
	v11 =	vor.u32 $0x14, v2;
	[tilespmem:s0+$0x800] =	vst v6;
	v6 =	vld [tilespmem:s11+$0x0]  }
0x41c: {  	v13 =	vld [tilespmem:s8+$0x0];
	v12 =	vor.u32 $0x19, v1  }
0x41d: {  	v7 =	vld.idx.msk [tilespmem:v7+s22+$0x0], $0xffff;
	[tilespmem:s2+$0xA00] =	vst v3;
	v3 =	vor.u32 $0x15, v2  }
0x41e: {  	v14 =	vor.u32 $0x16, v2;
	v5 =	vld.idx.msk [tilespmem:v5+s22+$0x0], $0xffff;
	[tilespmem:s2+$0xA80] =	vst v4  }
0x41f: {  	[tilespmem:s0+$0x880] =	vst v8;
	v4 =	vor.u32 $0x1A, v1;
	v8 =	vld.idx.msk [tilespmem:v10+s22+$0x0], $0xffff  }
0x420: {  	v10 =	vld.idx.msk [tilespmem:v11+s22+$0x0], $0xffff;
	[tilespmem:s2+$0xB00] =	vst v0;
	v0 =	vadd.s32 $0xA, v6;
	v6 =	vor.u32 $0x1B, v1  }
0x421: {  	v11 =	vor.u32 $0x17, v2;
	[tilespmem:s0+$0x900] =	vst v9;
	v9 =	vld.idx.msk [tilespmem:v12+s22+$0x0], $0xffff;
	vm14 =	vgt.s32 v0, $0x0  }
0x422: {  	v12 =	vor.u32 $0x1C, v1;
	v3 =	vld.idx.msk [tilespmem:v3+s22+$0x0], $0xffff;
	v0 =	vnsel vm14, $0x0, v0;
	[tilespmem:s0+$0x980] =	vst v7  }
0x423: {  	v13 =	vadd.s32 $0xA, v13;
	v0 =	vmin.u32 v0, $0x14;
	v7 =	vld.idx.msk [tilespmem:v14+s22+$0x0], $0xffff;
	[tilespmem:s2+$0xB80] =	vst v5;
	v5 =	vor.u32 $0x18, v2  }
0x424: {  	vm15 =	vgt.s32 v13, $0x0;
	v0 =	vshll.u32 v0, $0x5;
	v4 =	vld.idx.msk [tilespmem:v4+s22+$0x0], $0xffff;
	[tilespmem:s2+$0xC00] =	vst v8  }
0x425: {  	v8 =	vnsel vm15, $0x0, v13;
	[tilespmem:s0+$0xA00] =	vst v10;
	v13 =	vor.u32 $0x1, v0;
	v6 =	vld.idx.msk [tilespmem:v6+s22+$0x0], $0xffff  }
0x426: {  	v8 =	vmin.u32 v8, $0x14;
	v11 =	vld.idx.msk [tilespmem:v11+s22+$0x0], $0xffff;
	[tilespmem:s2+$0xC80] =	vst v9;
	v9 =	vor.u32 $0x1D, v1  }
0x427: {  	v10 =	vshll.u32 v8, $0x5;
	[tilespmem:s0+$0xA80] =	vst v3;
	v3 =	vld.idx.msk [tilespmem:v12+s22+$0x0], $0xffff  }
0x428: {  	v8 =	vor.u32 $0x1E, v1;
	v5 =	vld.idx.msk [tilespmem:v5+s22+$0x0], $0xffff  }
0x429: {  	v14 =	vor.u32 $0x2, v0;
	v12 =	vld.idx.msk [tilespmem:v0+s22+$0x0], $0xffff  }
0x42a: {  	v15 =	vor.u32 $0x1F, v1;
	v13 =	vld.idx.msk [tilespmem:v13+s22+$0x0], $0xffff;
	[tilespmem:s2+$0xD00] =	vst v4  }
0x42b: {  	s16 =	simm.s32 $0x400;
	v4 =	vor.u32 $0x3, v0;
	v9 =	vld.idx.msk [tilespmem:v9+s22+$0x0], $0xffff  }
0x42c: {  	s8 =	sand.u32 $0x3FFFF000, s16;
	v16 =	vor.u32 $0x1, v10;
	[tilespmem:s2+$0xD80] =	vst v6;
	v17 =	vld.idx.msk [tilespmem:v10+s22+$0x0], $0xffff  }
0x42d: {  	s8 =	sadd.s32 $0x1700, s8;
	v6 =	vor.u32 $0x2, v10;
	v1 =	vld.idx.msk [tilespmem:v8+s22+$0x0], $0xffff  }
0x42e: {  	s10 =	sor.u32 s10, s8;
	v8 =	vor.u32 $0x4, v0;
	[tilespmem:s2+$0xE00] =	vst v3;
	v3 =	vld.idx.msk [tilespmem:v14+s22+$0x0], $0xffff  }
0x42f: {  	v14 =	vor.u32 $0x3, v10;
	v15 =	vld.idx.msk [tilespmem:v15+s22+$0x0], $0xffff;
	[tilespmem:s10+$0x0] =	vst v12  }
0x430: {  	[tilespmem:s0+$0xB00] =	vst v7;
	v7 =	vor.u32 $0x5, v0;
	v4 =	vld.idx.msk [tilespmem:v4+s22+$0x0], $0xffff  }
0x431: {  	v12 =	vor.u32 $0x19, v2;
	[tilespmem:s10+$0x80] =	vst v13;
	v13 =	vld.idx.msk [tilespmem:v16+s22+$0x0], $0xffff  }
0x432: {  	s9 =	sor.u32 s9, s8;
	v16 =	vor.u32 $0x4, v10;
	[tilespmem:s2+$0xE80] =	vst v9;
	v6 =	vld.idx.msk [tilespmem:v6+s22+$0x0], $0xffff  }
0x433: {  	v9 =	vor.u32 $0x6, v0;
	v8 =	vld.idx.msk [tilespmem:v8+s22+$0x0], $0xffff;
	[tilespmem:s9+$0x0] =	vst v17  }
0x434: {  	v17 =	vor.u32 $0x5, v10;
	[tilespmem:s10+$0x100] =	vst v3;
	v14 =	vld.idx.msk [tilespmem:v14+s22+$0x0], $0xffff  }
0x435: {  	[tilespmem:s2+$0xF80] =	vst v15;
	v15 =	vor.u32 $0x7, v0;
	v7 =	vld.idx.msk [tilespmem:v7+s22+$0x0], $0xffff  }
0x436: {  	v3 =	vld.idx.msk [tilespmem:v12+s22+$0x0], $0xffff;
	v12 =	vor.u32 $0x6, v10;
	[tilespmem:s9+$0x80] =	vst v13  }
0x437: {  	v13 =	vor.u32 $0x1A, v2;
	[tilespmem:s10+$0x180] =	vst v4;
	v4 =	vld.idx.msk [tilespmem:v16+s22+$0x0], $0xffff  }
0x438: {  	v9 =	vld.idx.msk [tilespmem:v9+s22+$0x0], $0xffff;
	v16 =	vor.u32 $0x8, v0;
	[tilespmem:s9+$0x100] =	vst v6  }
0x439: {  	v6 =	vor.u32 $0x7, v10;
	[tilespmem:s10+$0x200] =	vst v8;
	v8 =	vld.idx.msk [tilespmem:v17+s22+$0x0], $0xffff  }
0x43a: {  	v17 =	vor.u32 $0x9, v0;
	v15 =	vld.idx.msk [tilespmem:v15+s22+$0x0], $0xffff;
	[tilespmem:s9+$0x180] =	vst v14  }
0x43b: {  	[tilespmem:s0+$0xB80] =	vst v11;
	v14 =	vor.u32 $0x8, v10;
	v12 =	vld.idx.msk [tilespmem:v12+s22+$0x0], $0xffff  }
0x43c: {  	v11 =	vor.u32 $0xA, v0;
	[tilespmem:s10+$0x280] =	vst v7;
	v7 =	vld.idx.msk [tilespmem:v13+s22+$0x0], $0xffff  }
0x43d: {  	v13 =	vor.u32 $0x9, v10;
	v16 =	vld.idx.msk [tilespmem:v16+s22+$0x0], $0xffff;
	[tilespmem:s9+$0x200] =	vst v4  }
0x43e: {  	v4 =	vor.u32 $0x1B, v2;
	[tilespmem:s10+$0x300] =	vst v9;
	v6 =	vld.idx.msk [tilespmem:v6+s22+$0x0], $0xffff  }
0x43f: {  	v9 =	vld.idx.msk [tilespmem:v17+s22+$0x0], $0xffff;
	v17 =	vor.u32 $0xB, v0;
	[tilespmem:s9+$0x280] =	vst v8  }
0x440: {  	v8 =	vor.u32 $0xA, v10;
	[tilespmem:s10+$0x380] =	vst v15;
	v14 =	vld.idx.msk [tilespmem:v14+s22+$0x0], $0xffff  }
0x441: {  	v15 =	vor.u32 $0xC, v0;
	v11 =	vld.idx.msk [tilespmem:v11+s22+$0x0], $0xffff;
	[tilespmem:s9+$0x300] =	vst v12  }
0x442: {  	[tilespmem:s0+$0xC00] =	vst v5;
	v12 =	vor.u32 $0xB, v10;
	v13 =	vld.idx.msk [tilespmem:v13+s22+$0x0], $0xffff  }
0x443: {  	v5 =	vor.u32 $0xD, v0;
	[tilespmem:s10+$0x400] =	vst v16;
	v28 =	vld.idx.msk [tilespmem:v4+s22+$0x0], $0xffff  }
0x444: {  	v4 =	vor.u32 $0xC, v10;
	v16 =	vld.idx.msk [tilespmem:v17+s22+$0x0], $0xffff;
	[tilespmem:s9+$0x380] =	vst v6  }
0x445: {  	v6 =	vor.u32 $0x1C, v2;
	[tilespmem:s10+$0x480] =	vst v9;
	v8 =	vld.idx.msk [tilespmem:v8+s22+$0x0], $0xffff  }
0x446: {  	v9 =	vld.idx.msk [tilespmem:v15+s22+$0x0], $0xffff;
	v15 =	vor.u32 $0xE, v0;
	[tilespmem:s9+$0x400] =	vst v14  }
0x447: {  	v14 =	vor.u32 $0xD, v10;
	[tilespmem:s10+$0x500] =	vst v11;
	v11 =	vld.idx.msk [tilespmem:v12+s22+$0x0], $0xffff  }
0x448: {  	v12 =	vor.u32 $0xF, v0;
	v5 =	vld.idx.msk [tilespmem:v5+s22+$0x0], $0xffff;
	[tilespmem:s9+$0x480] =	vst v13  }
0x449: {  	[tilespmem:s0+$0xC80] =	vst v3;
	v13 =	vor.u32 $0xE, v10;
	v4 =	vld.idx.msk [tilespmem:v4+s22+$0x0], $0xffff  }
0x44a: {  	v3 =	vor.u32 $0x10, v0;
	[tilespmem:s10+$0x580] =	vst v16;
	v21 =	vld.idx.msk [tilespmem:v6+s22+$0x0], $0xffff  }
0x44b: {  	v6 =	vor.u32 $0xF, v10;
	v15 =	vld.idx.msk [tilespmem:v15+s22+$0x0], $0xffff;
	[tilespmem:s9+$0x500] =	vst v8  }
0x44c: {  	v16 =	vor.u32 $0x1D, v2;
	[tilespmem:s10+$0x600] =	vst v9;
	v9 =	vld.idx.msk [tilespmem:v14+s22+$0x0], $0xffff  }
0x44d: {  	v17 =	vld.idx.msk [tilespmem:v12+s22+$0x0], $0xffff;
	v12 =	vor.u32 $0x11, v0;
	[tilespmem:s9+$0x580] =	vst v11  }
0x44e: {  	v11 =	vor.u32 $0x10, v10;
	[tilespmem:s10+$0x680] =	vst v5;
	v18 =	vld.idx.msk [tilespmem:v13+s22+$0x0], $0xffff  }
0x44f: {  	v19 =	vld.idx.msk [tilespmem:v3+s22+$0x0], $0xffff;
	v3 =	vor.u32 $0x12, v0;
	[tilespmem:s9+$0x600] =	vst v4  }
0x450: {  	v24 =	vor.u32 $0x11, v10;
	[tilespmem:s0+$0xD00] =	vst v7;
	v25 =	vld.idx.msk [tilespmem:v6+s22+$0x0], $0xffff  }
0x451: {  	v26 =	vor.u32 $0x13, v0;
	v14 =	vld.idx.msk [tilespmem:v16+s22+$0x0], $0xffff;
	[tilespmem:s10+$0x700] =	vst v15  }
0x452: {  	v27 =	vor.u32 $0x14, v0;
	v22 =	vld.idx.msk [tilespmem:v12+s22+$0x0], $0xffff;
	[tilespmem:s9+$0x680] =	vst v9  }
0x453: {  	v29 =	vor.u32 $0x12, v10;
	v7 =	vor.u32 $0x19, v10;
	v8 =	vor.u32 $0x1E, v2;
	[tilespmem:s10+$0x780] =	vst v17;
	v20 =	vld.idx.msk [tilespmem:v11+s22+$0x0], $0xffff  }
0x454: {  	v5 =	vor.u32 $0x1F, v2;
	v13 =	vor.u32 $0x15, v10;
	v2 =	vor.u32 $0x1D, v10;
	[tilespmem:s9+$0x700] =	vst v18;
	v23 =	vld.idx.msk [tilespmem:v3+s22+$0x0], $0xffff  }
0x455: {  	v4 =	vor.u32 $0x1B, v10;
	v16 =	vor.u32 $0x13, v10;
	v6 =	vor.u32 $0x1A, v10;
	[tilespmem:s10+$0x800] =	vst v19;
	v19 =	vld.idx.msk [tilespmem:v24+s22+$0x0], $0xffff  }
0x456: {  	v15 =	vor.u32 $0x14, v10;
	v12 =	vor.u32 $0x16, v10;
	v24 =	vld.idx.msk [tilespmem:v26+s22+$0x0], $0xffff;
	v26 =	vor.u32 $0x15, v0  }
0x457: {  	v9 =	vor.u32 $0x18, v10;
	v17 =	vor.u32 $0x1E, v10;
	[tilespmem:s9+$0x780] =	vst v25;
	v25 =	vor.u32 $0x16, v0  }
0x458: {  	s11 =	simm.s32 $0x2;
	[tilespmem:s0+$0xD80] =	vst v28;
	v11 =	vor.u32 $0x17, v10;
	v3 =	vor.u32 $0x1C, v10;
	v10 =	vor.u32 $0x1F, v10;
	v18 =	vld.idx.msk [tilespmem:v29+s22+$0x0], $0xffff  }
.LBB2_12:
0x459: {  	s11 =	sadd.s32 $0x2, s11;
	[tilespmem:s10+$0x880] =	vst v22;
	v22 =	vld.idx.msk [tilespmem:v8+s22+$0x0], $0xffff;
	v8 =	vmov v17  }
0x45a: {  	s3 =	sadd.s32 $0x20, s3;
	s8 =	sshll.u32 s11, $0x4;
	p0 =	slt.u32 s11, $0x3E;
	v17 =	vld.idx.msk [tilespmem:v27+s22+$0x0], $0xffff;
	[tilespmem:s10+$0x900] =	vst v23  }
0x45b: {  	s12 =	sand.u32 $0x60, s3;
	s8 =	sand.u32 $0x3FFFFF80, s8;
	v23 =	vld.idx.msk [tilespmem:v26+s22+$0x0], $0xffff;
	[tilespmem:s10+$0x980] =	vst v24  }
0x45c: {  	s13 =	sor.u32 $0x10, s12;
	v24 =	vor.u32 $0x17, v0;
	s8 =	sadd.s32 $0xF00, s8;
	[tilespmem:s9+$0x800] =	vst v20;
	v20 =	vld.idx.msk [tilespmem:v25+s22+$0x0], $0xffff  }
0x45d: {  	s14 =	sor.u32 s12, s8;
	s8 =	sor.u32 s13, s8;
	v16 =	vld.idx.msk [tilespmem:v16+s22+$0x0], $0xffff;
	[tilespmem:s9+$0x880] =	vst v19;
	v19 =	vor.u32 $0x18, v0  }
0x45e: {  	v26 =	vor.u32 $0x19, v0;
	v25 =	vld [tilespmem:s8+$0x0];
	[tilespmem:s0+$0xE00] =	vst v21  }
0x45f: {  	v21 =	vld [tilespmem:s14+$0x0];
	[tilespmem:s2+$0xF00] =	vst v1;
	s2 =	smov.u32 s10  }
0x460: {  	v1 =	vld.idx.msk [tilespmem:v15+s22+$0x0], $0xffff;
	[tilespmem:s2+$0xA00] =	vst v17  }
0x461: {  	v15 =	vld.idx.msk [tilespmem:v24+s22+$0x0], $0xffff;
	[tilespmem:s2+$0xA80] =	vst v23  }
0x462: {  	v17 =	vld.idx.msk [tilespmem:v19+s22+$0x0], $0xffff;
	[tilespmem:s2+$0xB00] =	vst v20  }
0x463: {  	v20 =	vor.u32 $0x1A, v0;
	v19 =	vadd.s32 $0xA, v25;
	[tilespmem:s9+$0x900] =	vst v18;
	v18 =	vld.idx.msk [tilespmem:v26+s22+$0x0], $0xffff  }
0x464: {  	v21 =	vadd.s32 $0xA, v21;
	vm0 =	vgt.s32 v19, $0x0;
	v13 =	vld.idx.msk [tilespmem:v13+s22+$0x0], $0xffff;
	[tilespmem:s9+$0x980] =	vst v16;
	v16 =	vor.u32 $0x1B, v0  }
0x465: {  	v23 =	vor.u32 $0x1C, v0;
	vm1 =	vgt.s32 v21, $0x0;
	v19 =	vnsel vm0, $0x0, v19;
	v12 =	vld.idx.msk [tilespmem:v12+s22+$0x0], $0xffff  }
0x466: {  	v21 =	vnsel vm1, $0x0, v21;
	v19 =	vmin.u32 v19, $0x14;
	[tilespmem:s9+$0xA00] =	vst v1;
	v1 =	vld.idx.msk [tilespmem:v5+s22+$0x0], $0xffff;
	v5 =	vmov v10  }
0x467: {  	v10 =	vmin.u32 v21, $0x14;
	v19 =	vshll.u32 v19, $0x5;
	v27 =	vld.idx.msk [tilespmem:v11+s22+$0x0], $0xffff;
	[tilespmem:s2+$0xB80] =	vst v15  }
0x468: {  	v10 =	vshll.u32 v10, $0x5;
	v11 =	vor.u32 $0x1, v19;
	v15 =	vld.idx.msk [tilespmem:v20+s22+$0x0], $0xffff;
	[tilespmem:s2+$0xC00] =	vst v17  }
0x469: {  	v17 =	vor.u32 $0x1, v10;
	v28 =	vor.u32 $0x2, v10;
	v29 =	vor.u32 $0x3, v10;
	v16 =	vld.idx.msk [tilespmem:v16+s22+$0x0], $0xffff;
	[tilespmem:s2+$0xC80] =	vst v18  }
0x46a: {  	v30 =	vor.u32 $0x4, v10;
	v31 =	vor.u32 $0x5, v10;
	v18 =	vor.u32 $0x1D, v0;
	[tilespmem:s9+$0xA80] =	vst v13;
	v13 =	vld.idx.msk [tilespmem:v23+s22+$0x0], $0xffff  }
0x46b: {  	v32 =	vor.u32 $0x6, v10;
	v33 =	vor.u32 $0x7, v10;
	v34 =	vld.idx.msk [tilespmem:v9+s22+$0x0], $0xffff;
	[tilespmem:s9+$0xB00] =	vst v12;
	v9 =	vor.u32 $0x1E, v0  }
0x46c: {  	v35 =	vor.u32 $0x8, v10;
	v36 =	vor.u32 $0x9, v10;
	v12 =	vor.u32 $0x1F, v0;
	v0 =	vmovc v19;
	v37 =	vld.idx.msk [tilespmem:v19+s22+$0x0], $0xffff;
	[tilespmem:s0+$0xF80] =	vst v1  }
0x46d: {  	v25 =	vor.u32 $0xA, v10;
	v21 =	vor.u32 $0xB, v10;
	v39 =	vor.u32 $0x2, v0;
	v38 =	vld.idx.msk [tilespmem:v11+s22+$0x0], $0xffff;
	[tilespmem:s0+$0xF00] =	vst v22  }
0x46e: {  	s8 =	sshll.u32 s11, $0x9;
	v26 =	vor.u32 $0xC, v10;
	v23 =	vor.u32 $0xD, v10;
	v41 =	vor.u32 $0x3, v0;
	v40 =	vld.idx.msk [tilespmem:v10+s22+$0x0], $0xffff;
	[tilespmem:s2+$0xD00] =	vst v15  }
0x46f: {  	s8 =	sand.u32 $0x3FFFF000, s8;
	v24 =	vor.u32 $0xE, v10;
	v42 =	vor.u32 $0x4, v0;
	v22 =	vor.u32 $0xF, v10;
	v43 =	vld.idx.msk [tilespmem:v18+s22+$0x0], $0xffff;
	[tilespmem:s2+$0xD80] =	vst v16  }
0x470: {  	s8 =	sadd.s32 $0x1700, s8;
	v20 =	vor.u32 $0x10, v10;
	v19 =	vor.u32 $0x11, v10;
	v18 =	vor.u32 $0x12, v10;
	v1 =	vld.idx.msk [tilespmem:v9+s22+$0x0], $0xffff;
	[tilespmem:s2+$0xE00] =	vst v13  }
0x471: {  	s10 =	sor.u32 s13, s8;
	v15 =	vor.u32 $0x14, v10;
	v16 =	vor.u32 $0x13, v10;
	v13 =	vor.u32 $0x15, v10;
	v44 =	vld.idx.msk [tilespmem:v12+s22+$0x0], $0xffff;
	[tilespmem:s0+$0xE80] =	vst v14;
	s0 =	smov.u32 s9;
	s9 =	sor.u32 s12, s8  }
0x472: {  	v11 =	vor.u32 $0x17, v10;
	v9 =	vor.u32 $0x18, v10;
	v12 =	vor.u32 $0x16, v10;
	v14 =	vld.idx.msk [tilespmem:v39+s22+$0x0], $0xffff;
	[tilespmem:s10+$0x0] =	vst v37  }
0x473: {  	v45 =	vor.u32 $0x1B, v10;
	v37 =	vor.u32 $0x19, v10;
	v39 =	vor.u32 $0x1A, v10;
	v41 =	vld.idx.msk [tilespmem:v41+s22+$0x0], $0xffff;
	[tilespmem:s10+$0x80] =	vst v38  }
0x474: {  	v46 =	vor.u32 $0x1D, v10;
	v47 =	vor.u32 $0x5, v0;
	v38 =	vor.u32 $0x1C, v10;
	v42 =	vld.idx.msk [tilespmem:v42+s22+$0x0], $0xffff  }
0x475: {  	v49 =	vor.u32 $0x6, v0;
	v48 =	vld.idx.msk [tilespmem:v17+s22+$0x0], $0xffff;
	v17 =	vor.u32 $0x1E, v10;
	v10 =	vor.u32 $0x1F, v10;
	[tilespmem:s2+$0xE80] =	vst v43  }
0x476: {  	v28 =	vld.idx.msk [tilespmem:v28+s22+$0x0], $0xffff;
	[tilespmem:s9+$0x0] =	vst v40;
	v40 =	vor.u32 $0x7, v0  }
0x477: {  	v29 =	vld.idx.msk [tilespmem:v29+s22+$0x0], $0xffff;
	[tilespmem:s2+$0xF80] =	vst v44  }
0x478: {  	[tilespmem:s10+$0x100] =	vst v14;
	v14 =	vld.idx.msk [tilespmem:v7+s22+$0x0], $0xffff;
	v7 =	vmov v37  }
0x479: {  	v37 =	vld.idx.msk [tilespmem:v47+s22+$0x0], $0xffff;
	[tilespmem:s10+$0x180] =	vst v41  }
0x47a: {  	v41 =	vld.idx.msk [tilespmem:v49+s22+$0x0], $0xffff;
	[tilespmem:s10+$0x200] =	vst v42  }
0x47b: {  	v42 =	vor.u32 $0x8, v0;
	[tilespmem:s9+$0x80] =	vst v48;
	v40 =	vld.idx.msk [tilespmem:v40+s22+$0x0], $0xffff  }
0x47c: {  	v30 =	vld.idx.msk [tilespmem:v30+s22+$0x0], $0xffff;
	[tilespmem:s9+$0x100] =	vst v28;
	v28 =	vor.u32 $0x9, v0  }
0x47d: {  	v31 =	vld.idx.msk [tilespmem:v31+s22+$0x0], $0xffff;
	[tilespmem:s9+$0x180] =	vst v29;
	v29 =	vor.u32 $0xA, v0  }
0x47e: {  	v32 =	vld.idx.msk [tilespmem:v32+s22+$0x0], $0xffff;
	[tilespmem:s0+$0xB80] =	vst v27  }
0x47f: {  	[tilespmem:s10+$0x280] =	vst v37;
	v27 =	vld.idx.msk [tilespmem:v6+s22+$0x0], $0xffff;
	v6 =	vmov v39  }
0x480: {  	v37 =	vld.idx.msk [tilespmem:v42+s22+$0x0], $0xffff;
	[tilespmem:s10+$0x300] =	vst v41  }
0x481: {  	v28 =	vld.idx.msk [tilespmem:v28+s22+$0x0], $0xffff;
	[tilespmem:s10+$0x380] =	vst v40  }
0x482: {  	[tilespmem:s9+$0x200] =	vst v30;
	v29 =	vld.idx.msk [tilespmem:v29+s22+$0x0], $0xffff;
	v30 =	vor.u32 $0xB, v0  }
0x483: {  	v33 =	vld.idx.msk [tilespmem:v33+s22+$0x0], $0xffff;
	[tilespmem:s9+$0x280] =	vst v31;
	v31 =	vor.u32 $0xC, v0  }
0x484: {  	v35 =	vld.idx.msk [tilespmem:v35+s22+$0x0], $0xffff;
	[tilespmem:s9+$0x300] =	vst v32;
	v32 =	vor.u32 $0xD, v0  }
0x485: {  	v36 =	vld.idx.msk [tilespmem:v36+s22+$0x0], $0xffff;
	[tilespmem:s0+$0xC00] =	vst v34  }
0x486: {  	[tilespmem:s10+$0x400] =	vst v37;
	v34 =	vld.idx.msk [tilespmem:v4+s22+$0x0], $0xffff;
	v4 =	vmov v45  }
0x487: {  	v30 =	vld.idx.msk [tilespmem:v30+s22+$0x0], $0xffff;
	[tilespmem:s10+$0x480] =	vst v28  }
0x488: {  	v28 =	vld.idx.msk [tilespmem:v31+s22+$0x0], $0xffff;
	[tilespmem:s10+$0x500] =	vst v29  }
0x489: {  	v31 =	vor.u32 $0xE, v0;
	[tilespmem:s9+$0x380] =	vst v33;
	v29 =	vld.idx.msk [tilespmem:v32+s22+$0x0], $0xffff  }
0x48a: {  	v32 =	vor.u32 $0xF, v0;
	v25 =	vld.idx.msk [tilespmem:v25+s22+$0x0], $0xffff;
	[tilespmem:s9+$0x400] =	vst v35  }
0x48b: {  	v35 =	vor.u32 $0x10, v0;
	v33 =	vld.idx.msk [tilespmem:v21+s22+$0x0], $0xffff;
	[tilespmem:s9+$0x480] =	vst v36  }
0x48c: {  	v26 =	vld.idx.msk [tilespmem:v26+s22+$0x0], $0xffff;
	[tilespmem:s0+$0xC80] =	vst v14  }
0x48d: {  	[tilespmem:s10+$0x580] =	vst v30;
	v21 =	vld.idx.msk [tilespmem:v3+s22+$0x0], $0xffff;
	v3 =	vmov v38  }
0x48e: {  	v14 =	vld.idx.msk [tilespmem:v31+s22+$0x0], $0xffff;
	[tilespmem:s10+$0x600] =	vst v28  }
0x48f: {  	v28 =	vld.idx.msk [tilespmem:v32+s22+$0x0], $0xffff;
	[tilespmem:s10+$0x680] =	vst v29  }
0x490: {  	v29 =	vor.u32 $0x11, v0;
	[tilespmem:s9+$0x500] =	vst v25;
	v25 =	vld.idx.msk [tilespmem:v35+s22+$0x0], $0xffff  }
0x491: {  	v30 =	vld.idx.msk [tilespmem:v23+s22+$0x0], $0xffff;
	[tilespmem:s9+$0x580] =	vst v33;
	v23 =	vor.u32 $0x12, v0  }
0x492: {  	v31 =	vld.idx.msk [tilespmem:v24+s22+$0x0], $0xffff;
	[tilespmem:s9+$0x600] =	vst v26;
	v24 =	vor.u32 $0x13, v0  }
0x493: {  	v32 =	vld.idx.msk [tilespmem:v22+s22+$0x0], $0xffff;
	[tilespmem:s0+$0xD00] =	vst v27  }
0x494: {  	[tilespmem:s10+$0x700] =	vst v14;
	v14 =	vld.idx.msk [tilespmem:v2+s22+$0x0], $0xffff;
	v2 =	vmov v46  }
0x495: {  	v22 =	vld.idx.msk [tilespmem:v29+s22+$0x0], $0xffff;
	[tilespmem:s10+$0x780] =	vst v28  }
.Ltmp5:
0x496: {  	v23 =	vld.idx.msk [tilespmem:v23+s22+$0x0], $0xffff;
	[tilespmem:s10+$0x800] =	vst v25;
	(pc) =	sbr.rel @p0 .LBB2_12-.Ltmp5, $4  }
0x497: {  	v27 =	vor.u32 $0x14, v0;
	[tilespmem:s9+$0x680] =	vst v30;
	v24 =	vld.idx.msk [tilespmem:v24+s22+$0x0], $0xffff  }
0x498: {  	v26 =	vor.u32 $0x15, v0;
	v20 =	vld.idx.msk [tilespmem:v20+s22+$0x0], $0xffff;
	[tilespmem:s9+$0x700] =	vst v31  }
0x499: {  	v25 =	vor.u32 $0x16, v0;
	v19 =	vld.idx.msk [tilespmem:v19+s22+$0x0], $0xffff;
	[tilespmem:s9+$0x780] =	vst v32  }
0x49a: {  	v18 =	vld.idx.msk [tilespmem:v18+s22+$0x0], $0xffff;
	[tilespmem:s0+$0xD80] =	vst v34  }
0x49b: {  	_ =	sdelay $0x2  }
0x49c: {  	[tilespmem:s10+$0x880] =	vst v22  }
0x49d: {  	v8 =	vld.idx.msk [tilespmem:v8+s22+$0x0], $0xffff;
	[tilespmem:s0+$0xE00] =	vst v21  }
0x49e: {  	[tilespmem:s2+$0xF00] =	vst v1  }
0x49f: {  	v22 =	vld.idx.msk [tilespmem:v27+s22+$0x0], $0xffff;
	[tilespmem:s10+$0x900] =	vst v23  }
0x4a0: {  	v5 =	vld.idx.msk [tilespmem:v5+s22+$0x0], $0xffff;
	[tilespmem:s0+$0xE80] =	vst v14  }
0x4a1: {  	v23 =	vld.idx.msk [tilespmem:v26+s22+$0x0], $0xffff;
	[tilespmem:s9+$0x800] =	vst v20  }
0x4a2: {  	[tilespmem:s10+$0x980] =	vst v24;
	v16 =	vld.idx.msk [tilespmem:v16+s22+$0x0], $0xffff  }
0x4a3: {  	[tilespmem:s9+$0x880] =	vst v19  }
0x4a4: {  	v49 =	vor.u32 $0x17, v0;
	v15 =	vld.idx.msk [tilespmem:v15+s22+$0x0], $0xffff;
	[tilespmem:s9+$0x900] =	vst v18  }
0x4a5: {  	v50 =	vor.u32 $0x18, v0;
	v24 =	vld.idx.msk [tilespmem:v25+s22+$0x0], $0xffff;
	[tilespmem:s0+$0xF00] =	vst v8  }
0x4a6: {  	v51 =	vor.u32 $0x19, v0;
	[tilespmem:s10+$0xA00] =	vst v22  }
0x4a7: {  	v13 =	vld.idx.msk [tilespmem:v13+s22+$0x0], $0xffff;
	[tilespmem:s9+$0x980] =	vst v16  }
0x4a8: {  	[tilespmem:s0+$0xF80] =	vst v5;
	v12 =	vld.idx.msk [tilespmem:v12+s22+$0x0], $0xffff  }
0x4a9: {  	v20 =	vld.idx.msk [tilespmem:v49+s22+$0x0], $0xffff;
	[tilespmem:s10+$0xA80] =	vst v23  }
0x4aa: {  	v53 =	vor.u32 $0x1A, v0;
	v52 =	vld.idx.msk [tilespmem:v50+s22+$0x0], $0xffff;
	[tilespmem:s10+$0xB00] =	vst v24  }
0x4ab: {  	v55 =	vor.u32 $0x1B, v0;
	v54 =	vld.idx.msk [tilespmem:v51+s22+$0x0], $0xffff;
	[tilespmem:s9+$0xA00] =	vst v15  }
0x4ac: {  	v56 =	vor.u32 $0x1C, v0;
	v11 =	vld.idx.msk [tilespmem:v11+s22+$0x0], $0xffff;
	[tilespmem:s9+$0xA80] =	vst v13  }
0x4ad: {  	v9 =	vld.idx.msk [tilespmem:v9+s22+$0x0], $0xffff;
	[tilespmem:s9+$0xB00] =	vst v12  }
0x4ae: {  	[tilespmem:s10+$0xB80] =	vst v20;
	v7 =	vld.idx.msk [tilespmem:v7+s22+$0x0], $0xffff  }
0x4af: {  	v57 =	vld.idx.msk [tilespmem:v53+s22+$0x0], $0xffff;
	[tilespmem:s10+$0xC00] =	vst v52  }
0x4b0: {  	v58 =	vor.u32 $0x1D, v0;
	v1 =	vld.idx.msk [tilespmem:v55+s22+$0x0], $0xffff;
	[tilespmem:s10+$0xC80] =	vst v54  }
0x4b1: {  	v59 =	vor.u32 $0x1E, v0;
	[tilespmem:s9+$0xB80] =	vst v11;
	v13 =	vld.idx.msk [tilespmem:v56+s22+$0x0], $0xffff  }
0x4b2: {  	v60 =	vor.u32 $0x1F, v0;
	v6 =	vld.idx.msk [tilespmem:v6+s22+$0x0], $0xffff;
	[tilespmem:s9+$0xC00] =	vst v9  }
0x4b3: {  	v4 =	vld.idx.msk [tilespmem:v4+s22+$0x0], $0xffff;
	[tilespmem:s9+$0xC80] =	vst v7  }
0x4b4: {  	[tilespmem:s10+$0xD00] =	vst v57;
	v62 =	vld.idx.msk [tilespmem:v3+s22+$0x0], $0xffff  }
0x4b5: {  	v61 =	vld.idx.msk [tilespmem:v58+s22+$0x0], $0xffff;
	[tilespmem:s10+$0xD80] =	vst v1  }
0x4b6: {  	v63 =	vld.idx.msk [tilespmem:v59+s22+$0x0], $0xffff;
	[tilespmem:s10+$0xE00] =	vst v13  }
0x4b7: {  	[tilespmem:s9+$0xD00] =	vst v6;
	v0 =	vld.idx.msk [tilespmem:v60+s22+$0x0], $0xffff  }
0x4b8: {  	v2 =	vld.idx.msk [tilespmem:v2+s22+$0x0], $0xffff;
	[tilespmem:s9+$0xD80] =	vst v4  }
0x4b9: {  	v4 =	vld.idx.msk [tilespmem:v17+s22+$0x0], $0xffff;
	[tilespmem:s9+$0xE00] =	vst v62  }
0x4ba: {  	[tilespmem:s10+$0xE80] =	vst v61;
	v1 =	vld.idx.msk [tilespmem:v10+s22+$0x0], $0xffff  }
0x4bb: {  	[tilespmem:s10+$0xF00] =	vst v63  }
0x4bc: {  	[tilespmem:s10+$0xF80] =	vst v0  }
0x4bd: {  	[tilespmem:s9+$0xE80] =	vst v2  }
0x4be: {  	[tilespmem:s9+$0xF00] =	vst v4  }
0x4bf: {  	[tilespmem:s9+$0xF80] =	vst v1  }
0x4c0: {  	s0 =	rddreg [dreg:$0xa]  }
0x4c1: {  	[hbm4b:s0+s23] =	stream.strided.scatter [tilespmem:s25], [sflag:$0x1], $0x8000, s24, s23, $0x38;
	[tilespmem:$0x11700] =	vst v63  }
0x4c2: {  	s15 =	rddreg [dreg:$0xb]  }
0x4c3: {  	[tilespmem:s19], [sflag:$0x3] =	stream.linear.gather [hbm4b:s15+s6], $0x400, $0x38;
	[tilespmem:$0x11700] =	vst v63  }
0x4c4: {  	_ =	swait.ge [sflag:s30], $0x8000  }
0x4c5: {  	[sflag:s30] =	ssyncset.done $0x0  }
0x4c6: {  	[sflag:s30] =	ssyncadd.s32 $0xFFFF8000  }
0x4c7: {  	_ =	swait.ge [sflag:s29], $0x8000  }
0x4c8: {  	[sflag:s29] =	ssyncset.done $0x0  }
0x4c9: {  	[sflag:s29] =	ssyncadd.s32 $0xFFFF8000  }
0x4ca: {  	_ =	swait.ge [sflag:s26], $0x400  }
0x4cb: {  	[sflag:s26] =	ssyncset.done $0x0  }
0x4cc: {  	[sflag:s26] =	ssyncadd.s32 $0xFFFFFC00  }
0x4cd: {  	_ =	swait.ge [sflag:s21], $0x400  }
0x4ce: {  	s31 =	sadd.s32 $0x1, s31;
	s16 =	rddreg [dreg:$0xc]  }
0x4cf: {  	p0 =	sne.s32 s31, s16  }
.Ltmp6:
0x4d0: {  	_ = 	snop;
	(pc) =	sbr.rel @p0 .LBB2_1-.Ltmp6, $3  }
0x4d1: {  	_ =	sdelay $0x1  }
0x4d2: {  	[sflag:s21] =	ssyncset.done $0x0  }
0x4d3: {  	[sflag:s21] =	ssyncadd.s32 $0xFFFFFC00  }
0x4d4: {  	_ =	sfence.sel $0x180000  }
0x4d5: {  	[bflag:$0x0] =	sbarrier.arrive $0xFFFF  }
0x4d6: {  	_ =	strace $0x90000047  }
0x4d7: {  	s0 =	stileid.u32;
	[bflag:$0x2] =	sbarrier.arrive $0xFFFF  }
0x4d8: {  	p0 =	sne.s32 s0, $0x0;
	s0 =	rddreg [dreg:$0x3]  }
0x4d9: {  	s0 =	sadd.s32 @!p0 $0x100000, s0  }
0x4da: {  	[sflag:s0] =	ssyncadd.tile.s32 @!p0 $0x1;
	_ =	shalt  }
.Lfunc_end2:
_tile_overlayer_lowered:
.L_overlay_start_2:
0x4db: {  	(tag) =	ssettag $0x2  }
0x4dc: {  	s0 =	rddreg [dreg:$0x0];
	s2 =	stileid.u32  }
0x4dd: {  	s1 =	rddreg [dreg:$0x1];
	p0 =	sne.s32 s2, $0x0  }
0x4de: {  	s3 =	rddreg [dreg:$0x2];
	[bflag:$0x3] =	sbarrier.arrive $0xFFFF;
	s2 =	simm.s32 @!p0 $0x1C05  }
0x4df: {  	[timem:s3], [sflag:s2] =	dma.local @!p0 [hbm:s0], s1  }
0x4e0: {  	s0 =	simm.s32 @!p0 $0x5  }
0x4e1: {  	_ =	swait.ge @!p0 [sflag:s0], s1  }
0x4e2: {  	s1 =	ssub.s32 @!p0 $0x0, s1;
	[sflag:s0] =	ssyncset.done @!p0 $0x0  }
0x4e3: {  	[sflag:s0] =	ssyncadd.s32 @!p0 s1  }
0x4e4: {  	[bflag:$0x3] =	sbarrier.arrive $0xFFFF  }
0x4e5: {  	_ =	shalt  }

</sc_bundles>
